<compile_context>
chip_gen: v7x
topology: tpu7x:2x2x1
jax: 0.10.2.dev20260603
libtpu: 0.0.44.dev20260713+nightly
codegen_flags: <defaults>
</compile_context>

<pallas_src>
import functools

import jax
import jax.numpy as jnp
from jax import lax
from jax.experimental import pallas as pl
from jax.experimental.pallas import tpu as pltpu
from jax.experimental.pallas import tpu_sc as plsc

N = 10000
E = 320000
DIM = 128
HEADS = 4
OUT = 32
NREL = 2
NEG = 0.2

N2 = 10240
EPAD = 327680
K = 1024
KB = K // 128
ECHUNK = EPAD // 8
NBLK = ECHUNK // K
BN = 1000


def _tc_proj(hin, W, q, k):
    grid = (NREL, N // BN)

    def body(h_ref, w_ref, q_ref, k_ref, xw_ref, qn_ref, kn_ref):
        xb = h_ref[...]
        xw = jnp.dot(xb, w_ref[0], preferred_element_type=jnp.float32)
        xw_ref[0] = xw
        qn_ref[0] = jnp.dot(xw, q_ref[...], preferred_element_type=jnp.float32)
        kn_ref[0] = jnp.dot(xw, k_ref[...], preferred_element_type=jnp.float32)

    return pl.pallas_call(
        body,
        grid=grid,
        in_specs=[
            pl.BlockSpec((BN, DIM), lambda r, nb: (nb, 0)),
            pl.BlockSpec((1, DIM, DIM), lambda r, nb: (r, 0, 0)),
            pl.BlockSpec((DIM, HEADS), lambda r, nb: (0, 0)),
            pl.BlockSpec((DIM, HEADS), lambda r, nb: (0, 0)),
        ],
        out_specs=[
            pl.BlockSpec((1, BN, DIM), lambda r, nb: (r, nb, 0)),
            pl.BlockSpec((1, BN, HEADS), lambda r, nb: (r, nb, 0)),
            pl.BlockSpec((1, BN, HEADS), lambda r, nb: (r, nb, 0)),
        ],
        out_shape=[
            jax.ShapeDtypeStruct((NREL, N, DIM), jnp.float32),
            jax.ShapeDtypeStruct((NREL, N, HEADS), jnp.float32),
            jax.ShapeDtypeStruct((NREL, N, HEADS), jnp.float32),
        ],
    )(hin, W, q, k)


def _tc_finish(aggr, den, b2, P, pb2):
    grid = (N // BN,)

    def body(a_ref, d_ref, b_ref, p_ref, pb_ref, o_ref):
        A = a_ref[...]
        d = d_ref[...]
        ag = jnp.concatenate(
            [A[h // 2, :, h % 2, :] for h in range(HEADS)], axis=1)
        den128 = jnp.concatenate(
            [jnp.broadcast_to(d[h // 2, :, h % 2:h % 2 + 1], (BN, OUT))
             for h in range(HEADS)], axis=1)
        feat = ag / (den128 + 1e-16) + b_ref[...]
        y = jnp.dot(feat, p_ref[...], preferred_element_type=jnp.float32)
        y = y + pb_ref[...]
        o_ref[...] = jnp.where(y > 0, y, jnp.exp(jnp.minimum(y, 0.0)) - 1.0)

    return pl.pallas_call(
        body,
        grid=grid,
        in_specs=[
            pl.BlockSpec((2, BN, 2, OUT), lambda nb: (0, nb, 0, 0)),
            pl.BlockSpec((2, BN, 2), lambda nb: (0, nb, 0)),
            pl.BlockSpec((1, DIM), lambda nb: (0, 0)),
            pl.BlockSpec((DIM, DIM), lambda nb: (0, 0)),
            pl.BlockSpec((1, DIM), lambda nb: (0, 0)),
        ],
        out_specs=pl.BlockSpec((BN, DIM), lambda nb: (nb, 0)),
        out_shape=jax.ShapeDtypeStruct((N, DIM), jnp.float32),
    )(aggr, den, b2, P, pb2)


def _sc_body(gidx_hbm, qgidx_hbm, sidx_hbm, qn_hbm, kn_hbm, xw_hbm,
             aggr_out, den_out,
             gx0, gx1, qgx0, qgx1, sx0, sx1, qv0, qv1, kv0, kv1,
             ex0, ex1, rw0, rw1,
             zb2, zb1, aggrS, denS, sg0, sg1, ss0, ss1, si0, si1):
    c = lax.axis_index("c")
    s = lax.axis_index("s")
    hh = lax.rem(s, 2)
    h = 2 * c + hh
    chunk = lax.div(s, 2)
    gx = (gx0, gx1)
    qgx = (qgx0, qgx1)
    sx = (sx0, sx1)
    qv = (qv0, qv1)
    kv = (kv0, kv1)
    ex = (ex0, ex1)
    rw = (rw0, rw1)
    sg = (sg0, sg1)
    ss = (ss0, ss1)
    si = (si0, si1)

    zv = jnp.zeros((16,), jnp.float32)
    for jr in range(80):
        zb2[jr, pl.ds(0, 16)] = zv
        zb2[jr, pl.ds(16, 16)] = zv

    def z1(i, _):
        zb1[pl.ds(i * 16, 16)] = zv
        return 0
    lax.fori_loop(0, 80, z1, 0)
    for kk in range(16):
        pltpu.sync_copy(zb2, aggrS.at[pl.ds(s * 1280 + kk * 80, 80)])
    pltpu.sync_copy(zb1, denS.at[pl.ds(s * 1280, 1280)])
    plsc.subcore_barrier()

    cbase = chunk * ECHUNK
    gbase = h * EPAD
    srow = hh * (EPAD // 128) + cbase // 128

    def idx_copies(g, b, mk):
        base = cbase + g * K
        return [
            mk(gidx_hbm.at[pl.ds(gbase + base, K)], gx[b], si[b]),
            mk(qgidx_hbm.at[pl.ds(gbase + base, K)], qgx[b], si[b]),
            mk(sidx_hbm.at[pl.ds(srow + g * KB, KB)], sx[b], si[b]),
        ]

    def gather_copies(b, mk):
        hs = []
        for j in range(KB):
            sl = pl.ds(j * 128, 128)
            hs.append(mk(xw_hbm.at[gx[b].at[sl]], rw[b].at[sl], sg[b]))
        return hs

    def drain(copies):
        for hnd in copies:
            hnd.wait()

    def fire_scatters(b):
        hs = []
        for j in range(KB):
            sl = pl.ds(j * 128, 128)
            hs.append(pltpu.async_copy(rw[b].at[sl],
                                       aggrS.at[sx[b].at[j]], ss0, add=True))
            hs.append(pltpu.async_copy(ex[b].at[sl],
                                       denS.at[sx[b].at[j]], ss0, add=True))
        return hs

    def run_exbody(b):
        @plsc.parallel_loop(0, K // 16, unroll=2)
        def exbody(tt):
            o = tt * 16
            al = qv[b][pl.ds(o, 16)] + kv[b][pl.ds(o, 16)]
            al = jnp.where(al >= 0, al, al * NEG)
            ex[b][pl.ds(o, 16)] = jnp.exp(al)

    def run_wbody(b):
        @plsc.parallel_loop(0, K, unroll=4)
        def wbody(e):
            w = plsc.load_gather(ex[b], [jnp.broadcast_to(e, (16,))])
            rw[b][e, pl.ds(0, 16)] = rw[b][e, pl.ds(0, 16)] * w
            rw[b][e, pl.ds(16, 16)] = rw[b][e, pl.ds(16, 16)] * w

    def block(g, b, has_next, has_next2):
        nb = 1 - b
        drain(gather_copies(b, pltpu.make_async_copy))
        run_exbody(b)

        def prep_next():
            drain(idx_copies(g + 1, nb, pltpu.make_async_copy))
            gather_copies(nb, pltpu.async_copy)
        if has_next is True:
            prep_next()
        else:
            pl.when(has_next)(prep_next)

        run_wbody(b)

        def prep_next2():
            idx_copies(g + 2, b, pltpu.async_copy)
        if has_next2 is True:
            prep_next2()
        else:
            pl.when(has_next2)(prep_next2)

    drain(idx_copies(0, 0, pltpu.async_copy))
    gather_copies(0, pltpu.async_copy)
    idx_copies(1, 1, pltpu.async_copy)

    def pair(i, _):
        g0 = 2 * i
        block(g0, 0, True, i < NBLK // 2 - 1)
        block(g0 + 1, 1, i < NBLK // 2 - 1, i < NBLK // 2 - 1)
        return 0

    lax.fori_loop(0, NBLK // 2, pair, 0)
    plsc.subcore_barrier()

    pltpu.sync_copy(aggrS.at[pl.ds(s * 1280, 1280)],
                    aggr_out.at[c, pl.ds(s * 1280, 1280)])
    pltpu.sync_copy(denS.at[pl.ds(s * 1280, 1280)],
                    den_out.at[c, pl.ds(s * 1280, 1280)])


_sc_aggregate = functools.partial(
    pl.kernel,
    out_type=(
        jax.ShapeDtypeStruct((2, 2 * N2, OUT), jnp.float32),
        jax.ShapeDtypeStruct((2, 2 * N2), jnp.float32),
    ),
    mesh=plsc.VectorSubcoreMesh(core_axis_name="c", subcore_axis_name="s"),
    compiler_params=pltpu.CompilerParams(needs_layout_passes=False,
                                         use_tc_tiling_on_sc=False),
    scratch_types=[
        pltpu.VMEM((K,), jnp.int32),
        pltpu.VMEM((K,), jnp.int32),
        pltpu.VMEM((K,), jnp.int32),
        pltpu.VMEM((K,), jnp.int32),
        pltpu.VMEM((KB, 128), jnp.int32),
        pltpu.VMEM((KB, 128), jnp.int32),
        pltpu.VMEM((K,), jnp.float32),
        pltpu.VMEM((K,), jnp.float32),
        pltpu.VMEM((K,), jnp.float32),
        pltpu.VMEM((K,), jnp.float32),
        pltpu.VMEM((K,), jnp.float32),
        pltpu.VMEM((K,), jnp.float32),
        pltpu.VMEM((K, OUT), jnp.float32),
        pltpu.VMEM((K, OUT), jnp.float32),
        pltpu.VMEM((80, OUT), jnp.float32),
        pltpu.VMEM((1280,), jnp.float32),
        pltpu.VMEM_SHARED((2 * N2, OUT), jnp.float32),
        pltpu.VMEM_SHARED((2 * N2,), jnp.float32),
        pltpu.SemaphoreType.DMA,
        pltpu.SemaphoreType.DMA,
        pltpu.SemaphoreType.DMA,
        pltpu.SemaphoreType.DMA,
        pltpu.SemaphoreType.DMA,
        pltpu.SemaphoreType.DMA,
    ],
)(_sc_body)


def _layer(hin, gidx_all, qgidx_all, sidx_all, W, q, k, b, P, pb):
    xw, qn, kn = _tc_proj(hin, W, q, k)
    table = xw.reshape(NREL * N * HEADS, OUT)
    aggr, den = _sc_aggregate(gidx_all, qgidx_all, sidx_all,
                              qn.reshape(-1), kn.reshape(-1), table)
    aggrv = aggr.reshape(2, N2, 2, OUT)
    denv = den.reshape(2, N2, 2)
    return _tc_finish(aggrv, denv, b.reshape(1, DIM), P, pb.reshape(1, DIM))


def kernel(x, eidx, etype, W0, q0, k0, b0, P0, pb0, W1, q1, k1, b1, P1, pb1):
    src = eidx[0]
    dst = eidx[1]
    qidx = etype * N + dst
    kidx = etype * N + src
    npad = EPAD - E
    zpad = jnp.zeros((npad,), jnp.int32)
    qidx_p = jnp.concatenate([qidx, zpad])
    kidx_p = jnp.concatenate([kidx, zpad])
    dst_p = jnp.concatenate([dst, jnp.full((npad,), N, jnp.int32)])
    harr = jnp.arange(HEADS, dtype=jnp.int32)
    gidx_all = (kidx_p[None, :] * HEADS + harr[:, None]).reshape(-1)
    qgidx_all = (qidx_p[None, :] * HEADS + harr[:, None]).reshape(-1)
    sidx_all = (dst_p[None, :] * 2
                + jnp.arange(2, dtype=jnp.int32)[:, None]
                ).reshape(2 * EPAD // 128, 128)
    h1 = _layer(x, gidx_all, qgidx_all, sidx_all, W0, q0, k0, b0, P0, pb0)
    return _layer(h1, gidx_all, qgidx_all, sidx_all, W1, q1, k1, b1, P1, pb1)

# --- scband reference (transcript-rebuilt; emitter-appended) ---
"""Pipeline reference for scband-rgatbackbone-43387759624624 (READ-ONLY COPY).

The authoritative reference and input builder live on the scoring server;
editing this copy changes nothing except your own understanding.
"""

import jax, jax.numpy as jnp
import numpy as np

N_NODES = 10000
N_EDGES = 320000
IN_DIM = 128
HID = 128
HEADS = 4
OUT = HID // HEADS  # 32
NUM_RELS = 2
NEG_SLOPE = 0.2


def _glorot(key, shape, fan_in, fan_out):
    lim = float(np.sqrt(6.0 / (fan_in + fan_out)))
    return jax.random.uniform(key, shape, dtype=jnp.float32, minval=-lim, maxval=lim)


def setup_inputs(seed: int = 0) -> dict:
    key = jax.random.key(seed)
    ks = jax.random.split(key, 20)
    inp = {}
    inp['x'] = jax.random.normal(ks[0], (N_NODES, IN_DIM), dtype=jnp.float32)
    inp['eidx'] = jax.random.randint(ks[1], (2, N_EDGES), 0, N_NODES, dtype=jnp.int32)
    inp['etype'] = jax.random.randint(ks[2], (N_EDGES,), 0, NUM_RELS, dtype=jnp.int32)
    # layer 0 params (RGATConv: in=128 -> heads*out=128)
    inp['W0'] = _glorot(ks[3], (NUM_RELS, IN_DIM, HEADS * OUT), IN_DIM, HEADS * OUT)
    inp['q0'] = _glorot(ks[4], (HEADS * OUT, HEADS), HEADS * OUT, HEADS)
    inp['k0'] = _glorot(ks[5], (HEADS * OUT, HEADS), HEADS * OUT, HEADS)
    inp['b0'] = jnp.zeros((HEADS * OUT,), dtype=jnp.float32)
    inp['P0'] = _glorot(ks[6], (HID, HID), HID, HID)
    inp['pb0'] = jnp.zeros((HID,), dtype=jnp.float32)
    # layer 1 params (RGATConv: in=128 -> heads*out=128)
    inp['W1'] = _glorot(ks[7], (NUM_RELS, HID, HEADS * OUT), HID, HEADS * OUT)
    inp['q1'] = _glorot(ks[8], (HEADS * OUT, HEADS), HEADS * OUT, HEADS)
    inp['k1'] = _glorot(ks[9], (HEADS * OUT, HEADS), HEADS * OUT, HEADS)
    inp['b1'] = jnp.zeros((HEADS * OUT,), dtype=jnp.float32)
    inp['P1'] = _glorot(ks[10], (HID, HID), HID, HID)
    inp['pb1'] = jnp.zeros((HID,), dtype=jnp.float32)
    return inp


def _rgat_conv(x, src, dst, etype, W, q, k, b):
    # per-relation linear transform, then gather per edge (faithful to w[edge_type] bmm)
    xw = jnp.einsum('ni,rio->rno', x, W)          # [R, N, H*O]
    out_i = xw[etype, dst]                         # [E, H*O] transformed dst feats
    out_j = xw[etype, src]                         # [E, H*O] transformed src feats
    qi = out_i @ q                                 # [E, H]
    kj = out_j @ k                                 # [E, H]
    alpha = jax.nn.leaky_relu(qi + kj, NEG_SLOPE)  # additive-self-attention, dim=1
    # softmax over incoming edges per destination node (across-relation)
    amax = jax.ops.segment_max(alpha, dst, num_segments=N_NODES)
    amax = jnp.where(jnp.isfinite(amax), amax, 0.0)
    ex = jnp.exp(alpha - amax[dst])
    denom = jax.ops.segment_sum(ex, dst, num_segments=N_NODES)
    a = ex / (denom[dst] + 1e-16)                  # [E, H]
    msg = a[:, :, None] * out_j.reshape(-1, HEADS, OUT)
    aggr = jax.ops.segment_sum(msg, dst, num_segments=N_NODES)  # [N, H, O]
    return aggr.reshape(-1, HEADS * OUT) + b


def reference(x, eidx, etype, W0, q0, k0, b0, P0, pb0, W1, q1, k1, b1, P1, pb1):
    src = eidx[0]
    dst = eidx[1]
    h = _rgat_conv(x, src, dst, etype, W0, q0, k0, b0)
    h = jax.nn.elu(h @ P0 + pb0)
    h = _rgat_conv(h, src, dst, etype, W1, q1, k1, b1)
    h = jax.nn.elu(h @ P1 + pb1)
    return h

if __name__ == "__main__":
    import jax
    _d = setup_inputs()
    print(jax.jit(kernel)(*tuple(_d.values())))

</pallas_src>

<mosaic_0001>
#map = affine_map<(d0, d1) -> (0)>
#map1 = affine_map<(d0, d1) -> (0, 0)>
#map2 = affine_map<(d0, d1) -> (0, 0, 0)>
module attributes {stable_mosaic.version = 14 : i64} {
  func.func @_sc_body(%arg0: i32, %arg1: i32, %arg2: memref<1310720xi32, #tpu.memory_space<hbm>>, %arg3: memref<1310720xi32, #tpu.memory_space<hbm>>, %arg4: memref<5120x128xi32, #tpu.memory_space<hbm>>, %arg5: memref<80000xf32, #tpu.memory_space<hbm>>, %arg6: memref<80000xf32, #tpu.memory_space<hbm>>, %arg7: memref<80000x32xf32, #tpu.memory_space<hbm>>, %arg8: memref<2x20480x32xf32, #tpu.memory_space<hbm>>, %arg9: memref<2x20480xf32, #tpu.memory_space<hbm>>, %arg10: memref<1024xi32, #tpu.memory_space<vmem>>, %arg11: memref<1024xi32, #tpu.memory_space<vmem>>, %arg12: memref<1024xi32, #tpu.memory_space<vmem>>, %arg13: memref<1024xi32, #tpu.memory_space<vmem>>, %arg14: memref<8x128xi32, #tpu.memory_space<vmem>>, %arg15: memref<8x128xi32, #tpu.memory_space<vmem>>, %arg16: memref<1024xf32, #tpu.memory_space<vmem>>, %arg17: memref<1024xf32, #tpu.memory_space<vmem>>, %arg18: memref<1024xf32, #tpu.memory_space<vmem>>, %arg19: memref<1024xf32, #tpu.memory_space<vmem>>, %arg20: memref<1024xf32, #tpu.memory_space<vmem>>, %arg21: memref<1024xf32, #tpu.memory_space<vmem>>, %arg22: memref<1024x32xf32, #tpu.memory_space<vmem>>, %arg23: memref<1024x32xf32, #tpu.memory_space<vmem>>, %arg24: memref<80x32xf32, #tpu.memory_space<vmem>>, %arg25: memref<1280xf32, #tpu.memory_space<vmem>>, %arg26: memref<20480x32xf32, #tpu.memory_space<vmem_shared>>, %arg27: memref<20480xf32, #tpu.memory_space<vmem_shared>>, %arg28: memref<!tpu.dma_semaphore, #tpu.memory_space<semaphore_mem>>, %arg29: memref<!tpu.dma_semaphore, #tpu.memory_space<semaphore_mem>>, %arg30: memref<!tpu.dma_semaphore, #tpu.memory_space<semaphore_mem>>, %arg31: memref<!tpu.dma_semaphore, #tpu.memory_space<semaphore_mem>>, %arg32: memref<!tpu.dma_semaphore, #tpu.memory_space<semaphore_mem>>, %arg33: memref<!tpu.dma_semaphore, #tpu.memory_space<semaphore_mem>>) attributes {dimension_semantics = [#tpu.dimension_semantics<core_parallel>, #tpu.dimension_semantics<subcore_parallel>], iteration_bounds = array<i64: 2, 16>, scalar_prefetch = 0 : i64, scratch_operands = 24 : i64, tpu.core_type = #tpu.core_type<sc_vector_subcore>, window_params = [{transform_indices = #map}, {transform_indices = #map}, {transform_indices = #map1}, {transform_indices = #map}, {transform_indices = #map}, {transform_indices = #map1}, {transform_indices = #map2}, {transform_indices = #map1}]} {
    %rem3A = arith.constant 2 : i32
    %rem3A_0 = arith.remsi %arg1, %rem3A : i32
    %mul3A = arith.constant 2 : i32
    %mul3A_1 = arith.muli %mul3A, %arg0 : i32
    %add3A = arith.addi %mul3A_1, %rem3A_0 : i32
    %div3A = arith.constant 2 : i32
    %div3A_2 = arith.divsi %arg1, %div3A : i32
    %broadcast_in_dim3A = arith.constant 0.000000e+00 : f32
    %broadcast_in_dim3A_3 = vector.broadcast %broadcast_in_dim3A : f32 to vector<16xf32>
    %swap3A = arith.constant 0 : i32
    %swap3A_4 = arith.index_cast %swap3A : i32 to index
    %swap3A_5 = arith.constant 0 : index
    %swap3A_6 = tpu.vector_load %arg24[%swap3A_4, %swap3A_5] {strides = array<i32>} : memref<80x32xf32, #tpu.memory_space<vmem>>, vector<16xf32>,
    tpu.vector_store %arg24[%swap3A_4, %swap3A_5], %broadcast_in_dim3A_3 {strides = array<i32>} : memref<80x32xf32, #tpu.memory_space<vmem>>, vector<16xf32>,
    %swap3A_7 = arith.constant 0 : i32
    %swap3A_8 = arith.index_cast %swap3A_7 : i32 to index
    %swap3A_9 = arith.constant 16 : index
    %swap3A_10 = tpu.vector_load %arg24[%swap3A_8, %swap3A_9] {strides = array<i32>} : memref<80x32xf32, #tpu.memory_space<vmem>>, vector<16xf32>,
    tpu.vector_store %arg24[%swap3A_8, %swap3A_9], %broadcast_in_dim3A_3 {strides = array<i32>} : memref<80x32xf32, #tpu.memory_space<vmem>>, vector<16xf32>,
    %swap3A_11 = arith.constant 1 : i32
    %swap3A_12 = arith.index_cast %swap3A_11 : i32 to index
    %swap3A_13 = arith.constant 0 : index
    %swap3A_14 = tpu.vector_load %arg24[%swap3A_12, %swap3A_13] {strides = array<i32>} : memref<80x32xf32, #tpu.memory_space<vmem>>, vector<16xf32>,
    tpu.vector_store %arg24[%swap3A_12, %swap3A_13], %broadcast_in_dim3A_3 {strides = array<i32>} : memref<80x32xf32, #tpu.memory_space<vmem>>, vector<16xf32>,
    %swap3A_15 = arith.constant 1 : i32
    %swap3A_16 = arith.index_cast %swap3A_15 : i32 to index
    %swap3A_17 = arith.constant 16 : index
    %swap3A_18 = tpu.vector_load %arg24[%swap3A_16, %swap3A_17] {strides = array<i32>} : memref<80x32xf32, #tpu.memory_space<vmem>>, vector<16xf32>,
    tpu.vector_store %arg24[%swap3A_16, %swap3A_17], %broadcast_in_dim3A_3 {strides = array<i32>} : memref<80x32xf32, #tpu.memory_space<vmem>>, vector<16xf32>,
    %swap3A_19 = arith.constant 2 : i32
    %swap3A_20 = arith.index_cast %swap3A_19 : i32 to index
    %swap3A_21 = arith.constant 0 : index
    %swap3A_22 = tpu.vector_load %arg24[%swap3A_20, %swap3A_21] {strides = array<i32>} : memref<80x32xf32, #tpu.memory_space<vmem>>, vector<16xf32>,
    tpu.vector_store %arg24[%swap3A_20, %swap3A_21], %broadcast_in_dim3A_3 {strides = array<i32>} : memref<80x32xf32, #tpu.memory_space<vmem>>, vector<16xf32>,
    %swap3A_23 = arith.constant 2 : i32
    %swap3A_24 = arith.index_cast %swap3A_23 : i32 to index
    %swap3A_25 = arith.constant 16 : index
    %swap3A_26 = tpu.vector_load %arg24[%swap3A_24, %swap3A_25] {strides = array<i32>} : memref<80x32xf32, #tpu.memory_space<vmem>>, vector<16xf32>,
    tpu.vector_store %arg24[%swap3A_24, %swap3A_25], %broadcast_in_dim3A_3 {strides = array<i32>} : memref<80x32xf32, #tpu.memory_space<vmem>>, vector<16xf32>,
    %swap3A_27 = arith.constant 3 : i32
    %swap3A_28 = arith.index_cast %swap3A_27 : i32 to index
    %swap3A_29 = arith.constant 0 : index
    %swap3A_30 = tpu.vector_load %arg24[%swap3A_28, %swap3A_29] {strides = array<i32>} : memref<80x32xf32, #tpu.memory_space<vmem>>, vector<16xf32>,
    tpu.vector_store %arg24[%swap3A_28, %swap3A_29], %broadcast_in_dim3A_3 {strides = array<i32>} : memref<80x32xf32, #tpu.memory_space<vmem>>, vector<16xf32>,
    %swap3A_31 = arith.constant 3 : i32
    %swap3A_32 = arith.index_cast %swap3A_31 : i32 to index
    %swap3A_33 = arith.constant 16 : index
    %swap3A_34 = tpu.vector_load %arg24[%swap3A_32, %swap3A_33] {strides = array<i32>} : memref<80x32xf32, #tpu.memory_space<vmem>>, vector<16xf32>,
    tpu.vector_store %arg24[%swap3A_32, %swap3A_33], %broadcast_in_dim3A_3 {strides = array<i32>} : memref<80x32xf32, #tpu.memory_space<vmem>>, vector<16xf32>,
    %swap3A_35 = arith.constant 4 : i32
    %swap3A_36 = arith.index_cast %swap3A_35 : i32 to index
    %swap3A_37 = arith.constant 0 : index
    %swap3A_38 = tpu.vector_load %arg24[%swap3A_36, %swap3A_37] {strides = array<i32>} : memref<80x32xf32, #tpu.memory_space<vmem>>, vector<16xf32>,
    tpu.vector_store %arg24[%swap3A_36, %swap3A_37], %broadcast_in_dim3A_3 {strides = array<i32>} : memref<80x32xf32, #tpu.memory_space<vmem>>, vector<16xf32>,
    %swap3A_39 = arith.constant 4 : i32
    %swap3A_40 = arith.index_cast %swap3A_39 : i32 to index
    %swap3A_41 = arith.constant 16 : index
    %swap3A_42 = tpu.vector_load %arg24[%swap3A_40, %swap3A_41] {strides = array<i32>} : memref<80x32xf32, #tpu.memory_space<vmem>>, vector<16xf32>,
    tpu.vector_store %arg24[%swap3A_40, %swap3A_41], %broadcast_in_dim3A_3 {strides = array<i32>} : memref<80x32xf32, #tpu.memory_space<vmem>>, vector<16xf32>,
    %swap3A_43 = arith.constant 5 : i32
    %swap3A_44 = arith.index_cast %swap3A_43 : i32 to index
    %swap3A_45 = arith.constant 0 : index
    %swap3A_46 = tpu.vector_load %arg24[%swap3A_44, %swap3A_45] {strides = array<i32>} : memref<80x32xf32, #tpu.memory_space<vmem>>, vector<16xf32>,
    tpu.vector_store %arg24[%swap3A_44, %swap3A_45], %broadcast_in_dim3A_3 {strides = array<i32>} : memref<80x32xf32, #tpu.memory_space<vmem>>, vector<16xf32>,
    %swap3A_47 = arith.constant 5 : i32
    %swap3A_48 = arith.index_cast %swap3A_47 : i32 to index
    %swap3A_49 = arith.constant 16 : index
    %swap3A_50 = tpu.vector_load %arg24[%swap3A_48, %swap3A_49] {strides = array<i32>} : memref<80x32xf32, #tpu.memory_space<vmem>>, vector<16xf32>,
    tpu.vector_store %arg24[%swap3A_48, %swap3A_49], %broadcast_in_dim3A_3 {strides = array<i32>} : memref<80x32xf32, #tpu.memory_space<vmem>>, vector<16xf32>,
    %swap3A_51 = arith.constant 6 : i32
    %swap3A_52 = arith.index_cast %swap3A_51 : i32 to index
    %swap3A_53 = arith.constant 0 : index
    %swap3A_54 = tpu.vector_load %arg24[%swap3A_52, %swap3A_53] {strides = array<i32>} : memref<80x32xf32, #tpu.memory_space<vmem>>, vector<16xf32>,
    tpu.vector_store %arg24[%swap3A_52, %swap3A_53], %broadcast_in_dim3A_3 {strides = array<i32>} : memref<80x32xf32, #tpu.memory_space<vmem>>, vector<16xf32>,
    %swap3A_55 = arith.constant 6 : i32
    %swap3A_56 = arith.index_cast %swap3A_55 : i32 to index
    %swap3A_57 = arith.constant 16 : index
    %swap3A_58 = tpu.vector_load %arg24[%swap3A_56, %swap3A_57] {strides = array<i32>} : memref<80x32xf32, #tpu.memory_space<vmem>>, vector<16xf32>,
    tpu.vector_store %arg24[%swap3A_56, %swap3A_57], %broadcast_in_dim3A_3 {strides = array<i32>} : memref<80x32xf32, #tpu.memory_space<vmem>>, vector<16xf32>,
    %swap3A_59 = arith.constant 7 : i32
    %swap3A_60 = arith.index_cast %swap3A_59 : i32 to index
    %swap3A_61 = arith.constant 0 : index
    %swap3A_62 = tpu.vector_load %arg24[%swap3A_60, %swap3A_61] {strides = array<i32>} : memref<80x32xf32, #tpu.memory_space<vmem>>, vector<16xf32>,
    tpu.vector_store %arg24[%swap3A_60, %swap3A_61], %broadcast_in_dim3A_3 {strides = array<i32>} : memref<80x32xf32, #tpu.memory_space<vmem>>, vector<16xf32>,
    %swap3A_63 = arith.constant 7 : i32
    %swap3A_64 = arith.index_cast %swap3A_63 : i32 to index
    %swap3A_65 = arith.constant 16 : index
    %swap3A_66 = tpu.vector_load %arg24[%swap3A_64, %swap3A_65] {strides = array<i32>} : memref<80x32xf32, #tpu.memory_space<vmem>>, vector<16xf32>,
    tpu.vector_store %arg24[%swap3A_64, %swap3A_65], %broadcast_in_dim3A_3 {strides = array<i32>} : memref<80x32xf32, #tpu.memory_space<vmem>>, vector<16xf32>,
    %swap3A_67 = arith.constant 8 : i32
    %swap3A_68 = arith.index_cast %swap3A_67 : i32 to index
    %swap3A_69 = arith.constant 0 : index
    %swap3A_70 = tpu.vector_load %arg24[%swap3A_68, %swap3A_69] {strides = array<i32>} : memref<80x32xf32, #tpu.memory_space<vmem>>, vector<16xf32>,
    tpu.vector_store %arg24[%swap3A_68, %swap3A_69], %broadcast_in_dim3A_3 {strides = array<i32>} : memref<80x32xf32, #tpu.memory_space<vmem>>, vector<16xf32>,
    %swap3A_71 = arith.constant 8 : i32
    %swap3A_72 = arith.index_cast %swap3A_71 : i32 to index
    %swap3A_73 = arith.constant 16 : index
    %swap3A_74 = tpu.vector_load %arg24[%swap3A_72, %swap3A_73] {strides = array<i32>} : memref<80x32xf32, #tpu.memory_space<vmem>>, vector<16xf32>,
    tpu.vector_store %arg24[%swap3A_72, %swap3A_73], %broadcast_in_dim3A_3 {strides = array<i32>} : memref<80x32xf32, #tpu.memory_space<vmem>>, vector<16xf32>,
    %swap3A_75 = arith.constant 9 : i32
    %swap3A_76 = arith.index_cast %swap3A_75 : i32 to index
    %swap3A_77 = arith.constant 0 : index
    %swap3A_78 = tpu.vector_load %arg24[%swap3A_76, %swap3A_77] {strides = array<i32>} : memref<80x32xf32, #tpu.memory_space<vmem>>, vector<16xf32>,
    tpu.vector_store %arg24[%swap3A_76, %swap3A_77], %broadcast_in_dim3A_3 {strides = array<i32>} : memref<80x32xf32, #tpu.memory_space<vmem>>, vector<16xf32>,
    %swap3A_79 = arith.constant 9 : i32
    %swap3A_80 = arith.index_cast %swap3A_79 : i32 to index
    %swap3A_81 = arith.constant 16 : index
    %swap3A_82 = tpu.vector_load %arg24[%swap3A_80, %swap3A_81] {strides = array<i32>} : memref<80x32xf32, #tpu.memory_space<vmem>>, vector<16xf32>,
    tpu.vector_store %arg24[%swap3A_80, %swap3A_81], %broadcast_in_dim3A_3 {strides = array<i32>} : memref<80x32xf32, #tpu.memory_space<vmem>>, vector<16xf32>,
    %swap3A_83 = arith.constant 10 : i32
    %swap3A_84 = arith.index_cast %swap3A_83 : i32 to index
    %swap3A_85 = arith.constant 0 : index
    %swap3A_86 = tpu.vector_load %arg24[%swap3A_84, %swap3A_85] {strides = array<i32>} : memref<80x32xf32, #tpu.memory_space<vmem>>, vector<16xf32>,
    tpu.vector_store %arg24[%swap3A_84, %swap3A_85], %broadcast_in_dim3A_3 {strides = array<i32>} : memref<80x32xf32, #tpu.memory_space<vmem>>, vector<16xf32>,
    %swap3A_87 = arith.constant 10 : i32
    %swap3A_88 = arith.index_cast %swap3A_87 : i32 to index
    %swap3A_89 = arith.constant 16 : index
    %swap3A_90 = tpu.vector_load %arg24[%swap3A_88, %swap3A_89] {strides = array<i32>} : memref<80x32xf32, #tpu.memory_space<vmem>>, vector<16xf32>,
    tpu.vector_store %arg24[%swap3A_88, %swap3A_89], %broadcast_in_dim3A_3 {strides = array<i32>} : memref<80x32xf32, #tpu.memory_space<vmem>>, vector<16xf32>,
    %swap3A_91 = arith.constant 11 : i32
    %swap3A_92 = arith.index_cast %swap3A_91 : i32 to index
    %swap3A_93 = arith.constant 0 : index
    %swap3A_94 = tpu.vector_load %arg24[%swap3A_92, %swap3A_93] {strides = array<i32>} : memref<80x32xf32, #tpu.memory_space<vmem>>, vector<16xf32>,
    tpu.vector_store %arg24[%swap3A_92, %swap3A_93], %broadcast_in_dim3A_3 {strides = array<i32>} : memref<80x32xf32, #tpu.memory_space<vmem>>, vector<16xf32>,
    %swap3A_95 = arith.constant 11 : i32
    %swap3A_96 = arith.index_cast %swap3A_95 : i32 to index
    %swap3A_97 = arith.constant 16 : index
    %swap3A_98 = tpu.vector_load %arg24[%swap3A_96, %swap3A_97] {strides = array<i32>} : memref<80x32xf32, #tpu.memory_space<vmem>>, vector<16xf32>,
    tpu.vector_store %arg24[%swap3A_96, %swap3A_97], %broadcast_in_dim3A_3 {strides = array<i32>} : memref<80x32xf32, #tpu.memory_space<vmem>>, vector<16xf32>,
    %swap3A_99 = arith.constant 12 : i32
    %swap3A_100 = arith.index_cast %swap3A_99 : i32 to index
    %swap3A_101 = arith.constant 0 : index
    %swap3A_102 = tpu.vector_load %arg24[%swap3A_100, %swap3A_101] {strides = array<i32>} : memref<80x32xf32, #tpu.memory_space<vmem>>, vector<16xf32>,
    tpu.vector_store %arg24[%swap3A_100, %swap3A_101], %broadcast_in_dim3A_3 {strides = array<i32>} : memref<80x32xf32, #tpu.memory_space<vmem>>, vector<16xf32>,
    %swap3A_103 = arith.constant 12 : i32
    %swap3A_104 = arith.index_cast %swap3A_103 : i32 to index
    %swap3A_105 = arith.constant 16 : index
    %swap3A_106 = tpu.vector_load %arg24[%swap3A_104, %swap3A_105] {strides = array<i32>} : memref<80x32xf32, #tpu.memory_space<vmem>>, vector<16xf32>,
    tpu.vector_store %arg24[%swap3A_104, %swap3A_105], %broadcast_in_dim3A_3 {strides = array<i32>} : memref<80x32xf32, #tpu.memory_space<vmem>>, vector<16xf32>,
    %swap3A_107 = arith.constant 13 : i32
    %swap3A_108 = arith.index_cast %swap3A_107 : i32 to index
    %swap3A_109 = arith.constant 0 : index
    %swap3A_110 = tpu.vector_load %arg24[%swap3A_108, %swap3A_109] {strides = array<i32>} : memref<80x32xf32, #tpu.memory_space<vmem>>, vector<16xf32>,
    tpu.vector_store %arg24[%swap3A_108, %swap3A_109], %broadcast_in_dim3A_3 {strides = array<i32>} : memref<80x32xf32, #tpu.memory_space<vmem>>, vector<16xf32>,
    %swap3A_111 = arith.constant 13 : i32
    %swap3A_112 = arith.index_cast %swap3A_111 : i32 to index
    %swap3A_113 = arith.constant 16 : index
    %swap3A_114 = tpu.vector_load %arg24[%swap3A_112, %swap3A_113] {strides = array<i32>} : memref<80x32xf32, #tpu.memory_space<vmem>>, vector<16xf32>,
    tpu.vector_store %arg24[%swap3A_112, %swap3A_113], %broadcast_in_dim3A_3 {strides = array<i32>} : memref<80x32xf32, #tpu.memory_space<vmem>>, vector<16xf32>,
    %swap3A_115 = arith.constant 14 : i32
    %swap3A_116 = arith.index_cast %swap3A_115 : i32 to index
    %swap3A_117 = arith.constant 0 : index
    %swap3A_118 = tpu.vector_load %arg24[%swap3A_116, %swap3A_117] {strides = array<i32>} : memref<80x32xf32, #tpu.memory_space<vmem>>, vector<16xf32>,
    tpu.vector_store %arg24[%swap3A_116, %swap3A_117], %broadcast_in_dim3A_3 {strides = array<i32>} : memref<80x32xf32, #tpu.memory_space<vmem>>, vector<16xf32>,
    %swap3A_119 = arith.constant 14 : i32
    %swap3A_120 = arith.index_cast %swap3A_119 : i32 to index
    %swap3A_121 = arith.constant 16 : index
    %swap3A_122 = tpu.vector_load %arg24[%swap3A_120, %swap3A_121] {strides = array<i32>} : memref<80x32xf32, #tpu.memory_space<vmem>>, vector<16xf32>,
    tpu.vector_store %arg24[%swap3A_120, %swap3A_121], %broadcast_in_dim3A_3 {strides = array<i32>} : memref<80x32xf32, #tpu.memory_space<vmem>>, vector<16xf32>,
    %swap3A_123 = arith.constant 15 : i32
    %swap3A_124 = arith.index_cast %swap3A_123 : i32 to index
    %swap3A_125 = arith.constant 0 : index
    %swap3A_126 = tpu.vector_load %arg24[%swap3A_124, %swap3A_125] {strides = array<i32>} : memref<80x32xf32, #tpu.memory_space<vmem>>, vector<16xf32>,
    tpu.vector_store %arg24[%swap3A_124, %swap3A_125], %broadcast_in_dim3A_3 {strides = array<i32>} : memref<80x32xf32, #tpu.memory_space<vmem>>, vector<16xf32>,
    %swap3A_127 = arith.constant 15 : i32
    %swap3A_128 = arith.index_cast %swap3A_127 : i32 to index
    %swap3A_129 = arith.constant 16 : index
    %swap3A_130 = tpu.vector_load %arg24[%swap3A_128, %swap3A_129] {strides = array<i32>} : memref<80x32xf32, #tpu.memory_space<vmem>>, vector<16xf32>,
    tpu.vector_store %arg24[%swap3A_128, %swap3A_129], %broadcast_in_dim3A_3 {strides = array<i32>} : memref<80x32xf32, #tpu.memory_space<vmem>>, vector<16xf32>,
    %swap3A_131 = arith.constant 16 : i32
    %swap3A_132 = arith.index_cast %swap3A_131 : i32 to index
    %swap3A_133 = arith.constant 0 : index
    %swap3A_134 = tpu.vector_load %arg24[%swap3A_132, %swap3A_133] {strides = array<i32>} : memref<80x32xf32, #tpu.memory_space<vmem>>, vector<16xf32>,
    tpu.vector_store %arg24[%swap3A_132, %swap3A_133], %broadcast_in_dim3A_3 {strides = array<i32>} : memref<80x32xf32, #tpu.memory_space<vmem>>, vector<16xf32>,
    %swap3A_135 = arith.constant 16 : i32
    %swap3A_136 = arith.index_cast %swap3A_135 : i32 to index
    %swap3A_137 = arith.constant 16 : index
    %swap3A_138 = tpu.vector_load %arg24[%swap3A_136, %swap3A_137] {strides = array<i32>} : memref<80x32xf32, #tpu.memory_space<vmem>>, vector<16xf32>,
    tpu.vector_store %arg24[%swap3A_136, %swap3A_137], %broadcast_in_dim3A_3 {strides = array<i32>} : memref<80x32xf32, #tpu.memory_space<vmem>>, vector<16xf32>,
    %swap3A_139 = arith.constant 17 : i32
    %swap3A_140 = arith.index_cast %swap3A_139 : i32 to index
    %swap3A_141 = arith.constant 0 : index
    %swap3A_142 = tpu.vector_load %arg24[%swap3A_140, %swap3A_141] {strides = array<i32>} : memref<80x32xf32, #tpu.memory_space<vmem>>, vector<16xf32>,
    tpu.vector_store %arg24[%swap3A_140, %swap3A_141], %broadcast_in_dim3A_3 {strides = array<i32>} : memref<80x32xf32, #tpu.memory_space<vmem>>, vector<16xf32>,
    %swap3A_143 = arith.constant 17 : i32
    %swap3A_144 = arith.index_cast %swap3A_143 : i32 to index
    %swap3A_145 = arith.constant 16 : index
    %swap3A_146 = tpu.vector_load %arg24[%swap3A_144, %swap3A_145] {strides = array<i32>} : memref<80x32xf32, #tpu.memory_space<vmem>>, vector<16xf32>,
    tpu.vector_store %arg24[%swap3A_144, %swap3A_145], %broadcast_in_dim3A_3 {strides = array<i32>} : memref<80x32xf32, #tpu.memory_space<vmem>>, vector<16xf32>,
    %swap3A_147 = arith.constant 18 : i32
    %swap3A_148 = arith.index_cast %swap3A_147 : i32 to index
    %swap3A_149 = arith.constant 0 : index
    %swap3A_150 = tpu.vector_load %arg24[%swap3A_148, %swap3A_149] {strides = array<i32>} : memref<80x32xf32, #tpu.memory_space<vmem>>, vector<16xf32>,
    tpu.vector_store %arg24[%swap3A_148, %swap3A_149], %broadcast_in_dim3A_3 {strides = array<i32>} : memref<80x32xf32, #tpu.memory_space<vmem>>, vector<16xf32>,
    %swap3A_151 = arith.constant 18 : i32
    %swap3A_152 = arith.index_cast %swap3A_151 : i32 to index
    %swap3A_153 = arith.constant 16 : index
    %swap3A_154 = tpu.vector_load %arg24[%swap3A_152, %swap3A_153] {strides = array<i32>} : memref<80x32xf32, #tpu.memory_space<vmem>>, vector<16xf32>,
    tpu.vector_store %arg24[%swap3A_152, %swap3A_153], %broadcast_in_dim3A_3 {strides = array<i32>} : memref<80x32xf32, #tpu.memory_space<vmem>>, vector<16xf32>,
    %swap3A_155 = arith.constant 19 : i32
    %swap3A_156 = arith.index_cast %swap3A_155 : i32 to index
    %swap3A_157 = arith.constant 0 : index
    %swap3A_158 = tpu.vector_load %arg24[%swap3A_156, %swap3A_157] {strides = array<i32>} : memref<80x32xf32, #tpu.memory_space<vmem>>, vector<16xf32>,
    tpu.vector_store %arg24[%swap3A_156, %swap3A_157], %broadcast_in_dim3A_3 {strides = array<i32>} : memref<80x32xf32, #tpu.memory_space<vmem>>, vector<16xf32>,
    %swap3A_159 = arith.constant 19 : i32
    %swap3A_160 = arith.index_cast %swap3A_159 : i32 to index
    %swap3A_161 = arith.constant 16 : index
    %swap3A_162 = tpu.vector_load %arg24[%swap3A_160, %swap3A_161] {strides = array<i32>} : memref<80x32xf32, #tpu.memory_space<vmem>>, vector<16xf32>,
    tpu.vector_store %arg24[%swap3A_160, %swap3A_161], %broadcast_in_dim3A_3 {strides = array<i32>} : memref<80x32xf32, #tpu.memory_space<vmem>>, vector<16xf32>,
    %swap3A_163 = arith.constant 20 : i32
    %swap3A_164 = arith.index_cast %swap3A_163 : i32 to index
    %swap3A_165 = arith.constant 0 : index
    %swap3A_166 = tpu.vector_load %arg24[%swap3A_164, %swap3A_165] {strides = array<i32>} : memref<80x32xf32, #tpu.memory_space<vmem>>, vector<16xf32>,
    tpu.vector_store %arg24[%swap3A_164, %swap3A_165], %broadcast_in_dim3A_3 {strides = array<i32>} : memref<80x32xf32, #tpu.memory_space<vmem>>, vector<16xf32>,
    %swap3A_167 = arith.constant 20 : i32
    %swap3A_168 = arith.index_cast %swap3A_167 : i32 to index
    %swap3A_169 = arith.constant 16 : index
    %swap3A_170 = tpu.vector_load %arg24[%swap3A_168, %swap3A_169] {strides = array<i32>} : memref<80x32xf32, #tpu.memory_space<vmem>>, vector<16xf32>,
    tpu.vector_store %arg24[%swap3A_168, %swap3A_169], %broadcast_in_dim3A_3 {strides = array<i32>} : memref<80x32xf32, #tpu.memory_space<vmem>>, vector<16xf32>,
    %swap3A_171 = arith.constant 21 : i32
    %swap3A_172 = arith.index_cast %swap3A_171 : i32 to index
    %swap3A_173 = arith.constant 0 : index
    %swap3A_174 = tpu.vector_load %arg24[%swap3A_172, %swap3A_173] {strides = array<i32>} : memref<80x32xf32, #tpu.memory_space<vmem>>, vector<16xf32>,
    tpu.vector_store %arg24[%swap3A_172, %swap3A_173], %broadcast_in_dim3A_3 {strides = array<i32>} : memref<80x32xf32, #tpu.memory_space<vmem>>, vector<16xf32>,
    %swap3A_175 = arith.constant 21 : i32
    %swap3A_176 = arith.index_cast %swap3A_175 : i32 to index
    %swap3A_177 = arith.constant 16 : index
    %swap3A_178 = tpu.vector_load %arg24[%swap3A_176, %swap3A_177] {strides = array<i32>} : memref<80x32xf32, #tpu.memory_space<vmem>>, vector<16xf32>,
    tpu.vector_store %arg24[%swap3A_176, %swap3A_177], %broadcast_in_dim3A_3 {strides = array<i32>} : memref<80x32xf32, #tpu.memory_space<vmem>>, vector<16xf32>,
    %swap3A_179 = arith.constant 22 : i32
    %swap3A_180 = arith.index_cast %swap3A_179 : i32 to index
    %swap3A_181 = arith.constant 0 : index
    %swap3A_182 = tpu.vector_load %arg24[%swap3A_180, %swap3A_181] {strides = array<i32>} : memref<80x32xf32, #tpu.memory_space<vmem>>, vector<16xf32>,
    tpu.vector_store %arg24[%swap3A_180, %swap3A_181], %broadcast_in_dim3A_3 {strides = array<i32>} : memref<80x32xf32, #tpu.memory_space<vmem>>, vector<16xf32>,
    %swap3A_183 = arith.constant 22 : i32
    %swap3A_184 = arith.index_cast %swap3A_183 : i32 to index
    %swap3A_185 = arith.constant 16 : index
    %swap3A_186 = tpu.vector_load %arg24[%swap3A_184, %swap3A_185] {strides = array<i32>} : memref<80x32xf32, #tpu.memory_space<vmem>>, vector<16xf32>,
    tpu.vector_store %arg24[%swap3A_184, %swap3A_185], %broadcast_in_dim3A_3 {strides = array<i32>} : memref<80x32xf32, #tpu.memory_space<vmem>>, vector<16xf32>,
    %swap3A_187 = arith.constant 23 : i32
    %swap3A_188 = arith.index_cast %swap3A_187 : i32 to index
    %swap3A_189 = arith.constant 0 : index
    %swap3A_190 = tpu.vector_load %arg24[%swap3A_188, %swap3A_189] {strides = array<i32>} : memref<80x32xf32, #tpu.memory_space<vmem>>, vector<16xf32>,
    tpu.vector_store %arg24[%swap3A_188, %swap3A_189], %broadcast_in_dim3A_3 {strides = array<i32>} : memref<80x32xf32, #tpu.memory_space<vmem>>, vector<16xf32>,
    %swap3A_191 = arith.constant 23 : i32
    %swap3A_192 = arith.index_cast %swap3A_191 : i32 to index
    %swap3A_193 = arith.constant 16 : index
    %swap3A_194 = tpu.vector_load %arg24[%swap3A_192, %swap3A_193] {strides = array<i32>} : memref<80x32xf32, #tpu.memory_space<vmem>>, vector<16xf32>,
    tpu.vector_store %arg24[%swap3A_192, %swap3A_193], %broadcast_in_dim3A_3 {strides = array<i32>} : memref<80x32xf32, #tpu.memory_space<vmem>>, vector<16xf32>,
    %swap3A_195 = arith.constant 24 : i32
    %swap3A_196 = arith.index_cast %swap3A_195 : i32 to index
    %swap3A_197 = arith.constant 0 : index
    %swap3A_198 = tpu.vector_load %arg24[%swap3A_196, %swap3A_197] {strides = array<i32>} : memref<80x32xf32, #tpu.memory_space<vmem>>, vector<16xf32>,
    tpu.vector_store %arg24[%swap3A_196, %swap3A_197], %broadcast_in_dim3A_3 {strides = array<i32>} : memref<80x32xf32, #tpu.memory_space<vmem>>, vector<16xf32>,
    %swap3A_199 = arith.constant 24 : i32
    %swap3A_200 = arith.index_cast %swap3A_199 : i32 to index
    %swap3A_201 = arith.constant 16 : index
    %swap3A_202 = tpu.vector_load %arg24[%swap3A_200, %swap3A_201] {strides = array<i32>} : memref<80x32xf32, #tpu.memory_space<vmem>>, vector<16xf32>,
    tpu.vector_store %arg24[%swap3A_200, %swap3A_201], %broadcast_in_dim3A_3 {strides = array<i32>} : memref<80x32xf32, #tpu.memory_space<vmem>>, vector<16xf32>,
    %swap3A_203 = arith.constant 25 : i32
    %swap3A_204 = arith.index_cast %swap3A_203 : i32 to index
    %swap3A_205 = arith.constant 0 : index
    %swap3A_206 = tpu.vector_load %arg24[%swap3A_204, %swap3A_205] {strides = array<i32>} : memref<80x32xf32, #tpu.memory_space<vmem>>, vector<16xf32>,
    tpu.vector_store %arg24[%swap3A_204, %swap3A_205], %broadcast_in_dim3A_3 {strides = array<i32>} : memref<80x32xf32, #tpu.memory_space<vmem>>, vector<16xf32>,
    %swap3A_207 = arith.constant 25 : i32
    %swap3A_208 = arith.index_cast %swap3A_207 : i32 to index
    %swap3A_209 = arith.constant 16 : index
    %swap3A_210 = tpu.vector_load %arg24[%swap3A_208, %swap3A_209] {strides = array<i32>} : memref<80x32xf32, #tpu.memory_space<vmem>>, vector<16xf32>,
    tpu.vector_store %arg24[%swap3A_208, %swap3A_209], %broadcast_in_dim3A_3 {strides = array<i32>} : memref<80x32xf32, #tpu.memory_space<vmem>>, vector<16xf32>,
    %swap3A_211 = arith.constant 26 : i32
    %swap3A_212 = arith.index_cast %swap3A_211 : i32 to index
    %swap3A_213 = arith.constant 0 : index
    %swap3A_214 = tpu.vector_load %arg24[%swap3A_212, %swap3A_213] {strides = array<i32>} : memref<80x32xf32, #tpu.memory_space<vmem>>, vector<16xf32>,
    tpu.vector_store %arg24[%swap3A_212, %swap3A_213], %broadcast_in_dim3A_3 {strides = array<i32>} : memref<80x32xf32, #tpu.memory_space<vmem>>, vector<16xf32>,
    %swap3A_215 = arith.constant 26 : i32
    %swap3A_216 = arith.index_cast %swap3A_215 : i32 to index
    %swap3A_217 = arith.constant 16 : index
    %swap3A_218 = tpu.vector_load %arg24[%swap3A_216, %swap3A_217] {strides = array<i32>} : memref<80x32xf32, #tpu.memory_space<vmem>>, vector<16xf32>,
    tpu.vector_store %arg24[%swap3A_216, %swap3A_217], %broadcast_in_dim3A_3 {strides = array<i32>} : memref<80x32xf32, #tpu.memory_space<vmem>>, vector<16xf32>,
    %swap3A_219 = arith.constant 27 : i32
    %swap3A_220 = arith.index_cast %swap3A_219 : i32 to index
    %swap3A_221 = arith.constant 0 : index
    %swap3A_222 = tpu.vector_load %arg24[%swap3A_220, %swap3A_221] {strides = array<i32>} : memref<80x32xf32, #tpu.memory_space<vmem>>, vector<16xf32>,
    tpu.vector_store %arg24[%swap3A_220, %swap3A_221], %broadcast_in_dim3A_3 {strides = array<i32>} : memref<80x32xf32, #tpu.memory_space<vmem>>, vector<16xf32>,
    %swap3A_223 = arith.constant 27 : i32
    %swap3A_224 = arith.index_cast %swap3A_223 : i32 to index
    %swap3A_225 = arith.constant 16 : index
    %swap3A_226 = tpu.vector_load %arg24[%swap3A_224, %swap3A_225] {strides = array<i32>} : memref<80x32xf32, #tpu.memory_space<vmem>>, vector<16xf32>,
    tpu.vector_store %arg24[%swap3A_224, %swap3A_225], %broadcast_in_dim3A_3 {strides = array<i32>} : memref<80x32xf32, #tpu.memory_space<vmem>>, vector<16xf32>,
    %swap3A_227 = arith.constant 28 : i32
    %swap3A_228 = arith.index_cast %swap3A_227 : i32 to index
    %swap3A_229 = arith.constant 0 : index
    %swap3A_230 = tpu.vector_load %arg24[%swap3A_228, %swap3A_229] {strides = array<i32>} : memref<80x32xf32, #tpu.memory_space<vmem>>, vector<16xf32>,
    tpu.vector_store %arg24[%swap3A_228, %swap3A_229], %broadcast_in_dim3A_3 {strides = array<i32>} : memref<80x32xf32, #tpu.memory_space<vmem>>, vector<16xf32>,
    %swap3A_231 = arith.constant 28 : i32
    %swap3A_232 = arith.index_cast %swap3A_231 : i32 to index
    %swap3A_233 = arith.constant 16 : index
    %swap3A_234 = tpu.vector_load %arg24[%swap3A_232, %swap3A_233] {strides = array<i32>} : memref<80x32xf32, #tpu.memory_space<vmem>>, vector<16xf32>,
    tpu.vector_store %arg24[%swap3A_232, %swap3A_233], %broadcast_in_dim3A_3 {strides = array<i32>} : memref<80x32xf32, #tpu.memory_space<vmem>>, vector<16xf32>,
    %swap3A_235 = arith.constant 29 : i32
    %swap3A_236 = arith.index_cast %swap3A_235 : i32 to index
    %swap3A_237 = arith.constant 0 : index
    %swap3A_238 = tpu.vector_load %arg24[%swap3A_236, %swap3A_237] {strides = array<i32>} : memref<80x32xf32, #tpu.memory_space<vmem>>, vector<16xf32>,
    tpu.vector_store %arg24[%swap3A_236, %swap3A_237], %broadcast_in_dim3A_3 {strides = array<i32>} : memref<80x32xf32, #tpu.memory_space<vmem>>, vector<16xf32>,
    %swap3A_239 = arith.constant 29 : i32
    %swap3A_240 = arith.index_cast %swap3A_239 : i32 to index
    %swap3A_241 = arith.constant 16 : index
    %swap3A_242 = tpu.vector_load %arg24[%swap3A_240, %swap3A_241] {strides = array<i32>} : memref<80x32xf32, #tpu.memory_space<vmem>>, vector<16xf32>,
    tpu.vector_store %arg24[%swap3A_240, %swap3A_241], %broadcast_in_dim3A_3 {strides = array<i32>} : memref<80x32xf32, #tpu.memory_space<vmem>>, vector<16xf32>,
    %swap3A_243 = arith.constant 30 : i32
    %swap3A_244 = arith.index_cast %swap3A_243 : i32 to index
    %swap3A_245 = arith.constant 0 : index
    %swap3A_246 = tpu.vector_load %arg24[%swap3A_244, %swap3A_245] {strides = array<i32>} : memref<80x32xf32, #tpu.memory_space<vmem>>, vector<16xf32>,
    tpu.vector_store %arg24[%swap3A_244, %swap3A_245], %broadcast_in_dim3A_3 {strides = array<i32>} : memref<80x32xf32, #tpu.memory_space<vmem>>, vector<16xf32>,
    %swap3A_247 = arith.constant 30 : i32
    %swap3A_248 = arith.index_cast %swap3A_247 : i32 to index
    %swap3A_249 = arith.constant 16 : index
    %swap3A_250 = tpu.vector_load %arg24[%swap3A_248, %swap3A_249] {strides = array<i32>} : memref<80x32xf32, #tpu.memory_space<vmem>>, vector<16xf32>,
    tpu.vector_store %arg24[%swap3A_248, %swap3A_249], %broadcast_in_dim3A_3 {strides = array<i32>} : memref<80x32xf32, #tpu.memory_space<vmem>>, vector<16xf32>,
    %swap3A_251 = arith.constant 31 : i32
    %swap3A_252 = arith.index_cast %swap3A_251 : i32 to index
    %swap3A_253 = arith.constant 0 : index
    %swap3A_254 = tpu.vector_load %arg24[%swap3A_252, %swap3A_253] {strides = array<i32>} : memref<80x32xf32, #tpu.memory_space<vmem>>, vector<16xf32>,
    tpu.vector_store %arg24[%swap3A_252, %swap3A_253], %broadcast_in_dim3A_3 {strides = array<i32>} : memref<80x32xf32, #tpu.memory_space<vmem>>, vector<16xf32>,
    %swap3A_255 = arith.constant 31 : i32
    %swap3A_256 = arith.index_cast %swap3A_255 : i32 to index
    %swap3A_257 = arith.constant 16 : index
    %swap3A_258 = tpu.vector_load %arg24[%swap3A_256, %swap3A_257] {strides = array<i32>} : memref<80x32xf32, #tpu.memory_space<vmem>>, vector<16xf32>,
    tpu.vector_store %arg24[%swap3A_256, %swap3A_257], %broadcast_in_dim3A_3 {strides = array<i32>} : memref<80x32xf32, #tpu.memory_space<vmem>>, vector<16xf32>,
    %swap3A_259 = arith.constant 32 : i32
    %swap3A_260 = arith.index_cast %swap3A_259 : i32 to index
    %swap3A_261 = arith.constant 0 : index
    %swap3A_262 = tpu.vector_load %arg24[%swap3A_260, %swap3A_261] {strides = array<i32>} : memref<80x32xf32, #tpu.memory_space<vmem>>, vector<16xf32>,
    tpu.vector_store %arg24[%swap3A_260, %swap3A_261], %broadcast_in_dim3A_3 {strides = array<i32>} : memref<80x32xf32, #tpu.memory_space<vmem>>, vector<16xf32>,
    %swap3A_263 = arith.constant 32 : i32
    %swap3A_264 = arith.index_cast %swap3A_263 : i32 to index
    %swap3A_265 = arith.constant 16 : index
    %swap3A_266 = tpu.vector_load %arg24[%swap3A_264, %swap3A_265] {strides = array<i32>} : memref<80x32xf32, #tpu.memory_space<vmem>>, vector<16xf32>,
    tpu.vector_store %arg24[%swap3A_264, %swap3A_265], %broadcast_in_dim3A_3 {strides = array<i32>} : memref<80x32xf32, #tpu.memory_space<vmem>>, vector<16xf32>,
    %swap3A_267 = arith.constant 33 : i32
    %swap3A_268 = arith.index_cast %swap3A_267 : i32 to index
    %swap3A_269 = arith.constant 0 : index
    %swap3A_270 = tpu.vector_load %arg24[%swap3A_268, %swap3A_269] {strides = array<i32>} : memref<80x32xf32, #tpu.memory_space<vmem>>, vector<16xf32>,
    tpu.vector_store %arg24[%swap3A_268, %swap3A_269], %broadcast_in_dim3A_3 {strides = array<i32>} : memref<80x32xf32, #tpu.memory_space<vmem>>, vector<16xf32>,
    %swap3A_271 = arith.constant 33 : i32
    %swap3A_272 = arith.index_cast %swap3A_271 : i32 to index
    %swap3A_273 = arith.constant 16 : index
    %swap3A_274 = tpu.vector_load %arg24[%swap3A_272, %swap3A_273] {strides = array<i32>} : memref<80x32xf32, #tpu.memory_space<vmem>>, vector<16xf32>,
    tpu.vector_store %arg24[%swap3A_272, %swap3A_273], %broadcast_in_dim3A_3 {strides = array<i32>} : memref<80x32xf32, #tpu.memory_space<vmem>>, vector<16xf32>,
    %swap3A_275 = arith.constant 34 : i32
    %swap3A_276 = arith.index_cast %swap3A_275 : i32 to index
    %swap3A_277 = arith.constant 0 : index
    %swap3A_278 = tpu.vector_load %arg24[%swap3A_276, %swap3A_277] {strides = array<i32>} : memref<80x32xf32, #tpu.memory_space<vmem>>, vector<16xf32>,
    tpu.vector_store %arg24[%swap3A_276, %swap3A_277], %broadcast_in_dim3A_3 {strides = array<i32>} : memref<80x32xf32, #tpu.memory_space<vmem>>, vector<16xf32>,
    %swap3A_279 = arith.constant 34 : i32
    %swap3A_280 = arith.index_cast %swap3A_279 : i32 to index
    %swap3A_281 = arith.constant 16 : index
    %swap3A_282 = tpu.vector_load %arg24[%swap3A_280, %swap3A_281] {strides = array<i32>} : memref<80x32xf32, #tpu.memory_space<vmem>>, vector<16xf32>,
    tpu.vector_store %arg24[%swap3A_280, %swap3A_281], %broadcast_in_dim3A_3 {strides = array<i32>} : memref<80x32xf32, #tpu.memory_space<vmem>>, vector<16xf32>,
    %swap3A_283 = arith.constant 35 : i32
    %swap3A_284 = arith.index_cast %swap3A_283 : i32 to index
    %swap3A_285 = arith.constant 0 : index
    %swap3A_286 = tpu.vector_load %arg24[%swap3A_284, %swap3A_285] {strides = array<i32>} : memref<80x32xf32, #tpu.memory_space<vmem>>, vector<16xf32>,
    tpu.vector_store %arg24[%swap3A_284, %swap3A_285], %broadcast_in_dim3A_3 {strides = array<i32>} : memref<80x32xf32, #tpu.memory_space<vmem>>, vector<16xf32>,
    %swap3A_287 = arith.constant 35 : i32
    %swap3A_288 = arith.index_cast %swap3A_287 : i32 to index
    %swap3A_289 = arith.constant 16 : index
    %swap3A_290 = tpu.vector_load %arg24[%swap3A_288, %swap3A_289] {strides = array<i32>} : memref<80x32xf32, #tpu.memory_space<vmem>>, vector<16xf32>,
    tpu.vector_store %arg24[%swap3A_288, %swap3A_289], %broadcast_in_dim3A_3 {strides = array<i32>} : memref<80x32xf32, #tpu.memory_space<vmem>>, vector<16xf32>,
    %swap3A_291 = arith.constant 36 : i32
    %swap3A_292 = arith.index_cast %swap3A_291 : i32 to index
    %swap3A_293 = arith.constant 0 : index
    %swap3A_294 = tpu.vector_load %arg24[%swap3A_292, %swap3A_293] {strides = array<i32>} : memref<80x32xf32, #tpu.memory_space<vmem>>, vector<16xf32>,
    tpu.vector_store %arg24[%swap3A_292, %swap3A_293], %broadcast_in_dim3A_3 {strides = array<i32>} : memref<80x32xf32, #tpu.memory_space<vmem>>, vector<16xf32>,
    %swap3A_295 = arith.constant 36 : i32
    %swap3A_296 = arith.index_cast %swap3A_295 : i32 to index
    %swap3A_297 = arith.constant 16 : index
    %swap3A_298 = tpu.vector_load %arg24[%swap3A_296, %swap3A_297] {strides = array<i32>} : memref<80x32xf32, #tpu.memory_space<vmem>>, vector<16xf32>,
    tpu.vector_store %arg24[%swap3A_296, %swap3A_297], %broadcast_in_dim3A_3 {strides = array<i32>} : memref<80x32xf32, #tpu.memory_space<vmem>>, vector<16xf32>,
    %swap3A_299 = arith.constant 37 : i32
    %swap3A_300 = arith.index_cast %swap3A_299 : i32 to index
    %swap3A_301 = arith.constant 0 : index
    %swap3A_302 = tpu.vector_load %arg24[%swap3A_300, %swap3A_301] {strides = array<i32>} : memref<80x32xf32, #tpu.memory_space<vmem>>, vector<16xf32>,
    tpu.vector_store %arg24[%swap3A_300, %swap3A_301], %broadcast_in_dim3A_3 {strides = array<i32>} : memref<80x32xf32, #tpu.memory_space<vmem>>, vector<16xf32>,
    %swap3A_303 = arith.constant 37 : i32
    %swap3A_304 = arith.index_cast %swap3A_303 : i32 to index
    %swap3A_305 = arith.constant 16 : index
    %swap3A_306 = tpu.vector_load %arg24[%swap3A_304, %swap3A_305] {strides = array<i32>} : memref<80x32xf32, #tpu.memory_space<vmem>>, vector<16xf32>,
    tpu.vector_store %arg24[%swap3A_304, %swap3A_305], %broadcast_in_dim3A_3 {strides = array<i32>} : memref<80x32xf32, #tpu.memory_space<vmem>>, vector<16xf32>,
    %swap3A_307 = arith.constant 38 : i32
    %swap3A_308 = arith.index_cast %swap3A_307 : i32 to index
    %swap3A_309 = arith.constant 0 : index
    %swap3A_310 = tpu.vector_load %arg24[%swap3A_308, %swap3A_309] {strides = array<i32>} : memref<80x32xf32, #tpu.memory_space<vmem>>, vector<16xf32>,
    tpu.vector_store %arg24[%swap3A_308, %swap3A_309], %broadcast_in_dim3A_3 {strides = array<i32>} : memref<80x32xf32, #tpu.memory_space<vmem>>, vector<16xf32>,
    %swap3A_311 = arith.constant 38 : i32
    %swap3A_312 = arith.index_cast %swap3A_311 : i32 to index
    %swap3A_313 = arith.constant 16 : index
    %swap3A_314 = tpu.vector_load %arg24[%swap3A_312, %swap3A_313] {strides = array<i32>} : memref<80x32xf32, #tpu.memory_space<vmem>>, vector<16xf32>,
    tpu.vector_store %arg24[%swap3A_312, %swap3A_313], %broadcast_in_dim3A_3 {strides = array<i32>} : memref<80x32xf32, #tpu.memory_space<vmem>>, vector<16xf32>,
    %swap3A_315 = arith.constant 39 : i32
    %swap3A_316 = arith.index_cast %swap3A_315 : i32 to index
    %swap3A_317 = arith.constant 0 : index
    %swap3A_318 = tpu.vector_load %arg24[%swap3A_316, %swap3A_317] {strides = array<i32>} : memref<80x32xf32, #tpu.memory_space<vmem>>, vector<16xf32>,
    tpu.vector_store %arg24[%swap3A_316, %swap3A_317], %broadcast_in_dim3A_3 {strides = array<i32>} : memref<80x32xf32, #tpu.memory_space<vmem>>, vector<16xf32>,
    %swap3A_319 = arith.constant 39 : i32
    %swap3A_320 = arith.index_cast %swap3A_319 : i32 to index
    %swap3A_321 = arith.constant 16 : index
    %swap3A_322 = tpu.vector_load %arg24[%swap3A_320, %swap3A_321] {strides = array<i32>} : memref<80x32xf32, #tpu.memory_space<vmem>>, vector<16xf32>,
    tpu.vector_store %arg24[%swap3A_320, %swap3A_321], %broadcast_in_dim3A_3 {strides = array<i32>} : memref<80x32xf32, #tpu.memory_space<vmem>>, vector<16xf32>,
    %swap3A_323 = arith.constant 40 : i32
    %swap3A_324 = arith.index_cast %swap3A_323 : i32 to index
    %swap3A_325 = arith.constant 0 : index
    %swap3A_326 = tpu.vector_load %arg24[%swap3A_324, %swap3A_325] {strides = array<i32>} : memref<80x32xf32, #tpu.memory_space<vmem>>, vector<16xf32>,
    tpu.vector_store %arg24[%swap3A_324, %swap3A_325], %broadcast_in_dim3A_3 {strides = array<i32>} : memref<80x32xf32, #tpu.memory_space<vmem>>, vector<16xf32>,
    %swap3A_327 = arith.constant 40 : i32
    %swap3A_328 = arith.index_cast %swap3A_327 : i32 to index
    %swap3A_329 = arith.constant 16 : index
    %swap3A_330 = tpu.vector_load %arg24[%swap3A_328, %swap3A_329] {strides = array<i32>} : memref<80x32xf32, #tpu.memory_space<vmem>>, vector<16xf32>,
    tpu.vector_store %arg24[%swap3A_328, %swap3A_329], %broadcast_in_dim3A_3 {strides = array<i32>} : memref<80x32xf32, #tpu.memory_space<vmem>>, vector<16xf32>,
    %swap3A_331 = arith.constant 41 : i32
    %swap3A_332 = arith.index_cast %swap3A_331 : i32 to index
    %swap3A_333 = arith.constant 0 : index
    %swap3A_334 = tpu.vector_load %arg24[%swap3A_332, %swap3A_333] {strides = array<i32>} : memref<80x32xf32, #tpu.memory_space<vmem>>, vector<16xf32>,
    tpu.vector_store %arg24[%swap3A_332, %swap3A_333], %broadcast_in_dim3A_3 {strides = array<i32>} : memref<80x32xf32, #tpu.memory_space<vmem>>, vector<16xf32>,
    %swap3A_335 = arith.constant 41 : i32
    %swap3A_336 = arith.index_cast %swap3A_335 : i32 to index
    %swap3A_337 = arith.constant 16 : index
    %swap3A_338 = tpu.vector_load %arg24[%swap3A_336, %swap3A_337] {strides = array<i32>} : memref<80x32xf32, #tpu.memory_space<vmem>>, vector<16xf32>,
    tpu.vector_store %arg24[%swap3A_336, %swap3A_337], %broadcast_in_dim3A_3 {strides = array<i32>} : memref<80x32xf32, #tpu.memory_space<vmem>>, vector<16xf32>,
    %swap3A_339 = arith.constant 42 : i32
    %swap3A_340 = arith.index_cast %swap3A_339 : i32 to index
    %swap3A_341 = arith.constant 0 : index
    %swap3A_342 = tpu.vector_load %arg24[%swap3A_340, %swap3A_341] {strides = array<i32>} : memref<80x32xf32, #tpu.memory_space<vmem>>, vector<16xf32>,
    tpu.vector_store %arg24[%swap3A_340, %swap3A_341], %broadcast_in_dim3A_3 {strides = array<i32>} : memref<80x32xf32, #tpu.memory_space<vmem>>, vector<16xf32>,
    %swap3A_343 = arith.constant 42 : i32
    %swap3A_344 = arith.index_cast %swap3A_343 : i32 to index
    %swap3A_345 = arith.constant 16 : index
    %swap3A_346 = tpu.vector_load %arg24[%swap3A_344, %swap3A_345] {strides = array<i32>} : memref<80x32xf32, #tpu.memory_space<vmem>>, vector<16xf32>,
    tpu.vector_store %arg24[%swap3A_344, %swap3A_345], %broadcast_in_dim3A_3 {strides = array<i32>} : memref<80x32xf32, #tpu.memory_space<vmem>>, vector<16xf32>,
    %swap3A_347 = arith.constant 43 : i32
    %swap3A_348 = arith.index_cast %swap3A_347 : i32 to index
    %swap3A_349 = arith.constant 0 : index
    %swap3A_350 = tpu.vector_load %arg24[%swap3A_348, %swap3A_349] {strides = array<i32>} : memref<80x32xf32, #tpu.memory_space<vmem>>, vector<16xf32>,
    tpu.vector_store %arg24[%swap3A_348, %swap3A_349], %broadcast_in_dim3A_3 {strides = array<i32>} : memref<80x32xf32, #tpu.memory_space<vmem>>, vector<16xf32>,
    %swap3A_351 = arith.constant 43 : i32
    %swap3A_352 = arith.index_cast %swap3A_351 : i32 to index
    %swap3A_353 = arith.constant 16 : index
    %swap3A_354 = tpu.vector_load %arg24[%swap3A_352, %swap3A_353] {strides = array<i32>} : memref<80x32xf32, #tpu.memory_space<vmem>>, vector<16xf32>,
    tpu.vector_store %arg24[%swap3A_352, %swap3A_353], %broadcast_in_dim3A_3 {strides = array<i32>} : memref<80x32xf32, #tpu.memory_space<vmem>>, vector<16xf32>,
    %swap3A_355 = arith.constant 44 : i32
    %swap3A_356 = arith.index_cast %swap3A_355 : i32 to index
    %swap3A_357 = arith.constant 0 : index
    %swap3A_358 = tpu.vector_load %arg24[%swap3A_356, %swap3A_357] {strides = array<i32>} : memref<80x32xf32, #tpu.memory_space<vmem>>, vector<16xf32>,
    tpu.vector_store %arg24[%swap3A_356, %swap3A_357], %broadcast_in_dim3A_3 {strides = array<i32>} : memref<80x32xf32, #tpu.memory_space<vmem>>, vector<16xf32>,
    %swap3A_359 = arith.constant 44 : i32
    %swap3A_360 = arith.index_cast %swap3A_359 : i32 to index
    %swap3A_361 = arith.constant 16 : index
    %swap3A_362 = tpu.vector_load %arg24[%swap3A_360, %swap3A_361] {strides = array<i32>} : memref<80x32xf32, #tpu.memory_space<vmem>>, vector<16xf32>,
    tpu.vector_store %arg24[%swap3A_360, %swap3A_361], %broadcast_in_dim3A_3 {strides = array<i32>} : memref<80x32xf32, #tpu.memory_space<vmem>>, vector<16xf32>,
    %swap3A_363 = arith.constant 45 : i32
    %swap3A_364 = arith.index_cast %swap3A_363 : i32 to index
    %swap3A_365 = arith.constant 0 : index
    %swap3A_366 = tpu.vector_load %arg24[%swap3A_364, %swap3A_365] {strides = array<i32>} : memref<80x32xf32, #tpu.memory_space<vmem>>, vector<16xf32>,
    tpu.vector_store %arg24[%swap3A_364, %swap3A_365], %broadcast_in_dim3A_3 {strides = array<i32>} : memref<80x32xf32, #tpu.memory_space<vmem>>, vector<16xf32>,
    %swap3A_367 = arith.constant 45 : i32
    %swap3A_368 = arith.index_cast %swap3A_367 : i32 to index
    %swap3A_369 = arith.constant 16 : index
    %swap3A_370 = tpu.vector_load %arg24[%swap3A_368, %swap3A_369] {strides = array<i32>} : memref<80x32xf32, #tpu.memory_space<vmem>>, vector<16xf32>,
    tpu.vector_store %arg24[%swap3A_368, %swap3A_369], %broadcast_in_dim3A_3 {strides = array<i32>} : memref<80x32xf32, #tpu.memory_space<vmem>>, vector<16xf32>,
    %swap3A_371 = arith.constant 46 : i32
    %swap3A_372 = arith.index_cast %swap3A_371 : i32 to index
    %swap3A_373 = arith.constant 0 : index
    %swap3A_374 = tpu.vector_load %arg24[%swap3A_372, %swap3A_373] {strides = array<i32>} : memref<80x32xf32, #tpu.memory_space<vmem>>, vector<16xf32>,
    tpu.vector_store %arg24[%swap3A_372, %swap3A_373], %broadcast_in_dim3A_3 {strides = array<i32>} : memref<80x32xf32, #tpu.memory_space<vmem>>, vector<16xf32>,
    %swap3A_375 = arith.constant 46 : i32
    %swap3A_376 = arith.index_cast %swap3A_375 : i32 to index
    %swap3A_377 = arith.constant 16 : index
    %swap3A_378 = tpu.vector_load %arg24[%swap3A_376, %swap3A_377] {strides = array<i32>} : memref<80x32xf32, #tpu.memory_space<vmem>>, vector<16xf32>,
    tpu.vector_store %arg24[%swap3A_376, %swap3A_377], %broadcast_in_dim3A_3 {strides = array<i32>} : memref<80x32xf32, #tpu.memory_space<vmem>>, vector<16xf32>,
    %swap3A_379 = arith.constant 47 : i32
    %swap3A_380 = arith.index_cast %swap3A_379 : i32 to index
    %swap3A_381 = arith.constant 0 : index
    %swap3A_382 = tpu.vector_load %arg24[%swap3A_380, %swap3A_381] {strides = array<i32>} : memref<80x32xf32, #tpu.memory_space<vmem>>, vector<16xf32>,
    tpu.vector_store %arg24[%swap3A_380, %swap3A_381], %broadcast_in_dim3A_3 {strides = array<i32>} : memref<80x32xf32, #tpu.memory_space<vmem>>, vector<16xf32>,
    %swap3A_383 = arith.constant 47 : i32
    %swap3A_384 = arith.index_cast %swap3A_383 : i32 to index
    %swap3A_385 = arith.constant 16 : index
    %swap3A_386 = tpu.vector_load %arg24[%swap3A_384, %swap3A_385] {strides = array<i32>} : memref<80x32xf32, #tpu.memory_space<vmem>>, vector<16xf32>,
    tpu.vector_store %arg24[%swap3A_384, %swap3A_385], %broadcast_in_dim3A_3 {strides = array<i32>} : memref<80x32xf32, #tpu.memory_space<vmem>>, vector<16xf32>,
    %swap3A_387 = arith.constant 48 : i32
    %swap3A_388 = arith.index_cast %swap3A_387 : i32 to index
    %swap3A_389 = arith.constant 0 : index
    %swap3A_390 = tpu.vector_load %arg24[%swap3A_388, %swap3A_389] {strides = array<i32>} : memref<80x32xf32, #tpu.memory_space<vmem>>, vector<16xf32>,
    tpu.vector_store %arg24[%swap3A_388, %swap3A_389], %broadcast_in_dim3A_3 {strides = array<i32>} : memref<80x32xf32, #tpu.memory_space<vmem>>, vector<16xf32>,
    %swap3A_391 = arith.constant 48 : i32
    %swap3A_392 = arith.index_cast %swap3A_391 : i32 to index
    %swap3A_393 = arith.constant 16 : index
    %swap3A_394 = tpu.vector_load %arg24[%swap3A_392, %swap3A_393] {strides = array<i32>} : memref<80x32xf32, #tpu.memory_space<vmem>>, vector<16xf32>,
    tpu.vector_store %arg24[%swap3A_392, %swap3A_393], %broadcast_in_dim3A_3 {strides = array<i32>} : memref<80x32xf32, #tpu.memory_space<vmem>>, vector<16xf32>,
    %swap3A_395 = arith.constant 49 : i32
    %swap3A_396 = arith.index_cast %swap3A_395 : i32 to index
    %swap3A_397 = arith.constant 0 : index
    %swap3A_398 = tpu.vector_load %arg24[%swap3A_396, %swap3A_397] {strides = array<i32>} : memref<80x32xf32, #tpu.memory_space<vmem>>, vector<16xf32>,
    tpu.vector_store %arg24[%swap3A_396, %swap3A_397], %broadcast_in_dim3A_3 {strides = array<i32>} : memref<80x32xf32, #tpu.memory_space<vmem>>, vector<16xf32>,
    %swap3A_399 = arith.constant 49 : i32
    %swap3A_400 = arith.index_cast %swap3A_399 : i32 to index
    %swap3A_401 = arith.constant 16 : index
    %swap3A_402 = tpu.vector_load %arg24[%swap3A_400, %swap3A_401] {strides = array<i32>} : memref<80x32xf32, #tpu.memory_space<vmem>>, vector<16xf32>,
    tpu.vector_store %arg24[%swap3A_400, %swap3A_401], %broadcast_in_dim3A_3 {strides = array<i32>} : memref<80x32xf32, #tpu.memory_space<vmem>>, vector<16xf32>,
    %swap3A_403 = arith.constant 50 : i32
    %swap3A_404 = arith.index_cast %swap3A_403 : i32 to index
    %swap3A_405 = arith.constant 0 : index
    %swap3A_406 = tpu.vector_load %arg24[%swap3A_404, %swap3A_405] {strides = array<i32>} : memref<80x32xf32, #tpu.memory_space<vmem>>, vector<16xf32>,
    tpu.vector_store %arg24[%swap3A_404, %swap3A_405], %broadcast_in_dim3A_3 {strides = array<i32>} : memref<80x32xf32, #tpu.memory_space<vmem>>, vector<16xf32>,
    %swap3A_407 = arith.constant 50 : i32
    %swap3A_408 = arith.index_cast %swap3A_407 : i32 to index
    %swap3A_409 = arith.constant 16 : index
    %swap3A_410 = tpu.vector_load %arg24[%swap3A_408, %swap3A_409] {strides = array<i32>} : memref<80x32xf32, #tpu.memory_space<vmem>>, vector<16xf32>,
    tpu.vector_store %arg24[%swap3A_408, %swap3A_409], %broadcast_in_dim3A_3 {strides = array<i32>} : memref<80x32xf32, #tpu.memory_space<vmem>>, vector<16xf32>,
    %swap3A_411 = arith.constant 51 : i32
    %swap3A_412 = arith.index_cast %swap3A_411 : i32 to index
    %swap3A_413 = arith.constant 0 : index
    %swap3A_414 = tpu.vector_load %arg24[%swap3A_412, %swap3A_413] {strides = array<i32>} : memref<80x32xf32, #tpu.memory_space<vmem>>, vector<16xf32>,
    tpu.vector_store %arg24[%swap3A_412, %swap3A_413], %broadcast_in_dim3A_3 {strides = array<i32>} : memref<80x32xf32, #tpu.memory_space<vmem>>, vector<16xf32>,
    %swap3A_415 = arith.constant 51 : i32
    %swap3A_416 = arith.index_cast %swap3A_415 : i32 to index
    %swap3A_417 = arith.constant 16 : index
    %swap3A_418 = tpu.vector_load %arg24[%swap3A_416, %swap3A_417] {strides = array<i32>} : memref<80x32xf32, #tpu.memory_space<vmem>>, vector<16xf32>,
    tpu.vector_store %arg24[%swap3A_416, %swap3A_417], %broadcast_in_dim3A_3 {strides = array<i32>} : memref<80x32xf32, #tpu.memory_space<vmem>>, vector<16xf32>,
    %swap3A_419 = arith.constant 52 : i32
    %swap3A_420 = arith.index_cast %swap3A_419 : i32 to index
    %swap3A_421 = arith.constant 0 : index
    %swap3A_422 = tpu.vector_load %arg24[%swap3A_420, %swap3A_421] {strides = array<i32>} : memref<80x32xf32, #tpu.memory_space<vmem>>, vector<16xf32>,
    tpu.vector_store %arg24[%swap3A_420, %swap3A_421], %broadcast_in_dim3A_3 {strides = array<i32>} : memref<80x32xf32, #tpu.memory_space<vmem>>, vector<16xf32>,
    %swap3A_423 = arith.constant 52 : i32
    %swap3A_424 = arith.index_cast %swap3A_423 : i32 to index
    %swap3A_425 = arith.constant 16 : index
    %swap3A_426 = tpu.vector_load %arg24[%swap3A_424, %swap3A_425] {strides = array<i32>} : memref<80x32xf32, #tpu.memory_space<vmem>>, vector<16xf32>,
    tpu.vector_store %arg24[%swap3A_424, %swap3A_425], %broadcast_in_dim3A_3 {strides = array<i32>} : memref<80x32xf32, #tpu.memory_space<vmem>>, vector<16xf32>,
    %swap3A_427 = arith.constant 53 : i32
    %swap3A_428 = arith.index_cast %swap3A_427 : i32 to index
    %swap3A_429 = arith.constant 0 : index
    %swap3A_430 = tpu.vector_load %arg24[%swap3A_428, %swap3A_429] {strides = array<i32>} : memref<80x32xf32, #tpu.memory_space<vmem>>, vector<16xf32>,
    tpu.vector_store %arg24[%swap3A_428, %swap3A_429], %broadcast_in_dim3A_3 {strides = array<i32>} : memref<80x32xf32, #tpu.memory_space<vmem>>, vector<16xf32>,
    %swap3A_431 = arith.constant 53 : i32
    %swap3A_432 = arith.index_cast %swap3A_431 : i32 to index
    %swap3A_433 = arith.constant 16 : index
    %swap3A_434 = tpu.vector_load %arg24[%swap3A_432, %swap3A_433] {strides = array<i32>} : memref<80x32xf32, #tpu.memory_space<vmem>>, vector<16xf32>,
    tpu.vector_store %arg24[%swap3A_432, %swap3A_433], %broadcast_in_dim3A_3 {strides = array<i32>} : memref<80x32xf32, #tpu.memory_space<vmem>>, vector<16xf32>,
    %swap3A_435 = arith.constant 54 : i32
    %swap3A_436 = arith.index_cast %swap3A_435 : i32 to index
    %swap3A_437 = arith.constant 0 : index
    %swap3A_438 = tpu.vector_load %arg24[%swap3A_436, %swap3A_437] {strides = array<i32>} : memref<80x32xf32, #tpu.memory_space<vmem>>, vector<16xf32>,
    tpu.vector_store %arg24[%swap3A_436, %swap3A_437], %broadcast_in_dim3A_3 {strides = array<i32>} : memref<80x32xf32, #tpu.memory_space<vmem>>, vector<16xf32>,
    %swap3A_439 = arith.constant 54 : i32
    %swap3A_440 = arith.index_cast %swap3A_439 : i32 to index
    %swap3A_441 = arith.constant 16 : index
    %swap3A_442 = tpu.vector_load %arg24[%swap3A_440, %swap3A_441] {strides = array<i32>} : memref<80x32xf32, #tpu.memory_space<vmem>>, vector<16xf32>,
    tpu.vector_store %arg24[%swap3A_440, %swap3A_441], %broadcast_in_dim3A_3 {strides = array<i32>} : memref<80x32xf32, #tpu.memory_space<vmem>>, vector<16xf32>,
    %swap3A_443 = arith.constant 55 : i32
    %swap3A_444 = arith.index_cast %swap3A_443 : i32 to index
    %swap3A_445 = arith.constant 0 : index
    %swap3A_446 = tpu.vector_load %arg24[%swap3A_444, %swap3A_445] {strides = array<i32>} : memref<80x32xf32, #tpu.memory_space<vmem>>, vector<16xf32>,
    tpu.vector_store %arg24[%swap3A_444, %swap3A_445], %broadcast_in_dim3A_3 {strides = array<i32>} : memref<80x32xf32, #tpu.memory_space<vmem>>, vector<16xf32>,
    %swap3A_447 = arith.constant 55 : i32
    %swap3A_448 = arith.index_cast %swap3A_447 : i32 to index
    %swap3A_449 = arith.constant 16 : index
    %swap3A_450 = tpu.vector_load %arg24[%swap3A_448, %swap3A_449] {strides = array<i32>} : memref<80x32xf32, #tpu.memory_space<vmem>>, vector<16xf32>,
    tpu.vector_store %arg24[%swap3A_448, %swap3A_449], %broadcast_in_dim3A_3 {strides = array<i32>} : memref<80x32xf32, #tpu.memory_space<vmem>>, vector<16xf32>,
    %swap3A_451 = arith.constant 56 : i32
    %swap3A_452 = arith.index_cast %swap3A_451 : i32 to index
    %swap3A_453 = arith.constant 0 : index
    %swap3A_454 = tpu.vector_load %arg24[%swap3A_452, %swap3A_453] {strides = array<i32>} : memref<80x32xf32, #tpu.memory_space<vmem>>, vector<16xf32>,
    tpu.vector_store %arg24[%swap3A_452, %swap3A_453], %broadcast_in_dim3A_3 {strides = array<i32>} : memref<80x32xf32, #tpu.memory_space<vmem>>, vector<16xf32>,
    %swap3A_455 = arith.constant 56 : i32
    %swap3A_456 = arith.index_cast %swap3A_455 : i32 to index
    %swap3A_457 = arith.constant 16 : index
    %swap3A_458 = tpu.vector_load %arg24[%swap3A_456, %swap3A_457] {strides = array<i32>} : memref<80x32xf32, #tpu.memory_space<vmem>>, vector<16xf32>,
    tpu.vector_store %arg24[%swap3A_456, %swap3A_457], %broadcast_in_dim3A_3 {strides = array<i32>} : memref<80x32xf32, #tpu.memory_space<vmem>>, vector<16xf32>,
    %swap3A_459 = arith.constant 57 : i32
    %swap3A_460 = arith.index_cast %swap3A_459 : i32 to index
    %swap3A_461 = arith.constant 0 : index
    %swap3A_462 = tpu.vector_load %arg24[%swap3A_460, %swap3A_461] {strides = array<i32>} : memref<80x32xf32, #tpu.memory_space<vmem>>, vector<16xf32>,
    tpu.vector_store %arg24[%swap3A_460, %swap3A_461], %broadcast_in_dim3A_3 {strides = array<i32>} : memref<80x32xf32, #tpu.memory_space<vmem>>, vector<16xf32>,
    %swap3A_463 = arith.constant 57 : i32
    %swap3A_464 = arith.index_cast %swap3A_463 : i32 to index
    %swap3A_465 = arith.constant 16 : index
    %swap3A_466 = tpu.vector_load %arg24[%swap3A_464, %swap3A_465] {strides = array<i32>} : memref<80x32xf32, #tpu.memory_space<vmem>>, vector<16xf32>,
    tpu.vector_store %arg24[%swap3A_464, %swap3A_465], %broadcast_in_dim3A_3 {strides = array<i32>} : memref<80x32xf32, #tpu.memory_space<vmem>>, vector<16xf32>,
    %swap3A_467 = arith.constant 58 : i32
    %swap3A_468 = arith.index_cast %swap3A_467 : i32 to index
    %swap3A_469 = arith.constant 0 : index
    %swap3A_470 = tpu.vector_load %arg24[%swap3A_468, %swap3A_469] {strides = array<i32>} : memref<80x32xf32, #tpu.memory_space<vmem>>, vector<16xf32>,
    tpu.vector_store %arg24[%swap3A_468, %swap3A_469], %broadcast_in_dim3A_3 {strides = array<i32>} : memref<80x32xf32, #tpu.memory_space<vmem>>, vector<16xf32>,
    %swap3A_471 = arith.constant 58 : i32
    %swap3A_472 = arith.index_cast %swap3A_471 : i32 to index
    %swap3A_473 = arith.constant 16 : index
    %swap3A_474 = tpu.vector_load %arg24[%swap3A_472, %swap3A_473] {strides = array<i32>} : memref<80x32xf32, #tpu.memory_space<vmem>>, vector<16xf32>,
    tpu.vector_store %arg24[%swap3A_472, %swap3A_473], %broadcast_in_dim3A_3 {strides = array<i32>} : memref<80x32xf32, #tpu.memory_space<vmem>>, vector<16xf32>,
    %swap3A_475 = arith.constant 59 : i32
    %swap3A_476 = arith.index_cast %swap3A_475 : i32 to index
    %swap3A_477 = arith.constant 0 : index
    %swap3A_478 = tpu.vector_load %arg24[%swap3A_476, %swap3A_477] {strides = array<i32>} : memref<80x32xf32, #tpu.memory_space<vmem>>, vector<16xf32>,
    tpu.vector_store %arg24[%swap3A_476, %swap3A_477], %broadcast_in_dim3A_3 {strides = array<i32>} : memref<80x32xf32, #tpu.memory_space<vmem>>, vector<16xf32>,
    %swap3A_479 = arith.constant 59 : i32
    %swap3A_480 = arith.index_cast %swap3A_479 : i32 to index
    %swap3A_481 = arith.constant 16 : index
    %swap3A_482 = tpu.vector_load %arg24[%swap3A_480, %swap3A_481] {strides = array<i32>} : memref<80x32xf32, #tpu.memory_space<vmem>>, vector<16xf32>,
    tpu.vector_store %arg24[%swap3A_480, %swap3A_481], %broadcast_in_dim3A_3 {strides = array<i32>} : memref<80x32xf32, #tpu.memory_space<vmem>>, vector<16xf32>,
    %swap3A_483 = arith.constant 60 : i32
    %swap3A_484 = arith.index_cast %swap3A_483 : i32 to index
    %swap3A_485 = arith.constant 0 : index
    %swap3A_486 = tpu.vector_load %arg24[%swap3A_484, %swap3A_485] {strides = array<i32>} : memref<80x32xf32, #tpu.memory_space<vmem>>, vector<16xf32>,
    tpu.vector_store %arg24[%swap3A_484, %swap3A_485], %broadcast_in_dim3A_3 {strides = array<i32>} : memref<80x32xf32, #tpu.memory_space<vmem>>, vector<16xf32>,
    %swap3A_487 = arith.constant 60 : i32
    %swap3A_488 = arith.index_cast %swap3A_487 : i32 to index
    %swap3A_489 = arith.constant 16 : index
    %swap3A_490 = tpu.vector_load %arg24[%swap3A_488, %swap3A_489] {strides = array<i32>} : memref<80x32xf32, #tpu.memory_space<vmem>>, vector<16xf32>,
    tpu.vector_store %arg24[%swap3A_488, %swap3A_489], %broadcast_in_dim3A_3 {strides = array<i32>} : memref<80x32xf32, #tpu.memory_space<vmem>>, vector<16xf32>,
    %swap3A_491 = arith.constant 61 : i32
    %swap3A_492 = arith.index_cast %swap3A_491 : i32 to index
    %swap3A_493 = arith.constant 0 : index
    %swap3A_494 = tpu.vector_load %arg24[%swap3A_492, %swap3A_493] {strides = array<i32>} : memref<80x32xf32, #tpu.memory_space<vmem>>, vector<16xf32>,
    tpu.vector_store %arg24[%swap3A_492, %swap3A_493], %broadcast_in_dim3A_3 {strides = array<i32>} : memref<80x32xf32, #tpu.memory_space<vmem>>, vector<16xf32>,
    %swap3A_495 = arith.constant 61 : i32
    %swap3A_496 = arith.index_cast %swap3A_495 : i32 to index
    %swap3A_497 = arith.constant 16 : index
    %swap3A_498 = tpu.vector_load %arg24[%swap3A_496, %swap3A_497] {strides = array<i32>} : memref<80x32xf32, #tpu.memory_space<vmem>>, vector<16xf32>,
    tpu.vector_store %arg24[%swap3A_496, %swap3A_497], %broadcast_in_dim3A_3 {strides = array<i32>} : memref<80x32xf32, #tpu.memory_space<vmem>>, vector<16xf32>,
    %swap3A_499 = arith.constant 62 : i32
    %swap3A_500 = arith.index_cast %swap3A_499 : i32 to index
    %swap3A_501 = arith.constant 0 : index
    %swap3A_502 = tpu.vector_load %arg24[%swap3A_500, %swap3A_501] {strides = array<i32>} : memref<80x32xf32, #tpu.memory_space<vmem>>, vector<16xf32>,
    tpu.vector_store %arg24[%swap3A_500, %swap3A_501], %broadcast_in_dim3A_3 {strides = array<i32>} : memref<80x32xf32, #tpu.memory_space<vmem>>, vector<16xf32>,
    %swap3A_503 = arith.constant 62 : i32
    %swap3A_504 = arith.index_cast %swap3A_503 : i32 to index
    %swap3A_505 = arith.constant 16 : index
    %swap3A_506 = tpu.vector_load %arg24[%swap3A_504, %swap3A_505] {strides = array<i32>} : memref<80x32xf32, #tpu.memory_space<vmem>>, vector<16xf32>,
    tpu.vector_store %arg24[%swap3A_504, %swap3A_505], %broadcast_in_dim3A_3 {strides = array<i32>} : memref<80x32xf32, #tpu.memory_space<vmem>>, vector<16xf32>,
    %swap3A_507 = arith.constant 63 : i32
    %swap3A_508 = arith.index_cast %swap3A_507 : i32 to index
    %swap3A_509 = arith.constant 0 : index
    %swap3A_510 = tpu.vector_load %arg24[%swap3A_508, %swap3A_509] {strides = array<i32>} : memref<80x32xf32, #tpu.memory_space<vmem>>, vector<16xf32>,
    tpu.vector_store %arg24[%swap3A_508, %swap3A_509], %broadcast_in_dim3A_3 {strides = array<i32>} : memref<80x32xf32, #tpu.memory_space<vmem>>, vector<16xf32>,
    %swap3A_511 = arith.constant 63 : i32
    %swap3A_512 = arith.index_cast %swap3A_511 : i32 to index
    %swap3A_513 = arith.constant 16 : index
    %swap3A_514 = tpu.vector_load %arg24[%swap3A_512, %swap3A_513] {strides = array<i32>} : memref<80x32xf32, #tpu.memory_space<vmem>>, vector<16xf32>,
    tpu.vector_store %arg24[%swap3A_512, %swap3A_513], %broadcast_in_dim3A_3 {strides = array<i32>} : memref<80x32xf32, #tpu.memory_space<vmem>>, vector<16xf32>,
    %swap3A_515 = arith.constant 64 : i32
    %swap3A_516 = arith.index_cast %swap3A_515 : i32 to index
    %swap3A_517 = arith.constant 0 : index
    %swap3A_518 = tpu.vector_load %arg24[%swap3A_516, %swap3A_517] {strides = array<i32>} : memref<80x32xf32, #tpu.memory_space<vmem>>, vector<16xf32>,
    tpu.vector_store %arg24[%swap3A_516, %swap3A_517], %broadcast_in_dim3A_3 {strides = array<i32>} : memref<80x32xf32, #tpu.memory_space<vmem>>, vector<16xf32>,
    %swap3A_519 = arith.constant 64 : i32
    %swap3A_520 = arith.index_cast %swap3A_519 : i32 to index
    %swap3A_521 = arith.constant 16 : index
    %swap3A_522 = tpu.vector_load %arg24[%swap3A_520, %swap3A_521] {strides = array<i32>} : memref<80x32xf32, #tpu.memory_space<vmem>>, vector<16xf32>,
    tpu.vector_store %arg24[%swap3A_520, %swap3A_521], %broadcast_in_dim3A_3 {strides = array<i32>} : memref<80x32xf32, #tpu.memory_space<vmem>>, vector<16xf32>,
    %swap3A_523 = arith.constant 65 : i32
    %swap3A_524 = arith.index_cast %swap3A_523 : i32 to index
    %swap3A_525 = arith.constant 0 : index
    %swap3A_526 = tpu.vector_load %arg24[%swap3A_524, %swap3A_525] {strides = array<i32>} : memref<80x32xf32, #tpu.memory_space<vmem>>, vector<16xf32>,
    tpu.vector_store %arg24[%swap3A_524, %swap3A_525], %broadcast_in_dim3A_3 {strides = array<i32>} : memref<80x32xf32, #tpu.memory_space<vmem>>, vector<16xf32>,
    %swap3A_527 = arith.constant 65 : i32
    %swap3A_528 = arith.index_cast %swap3A_527 : i32 to index
    %swap3A_529 = arith.constant 16 : index
    %swap3A_530 = tpu.vector_load %arg24[%swap3A_528, %swap3A_529] {strides = array<i32>} : memref<80x32xf32, #tpu.memory_space<vmem>>, vector<16xf32>,
    tpu.vector_store %arg24[%swap3A_528, %swap3A_529], %broadcast_in_dim3A_3 {strides = array<i32>} : memref<80x32xf32, #tpu.memory_space<vmem>>, vector<16xf32>,
    %swap3A_531 = arith.constant 66 : i32
    %swap3A_532 = arith.index_cast %swap3A_531 : i32 to index
    %swap3A_533 = arith.constant 0 : index
    %swap3A_534 = tpu.vector_load %arg24[%swap3A_532, %swap3A_533] {strides = array<i32>} : memref<80x32xf32, #tpu.memory_space<vmem>>, vector<16xf32>,
    tpu.vector_store %arg24[%swap3A_532, %swap3A_533], %broadcast_in_dim3A_3 {strides = array<i32>} : memref<80x32xf32, #tpu.memory_space<vmem>>, vector<16xf32>,
    %swap3A_535 = arith.constant 66 : i32
    %swap3A_536 = arith.index_cast %swap3A_535 : i32 to index
    %swap3A_537 = arith.constant 16 : index
    %swap3A_538 = tpu.vector_load %arg24[%swap3A_536, %swap3A_537] {strides = array<i32>} : memref<80x32xf32, #tpu.memory_space<vmem>>, vector<16xf32>,
    tpu.vector_store %arg24[%swap3A_536, %swap3A_537], %broadcast_in_dim3A_3 {strides = array<i32>} : memref<80x32xf32, #tpu.memory_space<vmem>>, vector<16xf32>,
    %swap3A_539 = arith.constant 67 : i32
    %swap3A_540 = arith.index_cast %swap3A_539 : i32 to index
    %swap3A_541 = arith.constant 0 : index
    %swap3A_542 = tpu.vector_load %arg24[%swap3A_540, %swap3A_541] {strides = array<i32>} : memref<80x32xf32, #tpu.memory_space<vmem>>, vector<16xf32>,
    tpu.vector_store %arg24[%swap3A_540, %swap3A_541], %broadcast_in_dim3A_3 {strides = array<i32>} : memref<80x32xf32, #tpu.memory_space<vmem>>, vector<16xf32>,
    %swap3A_543 = arith.constant 67 : i32
    %swap3A_544 = arith.index_cast %swap3A_543 : i32 to index
    %swap3A_545 = arith.constant 16 : index
    %swap3A_546 = tpu.vector_load %arg24[%swap3A_544, %swap3A_545] {strides = array<i32>} : memref<80x32xf32, #tpu.memory_space<vmem>>, vector<16xf32>,
    tpu.vector_store %arg24[%swap3A_544, %swap3A_545], %broadcast_in_dim3A_3 {strides = array<i32>} : memref<80x32xf32, #tpu.memory_space<vmem>>, vector<16xf32>,
    %swap3A_547 = arith.constant 68 : i32
    %swap3A_548 = arith.index_cast %swap3A_547 : i32 to index
    %swap3A_549 = arith.constant 0 : index
    %swap3A_550 = tpu.vector_load %arg24[%swap3A_548, %swap3A_549] {strides = array<i32>} : memref<80x32xf32, #tpu.memory_space<vmem>>, vector<16xf32>,
    tpu.vector_store %arg24[%swap3A_548, %swap3A_549], %broadcast_in_dim3A_3 {strides = array<i32>} : memref<80x32xf32, #tpu.memory_space<vmem>>, vector<16xf32>,
    %swap3A_551 = arith.constant 68 : i32
    %swap3A_552 = arith.index_cast %swap3A_551 : i32 to index
    %swap3A_553 = arith.constant 16 : index
    %swap3A_554 = tpu.vector_load %arg24[%swap3A_552, %swap3A_553] {strides = array<i32>} : memref<80x32xf32, #tpu.memory_space<vmem>>, vector<16xf32>,
    tpu.vector_store %arg24[%swap3A_552, %swap3A_553], %broadcast_in_dim3A_3 {strides = array<i32>} : memref<80x32xf32, #tpu.memory_space<vmem>>, vector<16xf32>,
    %swap3A_555 = arith.constant 69 : i32
    %swap3A_556 = arith.index_cast %swap3A_555 : i32 to index
    %swap3A_557 = arith.constant 0 : index
    %swap3A_558 = tpu.vector_load %arg24[%swap3A_556, %swap3A_557] {strides = array<i32>} : memref<80x32xf32, #tpu.memory_space<vmem>>, vector<16xf32>,
    tpu.vector_store %arg24[%swap3A_556, %swap3A_557], %broadcast_in_dim3A_3 {strides = array<i32>} : memref<80x32xf32, #tpu.memory_space<vmem>>, vector<16xf32>,
    %swap3A_559 = arith.constant 69 : i32
    %swap3A_560 = arith.index_cast %swap3A_559 : i32 to index
    %swap3A_561 = arith.constant 16 : index
    %swap3A_562 = tpu.vector_load %arg24[%swap3A_560, %swap3A_561] {strides = array<i32>} : memref<80x32xf32, #tpu.memory_space<vmem>>, vector<16xf32>,
    tpu.vector_store %arg24[%swap3A_560, %swap3A_561], %broadcast_in_dim3A_3 {strides = array<i32>} : memref<80x32xf32, #tpu.memory_space<vmem>>, vector<16xf32>,
    %swap3A_563 = arith.constant 70 : i32
    %swap3A_564 = arith.index_cast %swap3A_563 : i32 to index
    %swap3A_565 = arith.constant 0 : index
    %swap3A_566 = tpu.vector_load %arg24[%swap3A_564, %swap3A_565] {strides = array<i32>} : memref<80x32xf32, #tpu.memory_space<vmem>>, vector<16xf32>,
    tpu.vector_store %arg24[%swap3A_564, %swap3A_565], %broadcast_in_dim3A_3 {strides = array<i32>} : memref<80x32xf32, #tpu.memory_space<vmem>>, vector<16xf32>,
    %swap3A_567 = arith.constant 70 : i32
    %swap3A_568 = arith.index_cast %swap3A_567 : i32 to index
    %swap3A_569 = arith.constant 16 : index
    %swap3A_570 = tpu.vector_load %arg24[%swap3A_568, %swap3A_569] {strides = array<i32>} : memref<80x32xf32, #tpu.memory_space<vmem>>, vector<16xf32>,
    tpu.vector_store %arg24[%swap3A_568, %swap3A_569], %broadcast_in_dim3A_3 {strides = array<i32>} : memref<80x32xf32, #tpu.memory_space<vmem>>, vector<16xf32>,
    %swap3A_571 = arith.constant 71 : i32
    %swap3A_572 = arith.index_cast %swap3A_571 : i32 to index
    %swap3A_573 = arith.constant 0 : index
    %swap3A_574 = tpu.vector_load %arg24[%swap3A_572, %swap3A_573] {strides = array<i32>} : memref<80x32xf32, #tpu.memory_space<vmem>>, vector<16xf32>,
    tpu.vector_store %arg24[%swap3A_572, %swap3A_573], %broadcast_in_dim3A_3 {strides = array<i32>} : memref<80x32xf32, #tpu.memory_space<vmem>>, vector<16xf32>,
    %swap3A_575 = arith.constant 71 : i32
    %swap3A_576 = arith.index_cast %swap3A_575 : i32 to index
    %swap3A_577 = arith.constant 16 : index
    %swap3A_578 = tpu.vector_load %arg24[%swap3A_576, %swap3A_577] {strides = array<i32>} : memref<80x32xf32, #tpu.memory_space<vmem>>, vector<16xf32>,
    tpu.vector_store %arg24[%swap3A_576, %swap3A_577], %broadcast_in_dim3A_3 {strides = array<i32>} : memref<80x32xf32, #tpu.memory_space<vmem>>, vector<16xf32>,
    %swap3A_579 = arith.constant 72 : i32
    %swap3A_580 = arith.index_cast %swap3A_579 : i32 to index
    %swap3A_581 = arith.constant 0 : index
    %swap3A_582 = tpu.vector_load %arg24[%swap3A_580, %swap3A_581] {strides = array<i32>} : memref<80x32xf32, #tpu.memory_space<vmem>>, vector<16xf32>,
    tpu.vector_store %arg24[%swap3A_580, %swap3A_581], %broadcast_in_dim3A_3 {strides = array<i32>} : memref<80x32xf32, #tpu.memory_space<vmem>>, vector<16xf32>,
    %swap3A_583 = arith.constant 72 : i32
    %swap3A_584 = arith.index_cast %swap3A_583 : i32 to index
    %swap3A_585 = arith.constant 16 : index
    %swap3A_586 = tpu.vector_load %arg24[%swap3A_584, %swap3A_585] {strides = array<i32>} : memref<80x32xf32, #tpu.memory_space<vmem>>, vector<16xf32>,
    tpu.vector_store %arg24[%swap3A_584, %swap3A_585], %broadcast_in_dim3A_3 {strides = array<i32>} : memref<80x32xf32, #tpu.memory_space<vmem>>, vector<16xf32>,
    %swap3A_587 = arith.constant 73 : i32
    %swap3A_588 = arith.index_cast %swap3A_587 : i32 to index
    %swap3A_589 = arith.constant 0 : index
    %swap3A_590 = tpu.vector_load %arg24[%swap3A_588, %swap3A_589] {strides = array<i32>} : memref<80x32xf32, #tpu.memory_space<vmem>>, vector<16xf32>,
    tpu.vector_store %arg24[%swap3A_588, %swap3A_589], %broadcast_in_dim3A_3 {strides = array<i32>} : memref<80x32xf32, #tpu.memory_space<vmem>>, vector<16xf32>,
    %swap3A_591 = arith.constant 73 : i32
    %swap3A_592 = arith.index_cast %swap3A_591 : i32 to index
    %swap3A_593 = arith.constant 16 : index
    %swap3A_594 = tpu.vector_load %arg24[%swap3A_592, %swap3A_593] {strides = array<i32>} : memref<80x32xf32, #tpu.memory_space<vmem>>, vector<16xf32>,
    tpu.vector_store %arg24[%swap3A_592, %swap3A_593], %broadcast_in_dim3A_3 {strides = array<i32>} : memref<80x32xf32, #tpu.memory_space<vmem>>, vector<16xf32>,
    %swap3A_595 = arith.constant 74 : i32
    %swap3A_596 = arith.index_cast %swap3A_595 : i32 to index
    %swap3A_597 = arith.constant 0 : index
    %swap3A_598 = tpu.vector_load %arg24[%swap3A_596, %swap3A_597] {strides = array<i32>} : memref<80x32xf32, #tpu.memory_space<vmem>>, vector<16xf32>,
    tpu.vector_store %arg24[%swap3A_596, %swap3A_597], %broadcast_in_dim3A_3 {strides = array<i32>} : memref<80x32xf32, #tpu.memory_space<vmem>>, vector<16xf32>,
    %swap3A_599 = arith.constant 74 : i32
    %swap3A_600 = arith.index_cast %swap3A_599 : i32 to index
    %swap3A_601 = arith.constant 16 : index
    %swap3A_602 = tpu.vector_load %arg24[%swap3A_600, %swap3A_601] {strides = array<i32>} : memref<80x32xf32, #tpu.memory_space<vmem>>, vector<16xf32>,
    tpu.vector_store %arg24[%swap3A_600, %swap3A_601], %broadcast_in_dim3A_3 {strides = array<i32>} : memref<80x32xf32, #tpu.memory_space<vmem>>, vector<16xf32>,
    %swap3A_603 = arith.constant 75 : i32
    %swap3A_604 = arith.index_cast %swap3A_603 : i32 to index
    %swap3A_605 = arith.constant 0 : index
    %swap3A_606 = tpu.vector_load %arg24[%swap3A_604, %swap3A_605] {strides = array<i32>} : memref<80x32xf32, #tpu.memory_space<vmem>>, vector<16xf32>,
    tpu.vector_store %arg24[%swap3A_604, %swap3A_605], %broadcast_in_dim3A_3 {strides = array<i32>} : memref<80x32xf32, #tpu.memory_space<vmem>>, vector<16xf32>,
    %swap3A_607 = arith.constant 75 : i32
    %swap3A_608 = arith.index_cast %swap3A_607 : i32 to index
    %swap3A_609 = arith.constant 16 : index
    %swap3A_610 = tpu.vector_load %arg24[%swap3A_608, %swap3A_609] {strides = array<i32>} : memref<80x32xf32, #tpu.memory_space<vmem>>, vector<16xf32>,
    tpu.vector_store %arg24[%swap3A_608, %swap3A_609], %broadcast_in_dim3A_3 {strides = array<i32>} : memref<80x32xf32, #tpu.memory_space<vmem>>, vector<16xf32>,
    %swap3A_611 = arith.constant 76 : i32
    %swap3A_612 = arith.index_cast %swap3A_611 : i32 to index
    %swap3A_613 = arith.constant 0 : index
    %swap3A_614 = tpu.vector_load %arg24[%swap3A_612, %swap3A_613] {strides = array<i32>} : memref<80x32xf32, #tpu.memory_space<vmem>>, vector<16xf32>,
    tpu.vector_store %arg24[%swap3A_612, %swap3A_613], %broadcast_in_dim3A_3 {strides = array<i32>} : memref<80x32xf32, #tpu.memory_space<vmem>>, vector<16xf32>,
    %swap3A_615 = arith.constant 76 : i32
    %swap3A_616 = arith.index_cast %swap3A_615 : i32 to index
    %swap3A_617 = arith.constant 16 : index
    %swap3A_618 = tpu.vector_load %arg24[%swap3A_616, %swap3A_617] {strides = array<i32>} : memref<80x32xf32, #tpu.memory_space<vmem>>, vector<16xf32>,
    tpu.vector_store %arg24[%swap3A_616, %swap3A_617], %broadcast_in_dim3A_3 {strides = array<i32>} : memref<80x32xf32, #tpu.memory_space<vmem>>, vector<16xf32>,
    %swap3A_619 = arith.constant 77 : i32
    %swap3A_620 = arith.index_cast %swap3A_619 : i32 to index
    %swap3A_621 = arith.constant 0 : index
    %swap3A_622 = tpu.vector_load %arg24[%swap3A_620, %swap3A_621] {strides = array<i32>} : memref<80x32xf32, #tpu.memory_space<vmem>>, vector<16xf32>,
    tpu.vector_store %arg24[%swap3A_620, %swap3A_621], %broadcast_in_dim3A_3 {strides = array<i32>} : memref<80x32xf32, #tpu.memory_space<vmem>>, vector<16xf32>,
    %swap3A_623 = arith.constant 77 : i32
    %swap3A_624 = arith.index_cast %swap3A_623 : i32 to index
    %swap3A_625 = arith.constant 16 : index
    %swap3A_626 = tpu.vector_load %arg24[%swap3A_624, %swap3A_625] {strides = array<i32>} : memref<80x32xf32, #tpu.memory_space<vmem>>, vector<16xf32>,
    tpu.vector_store %arg24[%swap3A_624, %swap3A_625], %broadcast_in_dim3A_3 {strides = array<i32>} : memref<80x32xf32, #tpu.memory_space<vmem>>, vector<16xf32>,
    %swap3A_627 = arith.constant 78 : i32
    %swap3A_628 = arith.index_cast %swap3A_627 : i32 to index
    %swap3A_629 = arith.constant 0 : index
    %swap3A_630 = tpu.vector_load %arg24[%swap3A_628, %swap3A_629] {strides = array<i32>} : memref<80x32xf32, #tpu.memory_space<vmem>>, vector<16xf32>,
    tpu.vector_store %arg24[%swap3A_628, %swap3A_629], %broadcast_in_dim3A_3 {strides = array<i32>} : memref<80x32xf32, #tpu.memory_space<vmem>>, vector<16xf32>,
    %swap3A_631 = arith.constant 78 : i32
    %swap3A_632 = arith.index_cast %swap3A_631 : i32 to index
    %swap3A_633 = arith.constant 16 : index
    %swap3A_634 = tpu.vector_load %arg24[%swap3A_632, %swap3A_633] {strides = array<i32>} : memref<80x32xf32, #tpu.memory_space<vmem>>, vector<16xf32>,
    tpu.vector_store %arg24[%swap3A_632, %swap3A_633], %broadcast_in_dim3A_3 {strides = array<i32>} : memref<80x32xf32, #tpu.memory_space<vmem>>, vector<16xf32>,
    %swap3A_635 = arith.constant 79 : i32
    %swap3A_636 = arith.index_cast %swap3A_635 : i32 to index
    %swap3A_637 = arith.constant 0 : index
    %swap3A_638 = tpu.vector_load %arg24[%swap3A_636, %swap3A_637] {strides = array<i32>} : memref<80x32xf32, #tpu.memory_space<vmem>>, vector<16xf32>,
    tpu.vector_store %arg24[%swap3A_636, %swap3A_637], %broadcast_in_dim3A_3 {strides = array<i32>} : memref<80x32xf32, #tpu.memory_space<vmem>>, vector<16xf32>,
    %swap3A_639 = arith.constant 79 : i32
    %swap3A_640 = arith.index_cast %swap3A_639 : i32 to index
    %swap3A_641 = arith.constant 16 : index
    %swap3A_642 = tpu.vector_load %arg24[%swap3A_640, %swap3A_641] {strides = array<i32>} : memref<80x32xf32, #tpu.memory_space<vmem>>, vector<16xf32>,
    tpu.vector_store %arg24[%swap3A_640, %swap3A_641], %broadcast_in_dim3A_3 {strides = array<i32>} : memref<80x32xf32, #tpu.memory_space<vmem>>, vector<16xf32>,
    %scan3A = arith.constant 0 : i32
    %scan3A_643 = arith.constant 0 : i32
    %scan3A_644 = arith.constant 80 : i32
    %scan3A_645 = arith.addi %scan3A_643, %scan3A_644 : i32
    %scan3A_646 = arith.constant 1 : i32
    %scan3A_647 = scf.for %scan3A_854 = %scan3A_643 to %scan3A_645 step %scan3A_646 iter_args(%scan3A_855 = %scan3A) -> (i32)  : i32 {
      %mul3A_856 = arith.constant 16 : i32
      %mul3A_857 = arith.muli %scan3A_854, %mul3A_856 : i32
      %swap3A_858 = arith.index_cast %mul3A_857 : i32 to index
      %swap3A_859 = tpu.vector_load %arg25[%swap3A_858] {strides = array<i32>} : memref<1280xf32, #tpu.memory_space<vmem>>, vector<16xf32>,
      tpu.vector_store %arg25[%swap3A_858], %broadcast_in_dim3A_3 {strides = array<i32>} : memref<1280xf32, #tpu.memory_space<vmem>>, vector<16xf32>,
      %scan3A_860 = arith.constant 0 : i32
      scf.yield %scan3A_860 : i32
    }
    %scan3A_648 = arith.constant 80 : i32
    %mul3A_649 = arith.constant 1280 : i32
    %mul3A_650 = arith.muli %arg1, %mul3A_649 : i32
    %add3A_651 = arith.constant 0 : i32
    %add3A_652 = arith.addi %mul3A_650, %add3A_651 : i32
    "tpu.region"() ({
      %run_scoped3A = tpu.sem_alloc : memref<!tpu.dma_semaphore, #tpu.memory_space<semaphore_mem>>
      %dma_start3A_854 = arith.constant 0 : i32
      %dma_start3A_855 = tpu.memref_slice %arg26[%add3A_652, %dma_start3A_854] : memref<20480x32xf32, #tpu.memory_space<vmem_shared>> -> memref<80x32xf32, #tpu.memory_space<vmem_shared>>
      %dma_start3A_856 = arith.constant 0 : i32
      %dma_start3A_857 = tpu.memref_slice %arg26[%add3A_652, %dma_start3A_856] : memref<20480x32xf32, #tpu.memory_space<vmem_shared>> -> memref<80x32xf32, #tpu.memory_space<vmem_shared>>
      tpu.enqueue_dma source(%arg24 : memref<80x32xf32, #tpu.memory_space<vmem>>) target(%dma_start3A_857 : memref<80x32xf32, #tpu.memory_space<vmem_shared>>) target_semaphore(%run_scoped3A : memref<!tpu.dma_semaphore, #tpu.memory_space<semaphore_mem>>)
      %dma_wait3A_858 = arith.constant 0 : i32
      %dma_wait3A_859 = tpu.memref_slice %arg26[%add3A_652, %dma_wait3A_858] : memref<20480x32xf32, #tpu.memory_space<vmem_shared>> -> memref<80x32xf32, #tpu.memory_space<vmem_shared>>
      %dma_wait3A_860 = arith.constant 0 : i32
      %dma_wait3A_861 = tpu.memref_slice %arg26[%add3A_652, %dma_wait3A_860] : memref<20480x32xf32, #tpu.memory_space<vmem_shared>> -> memref<80x32xf32, #tpu.memory_space<vmem_shared>>
      tpu.wait_dma2 semaphore(%run_scoped3A : memref<!tpu.dma_semaphore, #tpu.memory_space<semaphore_mem>>) src(%arg24 : memref<80x32xf32, #tpu.memory_space<vmem>>) dst(%dma_wait3A_861 : memref<80x32xf32, #tpu.memory_space<vmem_shared>>)
      tpu.yield
    }) : () -> ()
    %mul3A_653 = arith.constant 1280 : i32
    %mul3A_654 = arith.muli %arg1, %mul3A_653 : i32
    %add3A_655 = arith.constant 80 : i32
    %add3A_656 = arith.addi %mul3A_654, %add3A_655 : i32
    "tpu.region"() ({
      %run_scoped3A = tpu.sem_alloc : memref<!tpu.dma_semaphore, #tpu.memory_space<semaphore_mem>>
      %dma_start3A_854 = arith.constant 0 : i32
      %dma_start3A_855 = tpu.memref_slice %arg26[%add3A_656, %dma_start3A_854] : memref<20480x32xf32, #tpu.memory_space<vmem_shared>> -> memref<80x32xf32, #tpu.memory_space<vmem_shared>>
      %dma_start3A_856 = arith.constant 0 : i32
      %dma_start3A_857 = tpu.memref_slice %arg26[%add3A_656, %dma_start3A_856] : memref<20480x32xf32, #tpu.memory_space<vmem_shared>> -> memref<80x32xf32, #tpu.memory_space<vmem_shared>>
      tpu.enqueue_dma source(%arg24 : memref<80x32xf32, #tpu.memory_space<vmem>>) target(%dma_start3A_857 : memref<80x32xf32, #tpu.memory_space<vmem_shared>>) target_semaphore(%run_scoped3A : memref<!tpu.dma_semaphore, #tpu.memory_space<semaphore_mem>>)
      %dma_wait3A_858 = arith.constant 0 : i32
      %dma_wait3A_859 = tpu.memref_slice %arg26[%add3A_656, %dma_wait3A_858] : memref<20480x32xf32, #tpu.memory_space<vmem_shared>> -> memref<80x32xf32, #tpu.memory_space<vmem_shared>>
      %dma_wait3A_860 = arith.constant 0 : i32
      %dma_wait3A_861 = tpu.memref_slice %arg26[%add3A_656, %dma_wait3A_860] : memref<20480x32xf32, #tpu.memory_space<vmem_shared>> -> memref<80x32xf32, #tpu.memory_space<vmem_shared>>
      tpu.wait_dma2 semaphore(%run_scoped3A : memref<!tpu.dma_semaphore, #tpu.memory_space<semaphore_mem>>) src(%arg24 : memref<80x32xf32, #tpu.memory_space<vmem>>) dst(%dma_wait3A_861 : memref<80x32xf32, #tpu.memory_space<vmem_shared>>)
      tpu.yield
    }) : () -> ()
    %mul3A_657 = arith.constant 1280 : i32
    %mul3A_658 = arith.muli %arg1, %mul3A_657 : i32
    %add3A_659 = arith.constant 160 : i32
    %add3A_660 = arith.addi %mul3A_658, %add3A_659 : i32
    "tpu.region"() ({
      %run_scoped3A = tpu.sem_alloc : memref<!tpu.dma_semaphore, #tpu.memory_space<semaphore_mem>>
      %dma_start3A_854 = arith.constant 0 : i32
      %dma_start3A_855 = tpu.memref_slice %arg26[%add3A_660, %dma_start3A_854] : memref<20480x32xf32, #tpu.memory_space<vmem_shared>> -> memref<80x32xf32, #tpu.memory_space<vmem_shared>>
      %dma_start3A_856 = arith.constant 0 : i32
      %dma_start3A_857 = tpu.memref_slice %arg26[%add3A_660, %dma_start3A_856] : memref<20480x32xf32, #tpu.memory_space<vmem_shared>> -> memref<80x32xf32, #tpu.memory_space<vmem_shared>>
      tpu.enqueue_dma source(%arg24 : memref<80x32xf32, #tpu.memory_space<vmem>>) target(%dma_start3A_857 : memref<80x32xf32, #tpu.memory_space<vmem_shared>>) target_semaphore(%run_scoped3A : memref<!tpu.dma_semaphore, #tpu.memory_space<semaphore_mem>>)
      %dma_wait3A_858 = arith.constant 0 : i32
      %dma_wait3A_859 = tpu.memref_slice %arg26[%add3A_660, %dma_wait3A_858] : memref<20480x32xf32, #tpu.memory_space<vmem_shared>> -> memref<80x32xf32, #tpu.memory_space<vmem_shared>>
      %dma_wait3A_860 = arith.constant 0 : i32
      %dma_wait3A_861 = tpu.memref_slice %arg26[%add3A_660, %dma_wait3A_860] : memref<20480x32xf32, #tpu.memory_space<vmem_shared>> -> memref<80x32xf32, #tpu.memory_space<vmem_shared>>
      tpu.wait_dma2 semaphore(%run_scoped3A : memref<!tpu.dma_semaphore, #tpu.memory_space<semaphore_mem>>) src(%arg24 : memref<80x32xf32, #tpu.memory_space<vmem>>) dst(%dma_wait3A_861 : memref<80x32xf32, #tpu.memory_space<vmem_shared>>)
      tpu.yield
    }) : () -> ()
    %mul3A_661 = arith.constant 1280 : i32
    %mul3A_662 = arith.muli %arg1, %mul3A_661 : i32
    %add3A_663 = arith.constant 240 : i32
    %add3A_664 = arith.addi %mul3A_662, %add3A_663 : i32
    "tpu.region"() ({
      %run_scoped3A = tpu.sem_alloc : memref<!tpu.dma_semaphore, #tpu.memory_space<semaphore_mem>>
      %dma_start3A_854 = arith.constant 0 : i32
      %dma_start3A_855 = tpu.memref_slice %arg26[%add3A_664, %dma_start3A_854] : memref<20480x32xf32, #tpu.memory_space<vmem_shared>> -> memref<80x32xf32, #tpu.memory_space<vmem_shared>>
      %dma_start3A_856 = arith.constant 0 : i32
      %dma_start3A_857 = tpu.memref_slice %arg26[%add3A_664, %dma_start3A_856] : memref<20480x32xf32, #tpu.memory_space<vmem_shared>> -> memref<80x32xf32, #tpu.memory_space<vmem_shared>>
      tpu.enqueue_dma source(%arg24 : memref<80x32xf32, #tpu.memory_space<vmem>>) target(%dma_start3A_857 : memref<80x32xf32, #tpu.memory_space<vmem_shared>>) target_semaphore(%run_scoped3A : memref<!tpu.dma_semaphore, #tpu.memory_space<semaphore_mem>>)
      %dma_wait3A_858 = arith.constant 0 : i32
      %dma_wait3A_859 = tpu.memref_slice %arg26[%add3A_664, %dma_wait3A_858] : memref<20480x32xf32, #tpu.memory_space<vmem_shared>> -> memref<80x32xf32, #tpu.memory_space<vmem_shared>>
      %dma_wait3A_860 = arith.constant 0 : i32
      %dma_wait3A_861 = tpu.memref_slice %arg26[%add3A_664, %dma_wait3A_860] : memref<20480x32xf32, #tpu.memory_space<vmem_shared>> -> memref<80x32xf32, #tpu.memory_space<vmem_shared>>
      tpu.wait_dma2 semaphore(%run_scoped3A : memref<!tpu.dma_semaphore, #tpu.memory_space<semaphore_mem>>) src(%arg24 : memref<80x32xf32, #tpu.memory_space<vmem>>) dst(%dma_wait3A_861 : memref<80x32xf32, #tpu.memory_space<vmem_shared>>)
      tpu.yield
    }) : () -> ()
    %mul3A_665 = arith.constant 1280 : i32
    %mul3A_666 = arith.muli %arg1, %mul3A_665 : i32
    %add3A_667 = arith.constant 320 : i32
    %add3A_668 = arith.addi %mul3A_666, %add3A_667 : i32
    "tpu.region"() ({
      %run_scoped3A = tpu.sem_alloc : memref<!tpu.dma_semaphore, #tpu.memory_space<semaphore_mem>>
      %dma_start3A_854 = arith.constant 0 : i32
      %dma_start3A_855 = tpu.memref_slice %arg26[%add3A_668, %dma_start3A_854] : memref<20480x32xf32, #tpu.memory_space<vmem_shared>> -> memref<80x32xf32, #tpu.memory_space<vmem_shared>>
      %dma_start3A_856 = arith.constant 0 : i32
      %dma_start3A_857 = tpu.memref_slice %arg26[%add3A_668, %dma_start3A_856] : memref<20480x32xf32, #tpu.memory_space<vmem_shared>> -> memref<80x32xf32, #tpu.memory_space<vmem_shared>>
      tpu.enqueue_dma source(%arg24 : memref<80x32xf32, #tpu.memory_space<vmem>>) target(%dma_start3A_857 : memref<80x32xf32, #tpu.memory_space<vmem_shared>>) target_semaphore(%run_scoped3A : memref<!tpu.dma_semaphore, #tpu.memory_space<semaphore_mem>>)
      %dma_wait3A_858 = arith.constant 0 : i32
      %dma_wait3A_859 = tpu.memref_slice %arg26[%add3A_668, %dma_wait3A_858] : memref<20480x32xf32, #tpu.memory_space<vmem_shared>> -> memref<80x32xf32, #tpu.memory_space<vmem_shared>>
      %dma_wait3A_860 = arith.constant 0 : i32
      %dma_wait3A_861 = tpu.memref_slice %arg26[%add3A_668, %dma_wait3A_860] : memref<20480x32xf32, #tpu.memory_space<vmem_shared>> -> memref<80x32xf32, #tpu.memory_space<vmem_shared>>
      tpu.wait_dma2 semaphore(%run_scoped3A : memref<!tpu.dma_semaphore, #tpu.memory_space<semaphore_mem>>) src(%arg24 : memref<80x32xf32, #tpu.memory_space<vmem>>) dst(%dma_wait3A_861 : memref<80x32xf32, #tpu.memory_space<vmem_shared>>)
      tpu.yield
    }) : () -> ()
    %mul3A_669 = arith.constant 1280 : i32
    %mul3A_670 = arith.muli %arg1, %mul3A_669 : i32
    %add3A_671 = arith.constant 400 : i32
    %add3A_672 = arith.addi %mul3A_670, %add3A_671 : i32
    "tpu.region"() ({
      %run_scoped3A = tpu.sem_alloc : memref<!tpu.dma_semaphore, #tpu.memory_space<semaphore_mem>>
      %dma_start3A_854 = arith.constant 0 : i32
      %dma_start3A_855 = tpu.memref_slice %arg26[%add3A_672, %dma_start3A_854] : memref<20480x32xf32, #tpu.memory_space<vmem_shared>> -> memref<80x32xf32, #tpu.memory_space<vmem_shared>>
      %dma_start3A_856 = arith.constant 0 : i32
      %dma_start3A_857 = tpu.memref_slice %arg26[%add3A_672, %dma_start3A_856] : memref<20480x32xf32, #tpu.memory_space<vmem_shared>> -> memref<80x32xf32, #tpu.memory_space<vmem_shared>>
      tpu.enqueue_dma source(%arg24 : memref<80x32xf32, #tpu.memory_space<vmem>>) target(%dma_start3A_857 : memref<80x32xf32, #tpu.memory_space<vmem_shared>>) target_semaphore(%run_scoped3A : memref<!tpu.dma_semaphore, #tpu.memory_space<semaphore_mem>>)
      %dma_wait3A_858 = arith.constant 0 : i32
      %dma_wait3A_859 = tpu.memref_slice %arg26[%add3A_672, %dma_wait3A_858] : memref<20480x32xf32, #tpu.memory_space<vmem_shared>> -> memref<80x32xf32, #tpu.memory_space<vmem_shared>>
      %dma_wait3A_860 = arith.constant 0 : i32
      %dma_wait3A_861 = tpu.memref_slice %arg26[%add3A_672, %dma_wait3A_860] : memref<20480x32xf32, #tpu.memory_space<vmem_shared>> -> memref<80x32xf32, #tpu.memory_space<vmem_shared>>
      tpu.wait_dma2 semaphore(%run_scoped3A : memref<!tpu.dma_semaphore, #tpu.memory_space<semaphore_mem>>) src(%arg24 : memref<80x32xf32, #tpu.memory_space<vmem>>) dst(%dma_wait3A_861 : memref<80x32xf32, #tpu.memory_space<vmem_shared>>)
      tpu.yield
    }) : () -> ()
    %mul3A_673 = arith.constant 1280 : i32
    %mul3A_674 = arith.muli %arg1, %mul3A_673 : i32
    %add3A_675 = arith.constant 480 : i32
    %add3A_676 = arith.addi %mul3A_674, %add3A_675 : i32
    "tpu.region"() ({
      %run_scoped3A = tpu.sem_alloc : memref<!tpu.dma_semaphore, #tpu.memory_space<semaphore_mem>>
      %dma_start3A_854 = arith.constant 0 : i32
      %dma_start3A_855 = tpu.memref_slice %arg26[%add3A_676, %dma_start3A_854] : memref<20480x32xf32, #tpu.memory_space<vmem_shared>> -> memref<80x32xf32, #tpu.memory_space<vmem_shared>>
      %dma_start3A_856 = arith.constant 0 : i32
      %dma_start3A_857 = tpu.memref_slice %arg26[%add3A_676, %dma_start3A_856] : memref<20480x32xf32, #tpu.memory_space<vmem_shared>> -> memref<80x32xf32, #tpu.memory_space<vmem_shared>>
      tpu.enqueue_dma source(%arg24 : memref<80x32xf32, #tpu.memory_space<vmem>>) target(%dma_start3A_857 : memref<80x32xf32, #tpu.memory_space<vmem_shared>>) target_semaphore(%run_scoped3A : memref<!tpu.dma_semaphore, #tpu.memory_space<semaphore_mem>>)
      %dma_wait3A_858 = arith.constant 0 : i32
      %dma_wait3A_859 = tpu.memref_slice %arg26[%add3A_676, %dma_wait3A_858] : memref<20480x32xf32, #tpu.memory_space<vmem_shared>> -> memref<80x32xf32, #tpu.memory_space<vmem_shared>>
      %dma_wait3A_860 = arith.constant 0 : i32
      %dma_wait3A_861 = tpu.memref_slice %arg26[%add3A_676, %dma_wait3A_860] : memref<20480x32xf32, #tpu.memory_space<vmem_shared>> -> memref<80x32xf32, #tpu.memory_space<vmem_shared>>
      tpu.wait_dma2 semaphore(%run_scoped3A : memref<!tpu.dma_semaphore, #tpu.memory_space<semaphore_mem>>) src(%arg24 : memref<80x32xf32, #tpu.memory_space<vmem>>) dst(%dma_wait3A_861 : memref<80x32xf32, #tpu.memory_space<vmem_shared>>)
      tpu.yield
    }) : () -> ()
    %mul3A_677 = arith.constant 1280 : i32
    %mul3A_678 = arith.muli %arg1, %mul3A_677 : i32
    %add3A_679 = arith.constant 560 : i32
    %add3A_680 = arith.addi %mul3A_678, %add3A_679 : i32
    "tpu.region"() ({
      %run_scoped3A = tpu.sem_alloc : memref<!tpu.dma_semaphore, #tpu.memory_space<semaphore_mem>>
      %dma_start3A_854 = arith.constant 0 : i32
      %dma_start3A_855 = tpu.memref_slice %arg26[%add3A_680, %dma_start3A_854] : memref<20480x32xf32, #tpu.memory_space<vmem_shared>> -> memref<80x32xf32, #tpu.memory_space<vmem_shared>>
      %dma_start3A_856 = arith.constant 0 : i32
      %dma_start3A_857 = tpu.memref_slice %arg26[%add3A_680, %dma_start3A_856] : memref<20480x32xf32, #tpu.memory_space<vmem_shared>> -> memref<80x32xf32, #tpu.memory_space<vmem_shared>>
      tpu.enqueue_dma source(%arg24 : memref<80x32xf32, #tpu.memory_space<vmem>>) target(%dma_start3A_857 : memref<80x32xf32, #tpu.memory_space<vmem_shared>>) target_semaphore(%run_scoped3A : memref<!tpu.dma_semaphore, #tpu.memory_space<semaphore_mem>>)
      %dma_wait3A_858 = arith.constant 0 : i32
      %dma_wait3A_859 = tpu.memref_slice %arg26[%add3A_680, %dma_wait3A_858] : memref<20480x32xf32, #tpu.memory_space<vmem_shared>> -> memref<80x32xf32, #tpu.memory_space<vmem_shared>>
      %dma_wait3A_860 = arith.constant 0 : i32
      %dma_wait3A_861 = tpu.memref_slice %arg26[%add3A_680, %dma_wait3A_860] : memref<20480x32xf32, #tpu.memory_space<vmem_shared>> -> memref<80x32xf32, #tpu.memory_space<vmem_shared>>
      tpu.wait_dma2 semaphore(%run_scoped3A : memref<!tpu.dma_semaphore, #tpu.memory_space<semaphore_mem>>) src(%arg24 : memref<80x32xf32, #tpu.memory_space<vmem>>) dst(%dma_wait3A_861 : memref<80x32xf32, #tpu.memory_space<vmem_shared>>)
      tpu.yield
    }) : () -> ()
    %mul3A_681 = arith.constant 1280 : i32
    %mul3A_682 = arith.muli %arg1, %mul3A_681 : i32
    %add3A_683 = arith.constant 640 : i32
    %add3A_684 = arith.addi %mul3A_682, %add3A_683 : i32
    "tpu.region"() ({
      %run_scoped3A = tpu.sem_alloc : memref<!tpu.dma_semaphore, #tpu.memory_space<semaphore_mem>>
      %dma_start3A_854 = arith.constant 0 : i32
      %dma_start3A_855 = tpu.memref_slice %arg26[%add3A_684, %dma_start3A_854] : memref<20480x32xf32, #tpu.memory_space<vmem_shared>> -> memref<80x32xf32, #tpu.memory_space<vmem_shared>>
      %dma_start3A_856 = arith.constant 0 : i32
      %dma_start3A_857 = tpu.memref_slice %arg26[%add3A_684, %dma_start3A_856] : memref<20480x32xf32, #tpu.memory_space<vmem_shared>> -> memref<80x32xf32, #tpu.memory_space<vmem_shared>>
      tpu.enqueue_dma source(%arg24 : memref<80x32xf32, #tpu.memory_space<vmem>>) target(%dma_start3A_857 : memref<80x32xf32, #tpu.memory_space<vmem_shared>>) target_semaphore(%run_scoped3A : memref<!tpu.dma_semaphore, #tpu.memory_space<semaphore_mem>>)
      %dma_wait3A_858 = arith.constant 0 : i32
      %dma_wait3A_859 = tpu.memref_slice %arg26[%add3A_684, %dma_wait3A_858] : memref<20480x32xf32, #tpu.memory_space<vmem_shared>> -> memref<80x32xf32, #tpu.memory_space<vmem_shared>>
      %dma_wait3A_860 = arith.constant 0 : i32
      %dma_wait3A_861 = tpu.memref_slice %arg26[%add3A_684, %dma_wait3A_860] : memref<20480x32xf32, #tpu.memory_space<vmem_shared>> -> memref<80x32xf32, #tpu.memory_space<vmem_shared>>
      tpu.wait_dma2 semaphore(%run_scoped3A : memref<!tpu.dma_semaphore, #tpu.memory_space<semaphore_mem>>) src(%arg24 : memref<80x32xf32, #tpu.memory_space<vmem>>) dst(%dma_wait3A_861 : memref<80x32xf32, #tpu.memory_space<vmem_shared>>)
      tpu.yield
    }) : () -> ()
    %mul3A_685 = arith.constant 1280 : i32
    %mul3A_686 = arith.muli %arg1, %mul3A_685 : i32
    %add3A_687 = arith.constant 720 : i32
    %add3A_688 = arith.addi %mul3A_686, %add3A_687 : i32
    "tpu.region"() ({
      %run_scoped3A = tpu.sem_alloc : memref<!tpu.dma_semaphore, #tpu.memory_space<semaphore_mem>>
      %dma_start3A_854 = arith.constant 0 : i32
      %dma_start3A_855 = tpu.memref_slice %arg26[%add3A_688, %dma_start3A_854] : memref<20480x32xf32, #tpu.memory_space<vmem_shared>> -> memref<80x32xf32, #tpu.memory_space<vmem_shared>>
      %dma_start3A_856 = arith.constant 0 : i32
      %dma_start3A_857 = tpu.memref_slice %arg26[%add3A_688, %dma_start3A_856] : memref<20480x32xf32, #tpu.memory_space<vmem_shared>> -> memref<80x32xf32, #tpu.memory_space<vmem_shared>>
      tpu.enqueue_dma source(%arg24 : memref<80x32xf32, #tpu.memory_space<vmem>>) target(%dma_start3A_857 : memref<80x32xf32, #tpu.memory_space<vmem_shared>>) target_semaphore(%run_scoped3A : memref<!tpu.dma_semaphore, #tpu.memory_space<semaphore_mem>>)
      %dma_wait3A_858 = arith.constant 0 : i32
      %dma_wait3A_859 = tpu.memref_slice %arg26[%add3A_688, %dma_wait3A_858] : memref<20480x32xf32, #tpu.memory_space<vmem_shared>> -> memref<80x32xf32, #tpu.memory_space<vmem_shared>>
      %dma_wait3A_860 = arith.constant 0 : i32
      %dma_wait3A_861 = tpu.memref_slice %arg26[%add3A_688, %dma_wait3A_860] : memref<20480x32xf32, #tpu.memory_space<vmem_shared>> -> memref<80x32xf32, #tpu.memory_space<vmem_shared>>
      tpu.wait_dma2 semaphore(%run_scoped3A : memref<!tpu.dma_semaphore, #tpu.memory_space<semaphore_mem>>) src(%arg24 : memref<80x32xf32, #tpu.memory_space<vmem>>) dst(%dma_wait3A_861 : memref<80x32xf32, #tpu.memory_space<vmem_shared>>)
      tpu.yield
    }) : () -> ()
    %mul3A_689 = arith.constant 1280 : i32
    %mul3A_690 = arith.muli %arg1, %mul3A_689 : i32
    %add3A_691 = arith.constant 800 : i32
    %add3A_692 = arith.addi %mul3A_690, %add3A_691 : i32
    "tpu.region"() ({
      %run_scoped3A = tpu.sem_alloc : memref<!tpu.dma_semaphore, #tpu.memory_space<semaphore_mem>>
      %dma_start3A_854 = arith.constant 0 : i32
      %dma_start3A_855 = tpu.memref_slice %arg26[%add3A_692, %dma_start3A_854] : memref<20480x32xf32, #tpu.memory_space<vmem_shared>> -> memref<80x32xf32, #tpu.memory_space<vmem_shared>>
      %dma_start3A_856 = arith.constant 0 : i32
      %dma_start3A_857 = tpu.memref_slice %arg26[%add3A_692, %dma_start3A_856] : memref<20480x32xf32, #tpu.memory_space<vmem_shared>> -> memref<80x32xf32, #tpu.memory_space<vmem_shared>>
      tpu.enqueue_dma source(%arg24 : memref<80x32xf32, #tpu.memory_space<vmem>>) target(%dma_start3A_857 : memref<80x32xf32, #tpu.memory_space<vmem_shared>>) target_semaphore(%run_scoped3A : memref<!tpu.dma_semaphore, #tpu.memory_space<semaphore_mem>>)
      %dma_wait3A_858 = arith.constant 0 : i32
      %dma_wait3A_859 = tpu.memref_slice %arg26[%add3A_692, %dma_wait3A_858] : memref<20480x32xf32, #tpu.memory_space<vmem_shared>> -> memref<80x32xf32, #tpu.memory_space<vmem_shared>>
      %dma_wait3A_860 = arith.constant 0 : i32
      %dma_wait3A_861 = tpu.memref_slice %arg26[%add3A_692, %dma_wait3A_860] : memref<20480x32xf32, #tpu.memory_space<vmem_shared>> -> memref<80x32xf32, #tpu.memory_space<vmem_shared>>
      tpu.wait_dma2 semaphore(%run_scoped3A : memref<!tpu.dma_semaphore, #tpu.memory_space<semaphore_mem>>) src(%arg24 : memref<80x32xf32, #tpu.memory_space<vmem>>) dst(%dma_wait3A_861 : memref<80x32xf32, #tpu.memory_space<vmem_shared>>)
      tpu.yield
    }) : () -> ()
    %mul3A_693 = arith.constant 1280 : i32
    %mul3A_694 = arith.muli %arg1, %mul3A_693 : i32
    %add3A_695 = arith.constant 880 : i32
    %add3A_696 = arith.addi %mul3A_694, %add3A_695 : i32
    "tpu.region"() ({
      %run_scoped3A = tpu.sem_alloc : memref<!tpu.dma_semaphore, #tpu.memory_space<semaphore_mem>>
      %dma_start3A_854 = arith.constant 0 : i32
      %dma_start3A_855 = tpu.memref_slice %arg26[%add3A_696, %dma_start3A_854] : memref<20480x32xf32, #tpu.memory_space<vmem_shared>> -> memref<80x32xf32, #tpu.memory_space<vmem_shared>>
      %dma_start3A_856 = arith.constant 0 : i32
      %dma_start3A_857 = tpu.memref_slice %arg26[%add3A_696, %dma_start3A_856] : memref<20480x32xf32, #tpu.memory_space<vmem_shared>> -> memref<80x32xf32, #tpu.memory_space<vmem_shared>>
      tpu.enqueue_dma source(%arg24 : memref<80x32xf32, #tpu.memory_space<vmem>>) target(%dma_start3A_857 : memref<80x32xf32, #tpu.memory_space<vmem_shared>>) target_semaphore(%run_scoped3A : memref<!tpu.dma_semaphore, #tpu.memory_space<semaphore_mem>>)
      %dma_wait3A_858 = arith.constant 0 : i32
      %dma_wait3A_859 = tpu.memref_slice %arg26[%add3A_696, %dma_wait3A_858] : memref<20480x32xf32, #tpu.memory_space<vmem_shared>> -> memref<80x32xf32, #tpu.memory_space<vmem_shared>>
      %dma_wait3A_860 = arith.constant 0 : i32
      %dma_wait3A_861 = tpu.memref_slice %arg26[%add3A_696, %dma_wait3A_860] : memref<20480x32xf32, #tpu.memory_space<vmem_shared>> -> memref<80x32xf32, #tpu.memory_space<vmem_shared>>
      tpu.wait_dma2 semaphore(%run_scoped3A : memref<!tpu.dma_semaphore, #tpu.memory_space<semaphore_mem>>) src(%arg24 : memref<80x32xf32, #tpu.memory_space<vmem>>) dst(%dma_wait3A_861 : memref<80x32xf32, #tpu.memory_space<vmem_shared>>)
      tpu.yield
    }) : () -> ()
    %mul3A_697 = arith.constant 1280 : i32
    %mul3A_698 = arith.muli %arg1, %mul3A_697 : i32
    %add3A_699 = arith.constant 960 : i32
    %add3A_700 = arith.addi %mul3A_698, %add3A_699 : i32
    "tpu.region"() ({
      %run_scoped3A = tpu.sem_alloc : memref<!tpu.dma_semaphore, #tpu.memory_space<semaphore_mem>>
      %dma_start3A_854 = arith.constant 0 : i32
      %dma_start3A_855 = tpu.memref_slice %arg26[%add3A_700, %dma_start3A_854] : memref<20480x32xf32, #tpu.memory_space<vmem_shared>> -> memref<80x32xf32, #tpu.memory_space<vmem_shared>>
      %dma_start3A_856 = arith.constant 0 : i32
      %dma_start3A_857 = tpu.memref_slice %arg26[%add3A_700, %dma_start3A_856] : memref<20480x32xf32, #tpu.memory_space<vmem_shared>> -> memref<80x32xf32, #tpu.memory_space<vmem_shared>>
      tpu.enqueue_dma source(%arg24 : memref<80x32xf32, #tpu.memory_space<vmem>>) target(%dma_start3A_857 : memref<80x32xf32, #tpu.memory_space<vmem_shared>>) target_semaphore(%run_scoped3A : memref<!tpu.dma_semaphore, #tpu.memory_space<semaphore_mem>>)
      %dma_wait3A_858 = arith.constant 0 : i32
      %dma_wait3A_859 = tpu.memref_slice %arg26[%add3A_700, %dma_wait3A_858] : memref<20480x32xf32, #tpu.memory_space<vmem_shared>> -> memref<80x32xf32, #tpu.memory_space<vmem_shared>>
      %dma_wait3A_860 = arith.constant 0 : i32
      %dma_wait3A_861 = tpu.memref_slice %arg26[%add3A_700, %dma_wait3A_860] : memref<20480x32xf32, #tpu.memory_space<vmem_shared>> -> memref<80x32xf32, #tpu.memory_space<vmem_shared>>
      tpu.wait_dma2 semaphore(%run_scoped3A : memref<!tpu.dma_semaphore, #tpu.memory_space<semaphore_mem>>) src(%arg24 : memref<80x32xf32, #tpu.memory_space<vmem>>) dst(%dma_wait3A_861 : memref<80x32xf32, #tpu.memory_space<vmem_shared>>)
      tpu.yield
    }) : () -> ()
    %mul3A_701 = arith.constant 1280 : i32
    %mul3A_702 = arith.muli %arg1, %mul3A_701 : i32
    %add3A_703 = arith.constant 1040 : i32
    %add3A_704 = arith.addi %mul3A_702, %add3A_703 : i32
    "tpu.region"() ({
      %run_scoped3A = tpu.sem_alloc : memref<!tpu.dma_semaphore, #tpu.memory_space<semaphore_mem>>
      %dma_start3A_854 = arith.constant 0 : i32
      %dma_start3A_855 = tpu.memref_slice %arg26[%add3A_704, %dma_start3A_854] : memref<20480x32xf32, #tpu.memory_space<vmem_shared>> -> memref<80x32xf32, #tpu.memory_space<vmem_shared>>
      %dma_start3A_856 = arith.constant 0 : i32
      %dma_start3A_857 = tpu.memref_slice %arg26[%add3A_704, %dma_start3A_856] : memref<20480x32xf32, #tpu.memory_space<vmem_shared>> -> memref<80x32xf32, #tpu.memory_space<vmem_shared>>
      tpu.enqueue_dma source(%arg24 : memref<80x32xf32, #tpu.memory_space<vmem>>) target(%dma_start3A_857 : memref<80x32xf32, #tpu.memory_space<vmem_shared>>) target_semaphore(%run_scoped3A : memref<!tpu.dma_semaphore, #tpu.memory_space<semaphore_mem>>)
      %dma_wait3A_858 = arith.constant 0 : i32
      %dma_wait3A_859 = tpu.memref_slice %arg26[%add3A_704, %dma_wait3A_858] : memref<20480x32xf32, #tpu.memory_space<vmem_shared>> -> memref<80x32xf32, #tpu.memory_space<vmem_shared>>
      %dma_wait3A_860 = arith.constant 0 : i32
      %dma_wait3A_861 = tpu.memref_slice %arg26[%add3A_704, %dma_wait3A_860] : memref<20480x32xf32, #tpu.memory_space<vmem_shared>> -> memref<80x32xf32, #tpu.memory_space<vmem_shared>>
      tpu.wait_dma2 semaphore(%run_scoped3A : memref<!tpu.dma_semaphore, #tpu.memory_space<semaphore_mem>>) src(%arg24 : memref<80x32xf32, #tpu.memory_space<vmem>>) dst(%dma_wait3A_861 : memref<80x32xf32, #tpu.memory_space<vmem_shared>>)
      tpu.yield
    }) : () -> ()
    %mul3A_705 = arith.constant 1280 : i32
    %mul3A_706 = arith.muli %arg1, %mul3A_705 : i32
    %add3A_707 = arith.constant 1120 : i32
    %add3A_708 = arith.addi %mul3A_706, %add3A_707 : i32
    "tpu.region"() ({
      %run_scoped3A = tpu.sem_alloc : memref<!tpu.dma_semaphore, #tpu.memory_space<semaphore_mem>>
      %dma_start3A_854 = arith.constant 0 : i32
      %dma_start3A_855 = tpu.memref_slice %arg26[%add3A_708, %dma_start3A_854] : memref<20480x32xf32, #tpu.memory_space<vmem_shared>> -> memref<80x32xf32, #tpu.memory_space<vmem_shared>>
      %dma_start3A_856 = arith.constant 0 : i32
      %dma_start3A_857 = tpu.memref_slice %arg26[%add3A_708, %dma_start3A_856] : memref<20480x32xf32, #tpu.memory_space<vmem_shared>> -> memref<80x32xf32, #tpu.memory_space<vmem_shared>>
      tpu.enqueue_dma source(%arg24 : memref<80x32xf32, #tpu.memory_space<vmem>>) target(%dma_start3A_857 : memref<80x32xf32, #tpu.memory_space<vmem_shared>>) target_semaphore(%run_scoped3A : memref<!tpu.dma_semaphore, #tpu.memory_space<semaphore_mem>>)
      %dma_wait3A_858 = arith.constant 0 : i32
      %dma_wait3A_859 = tpu.memref_slice %arg26[%add3A_708, %dma_wait3A_858] : memref<20480x32xf32, #tpu.memory_space<vmem_shared>> -> memref<80x32xf32, #tpu.memory_space<vmem_shared>>
      %dma_wait3A_860 = arith.constant 0 : i32
      %dma_wait3A_861 = tpu.memref_slice %arg26[%add3A_708, %dma_wait3A_860] : memref<20480x32xf32, #tpu.memory_space<vmem_shared>> -> memref<80x32xf32, #tpu.memory_space<vmem_shared>>
      tpu.wait_dma2 semaphore(%run_scoped3A : memref<!tpu.dma_semaphore, #tpu.memory_space<semaphore_mem>>) src(%arg24 : memref<80x32xf32, #tpu.memory_space<vmem>>) dst(%dma_wait3A_861 : memref<80x32xf32, #tpu.memory_space<vmem_shared>>)
      tpu.yield
    }) : () -> ()
    %mul3A_709 = arith.constant 1280 : i32
    %mul3A_710 = arith.muli %arg1, %mul3A_709 : i32
    %add3A_711 = arith.constant 1200 : i32
    %add3A_712 = arith.addi %mul3A_710, %add3A_711 : i32
    "tpu.region"() ({
      %run_scoped3A = tpu.sem_alloc : memref<!tpu.dma_semaphore, #tpu.memory_space<semaphore_mem>>
      %dma_start3A_854 = arith.constant 0 : i32
      %dma_start3A_855 = tpu.memref_slice %arg26[%add3A_712, %dma_start3A_854] : memref<20480x32xf32, #tpu.memory_space<vmem_shared>> -> memref<80x32xf32, #tpu.memory_space<vmem_shared>>
      %dma_start3A_856 = arith.constant 0 : i32
      %dma_start3A_857 = tpu.memref_slice %arg26[%add3A_712, %dma_start3A_856] : memref<20480x32xf32, #tpu.memory_space<vmem_shared>> -> memref<80x32xf32, #tpu.memory_space<vmem_shared>>
      tpu.enqueue_dma source(%arg24 : memref<80x32xf32, #tpu.memory_space<vmem>>) target(%dma_start3A_857 : memref<80x32xf32, #tpu.memory_space<vmem_shared>>) target_semaphore(%run_scoped3A : memref<!tpu.dma_semaphore, #tpu.memory_space<semaphore_mem>>)
      %dma_wait3A_858 = arith.constant 0 : i32
      %dma_wait3A_859 = tpu.memref_slice %arg26[%add3A_712, %dma_wait3A_858] : memref<20480x32xf32, #tpu.memory_space<vmem_shared>> -> memref<80x32xf32, #tpu.memory_space<vmem_shared>>
      %dma_wait3A_860 = arith.constant 0 : i32
      %dma_wait3A_861 = tpu.memref_slice %arg26[%add3A_712, %dma_wait3A_860] : memref<20480x32xf32, #tpu.memory_space<vmem_shared>> -> memref<80x32xf32, #tpu.memory_space<vmem_shared>>
      tpu.wait_dma2 semaphore(%run_scoped3A : memref<!tpu.dma_semaphore, #tpu.memory_space<semaphore_mem>>) src(%arg24 : memref<80x32xf32, #tpu.memory_space<vmem>>) dst(%dma_wait3A_861 : memref<80x32xf32, #tpu.memory_space<vmem_shared>>)
      tpu.yield
    }) : () -> ()
    %mul3A_713 = arith.constant 1280 : i32
    %mul3A_714 = arith.muli %arg1, %mul3A_713 : i32
    "tpu.region"() ({
      %run_scoped3A = tpu.sem_alloc : memref<!tpu.dma_semaphore, #tpu.memory_space<semaphore_mem>>
      %dma_start3A_854 = tpu.memref_slice %arg27[%mul3A_714] : memref<20480xf32, #tpu.memory_space<vmem_shared>> -> memref<1280xf32, #tpu.memory_space<vmem_shared>>
      %dma_start3A_855 = tpu.memref_slice %arg27[%mul3A_714] : memref<20480xf32, #tpu.memory_space<vmem_shared>> -> memref<1280xf32, #tpu.memory_space<vmem_shared>>
      tpu.enqueue_dma source(%arg25 : memref<1280xf32, #tpu.memory_space<vmem>>) target(%dma_start3A_855 : memref<1280xf32, #tpu.memory_space<vmem_shared>>) target_semaphore(%run_scoped3A : memref<!tpu.dma_semaphore, #tpu.memory_space<semaphore_mem>>)
      %dma_wait3A_856 = tpu.memref_slice %arg27[%mul3A_714] : memref<20480xf32, #tpu.memory_space<vmem_shared>> -> memref<1280xf32, #tpu.memory_space<vmem_shared>>
      %dma_wait3A_857 = tpu.memref_slice %arg27[%mul3A_714] : memref<20480xf32, #tpu.memory_space<vmem_shared>> -> memref<1280xf32, #tpu.memory_space<vmem_shared>>
      tpu.wait_dma2 semaphore(%run_scoped3A : memref<!tpu.dma_semaphore, #tpu.memory_space<semaphore_mem>>) src(%arg25 : memref<1280xf32, #tpu.memory_space<vmem>>) dst(%dma_wait3A_857 : memref<1280xf32, #tpu.memory_space<vmem_shared>>)
      tpu.yield
    }) : () -> ()
    %barrier3A = arith.constant 0 : index
    tpu.barrier barrier_id(%barrier3A)
    %mul3A_715 = arith.constant 40960 : i32
    %mul3A_716 = arith.muli %div3A_2, %mul3A_715 : i32
    %mul3A_717 = arith.constant 327680 : i32
    %mul3A_718 = arith.muli %add3A, %mul3A_717 : i32
    %mul3A_719 = arith.constant 2560 : i32
    %mul3A_720 = arith.muli %rem3A_0, %mul3A_719 : i32
    %jit3A = arith.constant 128 : i32
    %div3A_721 = arith.divsi %mul3A_716, %jit3A : i32
    %sign3A = arith.constant 0 : i32
    %sign3A_722 = arith.cmpi sgt, %mul3A_716, %sign3A : i32
    %sign3A_723 = arith.extui %sign3A_722 : i1 to i32
    %sign3A_724 = arith.constant 0 : i32
    %sign3A_725 = arith.cmpi slt, %mul3A_716, %sign3A_724 : i32
    %sign3A_726 = arith.extui %sign3A_725 : i1 to i32
    %sign3A_727 = arith.subi %sign3A_723, %sign3A_726 : i32
    %sign3A_728 = arith.constant 0 : i32
    %sign3A_729 = arith.cmpi sgt, %jit3A, %sign3A_728 : i32
    %sign3A_730 = arith.extui %sign3A_729 : i1 to i32
    %sign3A_731 = arith.constant 0 : i32
    %sign3A_732 = arith.cmpi slt, %jit3A, %sign3A_731 : i32
    %sign3A_733 = arith.extui %sign3A_732 : i1 to i32
    %sign3A_734 = arith.subi %sign3A_730, %sign3A_733 : i32
    %ne3A = arith.cmpi ne, %sign3A_727, %sign3A_734 : i32
    %rem3A_735 = arith.remsi %mul3A_716, %jit3A : i32
    %ne3A_736 = arith.constant 0 : i32
    %ne3A_737 = arith.cmpi ne, %rem3A_735, %ne3A_736 : i32
    %and3A = arith.andi %ne3A, %ne3A_737 : i1
    %sub3A = arith.constant 1 : i32
    %sub3A_738 = arith.subi %div3A_721, %sub3A : i32
    %select_n3A = arith.select %and3A, %sub3A_738, %div3A_721 : i32
    %add3A_739 = arith.addi %mul3A_720, %select_n3A : i32
    %add3A_740 = arith.constant 0 : i32
    %add3A_741 = arith.addi %mul3A_716, %add3A_740 : i32
    %add3A_742 = arith.addi %mul3A_718, %add3A_741 : i32
    %dma_start3A = tpu.memref_slice %arg2[%add3A_742] : memref<1310720xi32, #tpu.memory_space<hbm>> -> memref<1024xi32, #tpu.memory_space<hbm>>
    %dma_start3A_743 = tpu.memref_slice %arg2[%add3A_742] : memref<1310720xi32, #tpu.memory_space<hbm>> -> memref<1024xi32, #tpu.memory_space<hbm>>
    tpu.enqueue_dma source(%dma_start3A_743 : memref<1024xi32, #tpu.memory_space<hbm>>) target(%arg10 : memref<1024xi32, #tpu.memory_space<vmem>>) target_semaphore(%arg32 : memref<!tpu.dma_semaphore, #tpu.memory_space<semaphore_mem>>)
    %add3A_744 = arith.addi %mul3A_718, %add3A_741 : i32
    %dma_start3A_745 = tpu.memref_slice %arg3[%add3A_744] : memref<1310720xi32, #tpu.memory_space<hbm>> -> memref<1024xi32, #tpu.memory_space<hbm>>
    %dma_start3A_746 = tpu.memref_slice %arg3[%add3A_744] : memref<1310720xi32, #tpu.memory_space<hbm>> -> memref<1024xi32, #tpu.memory_space<hbm>>
    tpu.enqueue_dma source(%dma_start3A_746 : memref<1024xi32, #tpu.memory_space<hbm>>) target(%arg12 : memref<1024xi32, #tpu.memory_space<vmem>>) target_semaphore(%arg32 : memref<!tpu.dma_semaphore, #tpu.memory_space<semaphore_mem>>)
    %add3A_747 = arith.constant 0 : i32
    %add3A_748 = arith.addi %add3A_739, %add3A_747 : i32
    %dma_start3A_749 = arith.constant 0 : i32
    %dma_start3A_750 = tpu.memref_slice %arg4[%add3A_748, %dma_start3A_749] : memref<5120x128xi32, #tpu.memory_space<hbm>> -> memref<8x128xi32, #tpu.memory_space<hbm>>
    %dma_start3A_751 = arith.constant 0 : i32
    %dma_start3A_752 = tpu.memref_slice %arg4[%add3A_748, %dma_start3A_751] : memref<5120x128xi32, #tpu.memory_space<hbm>> -> memref<8x128xi32, #tpu.memory_space<hbm>>
    tpu.enqueue_dma source(%dma_start3A_752 : memref<8x128xi32, #tpu.memory_space<hbm>>) target(%arg14 : memref<8x128xi32, #tpu.memory_space<vmem>>) target_semaphore(%arg32 : memref<!tpu.dma_semaphore, #tpu.memory_space<semaphore_mem>>)
    %dma_wait3A = tpu.memref_slice %arg2[%add3A_742] : memref<1310720xi32, #tpu.memory_space<hbm>> -> memref<1024xi32, #tpu.memory_space<hbm>>
    %dma_wait3A_753 = tpu.memref_slice %arg2[%add3A_742] : memref<1310720xi32, #tpu.memory_space<hbm>> -> memref<1024xi32, #tpu.memory_space<hbm>>
    tpu.wait_dma2 semaphore(%arg32 : memref<!tpu.dma_semaphore, #tpu.memory_space<semaphore_mem>>) src(%dma_wait3A_753 : memref<1024xi32, #tpu.memory_space<hbm>>) dst(%arg10 : memref<1024xi32, #tpu.memory_space<vmem>>)
    %dma_wait3A_754 = tpu.memref_slice %arg3[%add3A_744] : memref<1310720xi32, #tpu.memory_space<hbm>> -> memref<1024xi32, #tpu.memory_space<hbm>>
    %dma_wait3A_755 = tpu.memref_slice %arg3[%add3A_744] : memref<1310720xi32, #tpu.memory_space<hbm>> -> memref<1024xi32, #tpu.memory_space<hbm>>
    tpu.wait_dma2 semaphore(%arg32 : memref<!tpu.dma_semaphore, #tpu.memory_space<semaphore_mem>>) src(%dma_wait3A_755 : memref<1024xi32, #tpu.memory_space<hbm>>) dst(%arg12 : memref<1024xi32, #tpu.memory_space<vmem>>)
    %dma_wait3A_756 = arith.constant 0 : i32
    %dma_wait3A_757 = tpu.memref_slice %arg4[%add3A_748, %dma_wait3A_756] : memref<5120x128xi32, #tpu.memory_space<hbm>> -> memref<8x128xi32, #tpu.memory_space<hbm>>
    %dma_wait3A_758 = arith.constant 0 : i32
    %dma_wait3A_759 = tpu.memref_slice %arg4[%add3A_748, %dma_wait3A_758] : memref<5120x128xi32, #tpu.memory_space<hbm>> -> memref<8x128xi32, #tpu.memory_space<hbm>>
    tpu.wait_dma2 semaphore(%arg32 : memref<!tpu.dma_semaphore, #tpu.memory_space<semaphore_mem>>) src(%dma_wait3A_759 : memref<8x128xi32, #tpu.memory_space<hbm>>) dst(%arg14 : memref<8x128xi32, #tpu.memory_space<vmem>>)
    %dma_start3A_760 = arith.constant 0 : i32
    %dma_start3A_761 = arith.constant 0 : i32
    %dma_start3A_762 = tpu.memref_slice %arg22[%dma_start3A_760, %dma_start3A_761] : memref<1024x32xf32, #tpu.memory_space<vmem>> -> memref<128x32xf32, #tpu.memory_space<vmem>>
    %dma_start3A_763 = arith.constant 0 : i32
    %dma_start3A_764 = tpu.memref_slice %arg10[%dma_start3A_763] : memref<1024xi32, #tpu.memory_space<vmem>> -> memref<128xi32, #tpu.memory_space<vmem>>
    %dma_start3A_765 = arith.constant 0 : i32
    %dma_start3A_766 = arith.constant 0 : i32
    %dma_start3A_767 = tpu.memref_slice %arg7[%dma_start3A_765, %dma_start3A_766] : memref<80000x32xf32, #tpu.memory_space<hbm>> -> memref<80000x32xf32, #tpu.memory_space<hbm>>
    tpu.enqueue_indirect_dma source(%dma_start3A_767 : memref<80000x32xf32, #tpu.memory_space<hbm>>) target(%dma_start3A_762 : memref<128x32xf32, #tpu.memory_space<vmem>>) offsets(%dma_start3A_764 : memref<128xi32, #tpu.memory_space<vmem>>) semaphore(%arg28 : memref<!tpu.dma_semaphore, #tpu.memory_space<semaphore_mem>>)
    %dma_start3A_768 = arith.constant 128 : i32
    %dma_start3A_769 = arith.constant 0 : i32
    %dma_start3A_770 = tpu.memref_slice %arg22[%dma_start3A_768, %dma_start3A_769] : memref<1024x32xf32, #tpu.memory_space<vmem>> -> memref<128x32xf32, #tpu.memory_space<vmem>>
    %dma_start3A_771 = arith.constant 128 : i32
    %dma_start3A_772 = tpu.memref_slice %arg10[%dma_start3A_771] : memref<1024xi32, #tpu.memory_space<vmem>> -> memref<128xi32, #tpu.memory_space<vmem>>
    %dma_start3A_773 = arith.constant 0 : i32
    %dma_start3A_774 = arith.constant 0 : i32
    %dma_start3A_775 = tpu.memref_slice %arg7[%dma_start3A_773, %dma_start3A_774] : memref<80000x32xf32, #tpu.memory_space<hbm>> -> memref<80000x32xf32, #tpu.memory_space<hbm>>
    tpu.enqueue_indirect_dma source(%dma_start3A_775 : memref<80000x32xf32, #tpu.memory_space<hbm>>) target(%dma_start3A_770 : memref<128x32xf32, #tpu.memory_space<vmem>>) offsets(%dma_start3A_772 : memref<128xi32, #tpu.memory_space<vmem>>) semaphore(%arg28 : memref<!tpu.dma_semaphore, #tpu.memory_space<semaphore_mem>>)
    %dma_start3A_776 = arith.constant 256 : i32
    %dma_start3A_777 = arith.constant 0 : i32
    %dma_start3A_778 = tpu.memref_slice %arg22[%dma_start3A_776, %dma_start3A_777] : memref<1024x32xf32, #tpu.memory_space<vmem>> -> memref<128x32xf32, #tpu.memory_space<vmem>>
    %dma_start3A_779 = arith.constant 256 : i32
    %dma_start3A_780 = tpu.memref_slice %arg10[%dma_start3A_779] : memref<1024xi32, #tpu.memory_space<vmem>> -> memref<128xi32, #tpu.memory_space<vmem>>
    %dma_start3A_781 = arith.constant 0 : i32
    %dma_start3A_782 = arith.constant 0 : i32
    %dma_start3A_783 = tpu.memref_slice %arg7[%dma_start3A_781, %dma_start3A_782] : memref<80000x32xf32, #tpu.memory_space<hbm>> -> memref<80000x32xf32, #tpu.memory_space<hbm>>
    tpu.enqueue_indirect_dma source(%dma_start3A_783 : memref<80000x32xf32, #tpu.memory_space<hbm>>) target(%dma_start3A_778 : memref<128x32xf32, #tpu.memory_space<vmem>>) offsets(%dma_start3A_780 : memref<128xi32, #tpu.memory_space<vmem>>) semaphore(%arg28 : memref<!tpu.dma_semaphore, #tpu.memory_space<semaphore_mem>>)
    %dma_start3A_784 = arith.constant 384 : i32
    %dma_start3A_785 = arith.constant 0 : i32
    %dma_start3A_786 = tpu.memref_slice %arg22[%dma_start3A_784, %dma_start3A_785] : memref<1024x32xf32, #tpu.memory_space<vmem>> -> memref<128x32xf32, #tpu.memory_space<vmem>>
    %dma_start3A_787 = arith.constant 384 : i32
    %dma_start3A_788 = tpu.memref_slice %arg10[%dma_start3A_787] : memref<1024xi32, #tpu.memory_space<vmem>> -> memref<128xi32, #tpu.memory_space<vmem>>
    %dma_start3A_789 = arith.constant 0 : i32
    %dma_start3A_790 = arith.constant 0 : i32
    %dma_start3A_791 = tpu.memref_slice %arg7[%dma_start3A_789, %dma_start3A_790] : memref<80000x32xf32, #tpu.memory_space<hbm>> -> memref<80000x32xf32, #tpu.memory_space<hbm>>
    tpu.enqueue_indirect_dma source(%dma_start3A_791 : memref<80000x32xf32, #tpu.memory_space<hbm>>) target(%dma_start3A_786 : memref<128x32xf32, #tpu.memory_space<vmem>>) offsets(%dma_start3A_788 : memref<128xi32, #tpu.memory_space<vmem>>) semaphore(%arg28 : memref<!tpu.dma_semaphore, #tpu.memory_space<semaphore_mem>>)
    %dma_start3A_792 = arith.constant 512 : i32
    %dma_start3A_793 = arith.constant 0 : i32
    %dma_start3A_794 = tpu.memref_slice %arg22[%dma_start3A_792, %dma_start3A_793] : memref<1024x32xf32, #tpu.memory_space<vmem>> -> memref<128x32xf32, #tpu.memory_space<vmem>>
    %dma_start3A_795 = arith.constant 512 : i32
    %dma_start3A_796 = tpu.memref_slice %arg10[%dma_start3A_795] : memref<1024xi32, #tpu.memory_space<vmem>> -> memref<128xi32, #tpu.memory_space<vmem>>
    %dma_start3A_797 = arith.constant 0 : i32
    %dma_start3A_798 = arith.constant 0 : i32
    %dma_start3A_799 = tpu.memref_slice %arg7[%dma_start3A_797, %dma_start3A_798] : memref<80000x32xf32, #tpu.memory_space<hbm>> -> memref<80000x32xf32, #tpu.memory_space<hbm>>
    tpu.enqueue_indirect_dma source(%dma_start3A_799 : memref<80000x32xf32, #tpu.memory_space<hbm>>) target(%dma_start3A_794 : memref<128x32xf32, #tpu.memory_space<vmem>>) offsets(%dma_start3A_796 : memref<128xi32, #tpu.memory_space<vmem>>) semaphore(%arg28 : memref<!tpu.dma_semaphore, #tpu.memory_space<semaphore_mem>>)
    %dma_start3A_800 = arith.constant 640 : i32
    %dma_start3A_801 = arith.constant 0 : i32
    %dma_start3A_802 = tpu.memref_slice %arg22[%dma_start3A_800, %dma_start3A_801] : memref<1024x32xf32, #tpu.memory_space<vmem>> -> memref<128x32xf32, #tpu.memory_space<vmem>>
    %dma_start3A_803 = arith.constant 640 : i32
    %dma_start3A_804 = tpu.memref_slice %arg10[%dma_start3A_803] : memref<1024xi32, #tpu.memory_space<vmem>> -> memref<128xi32, #tpu.memory_space<vmem>>
    %dma_start3A_805 = arith.constant 0 : i32
    %dma_start3A_806 = arith.constant 0 : i32
    %dma_start3A_807 = tpu.memref_slice %arg7[%dma_start3A_805, %dma_start3A_806] : memref<80000x32xf32, #tpu.memory_space<hbm>> -> memref<80000x32xf32, #tpu.memory_space<hbm>>
    tpu.enqueue_indirect_dma source(%dma_start3A_807 : memref<80000x32xf32, #tpu.memory_space<hbm>>) target(%dma_start3A_802 : memref<128x32xf32, #tpu.memory_space<vmem>>) offsets(%dma_start3A_804 : memref<128xi32, #tpu.memory_space<vmem>>) semaphore(%arg28 : memref<!tpu.dma_semaphore, #tpu.memory_space<semaphore_mem>>)
    %dma_start3A_808 = arith.constant 768 : i32
    %dma_start3A_809 = arith.constant 0 : i32
    %dma_start3A_810 = tpu.memref_slice %arg22[%dma_start3A_808, %dma_start3A_809] : memref<1024x32xf32, #tpu.memory_space<vmem>> -> memref<128x32xf32, #tpu.memory_space<vmem>>
    %dma_start3A_811 = arith.constant 768 : i32
    %dma_start3A_812 = tpu.memref_slice %arg10[%dma_start3A_811] : memref<1024xi32, #tpu.memory_space<vmem>> -> memref<128xi32, #tpu.memory_space<vmem>>
    %dma_start3A_813 = arith.constant 0 : i32
    %dma_start3A_814 = arith.constant 0 : i32
    %dma_start3A_815 = tpu.memref_slice %arg7[%dma_start3A_813, %dma_start3A_814] : memref<80000x32xf32, #tpu.memory_space<hbm>> -> memref<80000x32xf32, #tpu.memory_space<hbm>>
    tpu.enqueue_indirect_dma source(%dma_start3A_815 : memref<80000x32xf32, #tpu.memory_space<hbm>>) target(%dma_start3A_810 : memref<128x32xf32, #tpu.memory_space<vmem>>) offsets(%dma_start3A_812 : memref<128xi32, #tpu.memory_space<vmem>>) semaphore(%arg28 : memref<!tpu.dma_semaphore, #tpu.memory_space<semaphore_mem>>)
    %dma_start3A_816 = arith.constant 896 : i32
    %dma_start3A_817 = arith.constant 0 : i32
    %dma_start3A_818 = tpu.memref_slice %arg22[%dma_start3A_816, %dma_start3A_817] : memref<1024x32xf32, #tpu.memory_space<vmem>> -> memref<128x32xf32, #tpu.memory_space<vmem>>
    %dma_start3A_819 = arith.constant 896 : i32
    %dma_start3A_820 = tpu.memref_slice %arg10[%dma_start3A_819] : memref<1024xi32, #tpu.memory_space<vmem>> -> memref<128xi32, #tpu.memory_space<vmem>>
    %dma_start3A_821 = arith.constant 0 : i32
    %dma_start3A_822 = arith.constant 0 : i32
    %dma_start3A_823 = tpu.memref_slice %arg7[%dma_start3A_821, %dma_start3A_822] : memref<80000x32xf32, #tpu.memory_space<hbm>> -> memref<80000x32xf32, #tpu.memory_space<hbm>>
    tpu.enqueue_indirect_dma source(%dma_start3A_823 : memref<80000x32xf32, #tpu.memory_space<hbm>>) target(%dma_start3A_818 : memref<128x32xf32, #tpu.memory_space<vmem>>) offsets(%dma_start3A_820 : memref<128xi32, #tpu.memory_space<vmem>>) semaphore(%arg28 : memref<!tpu.dma_semaphore, #tpu.memory_space<semaphore_mem>>)
    %add3A_824 = arith.constant 1024 : i32
    %add3A_825 = arith.addi %mul3A_716, %add3A_824 : i32
    %add3A_826 = arith.addi %mul3A_718, %add3A_825 : i32
    %dma_start3A_827 = tpu.memref_slice %arg2[%add3A_826] : memref<1310720xi32, #tpu.memory_space<hbm>> -> memref<1024xi32, #tpu.memory_space<hbm>>
    %dma_start3A_828 = tpu.memref_slice %arg2[%add3A_826] : memref<1310720xi32, #tpu.memory_space<hbm>> -> memref<1024xi32, #tpu.memory_space<hbm>>
    tpu.enqueue_dma source(%dma_start3A_828 : memref<1024xi32, #tpu.memory_space<hbm>>) target(%arg11 : memref<1024xi32, #tpu.memory_space<vmem>>) target_semaphore(%arg33 : memref<!tpu.dma_semaphore, #tpu.memory_space<semaphore_mem>>)
    %add3A_829 = arith.addi %mul3A_718, %add3A_825 : i32
    %dma_start3A_830 = tpu.memref_slice %arg3[%add3A_829] : memref<1310720xi32, #tpu.memory_space<hbm>> -> memref<1024xi32, #tpu.memory_space<hbm>>
    %dma_start3A_831 = tpu.memref_slice %arg3[%add3A_829] : memref<1310720xi32, #tpu.memory_space<hbm>> -> memref<1024xi32, #tpu.memory_space<hbm>>
    tpu.enqueue_dma source(%dma_start3A_831 : memref<1024xi32, #tpu.memory_space<hbm>>) target(%arg13 : memref<1024xi32, #tpu.memory_space<vmem>>) target_semaphore(%arg33 : memref<!tpu.dma_semaphore, #tpu.memory_space<semaphore_mem>>)
    %add3A_832 = arith.constant 8 : i32
    %add3A_833 = arith.addi %add3A_739, %add3A_832 : i32
    %dma_start3A_834 = arith.constant 0 : i32
    %dma_start3A_835 = tpu.memref_slice %arg4[%add3A_833, %dma_start3A_834] : memref<5120x128xi32, #tpu.memory_space<hbm>> -> memref<8x128xi32, #tpu.memory_space<hbm>>
    %dma_start3A_836 = arith.constant 0 : i32
    %dma_start3A_837 = tpu.memref_slice %arg4[%add3A_833, %dma_start3A_836] : memref<5120x128xi32, #tpu.memory_space<hbm>> -> memref<8x128xi32, #tpu.memory_space<hbm>>
    tpu.enqueue_dma source(%dma_start3A_837 : memref<8x128xi32, #tpu.memory_space<hbm>>) target(%arg15 : memref<8x128xi32, #tpu.memory_space<vmem>>) target_semaphore(%arg33 : memref<!tpu.dma_semaphore, #tpu.memory_space<semaphore_mem>>)
    %scan3A_838 = arith.constant 0 : i32
    %scan3A_839 = arith.constant 0 : i32
    %scan3A_840 = arith.constant 20 : i32
    %scan3A_841 = arith.addi %scan3A_839, %scan3A_840 : i32
    %scan3A_842 = arith.constant 1 : i32
    %scan3A_843 = scf.for %scan3A_854 = %scan3A_839 to %scan3A_841 step %scan3A_842 iter_args(%scan3A_855 = %scan3A_838) -> (i32)  : i32 {
      %mul3A_856 = arith.constant 2 : i32
      %mul3A_857 = arith.muli %mul3A_856, %scan3A_854 : i32
      %lt3A = arith.constant 19 : i32
      %lt3A_858 = arith.cmpi slt, %scan3A_854, %lt3A : i32
      %dma_wait3A_859 = arith.constant 0 : i32
      %dma_wait3A_860 = arith.constant 0 : i32
      %dma_wait3A_861 = tpu.memref_slice %arg22[%dma_wait3A_859, %dma_wait3A_860] : memref<1024x32xf32, #tpu.memory_space<vmem>> -> memref<128x32xf32, #tpu.memory_space<vmem>>
      %dma_wait3A_862 = arith.constant 0 : i32
      %dma_wait3A_863 = tpu.memref_slice %arg10[%dma_wait3A_862] : memref<1024xi32, #tpu.memory_space<vmem>> -> memref<128xi32, #tpu.memory_space<vmem>>
      %dma_wait3A_864 = arith.constant 0 : i32
      %dma_wait3A_865 = arith.constant 0 : i32
      %dma_wait3A_866 = tpu.memref_slice %arg7[%dma_wait3A_864, %dma_wait3A_865] : memref<80000x32xf32, #tpu.memory_space<hbm>> -> memref<80000x32xf32, #tpu.memory_space<hbm>>
      tpu.wait_indirect_dma semaphore(%arg28 : memref<!tpu.dma_semaphore, #tpu.memory_space<semaphore_mem>>) src(%dma_wait3A_866 : memref<80000x32xf32, #tpu.memory_space<hbm>>) dst(%dma_wait3A_861 : memref<128x32xf32, #tpu.memory_space<vmem>>)
      %dma_wait3A_867 = arith.constant 128 : i32
      %dma_wait3A_868 = arith.constant 0 : i32
      %dma_wait3A_869 = tpu.memref_slice %arg22[%dma_wait3A_867, %dma_wait3A_868] : memref<1024x32xf32, #tpu.memory_space<vmem>> -> memref<128x32xf32, #tpu.memory_space<vmem>>
      %dma_wait3A_870 = arith.constant 128 : i32
      %dma_wait3A_871 = tpu.memref_slice %arg10[%dma_wait3A_870] : memref<1024xi32, #tpu.memory_space<vmem>> -> memref<128xi32, #tpu.memory_space<vmem>>
      %dma_wait3A_872 = arith.constant 0 : i32
      %dma_wait3A_873 = arith.constant 0 : i32
      %dma_wait3A_874 = tpu.memref_slice %arg7[%dma_wait3A_872, %dma_wait3A_873] : memref<80000x32xf32, #tpu.memory_space<hbm>> -> memref<80000x32xf32, #tpu.memory_space<hbm>>
      tpu.wait_indirect_dma semaphore(%arg28 : memref<!tpu.dma_semaphore, #tpu.memory_space<semaphore_mem>>) src(%dma_wait3A_874 : memref<80000x32xf32, #tpu.memory_space<hbm>>) dst(%dma_wait3A_869 : memref<128x32xf32, #tpu.memory_space<vmem>>)
      %dma_wait3A_875 = arith.constant 256 : i32
      %dma_wait3A_876 = arith.constant 0 : i32
      %dma_wait3A_877 = tpu.memref_slice %arg22[%dma_wait3A_875, %dma_wait3A_876] : memref<1024x32xf32, #tpu.memory_space<vmem>> -> memref<128x32xf32, #tpu.memory_space<vmem>>
      %dma_wait3A_878 = arith.constant 256 : i32
      %dma_wait3A_879 = tpu.memref_slice %arg10[%dma_wait3A_878] : memref<1024xi32, #tpu.memory_space<vmem>> -> memref<128xi32, #tpu.memory_space<vmem>>
      %dma_wait3A_880 = arith.constant 0 : i32
      %dma_wait3A_881 = arith.constant 0 : i32
      %dma_wait3A_882 = tpu.memref_slice %arg7[%dma_wait3A_880, %dma_wait3A_881] : memref<80000x32xf32, #tpu.memory_space<hbm>> -> memref<80000x32xf32, #tpu.memory_space<hbm>>
      tpu.wait_indirect_dma semaphore(%arg28 : memref<!tpu.dma_semaphore, #tpu.memory_space<semaphore_mem>>) src(%dma_wait3A_882 : memref<80000x32xf32, #tpu.memory_space<hbm>>) dst(%dma_wait3A_877 : memref<128x32xf32, #tpu.memory_space<vmem>>)
      %dma_wait3A_883 = arith.constant 384 : i32
      %dma_wait3A_884 = arith.constant 0 : i32
      %dma_wait3A_885 = tpu.memref_slice %arg22[%dma_wait3A_883, %dma_wait3A_884] : memref<1024x32xf32, #tpu.memory_space<vmem>> -> memref<128x32xf32, #tpu.memory_space<vmem>>
      %dma_wait3A_886 = arith.constant 384 : i32
      %dma_wait3A_887 = tpu.memref_slice %arg10[%dma_wait3A_886] : memref<1024xi32, #tpu.memory_space<vmem>> -> memref<128xi32, #tpu.memory_space<vmem>>
      %dma_wait3A_888 = arith.constant 0 : i32
      %dma_wait3A_889 = arith.constant 0 : i32
      %dma_wait3A_890 = tpu.memref_slice %arg7[%dma_wait3A_888, %dma_wait3A_889] : memref<80000x32xf32, #tpu.memory_space<hbm>> -> memref<80000x32xf32, #tpu.memory_space<hbm>>
      tpu.wait_indirect_dma semaphore(%arg28 : memref<!tpu.dma_semaphore, #tpu.memory_space<semaphore_mem>>) src(%dma_wait3A_890 : memref<80000x32xf32, #tpu.memory_space<hbm>>) dst(%dma_wait3A_885 : memref<128x32xf32, #tpu.memory_space<vmem>>)
      %dma_wait3A_891 = arith.constant 512 : i32
      %dma_wait3A_892 = arith.constant 0 : i32
      %dma_wait3A_893 = tpu.memref_slice %arg22[%dma_wait3A_891, %dma_wait3A_892] : memref<1024x32xf32, #tpu.memory_space<vmem>> -> memref<128x32xf32, #tpu.memory_space<vmem>>
      %dma_wait3A_894 = arith.constant 512 : i32
      %dma_wait3A_895 = tpu.memref_slice %arg10[%dma_wait3A_894] : memref<1024xi32, #tpu.memory_space<vmem>> -> memref<128xi32, #tpu.memory_space<vmem>>
      %dma_wait3A_896 = arith.constant 0 : i32
      %dma_wait3A_897 = arith.constant 0 : i32
      %dma_wait3A_898 = tpu.memref_slice %arg7[%dma_wait3A_896, %dma_wait3A_897] : memref<80000x32xf32, #tpu.memory_space<hbm>> -> memref<80000x32xf32, #tpu.memory_space<hbm>>
      tpu.wait_indirect_dma semaphore(%arg28 : memref<!tpu.dma_semaphore, #tpu.memory_space<semaphore_mem>>) src(%dma_wait3A_898 : memref<80000x32xf32, #tpu.memory_space<hbm>>) dst(%dma_wait3A_893 : memref<128x32xf32, #tpu.memory_space<vmem>>)
      %dma_wait3A_899 = arith.constant 640 : i32
      %dma_wait3A_900 = arith.constant 0 : i32
      %dma_wait3A_901 = tpu.memref_slice %arg22[%dma_wait3A_899, %dma_wait3A_900] : memref<1024x32xf32, #tpu.memory_space<vmem>> -> memref<128x32xf32, #tpu.memory_space<vmem>>
      %dma_wait3A_902 = arith.constant 640 : i32
      %dma_wait3A_903 = tpu.memref_slice %arg10[%dma_wait3A_902] : memref<1024xi32, #tpu.memory_space<vmem>> -> memref<128xi32, #tpu.memory_space<vmem>>
      %dma_wait3A_904 = arith.constant 0 : i32
      %dma_wait3A_905 = arith.constant 0 : i32
      %dma_wait3A_906 = tpu.memref_slice %arg7[%dma_wait3A_904, %dma_wait3A_905] : memref<80000x32xf32, #tpu.memory_space<hbm>> -> memref<80000x32xf32, #tpu.memory_space<hbm>>
      tpu.wait_indirect_dma semaphore(%arg28 : memref<!tpu.dma_semaphore, #tpu.memory_space<semaphore_mem>>) src(%dma_wait3A_906 : memref<80000x32xf32, #tpu.memory_space<hbm>>) dst(%dma_wait3A_901 : memref<128x32xf32, #tpu.memory_space<vmem>>)
      %dma_wait3A_907 = arith.constant 768 : i32
      %dma_wait3A_908 = arith.constant 0 : i32
      %dma_wait3A_909 = tpu.memref_slice %arg22[%dma_wait3A_907, %dma_wait3A_908] : memref<1024x32xf32, #tpu.memory_space<vmem>> -> memref<128x32xf32, #tpu.memory_space<vmem>>
      %dma_wait3A_910 = arith.constant 768 : i32
      %dma_wait3A_911 = tpu.memref_slice %arg10[%dma_wait3A_910] : memref<1024xi32, #tpu.memory_space<vmem>> -> memref<128xi32, #tpu.memory_space<vmem>>
      %dma_wait3A_912 = arith.constant 0 : i32
      %dma_wait3A_913 = arith.constant 0 : i32
      %dma_wait3A_914 = tpu.memref_slice %arg7[%dma_wait3A_912, %dma_wait3A_913] : memref<80000x32xf32, #tpu.memory_space<hbm>> -> memref<80000x32xf32, #tpu.memory_space<hbm>>
      tpu.wait_indirect_dma semaphore(%arg28 : memref<!tpu.dma_semaphore, #tpu.memory_space<semaphore_mem>>) src(%dma_wait3A_914 : memref<80000x32xf32, #tpu.memory_space<hbm>>) dst(%dma_wait3A_909 : memref<128x32xf32, #tpu.memory_space<vmem>>)
      %dma_wait3A_915 = arith.constant 896 : i32
      %dma_wait3A_916 = arith.constant 0 : i32
      %dma_wait3A_917 = tpu.memref_slice %arg22[%dma_wait3A_915, %dma_wait3A_916] : memref<1024x32xf32, #tpu.memory_space<vmem>> -> memref<128x32xf32, #tpu.memory_space<vmem>>
      %dma_wait3A_918 = arith.constant 896 : i32
      %dma_wait3A_919 = tpu.memref_slice %arg10[%dma_wait3A_918] : memref<1024xi32, #tpu.memory_space<vmem>> -> memref<128xi32, #tpu.memory_space<vmem>>
      %dma_wait3A_920 = arith.constant 0 : i32
      %dma_wait3A_921 = arith.constant 0 : i32
      %dma_wait3A_922 = tpu.memref_slice %arg7[%dma_wait3A_920, %dma_wait3A_921] : memref<80000x32xf32, #tpu.memory_space<hbm>> -> memref<80000x32xf32, #tpu.memory_space<hbm>>
      tpu.wait_indirect_dma semaphore(%arg28 : memref<!tpu.dma_semaphore, #tpu.memory_space<semaphore_mem>>) src(%dma_wait3A_922 : memref<80000x32xf32, #tpu.memory_space<hbm>>) dst(%dma_wait3A_917 : memref<128x32xf32, #tpu.memory_space<vmem>>)
      %parallel_loop3A = arith.constant 0 : i32
      %parallel_loop3A_923 = arith.constant 64 : i32
      %parallel_loop3A_924 = arith.constant 1 : i32
      scf.for %parallel_loop3A_1094 = %parallel_loop3A to %parallel_loop3A_923 step %parallel_loop3A_924  : i32 {
        %parallel_loop3A_1095 = arith.constant 16 : i32
        %parallel_loop3A_1096 = arith.muli %parallel_loop3A_1094, %parallel_loop3A_1095 : i32
        %parallel_loop3A_1097 = arith.index_cast %parallel_loop3A_1096 : i32 to index
        %parallel_loop3A_1098 = tpu.vector_load %arg16[%parallel_loop3A_1097] {strides = array<i32>} : memref<1024xf32, #tpu.memory_space<vmem>>, vector<16xf32>,
        %parallel_loop3A_1099 = arith.index_cast %parallel_loop3A_1096 : i32 to index
        %parallel_loop3A_1100 = tpu.vector_load %arg18[%parallel_loop3A_1099] {strides = array<i32>} : memref<1024xf32, #tpu.memory_space<vmem>>, vector<16xf32>,
        %parallel_loop3A_1101 = arith.addf %parallel_loop3A_1098, %parallel_loop3A_1100 : vector<16xf32>
        %parallel_loop3A_1102 = arith.constant 0.000000e+00 : f32
        %parallel_loop3A_1103 = vector.broadcast %parallel_loop3A_1102 : f32 to vector<16xf32>
        %parallel_loop3A_1104 = arith.cmpf oge, %parallel_loop3A_1101, %parallel_loop3A_1103 : vector<16xf32>
        %parallel_loop3A_1105 = arith.constant 2.000000e-01 : f32
        %parallel_loop3A_1106 = vector.broadcast %parallel_loop3A_1105 : f32 to vector<16xf32>
        %parallel_loop3A_1107 = arith.mulf %parallel_loop3A_1101, %parallel_loop3A_1106 : vector<16xf32>
        %parallel_loop3A_1108 = arith.select %parallel_loop3A_1104, %parallel_loop3A_1101, %parallel_loop3A_1107 : vector<16xi1>, vector<16xf32>
        %parallel_loop3A_1109 = math.exp %parallel_loop3A_1108 : vector<16xf32>
        %parallel_loop3A_1110 = arith.index_cast %parallel_loop3A_1096 : i32 to index
        %parallel_loop3A_1111 = tpu.vector_load %arg20[%parallel_loop3A_1110] {strides = array<i32>} : memref<1024xf32, #tpu.memory_space<vmem>>, vector<16xf32>,
        tpu.vector_store %arg20[%parallel_loop3A_1110], %parallel_loop3A_1109 {strides = array<i32>} : memref<1024xf32, #tpu.memory_space<vmem>>, vector<16xf32>,
      } {sc.loop_unroll_factor = 2 : i64, sc.parallel_access}
      %add3A_925 = arith.constant 1 : i32
      %add3A_926 = arith.addi %mul3A_857, %add3A_925 : i32
      %mul3A_927 = arith.constant 1024 : i32
      %mul3A_928 = arith.muli %add3A_926, %mul3A_927 : i32
      %add3A_929 = arith.addi %mul3A_716, %mul3A_928 : i32
      %add3A_930 = arith.addi %mul3A_718, %add3A_929 : i32
      %add3A_931 = arith.addi %mul3A_718, %add3A_929 : i32
      %mul3A_932 = arith.constant 8 : i32
      %mul3A_933 = arith.muli %add3A_926, %mul3A_932 : i32
      %add3A_934 = arith.addi %add3A_739, %mul3A_933 : i32
      %dma_wait3A_935 = tpu.memref_slice %arg2[%add3A_930] : memref<1310720xi32, #tpu.memory_space<hbm>> -> memref<1024xi32, #tpu.memory_space<hbm>>
      %dma_wait3A_936 = tpu.memref_slice %arg2[%add3A_930] : memref<1310720xi32, #tpu.memory_space<hbm>> -> memref<1024xi32, #tpu.memory_space<hbm>>
      tpu.wait_dma2 semaphore(%arg33 : memref<!tpu.dma_semaphore, #tpu.memory_space<semaphore_mem>>) src(%dma_wait3A_936 : memref<1024xi32, #tpu.memory_space<hbm>>) dst(%arg11 : memref<1024xi32, #tpu.memory_space<vmem>>)
      %dma_wait3A_937 = tpu.memref_slice %arg3[%add3A_931] : memref<1310720xi32, #tpu.memory_space<hbm>> -> memref<1024xi32, #tpu.memory_space<hbm>>
      %dma_wait3A_938 = tpu.memref_slice %arg3[%add3A_931] : memref<1310720xi32, #tpu.memory_space<hbm>> -> memref<1024xi32, #tpu.memory_space<hbm>>
      tpu.wait_dma2 semaphore(%arg33 : memref<!tpu.dma_semaphore, #tpu.memory_space<semaphore_mem>>) src(%dma_wait3A_938 : memref<1024xi32, #tpu.memory_space<hbm>>) dst(%arg13 : memref<1024xi32, #tpu.memory_space<vmem>>)
      %dma_wait3A_939 = arith.constant 0 : i32
      %dma_wait3A_940 = tpu.memref_slice %arg4[%add3A_934, %dma_wait3A_939] : memref<5120x128xi32, #tpu.memory_space<hbm>> -> memref<8x128xi32, #tpu.memory_space<hbm>>
      %dma_wait3A_941 = arith.constant 0 : i32
      %dma_wait3A_942 = tpu.memref_slice %arg4[%add3A_934, %dma_wait3A_941] : memref<5120x128xi32, #tpu.memory_space<hbm>> -> memref<8x128xi32, #tpu.memory_space<hbm>>
      tpu.wait_dma2 semaphore(%arg33 : memref<!tpu.dma_semaphore, #tpu.memory_space<semaphore_mem>>) src(%dma_wait3A_942 : memref<8x128xi32, #tpu.memory_space<hbm>>) dst(%arg15 : memref<8x128xi32, #tpu.memory_space<vmem>>)
      %dma_start3A_943 = arith.constant 0 : i32
      %dma_start3A_944 = arith.constant 0 : i32
      %dma_start3A_945 = tpu.memref_slice %arg23[%dma_start3A_943, %dma_start3A_944] : memref<1024x32xf32, #tpu.memory_space<vmem>> -> memref<128x32xf32, #tpu.memory_space<vmem>>
      %dma_start3A_946 = arith.constant 0 : i32
      %dma_start3A_947 = tpu.memref_slice %arg11[%dma_start3A_946] : memref<1024xi32, #tpu.memory_space<vmem>> -> memref<128xi32, #tpu.memory_space<vmem>>
      %dma_start3A_948 = arith.constant 0 : i32
      %dma_start3A_949 = arith.constant 0 : i32
      %dma_start3A_950 = tpu.memref_slice %arg7[%dma_start3A_948, %dma_start3A_949] : memref<80000x32xf32, #tpu.memory_space<hbm>> -> memref<80000x32xf32, #tpu.memory_space<hbm>>
      tpu.enqueue_indirect_dma source(%dma_start3A_950 : memref<80000x32xf32, #tpu.memory_space<hbm>>) target(%dma_start3A_945 : memref<128x32xf32, #tpu.memory_space<vmem>>) offsets(%dma_start3A_947 : memref<128xi32, #tpu.memory_space<vmem>>) semaphore(%arg29 : memref<!tpu.dma_semaphore, #tpu.memory_space<semaphore_mem>>)
      %dma_start3A_951 = arith.constant 128 : i32
      %dma_start3A_952 = arith.constant 0 : i32
      %dma_start3A_953 = tpu.memref_slice %arg23[%dma_start3A_951, %dma_start3A_952] : memref<1024x32xf32, #tpu.memory_space<vmem>> -> memref<128x32xf32, #tpu.memory_space<vmem>>
      %dma_start3A_954 = arith.constant 128 : i32
      %dma_start3A_955 = tpu.memref_slice %arg11[%dma_start3A_954] : memref<1024xi32, #tpu.memory_space<vmem>> -> memref<128xi32, #tpu.memory_space<vmem>>
      %dma_start3A_956 = arith.constant 0 : i32
      %dma_start3A_957 = arith.constant 0 : i32
      %dma_start3A_958 = tpu.memref_slice %arg7[%dma_start3A_956, %dma_start3A_957] : memref<80000x32xf32, #tpu.memory_space<hbm>> -> memref<80000x32xf32, #tpu.memory_space<hbm>>
      tpu.enqueue_indirect_dma source(%dma_start3A_958 : memref<80000x32xf32, #tpu.memory_space<hbm>>) target(%dma_start3A_953 : memref<128x32xf32, #tpu.memory_space<vmem>>) offsets(%dma_start3A_955 : memref<128xi32, #tpu.memory_space<vmem>>) semaphore(%arg29 : memref<!tpu.dma_semaphore, #tpu.memory_space<semaphore_mem>>)
      %dma_start3A_959 = arith.constant 256 : i32
      %dma_start3A_960 = arith.constant 0 : i32
      %dma_start3A_961 = tpu.memref_slice %arg23[%dma_start3A_959, %dma_start3A_960] : memref<1024x32xf32, #tpu.memory_space<vmem>> -> memref<128x32xf32, #tpu.memory_space<vmem>>
      %dma_start3A_962 = arith.constant 256 : i32
      %dma_start3A_963 = tpu.memref_slice %arg11[%dma_start3A_962] : memref<1024xi32, #tpu.memory_space<vmem>> -> memref<128xi32, #tpu.memory_space<vmem>>
      %dma_start3A_964 = arith.constant 0 : i32
      %dma_start3A_965 = arith.constant 0 : i32
      %dma_start3A_966 = tpu.memref_slice %arg7[%dma_start3A_964, %dma_start3A_965] : memref<80000x32xf32, #tpu.memory_space<hbm>> -> memref<80000x32xf32, #tpu.memory_space<hbm>>
      tpu.enqueue_indirect_dma source(%dma_start3A_966 : memref<80000x32xf32, #tpu.memory_space<hbm>>) target(%dma_start3A_961 : memref<128x32xf32, #tpu.memory_space<vmem>>) offsets(%dma_start3A_963 : memref<128xi32, #tpu.memory_space<vmem>>) semaphore(%arg29 : memref<!tpu.dma_semaphore, #tpu.memory_space<semaphore_mem>>)
      %dma_start3A_967 = arith.constant 384 : i32
      %dma_start3A_968 = arith.constant 0 : i32
      %dma_start3A_969 = tpu.memref_slice %arg23[%dma_start3A_967, %dma_start3A_968] : memref<1024x32xf32, #tpu.memory_space<vmem>> -> memref<128x32xf32, #tpu.memory_space<vmem>>
      %dma_start3A_970 = arith.constant 384 : i32
      %dma_start3A_971 = tpu.memref_slice %arg11[%dma_start3A_970] : memref<1024xi32, #tpu.memory_space<vmem>> -> memref<128xi32, #tpu.memory_space<vmem>>
      %dma_start3A_972 = arith.constant 0 : i32
      %dma_start3A_973 = arith.constant 0 : i32
      %dma_start3A_974 = tpu.memref_slice %arg7[%dma_start3A_972, %dma_start3A_973] : memref<80000x32xf32, #tpu.memory_space<hbm>> -> memref<80000x32xf32, #tpu.memory_space<hbm>>
      tpu.enqueue_indirect_dma source(%dma_start3A_974 : memref<80000x32xf32, #tpu.memory_space<hbm>>) target(%dma_start3A_969 : memref<128x32xf32, #tpu.memory_space<vmem>>) offsets(%dma_start3A_971 : memref<128xi32, #tpu.memory_space<vmem>>) semaphore(%arg29 : memref<!tpu.dma_semaphore, #tpu.memory_space<semaphore_mem>>)
      %dma_start3A_975 = arith.constant 512 : i32
      %dma_start3A_976 = arith.constant 0 : i32
      %dma_start3A_977 = tpu.memref_slice %arg23[%dma_start3A_975, %dma_start3A_976] : memref<1024x32xf32, #tpu.memory_space<vmem>> -> memref<128x32xf32, #tpu.memory_space<vmem>>
      %dma_start3A_978 = arith.constant 512 : i32
      %dma_start3A_979 = tpu.memref_slice %arg11[%dma_start3A_978] : memref<1024xi32, #tpu.memory_space<vmem>> -> memref<128xi32, #tpu.memory_space<vmem>>
      %dma_start3A_980 = arith.constant 0 : i32
      %dma_start3A_981 = arith.constant 0 : i32
      %dma_start3A_982 = tpu.memref_slice %arg7[%dma_start3A_980, %dma_start3A_981] : memref<80000x32xf32, #tpu.memory_space<hbm>> -> memref<80000x32xf32, #tpu.memory_space<hbm>>
      tpu.enqueue_indirect_dma source(%dma_start3A_982 : memref<80000x32xf32, #tpu.memory_space<hbm>>) target(%dma_start3A_977 : memref<128x32xf32, #tpu.memory_space<vmem>>) offsets(%dma_start3A_979 : memref<128xi32, #tpu.memory_space<vmem>>) semaphore(%arg29 : memref<!tpu.dma_semaphore, #tpu.memory_space<semaphore_mem>>)
      %dma_start3A_983 = arith.constant 640 : i32
      %dma_start3A_984 = arith.constant 0 : i32
      %dma_start3A_985 = tpu.memref_slice %arg23[%dma_start3A_983, %dma_start3A_984] : memref<1024x32xf32, #tpu.memory_space<vmem>> -> memref<128x32xf32, #tpu.memory_space<vmem>>
      %dma_start3A_986 = arith.constant 640 : i32
      %dma_start3A_987 = tpu.memref_slice %arg11[%dma_start3A_986] : memref<1024xi32, #tpu.memory_space<vmem>> -> memref<128xi32, #tpu.memory_space<vmem>>
      %dma_start3A_988 = arith.constant 0 : i32
      %dma_start3A_989 = arith.constant 0 : i32
      %dma_start3A_990 = tpu.memref_slice %arg7[%dma_start3A_988, %dma_start3A_989] : memref<80000x32xf32, #tpu.memory_space<hbm>> -> memref<80000x32xf32, #tpu.memory_space<hbm>>
      tpu.enqueue_indirect_dma source(%dma_start3A_990 : memref<80000x32xf32, #tpu.memory_space<hbm>>) target(%dma_start3A_985 : memref<128x32xf32, #tpu.memory_space<vmem>>) offsets(%dma_start3A_987 : memref<128xi32, #tpu.memory_space<vmem>>) semaphore(%arg29 : memref<!tpu.dma_semaphore, #tpu.memory_space<semaphore_mem>>)
      %dma_start3A_991 = arith.constant 768 : i32
      %dma_start3A_992 = arith.constant 0 : i32
      %dma_start3A_993 = tpu.memref_slice %arg23[%dma_start3A_991, %dma_start3A_992] : memref<1024x32xf32, #tpu.memory_space<vmem>> -> memref<128x32xf32, #tpu.memory_space<vmem>>
      %dma_start3A_994 = arith.constant 768 : i32
      %dma_start3A_995 = tpu.memref_slice %arg11[%dma_start3A_994] : memref<1024xi32, #tpu.memory_space<vmem>> -> memref<128xi32, #tpu.memory_space<vmem>>
      %dma_start3A_996 = arith.constant 0 : i32
      %dma_start3A_997 = arith.constant 0 : i32
      %dma_start3A_998 = tpu.memref_slice %arg7[%dma_start3A_996, %dma_start3A_997] : memref<80000x32xf32, #tpu.memory_space<hbm>> -> memref<80000x32xf32, #tpu.memory_space<hbm>>
      tpu.enqueue_indirect_dma source(%dma_start3A_998 : memref<80000x32xf32, #tpu.memory_space<hbm>>) target(%dma_start3A_993 : memref<128x32xf32, #tpu.memory_space<vmem>>) offsets(%dma_start3A_995 : memref<128xi32, #tpu.memory_space<vmem>>) semaphore(%arg29 : memref<!tpu.dma_semaphore, #tpu.memory_space<semaphore_mem>>)
      %dma_start3A_999 = arith.constant 896 : i32
      %dma_start3A_1000 = arith.constant 0 : i32
      %dma_start3A_1001 = tpu.memref_slice %arg23[%dma_start3A_999, %dma_start3A_1000] : memref<1024x32xf32, #tpu.memory_space<vmem>> -> memref<128x32xf32, #tpu.memory_space<vmem>>
      %dma_start3A_1002 = arith.constant 896 : i32
      %dma_start3A_1003 = tpu.memref_slice %arg11[%dma_start3A_1002] : memref<1024xi32, #tpu.memory_space<vmem>> -> memref<128xi32, #tpu.memory_space<vmem>>
      %dma_start3A_1004 = arith.constant 0 : i32
      %dma_start3A_1005 = arith.constant 0 : i32
      %dma_start3A_1006 = tpu.memref_slice %arg7[%dma_start3A_1004, %dma_start3A_1005] : memref<80000x32xf32, #tpu.memory_space<hbm>> -> memref<80000x32xf32, #tpu.memory_space<hbm>>
      tpu.enqueue_indirect_dma source(%dma_start3A_1006 : memref<80000x32xf32, #tpu.memory_space<hbm>>) target(%dma_start3A_1001 : memref<128x32xf32, #tpu.memory_space<vmem>>) offsets(%dma_start3A_1003 : memref<128xi32, #tpu.memory_space<vmem>>) semaphore(%arg29 : memref<!tpu.dma_semaphore, #tpu.memory_space<semaphore_mem>>)
      %parallel_loop3A_1007 = arith.constant 0 : i32
      %parallel_loop3A_1008 = arith.constant 1024 : i32
      %parallel_loop3A_1009 = arith.constant 1 : i32
      scf.for %parallel_loop3A_1094 = %parallel_loop3A_1007 to %parallel_loop3A_1008 step %parallel_loop3A_1009  : i32 {
        %parallel_loop3A_1095 = vector.broadcast %parallel_loop3A_1094 : i32 to vector<16xi32>
        %parallel_loop3A_1096 = tpu.vector_load_idx %arg20[%parallel_loop3A_1095] : memref<1024xf32, #tpu.memory_space<vmem>>[vector<16xi32>], vector<16xf32>,
        %parallel_loop3A_1097 = arith.index_cast %parallel_loop3A_1094 : i32 to index
        %parallel_loop3A_1098 = arith.constant 0 : index
        %parallel_loop3A_1099 = tpu.vector_load %arg22[%parallel_loop3A_1097, %parallel_loop3A_1098] {strides = array<i32>} : memref<1024x32xf32, #tpu.memory_space<vmem>>, vector<16xf32>,
        %parallel_loop3A_1100 = arith.mulf %parallel_loop3A_1099, %parallel_loop3A_1096 : vector<16xf32>
        %parallel_loop3A_1101 = arith.index_cast %parallel_loop3A_1094 : i32 to index
        %parallel_loop3A_1102 = arith.constant 0 : index
        %parallel_loop3A_1103 = tpu.vector_load %arg22[%parallel_loop3A_1101, %parallel_loop3A_1102] {strides = array<i32>} : memref<1024x32xf32, #tpu.memory_space<vmem>>, vector<16xf32>,
        tpu.vector_store %arg22[%parallel_loop3A_1101, %parallel_loop3A_1102], %parallel_loop3A_1100 {strides = array<i32>} : memref<1024x32xf32, #tpu.memory_space<vmem>>, vector<16xf32>,
        %parallel_loop3A_1104 = arith.index_cast %parallel_loop3A_1094 : i32 to index
        %parallel_loop3A_1105 = arith.constant 16 : index
        %parallel_loop3A_1106 = tpu.vector_load %arg22[%parallel_loop3A_1104, %parallel_loop3A_1105] {strides = array<i32>} : memref<1024x32xf32, #tpu.memory_space<vmem>>, vector<16xf32>,
        %parallel_loop3A_1107 = arith.mulf %parallel_loop3A_1106, %parallel_loop3A_1096 : vector<16xf32>
        %parallel_loop3A_1108 = arith.index_cast %parallel_loop3A_1094 : i32 to index
        %parallel_loop3A_1109 = arith.constant 16 : index
        %parallel_loop3A_1110 = tpu.vector_load %arg22[%parallel_loop3A_1108, %parallel_loop3A_1109] {strides = array<i32>} : memref<1024x32xf32, #tpu.memory_space<vmem>>, vector<16xf32>,
        tpu.vector_store %arg22[%parallel_loop3A_1108, %parallel_loop3A_1109], %parallel_loop3A_1107 {strides = array<i32>} : memref<1024x32xf32, #tpu.memory_space<vmem>>, vector<16xf32>,
      } {sc.loop_unroll_factor = 4 : i64, sc.parallel_access}
      %convert_element_type3A = arith.extui %lt3A_858 : i1 to i32
      %cond3A = arith.constant 0 : i32
      %cond3A_1010 = arith.cmpi ne, %convert_element_type3A, %cond3A : i32
      scf.if %cond3A_1010 {
        %add3A_1094 = arith.constant 2 : i32
        %add3A_1095 = arith.addi %mul3A_857, %add3A_1094 : i32
        %mul3A_1096 = arith.constant 1024 : i32
        %mul3A_1097 = arith.muli %add3A_1095, %mul3A_1096 : i32
        %add3A_1098 = arith.addi %mul3A_716, %mul3A_1097 : i32
        %add3A_1099 = arith.addi %mul3A_718, %add3A_1098 : i32
        %dma_start3A_1100 = tpu.memref_slice %arg2[%add3A_1099] : memref<1310720xi32, #tpu.memory_space<hbm>> -> memref<1024xi32, #tpu.memory_space<hbm>>
        %dma_start3A_1101 = tpu.memref_slice %arg2[%add3A_1099] : memref<1310720xi32, #tpu.memory_space<hbm>> -> memref<1024xi32, #tpu.memory_space<hbm>>
        tpu.enqueue_dma source(%dma_start3A_1101 : memref<1024xi32, #tpu.memory_space<hbm>>) target(%arg10 : memref<1024xi32, #tpu.memory_space<vmem>>) target_semaphore(%arg32 : memref<!tpu.dma_semaphore, #tpu.memory_space<semaphore_mem>>)
        %add3A_1102 = arith.addi %mul3A_718, %add3A_1098 : i32
        %dma_start3A_1103 = tpu.memref_slice %arg3[%add3A_1102] : memref<1310720xi32, #tpu.memory_space<hbm>> -> memref<1024xi32, #tpu.memory_space<hbm>>
        %dma_start3A_1104 = tpu.memref_slice %arg3[%add3A_1102] : memref<1310720xi32, #tpu.memory_space<hbm>> -> memref<1024xi32, #tpu.memory_space<hbm>>
        tpu.enqueue_dma source(%dma_start3A_1104 : memref<1024xi32, #tpu.memory_space<hbm>>) target(%arg12 : memref<1024xi32, #tpu.memory_space<vmem>>) target_semaphore(%arg32 : memref<!tpu.dma_semaphore, #tpu.memory_space<semaphore_mem>>)
        %mul3A_1105 = arith.constant 8 : i32
        %mul3A_1106 = arith.muli %add3A_1095, %mul3A_1105 : i32
        %add3A_1107 = arith.addi %add3A_739, %mul3A_1106 : i32
        %dma_start3A_1108 = arith.constant 0 : i32
        %dma_start3A_1109 = tpu.memref_slice %arg4[%add3A_1107, %dma_start3A_1108] : memref<5120x128xi32, #tpu.memory_space<hbm>> -> memref<8x128xi32, #tpu.memory_space<hbm>>
        %dma_start3A_1110 = arith.constant 0 : i32
        %dma_start3A_1111 = tpu.memref_slice %arg4[%add3A_1107, %dma_start3A_1110] : memref<5120x128xi32, #tpu.memory_space<hbm>> -> memref<8x128xi32, #tpu.memory_space<hbm>>
        tpu.enqueue_dma source(%dma_start3A_1111 : memref<8x128xi32, #tpu.memory_space<hbm>>) target(%arg14 : memref<8x128xi32, #tpu.memory_space<vmem>>) target_semaphore(%arg32 : memref<!tpu.dma_semaphore, #tpu.memory_space<semaphore_mem>>)
      } else {
      }
      %add3A_1011 = arith.constant 1 : i32
      %add3A_1012 = arith.addi %mul3A_857, %add3A_1011 : i32
      %lt3A_1013 = arith.constant 19 : i32
      %lt3A_1014 = arith.cmpi slt, %scan3A_854, %lt3A_1013 : i32
      %lt3A_1015 = arith.constant 19 : i32
      %lt3A_1016 = arith.cmpi slt, %scan3A_854, %lt3A_1015 : i32
      %dma_wait3A_1017 = arith.constant 0 : i32
      %dma_wait3A_1018 = arith.constant 0 : i32
      %dma_wait3A_1019 = tpu.memref_slice %arg23[%dma_wait3A_1017, %dma_wait3A_1018] : memref<1024x32xf32, #tpu.memory_space<vmem>> -> memref<128x32xf32, #tpu.memory_space<vmem>>
      %dma_wait3A_1020 = arith.constant 0 : i32
      %dma_wait3A_1021 = tpu.memref_slice %arg11[%dma_wait3A_1020] : memref<1024xi32, #tpu.memory_space<vmem>> -> memref<128xi32, #tpu.memory_space<vmem>>
      %dma_wait3A_1022 = arith.constant 0 : i32
      %dma_wait3A_1023 = arith.constant 0 : i32
      %dma_wait3A_1024 = tpu.memref_slice %arg7[%dma_wait3A_1022, %dma_wait3A_1023] : memref<80000x32xf32, #tpu.memory_space<hbm>> -> memref<80000x32xf32, #tpu.memory_space<hbm>>
      tpu.wait_indirect_dma semaphore(%arg29 : memref<!tpu.dma_semaphore, #tpu.memory_space<semaphore_mem>>) src(%dma_wait3A_1024 : memref<80000x32xf32, #tpu.memory_space<hbm>>) dst(%dma_wait3A_1019 : memref<128x32xf32, #tpu.memory_space<vmem>>)
      %dma_wait3A_1025 = arith.constant 128 : i32
      %dma_wait3A_1026 = arith.constant 0 : i32
      %dma_wait3A_1027 = tpu.memref_slice %arg23[%dma_wait3A_1025, %dma_wait3A_1026] : memref<1024x32xf32, #tpu.memory_space<vmem>> -> memref<128x32xf32, #tpu.memory_space<vmem>>
      %dma_wait3A_1028 = arith.constant 128 : i32
      %dma_wait3A_1029 = tpu.memref_slice %arg11[%dma_wait3A_1028] : memref<1024xi32, #tpu.memory_space<vmem>> -> memref<128xi32, #tpu.memory_space<vmem>>
      %dma_wait3A_1030 = arith.constant 0 : i32
      %dma_wait3A_1031 = arith.constant 0 : i32
      %dma_wait3A_1032 = tpu.memref_slice %arg7[%dma_wait3A_1030, %dma_wait3A_1031] : memref<80000x32xf32, #tpu.memory_space<hbm>> -> memref<80000x32xf32, #tpu.memory_space<hbm>>
      tpu.wait_indirect_dma semaphore(%arg29 : memref<!tpu.dma_semaphore, #tpu.memory_space<semaphore_mem>>) src(%dma_wait3A_1032 : memref<80000x32xf32, #tpu.memory_space<hbm>>) dst(%dma_wait3A_1027 : memref<128x32xf32, #tpu.memory_space<vmem>>)
      %dma_wait3A_1033 = arith.constant 256 : i32
      %dma_wait3A_1034 = arith.constant 0 : i32
      %dma_wait3A_1035 = tpu.memref_slice %arg23[%dma_wait3A_1033, %dma_wait3A_1034] : memref<1024x32xf32, #tpu.memory_space<vmem>> -> memref<128x32xf32, #tpu.memory_space<vmem>>
      %dma_wait3A_1036 = arith.constant 256 : i32
      %dma_wait3A_1037 = tpu.memref_slice %arg11[%dma_wait3A_1036] : memref<1024xi32, #tpu.memory_space<vmem>> -> memref<128xi32, #tpu.memory_space<vmem>>
      %dma_wait3A_1038 = arith.constant 0 : i32
      %dma_wait3A_1039 = arith.constant 0 : i32
      %dma_wait3A_1040 = tpu.memref_slice %arg7[%dma_wait3A_1038, %dma_wait3A_1039] : memref<80000x32xf32, #tpu.memory_space<hbm>> -> memref<80000x32xf32, #tpu.memory_space<hbm>>
      tpu.wait_indirect_dma semaphore(%arg29 : memref<!tpu.dma_semaphore, #tpu.memory_space<semaphore_mem>>) src(%dma_wait3A_1040 : memref<80000x32xf32, #tpu.memory_space<hbm>>) dst(%dma_wait3A_1035 : memref<128x32xf32, #tpu.memory_space<vmem>>)
      %dma_wait3A_1041 = arith.constant 384 : i32
      %dma_wait3A_1042 = arith.constant 0 : i32
      %dma_wait3A_1043 = tpu.memref_slice %arg23[%dma_wait3A_1041, %dma_wait3A_1042] : memref<1024x32xf32, #tpu.memory_space<vmem>> -> memref<128x32xf32, #tpu.memory_space<vmem>>
      %dma_wait3A_1044 = arith.constant 384 : i32
      %dma_wait3A_1045 = tpu.memref_slice %arg11[%dma_wait3A_1044] : memref<1024xi32, #tpu.memory_space<vmem>> -> memref<128xi32, #tpu.memory_space<vmem>>
      %dma_wait3A_1046 = arith.constant 0 : i32
      %dma_wait3A_1047 = arith.constant 0 : i32
      %dma_wait3A_1048 = tpu.memref_slice %arg7[%dma_wait3A_1046, %dma_wait3A_1047] : memref<80000x32xf32, #tpu.memory_space<hbm>> -> memref<80000x32xf32, #tpu.memory_space<hbm>>
      tpu.wait_indirect_dma semaphore(%arg29 : memref<!tpu.dma_semaphore, #tpu.memory_space<semaphore_mem>>) src(%dma_wait3A_1048 : memref<80000x32xf32, #tpu.memory_space<hbm>>) dst(%dma_wait3A_1043 : memref<128x32xf32, #tpu.memory_space<vmem>>)
      %dma_wait3A_1049 = arith.constant 512 : i32
      %dma_wait3A_1050 = arith.constant 0 : i32
      %dma_wait3A_1051 = tpu.memref_slice %arg23[%dma_wait3A_1049, %dma_wait3A_1050] : memref<1024x32xf32, #tpu.memory_space<vmem>> -> memref<128x32xf32, #tpu.memory_space<vmem>>
      %dma_wait3A_1052 = arith.constant 512 : i32
      %dma_wait3A_1053 = tpu.memref_slice %arg11[%dma_wait3A_1052] : memref<1024xi32, #tpu.memory_space<vmem>> -> memref<128xi32, #tpu.memory_space<vmem>>
      %dma_wait3A_1054 = arith.constant 0 : i32
      %dma_wait3A_1055 = arith.constant 0 : i32
      %dma_wait3A_1056 = tpu.memref_slice %arg7[%dma_wait3A_1054, %dma_wait3A_1055] : memref<80000x32xf32, #tpu.memory_space<hbm>> -> memref<80000x32xf32, #tpu.memory_space<hbm>>
      tpu.wait_indirect_dma semaphore(%arg29 : memref<!tpu.dma_semaphore, #tpu.memory_space<semaphore_mem>>) src(%dma_wait3A_1056 : memref<80000x32xf32, #tpu.memory_space<hbm>>) dst(%dma_wait3A_1051 : memref<128x32xf32, #tpu.memory_space<vmem>>)
      %dma_wait3A_1057 = arith.constant 640 : i32
      %dma_wait3A_1058 = arith.constant 0 : i32
      %dma_wait3A_1059 = tpu.memref_slice %arg23[%dma_wait3A_1057, %dma_wait3A_1058] : memref<1024x32xf32, #tpu.memory_space<vmem>> -> memref<128x32xf32, #tpu.memory_space<vmem>>
      %dma_wait3A_1060 = arith.constant 640 : i32
      %dma_wait3A_1061 = tpu.memref_slice %arg11[%dma_wait3A_1060] : memref<1024xi32, #tpu.memory_space<vmem>> -> memref<128xi32, #tpu.memory_space<vmem>>
      %dma_wait3A_1062 = arith.constant 0 : i32
      %dma_wait3A_1063 = arith.constant 0 : i32
      %dma_wait3A_1064 = tpu.memref_slice %arg7[%dma_wait3A_1062, %dma_wait3A_1063] : memref<80000x32xf32, #tpu.memory_space<hbm>> -> memref<80000x32xf32, #tpu.memory_space<hbm>>
      tpu.wait_indirect_dma semaphore(%arg29 : memref<!tpu.dma_semaphore, #tpu.memory_space<semaphore_mem>>) src(%dma_wait3A_1064 : memref<80000x32xf32, #tpu.memory_space<hbm>>) dst(%dma_wait3A_1059 : memref<128x32xf32, #tpu.memory_space<vmem>>)
      %dma_wait3A_1065 = arith.constant 768 : i32
      %dma_wait3A_1066 = arith.constant 0 : i32
      %dma_wait3A_1067 = tpu.memref_slice %arg23[%dma_wait3A_1065, %dma_wait3A_1066] : memref<1024x32xf32, #tpu.memory_space<vmem>> -> memref<128x32xf32, #tpu.memory_space<vmem>>
      %dma_wait3A_1068 = arith.constant 768 : i32
      %dma_wait3A_1069 = tpu.memref_slice %arg11[%dma_wait3A_1068] : memref<1024xi32, #tpu.memory_space<vmem>> -> memref<128xi32, #tpu.memory_space<vmem>>
      %dma_wait3A_1070 = arith.constant 0 : i32
      %dma_wait3A_1071 = arith.constant 0 : i32
      %dma_wait3A_1072 = tpu.memref_slice %arg7[%dma_wait3A_1070, %dma_wait3A_1071] : memref<80000x32xf32, #tpu.memory_space<hbm>> -> memref<80000x32xf32, #tpu.memory_space<hbm>>
      tpu.wait_indirect_dma semaphore(%arg29 : memref<!tpu.dma_semaphore, #tpu.memory_space<semaphore_mem>>) src(%dma_wait3A_1072 : memref<80000x32xf32, #tpu.memory_space<hbm>>) dst(%dma_wait3A_1067 : memref<128x32xf32, #tpu.memory_space<vmem>>)
      %dma_wait3A_1073 = arith.constant 896 : i32
      %dma_wait3A_1074 = arith.constant 0 : i32
      %dma_wait3A_1075 = tpu.memref_slice %arg23[%dma_wait3A_1073, %dma_wait3A_1074] : memref<1024x32xf32, #tpu.memory_space<vmem>> -> memref<128x32xf32, #tpu.memory_space<vmem>>
      %dma_wait3A_1076 = arith.constant 896 : i32
      %dma_wait3A_1077 = tpu.memref_slice %arg11[%dma_wait3A_1076] : memref<1024xi32, #tpu.memory_space<vmem>> -> memref<128xi32, #tpu.memory_space<vmem>>
      %dma_wait3A_1078 = arith.constant 0 : i32
      %dma_wait3A_1079 = arith.constant 0 : i32
      %dma_wait3A_1080 = tpu.memref_slice %arg7[%dma_wait3A_1078, %dma_wait3A_1079] : memref<80000x32xf32, #tpu.memory_space<hbm>> -> memref<80000x32xf32, #tpu.memory_space<hbm>>
      tpu.wait_indirect_dma semaphore(%arg29 : memref<!tpu.dma_semaphore, #tpu.memory_space<semaphore_mem>>) src(%dma_wait3A_1080 : memref<80000x32xf32, #tpu.memory_space<hbm>>) dst(%dma_wait3A_1075 : memref<128x32xf32, #tpu.memory_space<vmem>>)
      %parallel_loop3A_1081 = arith.constant 0 : i32
      %parallel_loop3A_1082 = arith.constant 64 : i32
      %parallel_loop3A_1083 = arith.constant 1 : i32
      scf.for %parallel_loop3A_1094 = %parallel_loop3A_1081 to %parallel_loop3A_1082 step %parallel_loop3A_1083  : i32 {
        %parallel_loop3A_1095 = arith.constant 16 : i32
        %parallel_loop3A_1096 = arith.muli %parallel_loop3A_1094, %parallel_loop3A_1095 : i32
        %parallel_loop3A_1097 = arith.index_cast %parallel_loop3A_1096 : i32 to index
        %parallel_loop3A_1098 = tpu.vector_load %arg17[%parallel_loop3A_1097] {strides = array<i32>} : memref<1024xf32, #tpu.memory_space<vmem>>, vector<16xf32>,
        %parallel_loop3A_1099 = arith.index_cast %parallel_loop3A_1096 : i32 to index
        %parallel_loop3A_1100 = tpu.vector_load %arg19[%parallel_loop3A_1099] {strides = array<i32>} : memref<1024xf32, #tpu.memory_space<vmem>>, vector<16xf32>,
        %parallel_loop3A_1101 = arith.addf %parallel_loop3A_1098, %parallel_loop3A_1100 : vector<16xf32>
        %parallel_loop3A_1102 = arith.constant 0.000000e+00 : f32
        %parallel_loop3A_1103 = vector.broadcast %parallel_loop3A_1102 : f32 to vector<16xf32>
        %parallel_loop3A_1104 = arith.cmpf oge, %parallel_loop3A_1101, %parallel_loop3A_1103 : vector<16xf32>
        %parallel_loop3A_1105 = arith.constant 2.000000e-01 : f32
        %parallel_loop3A_1106 = vector.broadcast %parallel_loop3A_1105 : f32 to vector<16xf32>
        %parallel_loop3A_1107 = arith.mulf %parallel_loop3A_1101, %parallel_loop3A_1106 : vector<16xf32>
        %parallel_loop3A_1108 = arith.select %parallel_loop3A_1104, %parallel_loop3A_1101, %parallel_loop3A_1107 : vector<16xi1>, vector<16xf32>
        %parallel_loop3A_1109 = math.exp %parallel_loop3A_1108 : vector<16xf32>
        %parallel_loop3A_1110 = arith.index_cast %parallel_loop3A_1096 : i32 to index
        %parallel_loop3A_1111 = tpu.vector_load %arg21[%parallel_loop3A_1110] {strides = array<i32>} : memref<1024xf32, #tpu.memory_space<vmem>>, vector<16xf32>,
        tpu.vector_store %arg21[%parallel_loop3A_1110], %parallel_loop3A_1109 {strides = array<i32>} : memref<1024xf32, #tpu.memory_space<vmem>>, vector<16xf32>,
      } {sc.loop_unroll_factor = 2 : i64, sc.parallel_access}
      %convert_element_type3A_1084 = arith.extui %lt3A_1014 : i1 to i32
      %cond3A_1085 = arith.constant 0 : i32
      %cond3A_1086 = arith.cmpi ne, %convert_element_type3A_1084, %cond3A_1085 : i32
      scf.if %cond3A_1086 {
        %add3A_1094 = arith.constant 1 : i32
        %add3A_1095 = arith.addi %add3A_1012, %add3A_1094 : i32
        %mul3A_1096 = arith.constant 1024 : i32
        %mul3A_1097 = arith.muli %add3A_1095, %mul3A_1096 : i32
        %add3A_1098 = arith.addi %mul3A_716, %mul3A_1097 : i32
        %add3A_1099 = arith.addi %mul3A_718, %add3A_1098 : i32
        %add3A_1100 = arith.addi %mul3A_718, %add3A_1098 : i32
        %mul3A_1101 = arith.constant 8 : i32
        %mul3A_1102 = arith.muli %add3A_1095, %mul3A_1101 : i32
        %add3A_1103 = arith.addi %add3A_739, %mul3A_1102 : i32
        %dma_wait3A_1104 = tpu.memref_slice %arg2[%add3A_1099] : memref<1310720xi32, #tpu.memory_space<hbm>> -> memref<1024xi32, #tpu.memory_space<hbm>>
        %dma_wait3A_1105 = tpu.memref_slice %arg2[%add3A_1099] : memref<1310720xi32, #tpu.memory_space<hbm>> -> memref<1024xi32, #tpu.memory_space<hbm>>
        tpu.wait_dma2 semaphore(%arg32 : memref<!tpu.dma_semaphore, #tpu.memory_space<semaphore_mem>>) src(%dma_wait3A_1105 : memref<1024xi32, #tpu.memory_space<hbm>>) dst(%arg10 : memref<1024xi32, #tpu.memory_space<vmem>>)
        %dma_wait3A_1106 = tpu.memref_slice %arg3[%add3A_1100] : memref<1310720xi32, #tpu.memory_space<hbm>> -> memref<1024xi32, #tpu.memory_space<hbm>>
        %dma_wait3A_1107 = tpu.memref_slice %arg3[%add3A_1100] : memref<1310720xi32, #tpu.memory_space<hbm>> -> memref<1024xi32, #tpu.memory_space<hbm>>
        tpu.wait_dma2 semaphore(%arg32 : memref<!tpu.dma_semaphore, #tpu.memory_space<semaphore_mem>>) src(%dma_wait3A_1107 : memref<1024xi32, #tpu.memory_space<hbm>>) dst(%arg12 : memref<1024xi32, #tpu.memory_space<vmem>>)
        %dma_wait3A_1108 = arith.constant 0 : i32
        %dma_wait3A_1109 = tpu.memref_slice %arg4[%add3A_1103, %dma_wait3A_1108] : memref<5120x128xi32, #tpu.memory_space<hbm>> -> memref<8x128xi32, #tpu.memory_space<hbm>>
        %dma_wait3A_1110 = arith.constant 0 : i32
        %dma_wait3A_1111 = tpu.memref_slice %arg4[%add3A_1103, %dma_wait3A_1110] : memref<5120x128xi32, #tpu.memory_space<hbm>> -> memref<8x128xi32, #tpu.memory_space<hbm>>
        tpu.wait_dma2 semaphore(%arg32 : memref<!tpu.dma_semaphore, #tpu.memory_space<semaphore_mem>>) src(%dma_wait3A_1111 : memref<8x128xi32, #tpu.memory_space<hbm>>) dst(%arg14 : memref<8x128xi32, #tpu.memory_space<vmem>>)
        %dma_start3A_1112 = arith.constant 0 : i32
        %dma_start3A_1113 = arith.constant 0 : i32
        %dma_start3A_1114 = tpu.memref_slice %arg22[%dma_start3A_1112, %dma_start3A_1113] : memref<1024x32xf32, #tpu.memory_space<vmem>> -> memref<128x32xf32, #tpu.memory_space<vmem>>
        %dma_start3A_1115 = arith.constant 0 : i32
        %dma_start3A_1116 = tpu.memref_slice %arg10[%dma_start3A_1115] : memref<1024xi32, #tpu.memory_space<vmem>> -> memref<128xi32, #tpu.memory_space<vmem>>
        %dma_start3A_1117 = arith.constant 0 : i32
        %dma_start3A_1118 = arith.constant 0 : i32
        %dma_start3A_1119 = tpu.memref_slice %arg7[%dma_start3A_1117, %dma_start3A_1118] : memref<80000x32xf32, #tpu.memory_space<hbm>> -> memref<80000x32xf32, #tpu.memory_space<hbm>>
        tpu.enqueue_indirect_dma source(%dma_start3A_1119 : memref<80000x32xf32, #tpu.memory_space<hbm>>) target(%dma_start3A_1114 : memref<128x32xf32, #tpu.memory_space<vmem>>) offsets(%dma_start3A_1116 : memref<128xi32, #tpu.memory_space<vmem>>) semaphore(%arg28 : memref<!tpu.dma_semaphore, #tpu.memory_space<semaphore_mem>>)
        %dma_start3A_1120 = arith.constant 128 : i32
        %dma_start3A_1121 = arith.constant 0 : i32
        %dma_start3A_1122 = tpu.memref_slice %arg22[%dma_start3A_1120, %dma_start3A_1121] : memref<1024x32xf32, #tpu.memory_space<vmem>> -> memref<128x32xf32, #tpu.memory_space<vmem>>
        %dma_start3A_1123 = arith.constant 128 : i32
        %dma_start3A_1124 = tpu.memref_slice %arg10[%dma_start3A_1123] : memref<1024xi32, #tpu.memory_space<vmem>> -> memref<128xi32, #tpu.memory_space<vmem>>
        %dma_start3A_1125 = arith.constant 0 : i32
        %dma_start3A_1126 = arith.constant 0 : i32
        %dma_start3A_1127 = tpu.memref_slice %arg7[%dma_start3A_1125, %dma_start3A_1126] : memref<80000x32xf32, #tpu.memory_space<hbm>> -> memref<80000x32xf32, #tpu.memory_space<hbm>>
        tpu.enqueue_indirect_dma source(%dma_start3A_1127 : memref<80000x32xf32, #tpu.memory_space<hbm>>) target(%dma_start3A_1122 : memref<128x32xf32, #tpu.memory_space<vmem>>) offsets(%dma_start3A_1124 : memref<128xi32, #tpu.memory_space<vmem>>) semaphore(%arg28 : memref<!tpu.dma_semaphore, #tpu.memory_space<semaphore_mem>>)
        %dma_start3A_1128 = arith.constant 256 : i32
        %dma_start3A_1129 = arith.constant 0 : i32
        %dma_start3A_1130 = tpu.memref_slice %arg22[%dma_start3A_1128, %dma_start3A_1129] : memref<1024x32xf32, #tpu.memory_space<vmem>> -> memref<128x32xf32, #tpu.memory_space<vmem>>
        %dma_start3A_1131 = arith.constant 256 : i32
        %dma_start3A_1132 = tpu.memref_slice %arg10[%dma_start3A_1131] : memref<1024xi32, #tpu.memory_space<vmem>> -> memref<128xi32, #tpu.memory_space<vmem>>
        %dma_start3A_1133 = arith.constant 0 : i32
        %dma_start3A_1134 = arith.constant 0 : i32
        %dma_start3A_1135 = tpu.memref_slice %arg7[%dma_start3A_1133, %dma_start3A_1134] : memref<80000x32xf32, #tpu.memory_space<hbm>> -> memref<80000x32xf32, #tpu.memory_space<hbm>>
        tpu.enqueue_indirect_dma source(%dma_start3A_1135 : memref<80000x32xf32, #tpu.memory_space<hbm>>) target(%dma_start3A_1130 : memref<128x32xf32, #tpu.memory_space<vmem>>) offsets(%dma_start3A_1132 : memref<128xi32, #tpu.memory_space<vmem>>) semaphore(%arg28 : memref<!tpu.dma_semaphore, #tpu.memory_space<semaphore_mem>>)
        %dma_start3A_1136 = arith.constant 384 : i32
        %dma_start3A_1137 = arith.constant 0 : i32
        %dma_start3A_1138 = tpu.memref_slice %arg22[%dma_start3A_1136, %dma_start3A_1137] : memref<1024x32xf32, #tpu.memory_space<vmem>> -> memref<128x32xf32, #tpu.memory_space<vmem>>
        %dma_start3A_1139 = arith.constant 384 : i32
        %dma_start3A_1140 = tpu.memref_slice %arg10[%dma_start3A_1139] : memref<1024xi32, #tpu.memory_space<vmem>> -> memref<128xi32, #tpu.memory_space<vmem>>
        %dma_start3A_1141 = arith.constant 0 : i32
        %dma_start3A_1142 = arith.constant 0 : i32
        %dma_start3A_1143 = tpu.memref_slice %arg7[%dma_start3A_1141, %dma_start3A_1142] : memref<80000x32xf32, #tpu.memory_space<hbm>> -> memref<80000x32xf32, #tpu.memory_space<hbm>>
        tpu.enqueue_indirect_dma source(%dma_start3A_1143 : memref<80000x32xf32, #tpu.memory_space<hbm>>) target(%dma_start3A_1138 : memref<128x32xf32, #tpu.memory_space<vmem>>) offsets(%dma_start3A_1140 : memref<128xi32, #tpu.memory_space<vmem>>) semaphore(%arg28 : memref<!tpu.dma_semaphore, #tpu.memory_space<semaphore_mem>>)
        %dma_start3A_1144 = arith.constant 512 : i32
        %dma_start3A_1145 = arith.constant 0 : i32
        %dma_start3A_1146 = tpu.memref_slice %arg22[%dma_start3A_1144, %dma_start3A_1145] : memref<1024x32xf32, #tpu.memory_space<vmem>> -> memref<128x32xf32, #tpu.memory_space<vmem>>
        %dma_start3A_1147 = arith.constant 512 : i32
        %dma_start3A_1148 = tpu.memref_slice %arg10[%dma_start3A_1147] : memref<1024xi32, #tpu.memory_space<vmem>> -> memref<128xi32, #tpu.memory_space<vmem>>
        %dma_start3A_1149 = arith.constant 0 : i32
        %dma_start3A_1150 = arith.constant 0 : i32
        %dma_start3A_1151 = tpu.memref_slice %arg7[%dma_start3A_1149, %dma_start3A_1150] : memref<80000x32xf32, #tpu.memory_space<hbm>> -> memref<80000x32xf32, #tpu.memory_space<hbm>>
        tpu.enqueue_indirect_dma source(%dma_start3A_1151 : memref<80000x32xf32, #tpu.memory_space<hbm>>) target(%dma_start3A_1146 : memref<128x32xf32, #tpu.memory_space<vmem>>) offsets(%dma_start3A_1148 : memref<128xi32, #tpu.memory_space<vmem>>) semaphore(%arg28 : memref<!tpu.dma_semaphore, #tpu.memory_space<semaphore_mem>>)
        %dma_start3A_1152 = arith.constant 640 : i32
        %dma_start3A_1153 = arith.constant 0 : i32
        %dma_start3A_1154 = tpu.memref_slice %arg22[%dma_start3A_1152, %dma_start3A_1153] : memref<1024x32xf32, #tpu.memory_space<vmem>> -> memref<128x32xf32, #tpu.memory_space<vmem>>
        %dma_start3A_1155 = arith.constant 640 : i32
        %dma_start3A_1156 = tpu.memref_slice %arg10[%dma_start3A_1155] : memref<1024xi32, #tpu.memory_space<vmem>> -> memref<128xi32, #tpu.memory_space<vmem>>
        %dma_start3A_1157 = arith.constant 0 : i32
        %dma_start3A_1158 = arith.constant 0 : i32
        %dma_start3A_1159 = tpu.memref_slice %arg7[%dma_start3A_1157, %dma_start3A_1158] : memref<80000x32xf32, #tpu.memory_space<hbm>> -> memref<80000x32xf32, #tpu.memory_space<hbm>>
        tpu.enqueue_indirect_dma source(%dma_start3A_1159 : memref<80000x32xf32, #tpu.memory_space<hbm>>) target(%dma_start3A_1154 : memref<128x32xf32, #tpu.memory_space<vmem>>) offsets(%dma_start3A_1156 : memref<128xi32, #tpu.memory_space<vmem>>) semaphore(%arg28 : memref<!tpu.dma_semaphore, #tpu.memory_space<semaphore_mem>>)
        %dma_start3A_1160 = arith.constant 768 : i32
        %dma_start3A_1161 = arith.constant 0 : i32
        %dma_start3A_1162 = tpu.memref_slice %arg22[%dma_start3A_1160, %dma_start3A_1161] : memref<1024x32xf32, #tpu.memory_space<vmem>> -> memref<128x32xf32, #tpu.memory_space<vmem>>
        %dma_start3A_1163 = arith.constant 768 : i32
        %dma_start3A_1164 = tpu.memref_slice %arg10[%dma_start3A_1163] : memref<1024xi32, #tpu.memory_space<vmem>> -> memref<128xi32, #tpu.memory_space<vmem>>
        %dma_start3A_1165 = arith.constant 0 : i32
        %dma_start3A_1166 = arith.constant 0 : i32
        %dma_start3A_1167 = tpu.memref_slice %arg7[%dma_start3A_1165, %dma_start3A_1166] : memref<80000x32xf32, #tpu.memory_space<hbm>> -> memref<80000x32xf32, #tpu.memory_space<hbm>>
        tpu.enqueue_indirect_dma source(%dma_start3A_1167 : memref<80000x32xf32, #tpu.memory_space<hbm>>) target(%dma_start3A_1162 : memref<128x32xf32, #tpu.memory_space<vmem>>) offsets(%dma_start3A_1164 : memref<128xi32, #tpu.memory_space<vmem>>) semaphore(%arg28 : memref<!tpu.dma_semaphore, #tpu.memory_space<semaphore_mem>>)
        %dma_start3A_1168 = arith.constant 896 : i32
        %dma_start3A_1169 = arith.constant 0 : i32
        %dma_start3A_1170 = tpu.memref_slice %arg22[%dma_start3A_1168, %dma_start3A_1169] : memref<1024x32xf32, #tpu.memory_space<vmem>> -> memref<128x32xf32, #tpu.memory_space<vmem>>
        %dma_start3A_1171 = arith.constant 896 : i32
        %dma_start3A_1172 = tpu.memref_slice %arg10[%dma_start3A_1171] : memref<1024xi32, #tpu.memory_space<vmem>> -> memref<128xi32, #tpu.memory_space<vmem>>
        %dma_start3A_1173 = arith.constant 0 : i32
        %dma_start3A_1174 = arith.constant 0 : i32
        %dma_start3A_1175 = tpu.memref_slice %arg7[%dma_start3A_1173, %dma_start3A_1174] : memref<80000x32xf32, #tpu.memory_space<hbm>> -> memref<80000x32xf32, #tpu.memory_space<hbm>>
        tpu.enqueue_indirect_dma source(%dma_start3A_1175 : memref<80000x32xf32, #tpu.memory_space<hbm>>) target(%dma_start3A_1170 : memref<128x32xf32, #tpu.memory_space<vmem>>) offsets(%dma_start3A_1172 : memref<128xi32, #tpu.memory_space<vmem>>) semaphore(%arg28 : memref<!tpu.dma_semaphore, #tpu.memory_space<semaphore_mem>>)
      } else {
      }
      %parallel_loop3A_1087 = arith.constant 0 : i32
      %parallel_loop3A_1088 = arith.constant 1024 : i32
      %parallel_loop3A_1089 = arith.constant 1 : i32
      scf.for %parallel_loop3A_1094 = %parallel_loop3A_1087 to %parallel_loop3A_1088 step %parallel_loop3A_1089  : i32 {
        %parallel_loop3A_1095 = vector.broadcast %parallel_loop3A_1094 : i32 to vector<16xi32>
        %parallel_loop3A_1096 = tpu.vector_load_idx %arg21[%parallel_loop3A_1095] : memref<1024xf32, #tpu.memory_space<vmem>>[vector<16xi32>], vector<16xf32>,
        %parallel_loop3A_1097 = arith.index_cast %parallel_loop3A_1094 : i32 to index
        %parallel_loop3A_1098 = arith.constant 0 : index
        %parallel_loop3A_1099 = tpu.vector_load %arg23[%parallel_loop3A_1097, %parallel_loop3A_1098] {strides = array<i32>} : memref<1024x32xf32, #tpu.memory_space<vmem>>, vector<16xf32>,
        %parallel_loop3A_1100 = arith.mulf %parallel_loop3A_1099, %parallel_loop3A_1096 : vector<16xf32>
        %parallel_loop3A_1101 = arith.index_cast %parallel_loop3A_1094 : i32 to index
        %parallel_loop3A_1102 = arith.constant 0 : index
        %parallel_loop3A_1103 = tpu.vector_load %arg23[%parallel_loop3A_1101, %parallel_loop3A_1102] {strides = array<i32>} : memref<1024x32xf32, #tpu.memory_space<vmem>>, vector<16xf32>,
        tpu.vector_store %arg23[%parallel_loop3A_1101, %parallel_loop3A_1102], %parallel_loop3A_1100 {strides = array<i32>} : memref<1024x32xf32, #tpu.memory_space<vmem>>, vector<16xf32>,
        %parallel_loop3A_1104 = arith.index_cast %parallel_loop3A_1094 : i32 to index
        %parallel_loop3A_1105 = arith.constant 16 : index
        %parallel_loop3A_1106 = tpu.vector_load %arg23[%parallel_loop3A_1104, %parallel_loop3A_1105] {strides = array<i32>} : memref<1024x32xf32, #tpu.memory_space<vmem>>, vector<16xf32>,
        %parallel_loop3A_1107 = arith.mulf %parallel_loop3A_1106, %parallel_loop3A_1096 : vector<16xf32>
        %parallel_loop3A_1108 = arith.index_cast %parallel_loop3A_1094 : i32 to index
        %parallel_loop3A_1109 = arith.constant 16 : index
        %parallel_loop3A_1110 = tpu.vector_load %arg23[%parallel_loop3A_1108, %parallel_loop3A_1109] {strides = array<i32>} : memref<1024x32xf32, #tpu.memory_space<vmem>>, vector<16xf32>,
        tpu.vector_store %arg23[%parallel_loop3A_1108, %parallel_loop3A_1109], %parallel_loop3A_1107 {strides = array<i32>} : memref<1024x32xf32, #tpu.memory_space<vmem>>, vector<16xf32>,
      } {sc.loop_unroll_factor = 4 : i64, sc.parallel_access}
      %convert_element_type3A_1090 = arith.extui %lt3A_1016 : i1 to i32
      %cond3A_1091 = arith.constant 0 : i32
      %cond3A_1092 = arith.cmpi ne, %convert_element_type3A_1090, %cond3A_1091 : i32
      scf.if %cond3A_1092 {
        %add3A_1094 = arith.constant 2 : i32
        %add3A_1095 = arith.addi %add3A_1012, %add3A_1094 : i32
        %mul3A_1096 = arith.constant 1024 : i32
        %mul3A_1097 = arith.muli %add3A_1095, %mul3A_1096 : i32
        %add3A_1098 = arith.addi %mul3A_716, %mul3A_1097 : i32
        %add3A_1099 = arith.addi %mul3A_718, %add3A_1098 : i32
        %dma_start3A_1100 = tpu.memref_slice %arg2[%add3A_1099] : memref<1310720xi32, #tpu.memory_space<hbm>> -> memref<1024xi32, #tpu.memory_space<hbm>>
        %dma_start3A_1101 = tpu.memref_slice %arg2[%add3A_1099] : memref<1310720xi32, #tpu.memory_space<hbm>> -> memref<1024xi32, #tpu.memory_space<hbm>>
        tpu.enqueue_dma source(%dma_start3A_1101 : memref<1024xi32, #tpu.memory_space<hbm>>) target(%arg11 : memref<1024xi32, #tpu.memory_space<vmem>>) target_semaphore(%arg33 : memref<!tpu.dma_semaphore, #tpu.memory_space<semaphore_mem>>)
        %add3A_1102 = arith.addi %mul3A_718, %add3A_1098 : i32
        %dma_start3A_1103 = tpu.memref_slice %arg3[%add3A_1102] : memref<1310720xi32, #tpu.memory_space<hbm>> -> memref<1024xi32, #tpu.memory_space<hbm>>
        %dma_start3A_1104 = tpu.memref_slice %arg3[%add3A_1102] : memref<1310720xi32, #tpu.memory_space<hbm>> -> memref<1024xi32, #tpu.memory_space<hbm>>
        tpu.enqueue_dma source(%dma_start3A_1104 : memref<1024xi32, #tpu.memory_space<hbm>>) target(%arg13 : memref<1024xi32, #tpu.memory_space<vmem>>) target_semaphore(%arg33 : memref<!tpu.dma_semaphore, #tpu.memory_space<semaphore_mem>>)
        %mul3A_1105 = arith.constant 8 : i32
        %mul3A_1106 = arith.muli %add3A_1095, %mul3A_1105 : i32
        %add3A_1107 = arith.addi %add3A_739, %mul3A_1106 : i32
        %dma_start3A_1108 = arith.constant 0 : i32
        %dma_start3A_1109 = tpu.memref_slice %arg4[%add3A_1107, %dma_start3A_1108] : memref<5120x128xi32, #tpu.memory_space<hbm>> -> memref<8x128xi32, #tpu.memory_space<hbm>>
        %dma_start3A_1110 = arith.constant 0 : i32
        %dma_start3A_1111 = tpu.memref_slice %arg4[%add3A_1107, %dma_start3A_1110] : memref<5120x128xi32, #tpu.memory_space<hbm>> -> memref<8x128xi32, #tpu.memory_space<hbm>>
        tpu.enqueue_dma source(%dma_start3A_1111 : memref<8x128xi32, #tpu.memory_space<hbm>>) target(%arg15 : memref<8x128xi32, #tpu.memory_space<vmem>>) target_semaphore(%arg33 : memref<!tpu.dma_semaphore, #tpu.memory_space<semaphore_mem>>)
      } else {
      }
      %scan3A_1093 = arith.constant 0 : i32
      scf.yield %scan3A_1093 : i32
    }
    %scan3A_844 = arith.constant 20 : i32
    %barrier3A_845 = arith.constant 0 : index
    tpu.barrier barrier_id(%barrier3A_845)
    %mul3A_846 = arith.constant 1280 : i32
    %mul3A_847 = arith.muli %arg1, %mul3A_846 : i32
    %mul3A_848 = arith.constant 1280 : i32
    %mul3A_849 = arith.muli %arg1, %mul3A_848 : i32
    "tpu.region"() ({
      %run_scoped3A = tpu.sem_alloc : memref<!tpu.dma_semaphore, #tpu.memory_space<semaphore_mem>>
      %dma_start3A_854 = arith.constant 0 : i32
      %dma_start3A_855 = tpu.memref_slice %arg8[%arg0, %mul3A_849, %dma_start3A_854] : memref<2x20480x32xf32, #tpu.memory_space<hbm>> -> memref<1x1280x32xf32, #tpu.memory_space<hbm>>
      %dma_start3A_856 = tpu.memref_squeeze %dma_start3A_855 : memref<1x1280x32xf32, #tpu.memory_space<hbm>> -> memref<1280x32xf32, #tpu.memory_space<hbm>>
      %dma_start3A_857 = arith.constant 0 : i32
      %dma_start3A_858 = tpu.memref_slice %arg26[%mul3A_847, %dma_start3A_857] : memref<20480x32xf32, #tpu.memory_space<vmem_shared>> -> memref<1280x32xf32, #tpu.memory_space<vmem_shared>>
      tpu.enqueue_dma source(%dma_start3A_858 : memref<1280x32xf32, #tpu.memory_space<vmem_shared>>) target(%dma_start3A_856 : memref<1280x32xf32, #tpu.memory_space<hbm>>) target_semaphore(%run_scoped3A : memref<!tpu.dma_semaphore, #tpu.memory_space<semaphore_mem>>)
      %dma_wait3A_859 = arith.constant 0 : i32
      %dma_wait3A_860 = tpu.memref_slice %arg8[%arg0, %mul3A_849, %dma_wait3A_859] : memref<2x20480x32xf32, #tpu.memory_space<hbm>> -> memref<1x1280x32xf32, #tpu.memory_space<hbm>>
      %dma_wait3A_861 = tpu.memref_squeeze %dma_wait3A_860 : memref<1x1280x32xf32, #tpu.memory_space<hbm>> -> memref<1280x32xf32, #tpu.memory_space<hbm>>
      %dma_wait3A_862 = arith.constant 0 : i32
      %dma_wait3A_863 = tpu.memref_slice %arg26[%mul3A_847, %dma_wait3A_862] : memref<20480x32xf32, #tpu.memory_space<vmem_shared>> -> memref<1280x32xf32, #tpu.memory_space<vmem_shared>>
      tpu.wait_dma2 semaphore(%run_scoped3A : memref<!tpu.dma_semaphore, #tpu.memory_space<semaphore_mem>>) src(%dma_wait3A_863 : memref<1280x32xf32, #tpu.memory_space<vmem_shared>>) dst(%dma_wait3A_861 : memref<1280x32xf32, #tpu.memory_space<hbm>>)
      tpu.yield
    }) : () -> ()
    %mul3A_850 = arith.constant 1280 : i32
    %mul3A_851 = arith.muli %arg1, %mul3A_850 : i32
    %mul3A_852 = arith.constant 1280 : i32
    %mul3A_853 = arith.muli %arg1, %mul3A_852 : i32
    "tpu.region"() ({
      %run_scoped3A = tpu.sem_alloc : memref<!tpu.dma_semaphore, #tpu.memory_space<semaphore_mem>>
      %dma_start3A_854 = tpu.memref_slice %arg9[%arg0, %mul3A_853] : memref<2x20480xf32, #tpu.memory_space<hbm>> -> memref<1x1280xf32, #tpu.memory_space<hbm>>
      %dma_start3A_855 = tpu.memref_squeeze %dma_start3A_854 : memref<1x1280xf32, #tpu.memory_space<hbm>> -> memref<1280xf32, #tpu.memory_space<hbm>>
      %dma_start3A_856 = tpu.memref_slice %arg27[%mul3A_851] : memref<20480xf32, #tpu.memory_space<vmem_shared>> -> memref<1280xf32, #tpu.memory_space<vmem_shared>>
      tpu.enqueue_dma source(%dma_start3A_856 : memref<1280xf32, #tpu.memory_space<vmem_shared>>) target(%dma_start3A_855 : memref<1280xf32, #tpu.memory_space<hbm>>) target_semaphore(%run_scoped3A : memref<!tpu.dma_semaphore, #tpu.memory_space<semaphore_mem>>)
      %dma_wait3A_857 = tpu.memref_slice %arg9[%arg0, %mul3A_853] : memref<2x20480xf32, #tpu.memory_space<hbm>> -> memref<1x1280xf32, #tpu.memory_space<hbm>>
      %dma_wait3A_858 = tpu.memref_squeeze %dma_wait3A_857 : memref<1x1280xf32, #tpu.memory_space<hbm>> -> memref<1280xf32, #tpu.memory_space<hbm>>
      %dma_wait3A_859 = tpu.memref_slice %arg27[%mul3A_851] : memref<20480xf32, #tpu.memory_space<vmem_shared>> -> memref<1280xf32, #tpu.memory_space<vmem_shared>>
      tpu.wait_dma2 semaphore(%run_scoped3A : memref<!tpu.dma_semaphore, #tpu.memory_space<semaphore_mem>>) src(%dma_wait3A_859 : memref<1280xf32, #tpu.memory_space<vmem_shared>>) dst(%dma_wait3A_858 : memref<1280xf32, #tpu.memory_space<hbm>>)
      tpu.yield
    }) : () -> ()
    return
  }
}

#map = affine_map<(d0, d1) -> (0)>
#map1 = affine_map<(d0, d1) -> (0, 0)>
#map2 = affine_map<(d0, d1) -> (0, 0, 0)>
module attributes {stable_mosaic.version = 14 : i64} {
  func.func @_sc_body(%arg0: i32, %arg1: i32, %arg2: memref<1310720xi32, #tpu.memory_space<hbm>>, %arg3: memref<1310720xi32, #tpu.memory_space<hbm>>, %arg4: memref<5120x128xi32, #tpu.memory_space<hbm>>, %arg5: memref<80000xf32, #tpu.memory_space<hbm>>, %arg6: memref<80000xf32, #tpu.memory_space<hbm>>, %arg7: memref<80000x32xf32, #tpu.memory_space<hbm>>, %arg8: memref<2x20480x32xf32, #tpu.memory_space<hbm>>, %arg9: memref<2x20480xf32, #tpu.memory_space<hbm>>, %arg10: memref<1024xi32, #tpu.memory_space<vmem>>, %arg11: memref<1024xi32, #tpu.memory_space<vmem>>, %arg12: memref<1024xi32, #tpu.memory_space<vmem>>, %arg13: memref<1024xi32, #tpu.memory_space<vmem>>, %arg14: memref<8x128xi32, #tpu.memory_space<vmem>>, %arg15: memref<8x128xi32, #tpu.memory_space<vmem>>, %arg16: memref<1024xf32, #tpu.memory_space<vmem>>, %arg17: memref<1024xf32, #tpu.memory_space<vmem>>, %arg18: memref<1024xf32, #tpu.memory_space<vmem>>, %arg19: memref<1024xf32, #tpu.memory_space<vmem>>, %arg20: memref<1024xf32, #tpu.memory_space<vmem>>, %arg21: memref<1024xf32, #tpu.memory_space<vmem>>, %arg22: memref<1024x32xf32, #tpu.memory_space<vmem>>, %arg23: memref<1024x32xf32, #tpu.memory_space<vmem>>, %arg24: memref<80x32xf32, #tpu.memory_space<vmem>>, %arg25: memref<1280xf32, #tpu.memory_space<vmem>>, %arg26: memref<20480x32xf32, #tpu.memory_space<vmem_shared>>, %arg27: memref<20480xf32, #tpu.memory_space<vmem_shared>>, %arg28: memref<!tpu.dma_semaphore, #tpu.memory_space<semaphore_mem>>, %arg29: memref<!tpu.dma_semaphore, #tpu.memory_space<semaphore_mem>>, %arg30: memref<!tpu.dma_semaphore, #tpu.memory_space<semaphore_mem>>, %arg31: memref<!tpu.dma_semaphore, #tpu.memory_space<semaphore_mem>>, %arg32: memref<!tpu.dma_semaphore, #tpu.memory_space<semaphore_mem>>, %arg33: memref<!tpu.dma_semaphore, #tpu.memory_space<semaphore_mem>>) attributes {dimension_semantics = [#tpu.dimension_semantics<core_parallel>, #tpu.dimension_semantics<subcore_parallel>], iteration_bounds = array<i64: 2, 16>, scalar_prefetch = 0 : i64, scratch_operands = 24 : i64, tpu.core_type = #tpu.core_type<sc_vector_subcore>, window_params = [{transform_indices = #map}, {transform_indices = #map}, {transform_indices = #map1}, {transform_indices = #map}, {transform_indices = #map}, {transform_indices = #map1}, {transform_indices = #map2}, {transform_indices = #map1}]} {
    %rem3A = arith.constant 2 : i32
    %rem3A_0 = arith.remsi %arg1, %rem3A : i32
    %mul3A = arith.constant 2 : i32
    %mul3A_1 = arith.muli %mul3A, %arg0 : i32
    %add3A = arith.addi %mul3A_1, %rem3A_0 : i32
    %div3A = arith.constant 2 : i32
    %div3A_2 = arith.divsi %arg1, %div3A : i32
    %broadcast_in_dim3A = arith.constant 0.000000e+00 : f32
    %broadcast_in_dim3A_3 = vector.broadcast %broadcast_in_dim3A : f32 to vector<16xf32>
    %swap3A = arith.constant 0 : i32
    %swap3A_4 = arith.index_cast %swap3A : i32 to index
    %swap3A_5 = arith.constant 0 : index
    %swap3A_6 = tpu.vector_load %arg24[%swap3A_4, %swap3A_5] {strides = array<i32>} : memref<80x32xf32, #tpu.memory_space<vmem>>, vector<16xf32>,
    tpu.vector_store %arg24[%swap3A_4, %swap3A_5], %broadcast_in_dim3A_3 {strides = array<i32>} : memref<80x32xf32, #tpu.memory_space<vmem>>, vector<16xf32>,
    %swap3A_7 = arith.constant 0 : i32
    %swap3A_8 = arith.index_cast %swap3A_7 : i32 to index
    %swap3A_9 = arith.constant 16 : index
    %swap3A_10 = tpu.vector_load %arg24[%swap3A_8, %swap3A_9] {strides = array<i32>} : memref<80x32xf32, #tpu.memory_space<vmem>>, vector<16xf32>,
    tpu.vector_store %arg24[%swap3A_8, %swap3A_9], %broadcast_in_dim3A_3 {strides = array<i32>} : memref<80x32xf32, #tpu.memory_space<vmem>>, vector<16xf32>,
    %swap3A_11 = arith.constant 1 : i32
    %swap3A_12 = arith.index_cast %swap3A_11 : i32 to index
    %swap3A_13 = arith.constant 0 : index
    %swap3A_14 = tpu.vector_load %arg24[%swap3A_12, %swap3A_13] {strides = array<i32>} : memref<80x32xf32, #tpu.memory_space<vmem>>, vector<16xf32>,
    tpu.vector_store %arg24[%swap3A_12, %swap3A_13], %broadcast_in_dim3A_3 {strides = array<i32>} : memref<80x32xf32, #tpu.memory_space<vmem>>, vector<16xf32>,
    %swap3A_15 = arith.constant 1 : i32
    %swap3A_16 = arith.index_cast %swap3A_15 : i32 to index
    %swap3A_17 = arith.constant 16 : index
    %swap3A_18 = tpu.vector_load %arg24[%swap3A_16, %swap3A_17] {strides = array<i32>} : memref<80x32xf32, #tpu.memory_space<vmem>>, vector<16xf32>,
    tpu.vector_store %arg24[%swap3A_16, %swap3A_17], %broadcast_in_dim3A_3 {strides = array<i32>} : memref<80x32xf32, #tpu.memory_space<vmem>>, vector<16xf32>,
    %swap3A_19 = arith.constant 2 : i32
    %swap3A_20 = arith.index_cast %swap3A_19 : i32 to index
    %swap3A_21 = arith.constant 0 : index
    %swap3A_22 = tpu.vector_load %arg24[%swap3A_20, %swap3A_21] {strides = array<i32>} : memref<80x32xf32, #tpu.memory_space<vmem>>, vector<16xf32>,
    tpu.vector_store %arg24[%swap3A_20, %swap3A_21], %broadcast_in_dim3A_3 {strides = array<i32>} : memref<80x32xf32, #tpu.memory_space<vmem>>, vector<16xf32>,
    %swap3A_23 = arith.constant 2 : i32
    %swap3A_24 = arith.index_cast %swap3A_23 : i32 to index
    %swap3A_25 = arith.constant 16 : index
    %swap3A_26 = tpu.vector_load %arg24[%swap3A_24, %swap3A_25] {strides = array<i32>} : memref<80x32xf32, #tpu.memory_space<vmem>>, vector<16xf32>,
    tpu.vector_store %arg24[%swap3A_24, %swap3A_25], %broadcast_in_dim3A_3 {strides = array<i32>} : memref<80x32xf32, #tpu.memory_space<vmem>>, vector<16xf32>,
    %swap3A_27 = arith.constant 3 : i32
    %swap3A_28 = arith.index_cast %swap3A_27 : i32 to index
    %swap3A_29 = arith.constant 0 : index
    %swap3A_30 = tpu.vector_load %arg24[%swap3A_28, %swap3A_29] {strides = array<i32>} : memref<80x32xf32, #tpu.memory_space<vmem>>, vector<16xf32>,
    tpu.vector_store %arg24[%swap3A_28, %swap3A_29], %broadcast_in_dim3A_3 {strides = array<i32>} : memref<80x32xf32, #tpu.memory_space<vmem>>, vector<16xf32>,
    %swap3A_31 = arith.constant 3 : i32
    %swap3A_32 = arith.index_cast %swap3A_31 : i32 to index
    %swap3A_33 = arith.constant 16 : index
    %swap3A_34 = tpu.vector_load %arg24[%swap3A_32, %swap3A_33] {strides = array<i32>} : memref<80x32xf32, #tpu.memory_space<vmem>>, vector<16xf32>,
    tpu.vector_store %arg24[%swap3A_32, %swap3A_33], %broadcast_in_dim3A_3 {strides = array<i32>} : memref<80x32xf32, #tpu.memory_space<vmem>>, vector<16xf32>,
    %swap3A_35 = arith.constant 4 : i32
    %swap3A_36 = arith.index_cast %swap3A_35 : i32 to index
    %swap3A_37 = arith.constant 0 : index
    %swap3A_38 = tpu.vector_load %arg24[%swap3A_36, %swap3A_37] {strides = array<i32>} : memref<80x32xf32, #tpu.memory_space<vmem>>, vector<16xf32>,
    tpu.vector_store %arg24[%swap3A_36, %swap3A_37], %broadcast_in_dim3A_3 {strides = array<i32>} : memref<80x32xf32, #tpu.memory_space<vmem>>, vector<16xf32>,
    %swap3A_39 = arith.constant 4 : i32
    %swap3A_40 = arith.index_cast %swap3A_39 : i32 to index
    %swap3A_41 = arith.constant 16 : index
    %swap3A_42 = tpu.vector_load %arg24[%swap3A_40, %swap3A_41] {strides = array<i32>} : memref<80x32xf32, #tpu.memory_space<vmem>>, vector<16xf32>,
    tpu.vector_store %arg24[%swap3A_40, %swap3A_41], %broadcast_in_dim3A_3 {strides = array<i32>} : memref<80x32xf32, #tpu.memory_space<vmem>>, vector<16xf32>,
    %swap3A_43 = arith.constant 5 : i32
    %swap3A_44 = arith.index_cast %swap3A_43 : i32 to index
    %swap3A_45 = arith.constant 0 : index
    %swap3A_46 = tpu.vector_load %arg24[%swap3A_44, %swap3A_45] {strides = array<i32>} : memref<80x32xf32, #tpu.memory_space<vmem>>, vector<16xf32>,
    tpu.vector_store %arg24[%swap3A_44, %swap3A_45], %broadcast_in_dim3A_3 {strides = array<i32>} : memref<80x32xf32, #tpu.memory_space<vmem>>, vector<16xf32>,
    %swap3A_47 = arith.constant 5 : i32
    %swap3A_48 = arith.index_cast %swap3A_47 : i32 to index
    %swap3A_49 = arith.constant 16 : index
    %swap3A_50 = tpu.vector_load %arg24[%swap3A_48, %swap3A_49] {strides = array<i32>} : memref<80x32xf32, #tpu.memory_space<vmem>>, vector<16xf32>,
    tpu.vector_store %arg24[%swap3A_48, %swap3A_49], %broadcast_in_dim3A_3 {strides = array<i32>} : memref<80x32xf32, #tpu.memory_space<vmem>>, vector<16xf32>,
    %swap3A_51 = arith.constant 6 : i32
    %swap3A_52 = arith.index_cast %swap3A_51 : i32 to index
    %swap3A_53 = arith.constant 0 : index
    %swap3A_54 = tpu.vector_load %arg24[%swap3A_52, %swap3A_53] {strides = array<i32>} : memref<80x32xf32, #tpu.memory_space<vmem>>, vector<16xf32>,
    tpu.vector_store %arg24[%swap3A_52, %swap3A_53], %broadcast_in_dim3A_3 {strides = array<i32>} : memref<80x32xf32, #tpu.memory_space<vmem>>, vector<16xf32>,
    %swap3A_55 = arith.constant 6 : i32
    %swap3A_56 = arith.index_cast %swap3A_55 : i32 to index
    %swap3A_57 = arith.constant 16 : index
    %swap3A_58 = tpu.vector_load %arg24[%swap3A_56, %swap3A_57] {strides = array<i32>} : memref<80x32xf32, #tpu.memory_space<vmem>>, vector<16xf32>,
    tpu.vector_store %arg24[%swap3A_56, %swap3A_57], %broadcast_in_dim3A_3 {strides = array<i32>} : memref<80x32xf32, #tpu.memory_space<vmem>>, vector<16xf32>,
    %swap3A_59 = arith.constant 7 : i32
    %swap3A_60 = arith.index_cast %swap3A_59 : i32 to index
    %swap3A_61 = arith.constant 0 : index
    %swap3A_62 = tpu.vector_load %arg24[%swap3A_60, %swap3A_61] {strides = array<i32>} : memref<80x32xf32, #tpu.memory_space<vmem>>, vector<16xf32>,
    tpu.vector_store %arg24[%swap3A_60, %swap3A_61], %broadcast_in_dim3A_3 {strides = array<i32>} : memref<80x32xf32, #tpu.memory_space<vmem>>, vector<16xf32>,
    %swap3A_63 = arith.constant 7 : i32
    %swap3A_64 = arith.index_cast %swap3A_63 : i32 to index
    %swap3A_65 = arith.constant 16 : index
    %swap3A_66 = tpu.vector_load %arg24[%swap3A_64, %swap3A_65] {strides = array<i32>} : memref<80x32xf32, #tpu.memory_space<vmem>>, vector<16xf32>,
    tpu.vector_store %arg24[%swap3A_64, %swap3A_65], %broadcast_in_dim3A_3 {strides = array<i32>} : memref<80x32xf32, #tpu.memory_space<vmem>>, vector<16xf32>,
    %swap3A_67 = arith.constant 8 : i32
    %swap3A_68 = arith.index_cast %swap3A_67 : i32 to index
    %swap3A_69 = arith.constant 0 : index
    %swap3A_70 = tpu.vector_load %arg24[%swap3A_68, %swap3A_69] {strides = array<i32>} : memref<80x32xf32, #tpu.memory_space<vmem>>, vector<16xf32>,
    tpu.vector_store %arg24[%swap3A_68, %swap3A_69], %broadcast_in_dim3A_3 {strides = array<i32>} : memref<80x32xf32, #tpu.memory_space<vmem>>, vector<16xf32>,
    %swap3A_71 = arith.constant 8 : i32
    %swap3A_72 = arith.index_cast %swap3A_71 : i32 to index
    %swap3A_73 = arith.constant 16 : index
    %swap3A_74 = tpu.vector_load %arg24[%swap3A_72, %swap3A_73] {strides = array<i32>} : memref<80x32xf32, #tpu.memory_space<vmem>>, vector<16xf32>,
    tpu.vector_store %arg24[%swap3A_72, %swap3A_73], %broadcast_in_dim3A_3 {strides = array<i32>} : memref<80x32xf32, #tpu.memory_space<vmem>>, vector<16xf32>,
    %swap3A_75 = arith.constant 9 : i32
    %swap3A_76 = arith.index_cast %swap3A_75 : i32 to index
    %swap3A_77 = arith.constant 0 : index
    %swap3A_78 = tpu.vector_load %arg24[%swap3A_76, %swap3A_77] {strides = array<i32>} : memref<80x32xf32, #tpu.memory_space<vmem>>, vector<16xf32>,
    tpu.vector_store %arg24[%swap3A_76, %swap3A_77], %broadcast_in_dim3A_3 {strides = array<i32>} : memref<80x32xf32, #tpu.memory_space<vmem>>, vector<16xf32>,
    %swap3A_79 = arith.constant 9 : i32
    %swap3A_80 = arith.index_cast %swap3A_79 : i32 to index
    %swap3A_81 = arith.constant 16 : index
    %swap3A_82 = tpu.vector_load %arg24[%swap3A_80, %swap3A_81] {strides = array<i32>} : memref<80x32xf32, #tpu.memory_space<vmem>>, vector<16xf32>,
    tpu.vector_store %arg24[%swap3A_80, %swap3A_81], %broadcast_in_dim3A_3 {strides = array<i32>} : memref<80x32xf32, #tpu.memory_space<vmem>>, vector<16xf32>,
    %swap3A_83 = arith.constant 10 : i32
    %swap3A_84 = arith.index_cast %swap3A_83 : i32 to index
    %swap3A_85 = arith.constant 0 : index
    %swap3A_86 = tpu.vector_load %arg24[%swap3A_84, %swap3A_85] {strides = array<i32>} : memref<80x32xf32, #tpu.memory_space<vmem>>, vector<16xf32>,
    tpu.vector_store %arg24[%swap3A_84, %swap3A_85], %broadcast_in_dim3A_3 {strides = array<i32>} : memref<80x32xf32, #tpu.memory_space<vmem>>, vector<16xf32>,
    %swap3A_87 = arith.constant 10 : i32
    %swap3A_88 = arith.index_cast %swap3A_87 : i32 to index
    %swap3A_89 = arith.constant 16 : index
    %swap3A_90 = tpu.vector_load %arg24[%swap3A_88, %swap3A_89] {strides = array<i32>} : memref<80x32xf32, #tpu.memory_space<vmem>>, vector<16xf32>,
    tpu.vector_store %arg24[%swap3A_88, %swap3A_89], %broadcast_in_dim3A_3 {strides = array<i32>} : memref<80x32xf32, #tpu.memory_space<vmem>>, vector<16xf32>,
    %swap3A_91 = arith.constant 11 : i32
    %swap3A_92 = arith.index_cast %swap3A_91 : i32 to index
    %swap3A_93 = arith.constant 0 : index
    %swap3A_94 = tpu.vector_load %arg24[%swap3A_92, %swap3A_93] {strides = array<i32>} : memref<80x32xf32, #tpu.memory_space<vmem>>, vector<16xf32>,
    tpu.vector_store %arg24[%swap3A_92, %swap3A_93], %broadcast_in_dim3A_3 {strides = array<i32>} : memref<80x32xf32, #tpu.memory_space<vmem>>, vector<16xf32>,
    %swap3A_95 = arith.constant 11 : i32
    %swap3A_96 = arith.index_cast %swap3A_95 : i32 to index
    %swap3A_97 = arith.constant 16 : index
    %swap3A_98 = tpu.vector_load %arg24[%swap3A_96, %swap3A_97] {strides = array<i32>} : memref<80x32xf32, #tpu.memory_space<vmem>>, vector<16xf32>,
    tpu.vector_store %arg24[%swap3A_96, %swap3A_97], %broadcast_in_dim3A_3 {strides = array<i32>} : memref<80x32xf32, #tpu.memory_space<vmem>>, vector<16xf32>,
    %swap3A_99 = arith.constant 12 : i32
    %swap3A_100 = arith.index_cast %swap3A_99 : i32 to index
    %swap3A_101 = arith.constant 0 : index
    %swap3A_102 = tpu.vector_load %arg24[%swap3A_100, %swap3A_101] {strides = array<i32>} : memref<80x32xf32, #tpu.memory_space<vmem>>, vector<16xf32>,
    tpu.vector_store %arg24[%swap3A_100, %swap3A_101], %broadcast_in_dim3A_3 {strides = array<i32>} : memref<80x32xf32, #tpu.memory_space<vmem>>, vector<16xf32>,
    %swap3A_103 = arith.constant 12 : i32
    %swap3A_104 = arith.index_cast %swap3A_103 : i32 to index
    %swap3A_105 = arith.constant 16 : index
    %swap3A_106 = tpu.vector_load %arg24[%swap3A_104, %swap3A_105] {strides = array<i32>} : memref<80x32xf32, #tpu.memory_space<vmem>>, vector<16xf32>,
    tpu.vector_store %arg24[%swap3A_104, %swap3A_105], %broadcast_in_dim3A_3 {strides = array<i32>} : memref<80x32xf32, #tpu.memory_space<vmem>>, vector<16xf32>,
    %swap3A_107 = arith.constant 13 : i32
    %swap3A_108 = arith.index_cast %swap3A_107 : i32 to index
    %swap3A_109 = arith.constant 0 : index
    %swap3A_110 = tpu.vector_load %arg24[%swap3A_108, %swap3A_109] {strides = array<i32>} : memref<80x32xf32, #tpu.memory_space<vmem>>, vector<16xf32>,
    tpu.vector_store %arg24[%swap3A_108, %swap3A_109], %broadcast_in_dim3A_3 {strides = array<i32>} : memref<80x32xf32, #tpu.memory_space<vmem>>, vector<16xf32>,
    %swap3A_111 = arith.constant 13 : i32
    %swap3A_112 = arith.index_cast %swap3A_111 : i32 to index
    %swap3A_113 = arith.constant 16 : index
    %swap3A_114 = tpu.vector_load %arg24[%swap3A_112, %swap3A_113] {strides = array<i32>} : memref<80x32xf32, #tpu.memory_space<vmem>>, vector<16xf32>,
    tpu.vector_store %arg24[%swap3A_112, %swap3A_113], %broadcast_in_dim3A_3 {strides = array<i32>} : memref<80x32xf32, #tpu.memory_space<vmem>>, vector<16xf32>,
    %swap3A_115 = arith.constant 14 : i32
    %swap3A_116 = arith.index_cast %swap3A_115 : i32 to index
    %swap3A_117 = arith.constant 0 : index
    %swap3A_118 = tpu.vector_load %arg24[%swap3A_116, %swap3A_117] {strides = array<i32>} : memref<80x32xf32, #tpu.memory_space<vmem>>, vector<16xf32>,
    tpu.vector_store %arg24[%swap3A_116, %swap3A_117], %broadcast_in_dim3A_3 {strides = array<i32>} : memref<80x32xf32, #tpu.memory_space<vmem>>, vector<16xf32>,
    %swap3A_119 = arith.constant 14 : i32
    %swap3A_120 = arith.index_cast %swap3A_119 : i32 to index
    %swap3A_121 = arith.constant 16 : index
    %swap3A_122 = tpu.vector_load %arg24[%swap3A_120, %swap3A_121] {strides = array<i32>} : memref<80x32xf32, #tpu.memory_space<vmem>>, vector<16xf32>,
    tpu.vector_store %arg24[%swap3A_120, %swap3A_121], %broadcast_in_dim3A_3 {strides = array<i32>} : memref<80x32xf32, #tpu.memory_space<vmem>>, vector<16xf32>,
    %swap3A_123 = arith.constant 15 : i32
    %swap3A_124 = arith.index_cast %swap3A_123 : i32 to index
    %swap3A_125 = arith.constant 0 : index
    %swap3A_126 = tpu.vector_load %arg24[%swap3A_124, %swap3A_125] {strides = array<i32>} : memref<80x32xf32, #tpu.memory_space<vmem>>, vector<16xf32>,
    tpu.vector_store %arg24[%swap3A_124, %swap3A_125], %broadcast_in_dim3A_3 {strides = array<i32>} : memref<80x32xf32, #tpu.memory_space<vmem>>, vector<16xf32>,
    %swap3A_127 = arith.constant 15 : i32
    %swap3A_128 = arith.index_cast %swap3A_127 : i32 to index
    %swap3A_129 = arith.constant 16 : index
    %swap3A_130 = tpu.vector_load %arg24[%swap3A_128, %swap3A_129] {strides = array<i32>} : memref<80x32xf32, #tpu.memory_space<vmem>>, vector<16xf32>,
    tpu.vector_store %arg24[%swap3A_128, %swap3A_129], %broadcast_in_dim3A_3 {strides = array<i32>} : memref<80x32xf32, #tpu.memory_space<vmem>>, vector<16xf32>,
    %swap3A_131 = arith.constant 16 : i32
    %swap3A_132 = arith.index_cast %swap3A_131 : i32 to index
    %swap3A_133 = arith.constant 0 : index
    %swap3A_134 = tpu.vector_load %arg24[%swap3A_132, %swap3A_133] {strides = array<i32>} : memref<80x32xf32, #tpu.memory_space<vmem>>, vector<16xf32>,
    tpu.vector_store %arg24[%swap3A_132, %swap3A_133], %broadcast_in_dim3A_3 {strides = array<i32>} : memref<80x32xf32, #tpu.memory_space<vmem>>, vector<16xf32>,
    %swap3A_135 = arith.constant 16 : i32
    %swap3A_136 = arith.index_cast %swap3A_135 : i32 to index
    %swap3A_137 = arith.constant 16 : index
    %swap3A_138 = tpu.vector_load %arg24[%swap3A_136, %swap3A_137] {strides = array<i32>} : memref<80x32xf32, #tpu.memory_space<vmem>>, vector<16xf32>,
    tpu.vector_store %arg24[%swap3A_136, %swap3A_137], %broadcast_in_dim3A_3 {strides = array<i32>} : memref<80x32xf32, #tpu.memory_space<vmem>>, vector<16xf32>,
    %swap3A_139 = arith.constant 17 : i32
    %swap3A_140 = arith.index_cast %swap3A_139 : i32 to index
    %swap3A_141 = arith.constant 0 : index
    %swap3A_142 = tpu.vector_load %arg24[%swap3A_140, %swap3A_141] {strides = array<i32>} : memref<80x32xf32, #tpu.memory_space<vmem>>, vector<16xf32>,
    tpu.vector_store %arg24[%swap3A_140, %swap3A_141], %broadcast_in_dim3A_3 {strides = array<i32>} : memref<80x32xf32, #tpu.memory_space<vmem>>, vector<16xf32>,
    %swap3A_143 = arith.constant 17 : i32
    %swap3A_144 = arith.index_cast %swap3A_143 : i32 to index
    %swap3A_145 = arith.constant 16 : index
    %swap3A_146 = tpu.vector_load %arg24[%swap3A_144, %swap3A_145] {strides = array<i32>} : memref<80x32xf32, #tpu.memory_space<vmem>>, vector<16xf32>,
    tpu.vector_store %arg24[%swap3A_144, %swap3A_145], %broadcast_in_dim3A_3 {strides = array<i32>} : memref<80x32xf32, #tpu.memory_space<vmem>>, vector<16xf32>,
    %swap3A_147 = arith.constant 18 : i32
    %swap3A_148 = arith.index_cast %swap3A_147 : i32 to index
    %swap3A_149 = arith.constant 0 : index
    %swap3A_150 = tpu.vector_load %arg24[%swap3A_148, %swap3A_149] {strides = array<i32>} : memref<80x32xf32, #tpu.memory_space<vmem>>, vector<16xf32>,
    tpu.vector_store %arg24[%swap3A_148, %swap3A_149], %broadcast_in_dim3A_3 {strides = array<i32>} : memref<80x32xf32, #tpu.memory_space<vmem>>, vector<16xf32>,
    %swap3A_151 = arith.constant 18 : i32
    %swap3A_152 = arith.index_cast %swap3A_151 : i32 to index
    %swap3A_153 = arith.constant 16 : index
    %swap3A_154 = tpu.vector_load %arg24[%swap3A_152, %swap3A_153] {strides = array<i32>} : memref<80x32xf32, #tpu.memory_space<vmem>>, vector<16xf32>,
    tpu.vector_store %arg24[%swap3A_152, %swap3A_153], %broadcast_in_dim3A_3 {strides = array<i32>} : memref<80x32xf32, #tpu.memory_space<vmem>>, vector<16xf32>,
    %swap3A_155 = arith.constant 19 : i32
    %swap3A_156 = arith.index_cast %swap3A_155 : i32 to index
    %swap3A_157 = arith.constant 0 : index
    %swap3A_158 = tpu.vector_load %arg24[%swap3A_156, %swap3A_157] {strides = array<i32>} : memref<80x32xf32, #tpu.memory_space<vmem>>, vector<16xf32>,
    tpu.vector_store %arg24[%swap3A_156, %swap3A_157], %broadcast_in_dim3A_3 {strides = array<i32>} : memref<80x32xf32, #tpu.memory_space<vmem>>, vector<16xf32>,
    %swap3A_159 = arith.constant 19 : i32
    %swap3A_160 = arith.index_cast %swap3A_159 : i32 to index
    %swap3A_161 = arith.constant 16 : index
    %swap3A_162 = tpu.vector_load %arg24[%swap3A_160, %swap3A_161] {strides = array<i32>} : memref<80x32xf32, #tpu.memory_space<vmem>>, vector<16xf32>,
    tpu.vector_store %arg24[%swap3A_160, %swap3A_161], %broadcast_in_dim3A_3 {strides = array<i32>} : memref<80x32xf32, #tpu.memory_space<vmem>>, vector<16xf32>,
    %swap3A_163 = arith.constant 20 : i32
    %swap3A_164 = arith.index_cast %swap3A_163 : i32 to index
    %swap3A_165 = arith.constant 0 : index
    %swap3A_166 = tpu.vector_load %arg24[%swap3A_164, %swap3A_165] {strides = array<i32>} : memref<80x32xf32, #tpu.memory_space<vmem>>, vector<16xf32>,
    tpu.vector_store %arg24[%swap3A_164, %swap3A_165], %broadcast_in_dim3A_3 {strides = array<i32>} : memref<80x32xf32, #tpu.memory_space<vmem>>, vector<16xf32>,
    %swap3A_167 = arith.constant 20 : i32
    %swap3A_168 = arith.index_cast %swap3A_167 : i32 to index
    %swap3A_169 = arith.constant 16 : index
    %swap3A_170 = tpu.vector_load %arg24[%swap3A_168, %swap3A_169] {strides = array<i32>} : memref<80x32xf32, #tpu.memory_space<vmem>>, vector<16xf32>,
    tpu.vector_store %arg24[%swap3A_168, %swap3A_169], %broadcast_in_dim3A_3 {strides = array<i32>} : memref<80x32xf32, #tpu.memory_space<vmem>>, vector<16xf32>,
    %swap3A_171 = arith.constant 21 : i32
    %swap3A_172 = arith.index_cast %swap3A_171 : i32 to index
    %swap3A_173 = arith.constant 0 : index
    %swap3A_174 = tpu.vector_load %arg24[%swap3A_172, %swap3A_173] {strides = array<i32>} : memref<80x32xf32, #tpu.memory_space<vmem>>, vector<16xf32>,
    tpu.vector_store %arg24[%swap3A_172, %swap3A_173], %broadcast_in_dim3A_3 {strides = array<i32>} : memref<80x32xf32, #tpu.memory_space<vmem>>, vector<16xf32>,
    %swap3A_175 = arith.constant 21 : i32
    %swap3A_176 = arith.index_cast %swap3A_175 : i32 to index
    %swap3A_177 = arith.constant 16 : index
    %swap3A_178 = tpu.vector_load %arg24[%swap3A_176, %swap3A_177] {strides = array<i32>} : memref<80x32xf32, #tpu.memory_space<vmem>>, vector<16xf32>,
    tpu.vector_store %arg24[%swap3A_176, %swap3A_177], %broadcast_in_dim3A_3 {strides = array<i32>} : memref<80x32xf32, #tpu.memory_space<vmem>>, vector<16xf32>,
    %swap3A_179 = arith.constant 22 : i32
    %swap3A_180 = arith.index_cast %swap3A_179 : i32 to index
    %swap3A_181 = arith.constant 0 : index
    %swap3A_182 = tpu.vector_load %arg24[%swap3A_180, %swap3A_181] {strides = array<i32>} : memref<80x32xf32, #tpu.memory_space<vmem>>, vector<16xf32>,
    tpu.vector_store %arg24[%swap3A_180, %swap3A_181], %broadcast_in_dim3A_3 {strides = array<i32>} : memref<80x32xf32, #tpu.memory_space<vmem>>, vector<16xf32>,
    %swap3A_183 = arith.constant 22 : i32
    %swap3A_184 = arith.index_cast %swap3A_183 : i32 to index
    %swap3A_185 = arith.constant 16 : index
    %swap3A_186 = tpu.vector_load %arg24[%swap3A_184, %swap3A_185] {strides = array<i32>} : memref<80x32xf32, #tpu.memory_space<vmem>>, vector<16xf32>,
    tpu.vector_store %arg24[%swap3A_184, %swap3A_185], %broadcast_in_dim3A_3 {strides = array<i32>} : memref<80x32xf32, #tpu.memory_space<vmem>>, vector<16xf32>,
    %swap3A_187 = arith.constant 23 : i32
    %swap3A_188 = arith.index_cast %swap3A_187 : i32 to index
    %swap3A_189 = arith.constant 0 : index
    %swap3A_190 = tpu.vector_load %arg24[%swap3A_188, %swap3A_189] {strides = array<i32>} : memref<80x32xf32, #tpu.memory_space<vmem>>, vector<16xf32>,
    tpu.vector_store %arg24[%swap3A_188, %swap3A_189], %broadcast_in_dim3A_3 {strides = array<i32>} : memref<80x32xf32, #tpu.memory_space<vmem>>, vector<16xf32>,
    %swap3A_191 = arith.constant 23 : i32
    %swap3A_192 = arith.index_cast %swap3A_191 : i32 to index
    %swap3A_193 = arith.constant 16 : index
    %swap3A_194 = tpu.vector_load %arg24[%swap3A_192, %swap3A_193] {strides = array<i32>} : memref<80x32xf32, #tpu.memory_space<vmem>>, vector<16xf32>,
    tpu.vector_store %arg24[%swap3A_192, %swap3A_193], %broadcast_in_dim3A_3 {strides = array<i32>} : memref<80x32xf32, #tpu.memory_space<vmem>>, vector<16xf32>,
    %swap3A_195 = arith.constant 24 : i32
    %swap3A_196 = arith.index_cast %swap3A_195 : i32 to index
    %swap3A_197 = arith.constant 0 : index
    %swap3A_198 = tpu.vector_load %arg24[%swap3A_196, %swap3A_197] {strides = array<i32>} : memref<80x32xf32, #tpu.memory_space<vmem>>, vector<16xf32>,
    tpu.vector_store %arg24[%swap3A_196, %swap3A_197], %broadcast_in_dim3A_3 {strides = array<i32>} : memref<80x32xf32, #tpu.memory_space<vmem>>, vector<16xf32>,
    %swap3A_199 = arith.constant 24 : i32
    %swap3A_200 = arith.index_cast %swap3A_199 : i32 to index
    %swap3A_201 = arith.constant 16 : index
    %swap3A_202 = tpu.vector_load %arg24[%swap3A_200, %swap3A_201] {strides = array<i32>} : memref<80x32xf32, #tpu.memory_space<vmem>>, vector<16xf32>,
    tpu.vector_store %arg24[%swap3A_200, %swap3A_201], %broadcast_in_dim3A_3 {strides = array<i32>} : memref<80x32xf32, #tpu.memory_space<vmem>>, vector<16xf32>,
    %swap3A_203 = arith.constant 25 : i32
    %swap3A_204 = arith.index_cast %swap3A_203 : i32 to index
    %swap3A_205 = arith.constant 0 : index
    %swap3A_206 = tpu.vector_load %arg24[%swap3A_204, %swap3A_205] {strides = array<i32>} : memref<80x32xf32, #tpu.memory_space<vmem>>, vector<16xf32>,
    tpu.vector_store %arg24[%swap3A_204, %swap3A_205], %broadcast_in_dim3A_3 {strides = array<i32>} : memref<80x32xf32, #tpu.memory_space<vmem>>, vector<16xf32>,
    %swap3A_207 = arith.constant 25 : i32
    %swap3A_208 = arith.index_cast %swap3A_207 : i32 to index
    %swap3A_209 = arith.constant 16 : index
    %swap3A_210 = tpu.vector_load %arg24[%swap3A_208, %swap3A_209] {strides = array<i32>} : memref<80x32xf32, #tpu.memory_space<vmem>>, vector<16xf32>,
    tpu.vector_store %arg24[%swap3A_208, %swap3A_209], %broadcast_in_dim3A_3 {strides = array<i32>} : memref<80x32xf32, #tpu.memory_space<vmem>>, vector<16xf32>,
    %swap3A_211 = arith.constant 26 : i32
    %swap3A_212 = arith.index_cast %swap3A_211 : i32 to index
    %swap3A_213 = arith.constant 0 : index
    %swap3A_214 = tpu.vector_load %arg24[%swap3A_212, %swap3A_213] {strides = array<i32>} : memref<80x32xf32, #tpu.memory_space<vmem>>, vector<16xf32>,
    tpu.vector_store %arg24[%swap3A_212, %swap3A_213], %broadcast_in_dim3A_3 {strides = array<i32>} : memref<80x32xf32, #tpu.memory_space<vmem>>, vector<16xf32>,
    %swap3A_215 = arith.constant 26 : i32
    %swap3A_216 = arith.index_cast %swap3A_215 : i32 to index
    %swap3A_217 = arith.constant 16 : index
    %swap3A_218 = tpu.vector_load %arg24[%swap3A_216, %swap3A_217] {strides = array<i32>} : memref<80x32xf32, #tpu.memory_space<vmem>>, vector<16xf32>,
    tpu.vector_store %arg24[%swap3A_216, %swap3A_217], %broadcast_in_dim3A_3 {strides = array<i32>} : memref<80x32xf32, #tpu.memory_space<vmem>>, vector<16xf32>,
    %swap3A_219 = arith.constant 27 : i32
    %swap3A_220 = arith.index_cast %swap3A_219 : i32 to index
    %swap3A_221 = arith.constant 0 : index
    %swap3A_222 = tpu.vector_load %arg24[%swap3A_220, %swap3A_221] {strides = array<i32>} : memref<80x32xf32, #tpu.memory_space<vmem>>, vector<16xf32>,
    tpu.vector_store %arg24[%swap3A_220, %swap3A_221], %broadcast_in_dim3A_3 {strides = array<i32>} : memref<80x32xf32, #tpu.memory_space<vmem>>, vector<16xf32>,
    %swap3A_223 = arith.constant 27 : i32
    %swap3A_224 = arith.index_cast %swap3A_223 : i32 to index
    %swap3A_225 = arith.constant 16 : index
    %swap3A_226 = tpu.vector_load %arg24[%swap3A_224, %swap3A_225] {strides = array<i32>} : memref<80x32xf32, #tpu.memory_space<vmem>>, vector<16xf32>,
    tpu.vector_store %arg24[%swap3A_224, %swap3A_225], %broadcast_in_dim3A_3 {strides = array<i32>} : memref<80x32xf32, #tpu.memory_space<vmem>>, vector<16xf32>,
    %swap3A_227 = arith.constant 28 : i32
    %swap3A_228 = arith.index_cast %swap3A_227 : i32 to index
    %swap3A_229 = arith.constant 0 : index
    %swap3A_230 = tpu.vector_load %arg24[%swap3A_228, %swap3A_229] {strides = array<i32>} : memref<80x32xf32, #tpu.memory_space<vmem>>, vector<16xf32>,
    tpu.vector_store %arg24[%swap3A_228, %swap3A_229], %broadcast_in_dim3A_3 {strides = array<i32>} : memref<80x32xf32, #tpu.memory_space<vmem>>, vector<16xf32>,
    %swap3A_231 = arith.constant 28 : i32
    %swap3A_232 = arith.index_cast %swap3A_231 : i32 to index
    %swap3A_233 = arith.constant 16 : index
    %swap3A_234 = tpu.vector_load %arg24[%swap3A_232, %swap3A_233] {strides = array<i32>} : memref<80x32xf32, #tpu.memory_space<vmem>>, vector<16xf32>,
    tpu.vector_store %arg24[%swap3A_232, %swap3A_233], %broadcast_in_dim3A_3 {strides = array<i32>} : memref<80x32xf32, #tpu.memory_space<vmem>>, vector<16xf32>,
    %swap3A_235 = arith.constant 29 : i32
    %swap3A_236 = arith.index_cast %swap3A_235 : i32 to index
    %swap3A_237 = arith.constant 0 : index
    %swap3A_238 = tpu.vector_load %arg24[%swap3A_236, %swap3A_237] {strides = array<i32>} : memref<80x32xf32, #tpu.memory_space<vmem>>, vector<16xf32>,
    tpu.vector_store %arg24[%swap3A_236, %swap3A_237], %broadcast_in_dim3A_3 {strides = array<i32>} : memref<80x32xf32, #tpu.memory_space<vmem>>, vector<16xf32>,
    %swap3A_239 = arith.constant 29 : i32
    %swap3A_240 = arith.index_cast %swap3A_239 : i32 to index
    %swap3A_241 = arith.constant 16 : index
    %swap3A_242 = tpu.vector_load %arg24[%swap3A_240, %swap3A_241] {strides = array<i32>} : memref<80x32xf32, #tpu.memory_space<vmem>>, vector<16xf32>,
    tpu.vector_store %arg24[%swap3A_240, %swap3A_241], %broadcast_in_dim3A_3 {strides = array<i32>} : memref<80x32xf32, #tpu.memory_space<vmem>>, vector<16xf32>,
    %swap3A_243 = arith.constant 30 : i32
    %swap3A_244 = arith.index_cast %swap3A_243 : i32 to index
    %swap3A_245 = arith.constant 0 : index
    %swap3A_246 = tpu.vector_load %arg24[%swap3A_244, %swap3A_245] {strides = array<i32>} : memref<80x32xf32, #tpu.memory_space<vmem>>, vector<16xf32>,
    tpu.vector_store %arg24[%swap3A_244, %swap3A_245], %broadcast_in_dim3A_3 {strides = array<i32>} : memref<80x32xf32, #tpu.memory_space<vmem>>, vector<16xf32>,
    %swap3A_247 = arith.constant 30 : i32
    %swap3A_248 = arith.index_cast %swap3A_247 : i32 to index
    %swap3A_249 = arith.constant 16 : index
    %swap3A_250 = tpu.vector_load %arg24[%swap3A_248, %swap3A_249] {strides = array<i32>} : memref<80x32xf32, #tpu.memory_space<vmem>>, vector<16xf32>,
    tpu.vector_store %arg24[%swap3A_248, %swap3A_249], %broadcast_in_dim3A_3 {strides = array<i32>} : memref<80x32xf32, #tpu.memory_space<vmem>>, vector<16xf32>,
    %swap3A_251 = arith.constant 31 : i32
    %swap3A_252 = arith.index_cast %swap3A_251 : i32 to index
    %swap3A_253 = arith.constant 0 : index
    %swap3A_254 = tpu.vector_load %arg24[%swap3A_252, %swap3A_253] {strides = array<i32>} : memref<80x32xf32, #tpu.memory_space<vmem>>, vector<16xf32>,
    tpu.vector_store %arg24[%swap3A_252, %swap3A_253], %broadcast_in_dim3A_3 {strides = array<i32>} : memref<80x32xf32, #tpu.memory_space<vmem>>, vector<16xf32>,
    %swap3A_255 = arith.constant 31 : i32
    %swap3A_256 = arith.index_cast %swap3A_255 : i32 to index
    %swap3A_257 = arith.constant 16 : index
    %swap3A_258 = tpu.vector_load %arg24[%swap3A_256, %swap3A_257] {strides = array<i32>} : memref<80x32xf32, #tpu.memory_space<vmem>>, vector<16xf32>,
    tpu.vector_store %arg24[%swap3A_256, %swap3A_257], %broadcast_in_dim3A_3 {strides = array<i32>} : memref<80x32xf32, #tpu.memory_space<vmem>>, vector<16xf32>,
    %swap3A_259 = arith.constant 32 : i32
    %swap3A_260 = arith.index_cast %swap3A_259 : i32 to index
    %swap3A_261 = arith.constant 0 : index
    %swap3A_262 = tpu.vector_load %arg24[%swap3A_260, %swap3A_261] {strides = array<i32>} : memref<80x32xf32, #tpu.memory_space<vmem>>, vector<16xf32>,
    tpu.vector_store %arg24[%swap3A_260, %swap3A_261], %broadcast_in_dim3A_3 {strides = array<i32>} : memref<80x32xf32, #tpu.memory_space<vmem>>, vector<16xf32>,
    %swap3A_263 = arith.constant 32 : i32
    %swap3A_264 = arith.index_cast %swap3A_263 : i32 to index
    %swap3A_265 = arith.constant 16 : index
    %swap3A_266 = tpu.vector_load %arg24[%swap3A_264, %swap3A_265] {strides = array<i32>} : memref<80x32xf32, #tpu.memory_space<vmem>>, vector<16xf32>,
    tpu.vector_store %arg24[%swap3A_264, %swap3A_265], %broadcast_in_dim3A_3 {strides = array<i32>} : memref<80x32xf32, #tpu.memory_space<vmem>>, vector<16xf32>,
    %swap3A_267 = arith.constant 33 : i32
    %swap3A_268 = arith.index_cast %swap3A_267 : i32 to index
    %swap3A_269 = arith.constant 0 : index
    %swap3A_270 = tpu.vector_load %arg24[%swap3A_268, %swap3A_269] {strides = array<i32>} : memref<80x32xf32, #tpu.memory_space<vmem>>, vector<16xf32>,
    tpu.vector_store %arg24[%swap3A_268, %swap3A_269], %broadcast_in_dim3A_3 {strides = array<i32>} : memref<80x32xf32, #tpu.memory_space<vmem>>, vector<16xf32>,
    %swap3A_271 = arith.constant 33 : i32
    %swap3A_272 = arith.index_cast %swap3A_271 : i32 to index
    %swap3A_273 = arith.constant 16 : index
    %swap3A_274 = tpu.vector_load %arg24[%swap3A_272, %swap3A_273] {strides = array<i32>} : memref<80x32xf32, #tpu.memory_space<vmem>>, vector<16xf32>,
    tpu.vector_store %arg24[%swap3A_272, %swap3A_273], %broadcast_in_dim3A_3 {strides = array<i32>} : memref<80x32xf32, #tpu.memory_space<vmem>>, vector<16xf32>,
    %swap3A_275 = arith.constant 34 : i32
    %swap3A_276 = arith.index_cast %swap3A_275 : i32 to index
    %swap3A_277 = arith.constant 0 : index
    %swap3A_278 = tpu.vector_load %arg24[%swap3A_276, %swap3A_277] {strides = array<i32>} : memref<80x32xf32, #tpu.memory_space<vmem>>, vector<16xf32>,
    tpu.vector_store %arg24[%swap3A_276, %swap3A_277], %broadcast_in_dim3A_3 {strides = array<i32>} : memref<80x32xf32, #tpu.memory_space<vmem>>, vector<16xf32>,
    %swap3A_279 = arith.constant 34 : i32
    %swap3A_280 = arith.index_cast %swap3A_279 : i32 to index
    %swap3A_281 = arith.constant 16 : index
    %swap3A_282 = tpu.vector_load %arg24[%swap3A_280, %swap3A_281] {strides = array<i32>} : memref<80x32xf32, #tpu.memory_space<vmem>>, vector<16xf32>,
    tpu.vector_store %arg24[%swap3A_280, %swap3A_281], %broadcast_in_dim3A_3 {strides = array<i32>} : memref<80x32xf32, #tpu.memory_space<vmem>>, vector<16xf32>,
    %swap3A_283 = arith.constant 35 : i32
    %swap3A_284 = arith.index_cast %swap3A_283 : i32 to index
    %swap3A_285 = arith.constant 0 : index
    %swap3A_286 = tpu.vector_load %arg24[%swap3A_284, %swap3A_285] {strides = array<i32>} : memref<80x32xf32, #tpu.memory_space<vmem>>, vector<16xf32>,
    tpu.vector_store %arg24[%swap3A_284, %swap3A_285], %broadcast_in_dim3A_3 {strides = array<i32>} : memref<80x32xf32, #tpu.memory_space<vmem>>, vector<16xf32>,
    %swap3A_287 = arith.constant 35 : i32
    %swap3A_288 = arith.index_cast %swap3A_287 : i32 to index
    %swap3A_289 = arith.constant 16 : index
    %swap3A_290 = tpu.vector_load %arg24[%swap3A_288, %swap3A_289] {strides = array<i32>} : memref<80x32xf32, #tpu.memory_space<vmem>>, vector<16xf32>,
    tpu.vector_store %arg24[%swap3A_288, %swap3A_289], %broadcast_in_dim3A_3 {strides = array<i32>} : memref<80x32xf32, #tpu.memory_space<vmem>>, vector<16xf32>,
    %swap3A_291 = arith.constant 36 : i32
    %swap3A_292 = arith.index_cast %swap3A_291 : i32 to index
    %swap3A_293 = arith.constant 0 : index
    %swap3A_294 = tpu.vector_load %arg24[%swap3A_292, %swap3A_293] {strides = array<i32>} : memref<80x32xf32, #tpu.memory_space<vmem>>, vector<16xf32>,
    tpu.vector_store %arg24[%swap3A_292, %swap3A_293], %broadcast_in_dim3A_3 {strides = array<i32>} : memref<80x32xf32, #tpu.memory_space<vmem>>, vector<16xf32>,
    %swap3A_295 = arith.constant 36 : i32
    %swap3A_296 = arith.index_cast %swap3A_295 : i32 to index
    %swap3A_297 = arith.constant 16 : index
    %swap3A_298 = tpu.vector_load %arg24[%swap3A_296, %swap3A_297] {strides = array<i32>} : memref<80x32xf32, #tpu.memory_space<vmem>>, vector<16xf32>,
    tpu.vector_store %arg24[%swap3A_296, %swap3A_297], %broadcast_in_dim3A_3 {strides = array<i32>} : memref<80x32xf32, #tpu.memory_space<vmem>>, vector<16xf32>,
    %swap3A_299 = arith.constant 37 : i32
    %swap3A_300 = arith.index_cast %swap3A_299 : i32 to index
    %swap3A_301 = arith.constant 0 : index
    %swap3A_302 = tpu.vector_load %arg24[%swap3A_300, %swap3A_301] {strides = array<i32>} : memref<80x32xf32, #tpu.memory_space<vmem>>, vector<16xf32>,
    tpu.vector_store %arg24[%swap3A_300, %swap3A_301], %broadcast_in_dim3A_3 {strides = array<i32>} : memref<80x32xf32, #tpu.memory_space<vmem>>, vector<16xf32>,
    %swap3A_303 = arith.constant 37 : i32
    %swap3A_304 = arith.index_cast %swap3A_303 : i32 to index
    %swap3A_305 = arith.constant 16 : index
    %swap3A_306 = tpu.vector_load %arg24[%swap3A_304, %swap3A_305] {strides = array<i32>} : memref<80x32xf32, #tpu.memory_space<vmem>>, vector<16xf32>,
    tpu.vector_store %arg24[%swap3A_304, %swap3A_305], %broadcast_in_dim3A_3 {strides = array<i32>} : memref<80x32xf32, #tpu.memory_space<vmem>>, vector<16xf32>,
    %swap3A_307 = arith.constant 38 : i32
    %swap3A_308 = arith.index_cast %swap3A_307 : i32 to index
    %swap3A_309 = arith.constant 0 : index
    %swap3A_310 = tpu.vector_load %arg24[%swap3A_308, %swap3A_309] {strides = array<i32>} : memref<80x32xf32, #tpu.memory_space<vmem>>, vector<16xf32>,
    tpu.vector_store %arg24[%swap3A_308, %swap3A_309], %broadcast_in_dim3A_3 {strides = array<i32>} : memref<80x32xf32, #tpu.memory_space<vmem>>, vector<16xf32>,
    %swap3A_311 = arith.constant 38 : i32
    %swap3A_312 = arith.index_cast %swap3A_311 : i32 to index
    %swap3A_313 = arith.constant 16 : index
    %swap3A_314 = tpu.vector_load %arg24[%swap3A_312, %swap3A_313] {strides = array<i32>} : memref<80x32xf32, #tpu.memory_space<vmem>>, vector<16xf32>,
    tpu.vector_store %arg24[%swap3A_312, %swap3A_313], %broadcast_in_dim3A_3 {strides = array<i32>} : memref<80x32xf32, #tpu.memory_space<vmem>>, vector<16xf32>,
    %swap3A_315 = arith.constant 39 : i32
    %swap3A_316 = arith.index_cast %swap3A_315 : i32 to index
    %swap3A_317 = arith.constant 0 : index
    %swap3A_318 = tpu.vector_load %arg24[%swap3A_316, %swap3A_317] {strides = array<i32>} : memref<80x32xf32, #tpu.memory_space<vmem>>, vector<16xf32>,
    tpu.vector_store %arg24[%swap3A_316, %swap3A_317], %broadcast_in_dim3A_3 {strides = array<i32>} : memref<80x32xf32, #tpu.memory_space<vmem>>, vector<16xf32>,
    %swap3A_319 = arith.constant 39 : i32
    %swap3A_320 = arith.index_cast %swap3A_319 : i32 to index
    %swap3A_321 = arith.constant 16 : index
    %swap3A_322 = tpu.vector_load %arg24[%swap3A_320, %swap3A_321] {strides = array<i32>} : memref<80x32xf32, #tpu.memory_space<vmem>>, vector<16xf32>,
    tpu.vector_store %arg24[%swap3A_320, %swap3A_321], %broadcast_in_dim3A_3 {strides = array<i32>} : memref<80x32xf32, #tpu.memory_space<vmem>>, vector<16xf32>,
    %swap3A_323 = arith.constant 40 : i32
    %swap3A_324 = arith.index_cast %swap3A_323 : i32 to index
    %swap3A_325 = arith.constant 0 : index
    %swap3A_326 = tpu.vector_load %arg24[%swap3A_324, %swap3A_325] {strides = array<i32>} : memref<80x32xf32, #tpu.memory_space<vmem>>, vector<16xf32>,
    tpu.vector_store %arg24[%swap3A_324, %swap3A_325], %broadcast_in_dim3A_3 {strides = array<i32>} : memref<80x32xf32, #tpu.memory_space<vmem>>, vector<16xf32>,
    %swap3A_327 = arith.constant 40 : i32
    %swap3A_328 = arith.index_cast %swap3A_327 : i32 to index
    %swap3A_329 = arith.constant 16 : index
    %swap3A_330 = tpu.vector_load %arg24[%swap3A_328, %swap3A_329] {strides = array<i32>} : memref<80x32xf32, #tpu.memory_space<vmem>>, vector<16xf32>,
    tpu.vector_store %arg24[%swap3A_328, %swap3A_329], %broadcast_in_dim3A_3 {strides = array<i32>} : memref<80x32xf32, #tpu.memory_space<vmem>>, vector<16xf32>,
    %swap3A_331 = arith.constant 41 : i32
    %swap3A_332 = arith.index_cast %swap3A_331 : i32 to index
    %swap3A_333 = arith.constant 0 : index
    %swap3A_334 = tpu.vector_load %arg24[%swap3A_332, %swap3A_333] {strides = array<i32>} : memref<80x32xf32, #tpu.memory_space<vmem>>, vector<16xf32>,
    tpu.vector_store %arg24[%swap3A_332, %swap3A_333], %broadcast_in_dim3A_3 {strides = array<i32>} : memref<80x32xf32, #tpu.memory_space<vmem>>, vector<16xf32>,
    %swap3A_335 = arith.constant 41 : i32
    %swap3A_336 = arith.index_cast %swap3A_335 : i32 to index
    %swap3A_337 = arith.constant 16 : index
    %swap3A_338 = tpu.vector_load %arg24[%swap3A_336, %swap3A_337] {strides = array<i32>} : memref<80x32xf32, #tpu.memory_space<vmem>>, vector<16xf32>,
    tpu.vector_store %arg24[%swap3A_336, %swap3A_337], %broadcast_in_dim3A_3 {strides = array<i32>} : memref<80x32xf32, #tpu.memory_space<vmem>>, vector<16xf32>,
    %swap3A_339 = arith.constant 42 : i32
    %swap3A_340 = arith.index_cast %swap3A_339 : i32 to index
    %swap3A_341 = arith.constant 0 : index
    %swap3A_342 = tpu.vector_load %arg24[%swap3A_340, %swap3A_341] {strides = array<i32>} : memref<80x32xf32, #tpu.memory_space<vmem>>, vector<16xf32>,
    tpu.vector_store %arg24[%swap3A_340, %swap3A_341], %broadcast_in_dim3A_3 {strides = array<i32>} : memref<80x32xf32, #tpu.memory_space<vmem>>, vector<16xf32>,
    %swap3A_343 = arith.constant 42 : i32
    %swap3A_344 = arith.index_cast %swap3A_343 : i32 to index
    %swap3A_345 = arith.constant 16 : index
    %swap3A_346 = tpu.vector_load %arg24[%swap3A_344, %swap3A_345] {strides = array<i32>} : memref<80x32xf32, #tpu.memory_space<vmem>>, vector<16xf32>,
    tpu.vector_store %arg24[%swap3A_344, %swap3A_345], %broadcast_in_dim3A_3 {strides = array<i32>} : memref<80x32xf32, #tpu.memory_space<vmem>>, vector<16xf32>,
    %swap3A_347 = arith.constant 43 : i32
    %swap3A_348 = arith.index_cast %swap3A_347 : i32 to index
    %swap3A_349 = arith.constant 0 : index
    %swap3A_350 = tpu.vector_load %arg24[%swap3A_348, %swap3A_349] {strides = array<i32>} : memref<80x32xf32, #tpu.memory_space<vmem>>, vector<16xf32>,
    tpu.vector_store %arg24[%swap3A_348, %swap3A_349], %broadcast_in_dim3A_3 {strides = array<i32>} : memref<80x32xf32, #tpu.memory_space<vmem>>, vector<16xf32>,
    %swap3A_351 = arith.constant 43 : i32
    %swap3A_352 = arith.index_cast %swap3A_351 : i32 to index
    %swap3A_353 = arith.constant 16 : index
    %swap3A_354 = tpu.vector_load %arg24[%swap3A_352, %swap3A_353] {strides = array<i32>} : memref<80x32xf32, #tpu.memory_space<vmem>>, vector<16xf32>,
    tpu.vector_store %arg24[%swap3A_352, %swap3A_353], %broadcast_in_dim3A_3 {strides = array<i32>} : memref<80x32xf32, #tpu.memory_space<vmem>>, vector<16xf32>,
    %swap3A_355 = arith.constant 44 : i32
    %swap3A_356 = arith.index_cast %swap3A_355 : i32 to index
    %swap3A_357 = arith.constant 0 : index
    %swap3A_358 = tpu.vector_load %arg24[%swap3A_356, %swap3A_357] {strides = array<i32>} : memref<80x32xf32, #tpu.memory_space<vmem>>, vector<16xf32>,
    tpu.vector_store %arg24[%swap3A_356, %swap3A_357], %broadcast_in_dim3A_3 {strides = array<i32>} : memref<80x32xf32, #tpu.memory_space<vmem>>, vector<16xf32>,
    %swap3A_359 = arith.constant 44 : i32
    %swap3A_360 = arith.index_cast %swap3A_359 : i32 to index
    %swap3A_361 = arith.constant 16 : index
    %swap3A_362 = tpu.vector_load %arg24[%swap3A_360, %swap3A_361] {strides = array<i32>} : memref<80x32xf32, #tpu.memory_space<vmem>>, vector<16xf32>,
    tpu.vector_store %arg24[%swap3A_360, %swap3A_361], %broadcast_in_dim3A_3 {strides = array<i32>} : memref<80x32xf32, #tpu.memory_space<vmem>>, vector<16xf32>,
    %swap3A_363 = arith.constant 45 : i32
    %swap3A_364 = arith.index_cast %swap3A_363 : i32 to index
    %swap3A_365 = arith.constant 0 : index
    %swap3A_366 = tpu.vector_load %arg24[%swap3A_364, %swap3A_365] {strides = array<i32>} : memref<80x32xf32, #tpu.memory_space<vmem>>, vector<16xf32>,
    tpu.vector_store %arg24[%swap3A_364, %swap3A_365], %broadcast_in_dim3A_3 {strides = array<i32>} : memref<80x32xf32, #tpu.memory_space<vmem>>, vector<16xf32>,
    %swap3A_367 = arith.constant 45 : i32
    %swap3A_368 = arith.index_cast %swap3A_367 : i32 to index
    %swap3A_369 = arith.constant 16 : index
    %swap3A_370 = tpu.vector_load %arg24[%swap3A_368, %swap3A_369] {strides = array<i32>} : memref<80x32xf32, #tpu.memory_space<vmem>>, vector<16xf32>,
    tpu.vector_store %arg24[%swap3A_368, %swap3A_369], %broadcast_in_dim3A_3 {strides = array<i32>} : memref<80x32xf32, #tpu.memory_space<vmem>>, vector<16xf32>,
    %swap3A_371 = arith.constant 46 : i32
    %swap3A_372 = arith.index_cast %swap3A_371 : i32 to index
    %swap3A_373 = arith.constant 0 : index
    %swap3A_374 = tpu.vector_load %arg24[%swap3A_372, %swap3A_373] {strides = array<i32>} : memref<80x32xf32, #tpu.memory_space<vmem>>, vector<16xf32>,
    tpu.vector_store %arg24[%swap3A_372, %swap3A_373], %broadcast_in_dim3A_3 {strides = array<i32>} : memref<80x32xf32, #tpu.memory_space<vmem>>, vector<16xf32>,
    %swap3A_375 = arith.constant 46 : i32
    %swap3A_376 = arith.index_cast %swap3A_375 : i32 to index
    %swap3A_377 = arith.constant 16 : index
    %swap3A_378 = tpu.vector_load %arg24[%swap3A_376, %swap3A_377] {strides = array<i32>} : memref<80x32xf32, #tpu.memory_space<vmem>>, vector<16xf32>,
    tpu.vector_store %arg24[%swap3A_376, %swap3A_377], %broadcast_in_dim3A_3 {strides = array<i32>} : memref<80x32xf32, #tpu.memory_space<vmem>>, vector<16xf32>,
    %swap3A_379 = arith.constant 47 : i32
    %swap3A_380 = arith.index_cast %swap3A_379 : i32 to index
    %swap3A_381 = arith.constant 0 : index
    %swap3A_382 = tpu.vector_load %arg24[%swap3A_380, %swap3A_381] {strides = array<i32>} : memref<80x32xf32, #tpu.memory_space<vmem>>, vector<16xf32>,
    tpu.vector_store %arg24[%swap3A_380, %swap3A_381], %broadcast_in_dim3A_3 {strides = array<i32>} : memref<80x32xf32, #tpu.memory_space<vmem>>, vector<16xf32>,
    %swap3A_383 = arith.constant 47 : i32
    %swap3A_384 = arith.index_cast %swap3A_383 : i32 to index
    %swap3A_385 = arith.constant 16 : index
    %swap3A_386 = tpu.vector_load %arg24[%swap3A_384, %swap3A_385] {strides = array<i32>} : memref<80x32xf32, #tpu.memory_space<vmem>>, vector<16xf32>,
    tpu.vector_store %arg24[%swap3A_384, %swap3A_385], %broadcast_in_dim3A_3 {strides = array<i32>} : memref<80x32xf32, #tpu.memory_space<vmem>>, vector<16xf32>,
    %swap3A_387 = arith.constant 48 : i32
    %swap3A_388 = arith.index_cast %swap3A_387 : i32 to index
    %swap3A_389 = arith.constant 0 : index
    %swap3A_390 = tpu.vector_load %arg24[%swap3A_388, %swap3A_389] {strides = array<i32>} : memref<80x32xf32, #tpu.memory_space<vmem>>, vector<16xf32>,
    tpu.vector_store %arg24[%swap3A_388, %swap3A_389], %broadcast_in_dim3A_3 {strides = array<i32>} : memref<80x32xf32, #tpu.memory_space<vmem>>, vector<16xf32>,
    %swap3A_391 = arith.constant 48 : i32
    %swap3A_392 = arith.index_cast %swap3A_391 : i32 to index
    %swap3A_393 = arith.constant 16 : index
    %swap3A_394 = tpu.vector_load %arg24[%swap3A_392, %swap3A_393] {strides = array<i32>} : memref<80x32xf32, #tpu.memory_space<vmem>>, vector<16xf32>,
    tpu.vector_store %arg24[%swap3A_392, %swap3A_393], %broadcast_in_dim3A_3 {strides = array<i32>} : memref<80x32xf32, #tpu.memory_space<vmem>>, vector<16xf32>,
    %swap3A_395 = arith.constant 49 : i32
    %swap3A_396 = arith.index_cast %swap3A_395 : i32 to index
    %swap3A_397 = arith.constant 0 : index
    %swap3A_398 = tpu.vector_load %arg24[%swap3A_396, %swap3A_397] {strides = array<i32>} : memref<80x32xf32, #tpu.memory_space<vmem>>, vector<16xf32>,
    tpu.vector_store %arg24[%swap3A_396, %swap3A_397], %broadcast_in_dim3A_3 {strides = array<i32>} : memref<80x32xf32, #tpu.memory_space<vmem>>, vector<16xf32>,
    %swap3A_399 = arith.constant 49 : i32
    %swap3A_400 = arith.index_cast %swap3A_399 : i32 to index
    %swap3A_401 = arith.constant 16 : index
    %swap3A_402 = tpu.vector_load %arg24[%swap3A_400, %swap3A_401] {strides = array<i32>} : memref<80x32xf32, #tpu.memory_space<vmem>>, vector<16xf32>,
    tpu.vector_store %arg24[%swap3A_400, %swap3A_401], %broadcast_in_dim3A_3 {strides = array<i32>} : memref<80x32xf32, #tpu.memory_space<vmem>>, vector<16xf32>,
    %swap3A_403 = arith.constant 50 : i32
    %swap3A_404 = arith.index_cast %swap3A_403 : i32 to index
    %swap3A_405 = arith.constant 0 : index
    %swap3A_406 = tpu.vector_load %arg24[%swap3A_404, %swap3A_405] {strides = array<i32>} : memref<80x32xf32, #tpu.memory_space<vmem>>, vector<16xf32>,
    tpu.vector_store %arg24[%swap3A_404, %swap3A_405], %broadcast_in_dim3A_3 {strides = array<i32>} : memref<80x32xf32, #tpu.memory_space<vmem>>, vector<16xf32>,
    %swap3A_407 = arith.constant 50 : i32
    %swap3A_408 = arith.index_cast %swap3A_407 : i32 to index
    %swap3A_409 = arith.constant 16 : index
    %swap3A_410 = tpu.vector_load %arg24[%swap3A_408, %swap3A_409] {strides = array<i32>} : memref<80x32xf32, #tpu.memory_space<vmem>>, vector<16xf32>,
    tpu.vector_store %arg24[%swap3A_408, %swap3A_409], %broadcast_in_dim3A_3 {strides = array<i32>} : memref<80x32xf32, #tpu.memory_space<vmem>>, vector<16xf32>,
    %swap3A_411 = arith.constant 51 : i32
    %swap3A_412 = arith.index_cast %swap3A_411 : i32 to index
    %swap3A_413 = arith.constant 0 : index
    %swap3A_414 = tpu.vector_load %arg24[%swap3A_412, %swap3A_413] {strides = array<i32>} : memref<80x32xf32, #tpu.memory_space<vmem>>, vector<16xf32>,
    tpu.vector_store %arg24[%swap3A_412, %swap3A_413], %broadcast_in_dim3A_3 {strides = array<i32>} : memref<80x32xf32, #tpu.memory_space<vmem>>, vector<16xf32>,
    %swap3A_415 = arith.constant 51 : i32
    %swap3A_416 = arith.index_cast %swap3A_415 : i32 to index
    %swap3A_417 = arith.constant 16 : index
    %swap3A_418 = tpu.vector_load %arg24[%swap3A_416, %swap3A_417] {strides = array<i32>} : memref<80x32xf32, #tpu.memory_space<vmem>>, vector<16xf32>,
    tpu.vector_store %arg24[%swap3A_416, %swap3A_417], %broadcast_in_dim3A_3 {strides = array<i32>} : memref<80x32xf32, #tpu.memory_space<vmem>>, vector<16xf32>,
    %swap3A_419 = arith.constant 52 : i32
    %swap3A_420 = arith.index_cast %swap3A_419 : i32 to index
    %swap3A_421 = arith.constant 0 : index
    %swap3A_422 = tpu.vector_load %arg24[%swap3A_420, %swap3A_421] {strides = array<i32>} : memref<80x32xf32, #tpu.memory_space<vmem>>, vector<16xf32>,
    tpu.vector_store %arg24[%swap3A_420, %swap3A_421], %broadcast_in_dim3A_3 {strides = array<i32>} : memref<80x32xf32, #tpu.memory_space<vmem>>, vector<16xf32>,
    %swap3A_423 = arith.constant 52 : i32
    %swap3A_424 = arith.index_cast %swap3A_423 : i32 to index
    %swap3A_425 = arith.constant 16 : index
    %swap3A_426 = tpu.vector_load %arg24[%swap3A_424, %swap3A_425] {strides = array<i32>} : memref<80x32xf32, #tpu.memory_space<vmem>>, vector<16xf32>,
    tpu.vector_store %arg24[%swap3A_424, %swap3A_425], %broadcast_in_dim3A_3 {strides = array<i32>} : memref<80x32xf32, #tpu.memory_space<vmem>>, vector<16xf32>,
    %swap3A_427 = arith.constant 53 : i32
    %swap3A_428 = arith.index_cast %swap3A_427 : i32 to index
    %swap3A_429 = arith.constant 0 : index
    %swap3A_430 = tpu.vector_load %arg24[%swap3A_428, %swap3A_429] {strides = array<i32>} : memref<80x32xf32, #tpu.memory_space<vmem>>, vector<16xf32>,
    tpu.vector_store %arg24[%swap3A_428, %swap3A_429], %broadcast_in_dim3A_3 {strides = array<i32>} : memref<80x32xf32, #tpu.memory_space<vmem>>, vector<16xf32>,
    %swap3A_431 = arith.constant 53 : i32
    %swap3A_432 = arith.index_cast %swap3A_431 : i32 to index
    %swap3A_433 = arith.constant 16 : index
    %swap3A_434 = tpu.vector_load %arg24[%swap3A_432, %swap3A_433] {strides = array<i32>} : memref<80x32xf32, #tpu.memory_space<vmem>>, vector<16xf32>,
    tpu.vector_store %arg24[%swap3A_432, %swap3A_433], %broadcast_in_dim3A_3 {strides = array<i32>} : memref<80x32xf32, #tpu.memory_space<vmem>>, vector<16xf32>,
    %swap3A_435 = arith.constant 54 : i32
    %swap3A_436 = arith.index_cast %swap3A_435 : i32 to index
    %swap3A_437 = arith.constant 0 : index
    %swap3A_438 = tpu.vector_load %arg24[%swap3A_436, %swap3A_437] {strides = array<i32>} : memref<80x32xf32, #tpu.memory_space<vmem>>, vector<16xf32>,
    tpu.vector_store %arg24[%swap3A_436, %swap3A_437], %broadcast_in_dim3A_3 {strides = array<i32>} : memref<80x32xf32, #tpu.memory_space<vmem>>, vector<16xf32>,
    %swap3A_439 = arith.constant 54 : i32
    %swap3A_440 = arith.index_cast %swap3A_439 : i32 to index
    %swap3A_441 = arith.constant 16 : index
    %swap3A_442 = tpu.vector_load %arg24[%swap3A_440, %swap3A_441] {strides = array<i32>} : memref<80x32xf32, #tpu.memory_space<vmem>>, vector<16xf32>,
    tpu.vector_store %arg24[%swap3A_440, %swap3A_441], %broadcast_in_dim3A_3 {strides = array<i32>} : memref<80x32xf32, #tpu.memory_space<vmem>>, vector<16xf32>,
    %swap3A_443 = arith.constant 55 : i32
    %swap3A_444 = arith.index_cast %swap3A_443 : i32 to index
    %swap3A_445 = arith.constant 0 : index
    %swap3A_446 = tpu.vector_load %arg24[%swap3A_444, %swap3A_445] {strides = array<i32>} : memref<80x32xf32, #tpu.memory_space<vmem>>, vector<16xf32>,
    tpu.vector_store %arg24[%swap3A_444, %swap3A_445], %broadcast_in_dim3A_3 {strides = array<i32>} : memref<80x32xf32, #tpu.memory_space<vmem>>, vector<16xf32>,
    %swap3A_447 = arith.constant 55 : i32
    %swap3A_448 = arith.index_cast %swap3A_447 : i32 to index
    %swap3A_449 = arith.constant 16 : index
    %swap3A_450 = tpu.vector_load %arg24[%swap3A_448, %swap3A_449] {strides = array<i32>} : memref<80x32xf32, #tpu.memory_space<vmem>>, vector<16xf32>,
    tpu.vector_store %arg24[%swap3A_448, %swap3A_449], %broadcast_in_dim3A_3 {strides = array<i32>} : memref<80x32xf32, #tpu.memory_space<vmem>>, vector<16xf32>,
    %swap3A_451 = arith.constant 56 : i32
    %swap3A_452 = arith.index_cast %swap3A_451 : i32 to index
    %swap3A_453 = arith.constant 0 : index
    %swap3A_454 = tpu.vector_load %arg24[%swap3A_452, %swap3A_453] {strides = array<i32>} : memref<80x32xf32, #tpu.memory_space<vmem>>, vector<16xf32>,
    tpu.vector_store %arg24[%swap3A_452, %swap3A_453], %broadcast_in_dim3A_3 {strides = array<i32>} : memref<80x32xf32, #tpu.memory_space<vmem>>, vector<16xf32>,
    %swap3A_455 = arith.constant 56 : i32
    %swap3A_456 = arith.index_cast %swap3A_455 : i32 to index
    %swap3A_457 = arith.constant 16 : index
    %swap3A_458 = tpu.vector_load %arg24[%swap3A_456, %swap3A_457] {strides = array<i32>} : memref<80x32xf32, #tpu.memory_space<vmem>>, vector<16xf32>,
    tpu.vector_store %arg24[%swap3A_456, %swap3A_457], %broadcast_in_dim3A_3 {strides = array<i32>} : memref<80x32xf32, #tpu.memory_space<vmem>>, vector<16xf32>,
    %swap3A_459 = arith.constant 57 : i32
    %swap3A_460 = arith.index_cast %swap3A_459 : i32 to index
    %swap3A_461 = arith.constant 0 : index
    %swap3A_462 = tpu.vector_load %arg24[%swap3A_460, %swap3A_461] {strides = array<i32>} : memref<80x32xf32, #tpu.memory_space<vmem>>, vector<16xf32>,
    tpu.vector_store %arg24[%swap3A_460, %swap3A_461], %broadcast_in_dim3A_3 {strides = array<i32>} : memref<80x32xf32, #tpu.memory_space<vmem>>, vector<16xf32>,
    %swap3A_463 = arith.constant 57 : i32
    %swap3A_464 = arith.index_cast %swap3A_463 : i32 to index
    %swap3A_465 = arith.constant 16 : index
    %swap3A_466 = tpu.vector_load %arg24[%swap3A_464, %swap3A_465] {strides = array<i32>} : memref<80x32xf32, #tpu.memory_space<vmem>>, vector<16xf32>,
    tpu.vector_store %arg24[%swap3A_464, %swap3A_465], %broadcast_in_dim3A_3 {strides = array<i32>} : memref<80x32xf32, #tpu.memory_space<vmem>>, vector<16xf32>,
    %swap3A_467 = arith.constant 58 : i32
    %swap3A_468 = arith.index_cast %swap3A_467 : i32 to index
    %swap3A_469 = arith.constant 0 : index
    %swap3A_470 = tpu.vector_load %arg24[%swap3A_468, %swap3A_469] {strides = array<i32>} : memref<80x32xf32, #tpu.memory_space<vmem>>, vector<16xf32>,
    tpu.vector_store %arg24[%swap3A_468, %swap3A_469], %broadcast_in_dim3A_3 {strides = array<i32>} : memref<80x32xf32, #tpu.memory_space<vmem>>, vector<16xf32>,
    %swap3A_471 = arith.constant 58 : i32
    %swap3A_472 = arith.index_cast %swap3A_471 : i32 to index
    %swap3A_473 = arith.constant 16 : index
    %swap3A_474 = tpu.vector_load %arg24[%swap3A_472, %swap3A_473] {strides = array<i32>} : memref<80x32xf32, #tpu.memory_space<vmem>>, vector<16xf32>,
    tpu.vector_store %arg24[%swap3A_472, %swap3A_473], %broadcast_in_dim3A_3 {strides = array<i32>} : memref<80x32xf32, #tpu.memory_space<vmem>>, vector<16xf32>,
    %swap3A_475 = arith.constant 59 : i32
    %swap3A_476 = arith.index_cast %swap3A_475 : i32 to index
    %swap3A_477 = arith.constant 0 : index
    %swap3A_478 = tpu.vector_load %arg24[%swap3A_476, %swap3A_477] {strides = array<i32>} : memref<80x32xf32, #tpu.memory_space<vmem>>, vector<16xf32>,
    tpu.vector_store %arg24[%swap3A_476, %swap3A_477], %broadcast_in_dim3A_3 {strides = array<i32>} : memref<80x32xf32, #tpu.memory_space<vmem>>, vector<16xf32>,
    %swap3A_479 = arith.constant 59 : i32
    %swap3A_480 = arith.index_cast %swap3A_479 : i32 to index
    %swap3A_481 = arith.constant 16 : index
    %swap3A_482 = tpu.vector_load %arg24[%swap3A_480, %swap3A_481] {strides = array<i32>} : memref<80x32xf32, #tpu.memory_space<vmem>>, vector<16xf32>,
    tpu.vector_store %arg24[%swap3A_480, %swap3A_481], %broadcast_in_dim3A_3 {strides = array<i32>} : memref<80x32xf32, #tpu.memory_space<vmem>>, vector<16xf32>,
    %swap3A_483 = arith.constant 60 : i32
    %swap3A_484 = arith.index_cast %swap3A_483 : i32 to index
    %swap3A_485 = arith.constant 0 : index
    %swap3A_486 = tpu.vector_load %arg24[%swap3A_484, %swap3A_485] {strides = array<i32>} : memref<80x32xf32, #tpu.memory_space<vmem>>, vector<16xf32>,
    tpu.vector_store %arg24[%swap3A_484, %swap3A_485], %broadcast_in_dim3A_3 {strides = array<i32>} : memref<80x32xf32, #tpu.memory_space<vmem>>, vector<16xf32>,
    %swap3A_487 = arith.constant 60 : i32
    %swap3A_488 = arith.index_cast %swap3A_487 : i32 to index
    %swap3A_489 = arith.constant 16 : index
    %swap3A_490 = tpu.vector_load %arg24[%swap3A_488, %swap3A_489] {strides = array<i32>} : memref<80x32xf32, #tpu.memory_space<vmem>>, vector<16xf32>,
    tpu.vector_store %arg24[%swap3A_488, %swap3A_489], %broadcast_in_dim3A_3 {strides = array<i32>} : memref<80x32xf32, #tpu.memory_space<vmem>>, vector<16xf32>,
    %swap3A_491 = arith.constant 61 : i32
    %swap3A_492 = arith.index_cast %swap3A_491 : i32 to index
    %swap3A_493 = arith.constant 0 : index
    %swap3A_494 = tpu.vector_load %arg24[%swap3A_492, %swap3A_493] {strides = array<i32>} : memref<80x32xf32, #tpu.memory_space<vmem>>, vector<16xf32>,
    tpu.vector_store %arg24[%swap3A_492, %swap3A_493], %broadcast_in_dim3A_3 {strides = array<i32>} : memref<80x32xf32, #tpu.memory_space<vmem>>, vector<16xf32>,
    %swap3A_495 = arith.constant 61 : i32
    %swap3A_496 = arith.index_cast %swap3A_495 : i32 to index
    %swap3A_497 = arith.constant 16 : index
    %swap3A_498 = tpu.vector_load %arg24[%swap3A_496, %swap3A_497] {strides = array<i32>} : memref<80x32xf32, #tpu.memory_space<vmem>>, vector<16xf32>,
    tpu.vector_store %arg24[%swap3A_496, %swap3A_497], %broadcast_in_dim3A_3 {strides = array<i32>} : memref<80x32xf32, #tpu.memory_space<vmem>>, vector<16xf32>,
    %swap3A_499 = arith.constant 62 : i32
    %swap3A_500 = arith.index_cast %swap3A_499 : i32 to index
    %swap3A_501 = arith.constant 0 : index
    %swap3A_502 = tpu.vector_load %arg24[%swap3A_500, %swap3A_501] {strides = array<i32>} : memref<80x32xf32, #tpu.memory_space<vmem>>, vector<16xf32>,
    tpu.vector_store %arg24[%swap3A_500, %swap3A_501], %broadcast_in_dim3A_3 {strides = array<i32>} : memref<80x32xf32, #tpu.memory_space<vmem>>, vector<16xf32>,
    %swap3A_503 = arith.constant 62 : i32
    %swap3A_504 = arith.index_cast %swap3A_503 : i32 to index
    %swap3A_505 = arith.constant 16 : index
    %swap3A_506 = tpu.vector_load %arg24[%swap3A_504, %swap3A_505] {strides = array<i32>} : memref<80x32xf32, #tpu.memory_space<vmem>>, vector<16xf32>,
    tpu.vector_store %arg24[%swap3A_504, %swap3A_505], %broadcast_in_dim3A_3 {strides = array<i32>} : memref<80x32xf32, #tpu.memory_space<vmem>>, vector<16xf32>,
    %swap3A_507 = arith.constant 63 : i32
    %swap3A_508 = arith.index_cast %swap3A_507 : i32 to index
    %swap3A_509 = arith.constant 0 : index
    %swap3A_510 = tpu.vector_load %arg24[%swap3A_508, %swap3A_509] {strides = array<i32>} : memref<80x32xf32, #tpu.memory_space<vmem>>, vector<16xf32>,
    tpu.vector_store %arg24[%swap3A_508, %swap3A_509], %broadcast_in_dim3A_3 {strides = array<i32>} : memref<80x32xf32, #tpu.memory_space<vmem>>, vector<16xf32>,
    %swap3A_511 = arith.constant 63 : i32
    %swap3A_512 = arith.index_cast %swap3A_511 : i32 to index
    %swap3A_513 = arith.constant 16 : index
    %swap3A_514 = tpu.vector_load %arg24[%swap3A_512, %swap3A_513] {strides = array<i32>} : memref<80x32xf32, #tpu.memory_space<vmem>>, vector<16xf32>,
    tpu.vector_store %arg24[%swap3A_512, %swap3A_513], %broadcast_in_dim3A_3 {strides = array<i32>} : memref<80x32xf32, #tpu.memory_space<vmem>>, vector<16xf32>,
    %swap3A_515 = arith.constant 64 : i32
    %swap3A_516 = arith.index_cast %swap3A_515 : i32 to index
    %swap3A_517 = arith.constant 0 : index
    %swap3A_518 = tpu.vector_load %arg24[%swap3A_516, %swap3A_517] {strides = array<i32>} : memref<80x32xf32, #tpu.memory_space<vmem>>, vector<16xf32>,
    tpu.vector_store %arg24[%swap3A_516, %swap3A_517], %broadcast_in_dim3A_3 {strides = array<i32>} : memref<80x32xf32, #tpu.memory_space<vmem>>, vector<16xf32>,
    %swap3A_519 = arith.constant 64 : i32
    %swap3A_520 = arith.index_cast %swap3A_519 : i32 to index
    %swap3A_521 = arith.constant 16 : index
    %swap3A_522 = tpu.vector_load %arg24[%swap3A_520, %swap3A_521] {strides = array<i32>} : memref<80x32xf32, #tpu.memory_space<vmem>>, vector<16xf32>,
    tpu.vector_store %arg24[%swap3A_520, %swap3A_521], %broadcast_in_dim3A_3 {strides = array<i32>} : memref<80x32xf32, #tpu.memory_space<vmem>>, vector<16xf32>,
    %swap3A_523 = arith.constant 65 : i32
    %swap3A_524 = arith.index_cast %swap3A_523 : i32 to index
    %swap3A_525 = arith.constant 0 : index
    %swap3A_526 = tpu.vector_load %arg24[%swap3A_524, %swap3A_525] {strides = array<i32>} : memref<80x32xf32, #tpu.memory_space<vmem>>, vector<16xf32>,
    tpu.vector_store %arg24[%swap3A_524, %swap3A_525], %broadcast_in_dim3A_3 {strides = array<i32>} : memref<80x32xf32, #tpu.memory_space<vmem>>, vector<16xf32>,
    %swap3A_527 = arith.constant 65 : i32
    %swap3A_528 = arith.index_cast %swap3A_527 : i32 to index
    %swap3A_529 = arith.constant 16 : index
    %swap3A_530 = tpu.vector_load %arg24[%swap3A_528, %swap3A_529] {strides = array<i32>} : memref<80x32xf32, #tpu.memory_space<vmem>>, vector<16xf32>,
    tpu.vector_store %arg24[%swap3A_528, %swap3A_529], %broadcast_in_dim3A_3 {strides = array<i32>} : memref<80x32xf32, #tpu.memory_space<vmem>>, vector<16xf32>,
    %swap3A_531 = arith.constant 66 : i32
    %swap3A_532 = arith.index_cast %swap3A_531 : i32 to index
    %swap3A_533 = arith.constant 0 : index
    %swap3A_534 = tpu.vector_load %arg24[%swap3A_532, %swap3A_533] {strides = array<i32>} : memref<80x32xf32, #tpu.memory_space<vmem>>, vector<16xf32>,
    tpu.vector_store %arg24[%swap3A_532, %swap3A_533], %broadcast_in_dim3A_3 {strides = array<i32>} : memref<80x32xf32, #tpu.memory_space<vmem>>, vector<16xf32>,
    %swap3A_535 = arith.constant 66 : i32
    %swap3A_536 = arith.index_cast %swap3A_535 : i32 to index
    %swap3A_537 = arith.constant 16 : index
    %swap3A_538 = tpu.vector_load %arg24[%swap3A_536, %swap3A_537] {strides = array<i32>} : memref<80x32xf32, #tpu.memory_space<vmem>>, vector<16xf32>,
    tpu.vector_store %arg24[%swap3A_536, %swap3A_537], %broadcast_in_dim3A_3 {strides = array<i32>} : memref<80x32xf32, #tpu.memory_space<vmem>>, vector<16xf32>,
    %swap3A_539 = arith.constant 67 : i32
    %swap3A_540 = arith.index_cast %swap3A_539 : i32 to index
    %swap3A_541 = arith.constant 0 : index
    %swap3A_542 = tpu.vector_load %arg24[%swap3A_540, %swap3A_541] {strides = array<i32>} : memref<80x32xf32, #tpu.memory_space<vmem>>, vector<16xf32>,
    tpu.vector_store %arg24[%swap3A_540, %swap3A_541], %broadcast_in_dim3A_3 {strides = array<i32>} : memref<80x32xf32, #tpu.memory_space<vmem>>, vector<16xf32>,
    %swap3A_543 = arith.constant 67 : i32
    %swap3A_544 = arith.index_cast %swap3A_543 : i32 to index
    %swap3A_545 = arith.constant 16 : index
    %swap3A_546 = tpu.vector_load %arg24[%swap3A_544, %swap3A_545] {strides = array<i32>} : memref<80x32xf32, #tpu.memory_space<vmem>>, vector<16xf32>,
    tpu.vector_store %arg24[%swap3A_544, %swap3A_545], %broadcast_in_dim3A_3 {strides = array<i32>} : memref<80x32xf32, #tpu.memory_space<vmem>>, vector<16xf32>,
    %swap3A_547 = arith.constant 68 : i32
    %swap3A_548 = arith.index_cast %swap3A_547 : i32 to index
    %swap3A_549 = arith.constant 0 : index
    %swap3A_550 = tpu.vector_load %arg24[%swap3A_548, %swap3A_549] {strides = array<i32>} : memref<80x32xf32, #tpu.memory_space<vmem>>, vector<16xf32>,
    tpu.vector_store %arg24[%swap3A_548, %swap3A_549], %broadcast_in_dim3A_3 {strides = array<i32>} : memref<80x32xf32, #tpu.memory_space<vmem>>, vector<16xf32>,
    %swap3A_551 = arith.constant 68 : i32
    %swap3A_552 = arith.index_cast %swap3A_551 : i32 to index
    %swap3A_553 = arith.constant 16 : index
    %swap3A_554 = tpu.vector_load %arg24[%swap3A_552, %swap3A_553] {strides = array<i32>} : memref<80x32xf32, #tpu.memory_space<vmem>>, vector<16xf32>,
    tpu.vector_store %arg24[%swap3A_552, %swap3A_553], %broadcast_in_dim3A_3 {strides = array<i32>} : memref<80x32xf32, #tpu.memory_space<vmem>>, vector<16xf32>,
    %swap3A_555 = arith.constant 69 : i32
    %swap3A_556 = arith.index_cast %swap3A_555 : i32 to index
    %swap3A_557 = arith.constant 0 : index
    %swap3A_558 = tpu.vector_load %arg24[%swap3A_556, %swap3A_557] {strides = array<i32>} : memref<80x32xf32, #tpu.memory_space<vmem>>, vector<16xf32>,
    tpu.vector_store %arg24[%swap3A_556, %swap3A_557], %broadcast_in_dim3A_3 {strides = array<i32>} : memref<80x32xf32, #tpu.memory_space<vmem>>, vector<16xf32>,
    %swap3A_559 = arith.constant 69 : i32
    %swap3A_560 = arith.index_cast %swap3A_559 : i32 to index
    %swap3A_561 = arith.constant 16 : index
    %swap3A_562 = tpu.vector_load %arg24[%swap3A_560, %swap3A_561] {strides = array<i32>} : memref<80x32xf32, #tpu.memory_space<vmem>>, vector<16xf32>,
    tpu.vector_store %arg24[%swap3A_560, %swap3A_561], %broadcast_in_dim3A_3 {strides = array<i32>} : memref<80x32xf32, #tpu.memory_space<vmem>>, vector<16xf32>,
    %swap3A_563 = arith.constant 70 : i32
    %swap3A_564 = arith.index_cast %swap3A_563 : i32 to index
    %swap3A_565 = arith.constant 0 : index
    %swap3A_566 = tpu.vector_load %arg24[%swap3A_564, %swap3A_565] {strides = array<i32>} : memref<80x32xf32, #tpu.memory_space<vmem>>, vector<16xf32>,
    tpu.vector_store %arg24[%swap3A_564, %swap3A_565], %broadcast_in_dim3A_3 {strides = array<i32>} : memref<80x32xf32, #tpu.memory_space<vmem>>, vector<16xf32>,
    %swap3A_567 = arith.constant 70 : i32
    %swap3A_568 = arith.index_cast %swap3A_567 : i32 to index
    %swap3A_569 = arith.constant 16 : index
    %swap3A_570 = tpu.vector_load %arg24[%swap3A_568, %swap3A_569] {strides = array<i32>} : memref<80x32xf32, #tpu.memory_space<vmem>>, vector<16xf32>,
    tpu.vector_store %arg24[%swap3A_568, %swap3A_569], %broadcast_in_dim3A_3 {strides = array<i32>} : memref<80x32xf32, #tpu.memory_space<vmem>>, vector<16xf32>,
    %swap3A_571 = arith.constant 71 : i32
    %swap3A_572 = arith.index_cast %swap3A_571 : i32 to index
    %swap3A_573 = arith.constant 0 : index
    %swap3A_574 = tpu.vector_load %arg24[%swap3A_572, %swap3A_573] {strides = array<i32>} : memref<80x32xf32, #tpu.memory_space<vmem>>, vector<16xf32>,
    tpu.vector_store %arg24[%swap3A_572, %swap3A_573], %broadcast_in_dim3A_3 {strides = array<i32>} : memref<80x32xf32, #tpu.memory_space<vmem>>, vector<16xf32>,
    %swap3A_575 = arith.constant 71 : i32
    %swap3A_576 = arith.index_cast %swap3A_575 : i32 to index
    %swap3A_577 = arith.constant 16 : index
    %swap3A_578 = tpu.vector_load %arg24[%swap3A_576, %swap3A_577] {strides = array<i32>} : memref<80x32xf32, #tpu.memory_space<vmem>>, vector<16xf32>,
    tpu.vector_store %arg24[%swap3A_576, %swap3A_577], %broadcast_in_dim3A_3 {strides = array<i32>} : memref<80x32xf32, #tpu.memory_space<vmem>>, vector<16xf32>,
    %swap3A_579 = arith.constant 72 : i32
    %swap3A_580 = arith.index_cast %swap3A_579 : i32 to index
    %swap3A_581 = arith.constant 0 : index
    %swap3A_582 = tpu.vector_load %arg24[%swap3A_580, %swap3A_581] {strides = array<i32>} : memref<80x32xf32, #tpu.memory_space<vmem>>, vector<16xf32>,
    tpu.vector_store %arg24[%swap3A_580, %swap3A_581], %broadcast_in_dim3A_3 {strides = array<i32>} : memref<80x32xf32, #tpu.memory_space<vmem>>, vector<16xf32>,
    %swap3A_583 = arith.constant 72 : i32
    %swap3A_584 = arith.index_cast %swap3A_583 : i32 to index
    %swap3A_585 = arith.constant 16 : index
    %swap3A_586 = tpu.vector_load %arg24[%swap3A_584, %swap3A_585] {strides = array<i32>} : memref<80x32xf32, #tpu.memory_space<vmem>>, vector<16xf32>,
    tpu.vector_store %arg24[%swap3A_584, %swap3A_585], %broadcast_in_dim3A_3 {strides = array<i32>} : memref<80x32xf32, #tpu.memory_space<vmem>>, vector<16xf32>,
    %swap3A_587 = arith.constant 73 : i32
    %swap3A_588 = arith.index_cast %swap3A_587 : i32 to index
    %swap3A_589 = arith.constant 0 : index
    %swap3A_590 = tpu.vector_load %arg24[%swap3A_588, %swap3A_589] {strides = array<i32>} : memref<80x32xf32, #tpu.memory_space<vmem>>, vector<16xf32>,
    tpu.vector_store %arg24[%swap3A_588, %swap3A_589], %broadcast_in_dim3A_3 {strides = array<i32>} : memref<80x32xf32, #tpu.memory_space<vmem>>, vector<16xf32>,
    %swap3A_591 = arith.constant 73 : i32
    %swap3A_592 = arith.index_cast %swap3A_591 : i32 to index
    %swap3A_593 = arith.constant 16 : index
    %swap3A_594 = tpu.vector_load %arg24[%swap3A_592, %swap3A_593] {strides = array<i32>} : memref<80x32xf32, #tpu.memory_space<vmem>>, vector<16xf32>,
    tpu.vector_store %arg24[%swap3A_592, %swap3A_593], %broadcast_in_dim3A_3 {strides = array<i32>} : memref<80x32xf32, #tpu.memory_space<vmem>>, vector<16xf32>,
    %swap3A_595 = arith.constant 74 : i32
    %swap3A_596 = arith.index_cast %swap3A_595 : i32 to index
    %swap3A_597 = arith.constant 0 : index
    %swap3A_598 = tpu.vector_load %arg24[%swap3A_596, %swap3A_597] {strides = array<i32>} : memref<80x32xf32, #tpu.memory_space<vmem>>, vector<16xf32>,
    tpu.vector_store %arg24[%swap3A_596, %swap3A_597], %broadcast_in_dim3A_3 {strides = array<i32>} : memref<80x32xf32, #tpu.memory_space<vmem>>, vector<16xf32>,
    %swap3A_599 = arith.constant 74 : i32
    %swap3A_600 = arith.index_cast %swap3A_599 : i32 to index
    %swap3A_601 = arith.constant 16 : index
    %swap3A_602 = tpu.vector_load %arg24[%swap3A_600, %swap3A_601] {strides = array<i32>} : memref<80x32xf32, #tpu.memory_space<vmem>>, vector<16xf32>,
    tpu.vector_store %arg24[%swap3A_600, %swap3A_601], %broadcast_in_dim3A_3 {strides = array<i32>} : memref<80x32xf32, #tpu.memory_space<vmem>>, vector<16xf32>,
    %swap3A_603 = arith.constant 75 : i32
    %swap3A_604 = arith.index_cast %swap3A_603 : i32 to index
    %swap3A_605 = arith.constant 0 : index
    %swap3A_606 = tpu.vector_load %arg24[%swap3A_604, %swap3A_605] {strides = array<i32>} : memref<80x32xf32, #tpu.memory_space<vmem>>, vector<16xf32>,
    tpu.vector_store %arg24[%swap3A_604, %swap3A_605], %broadcast_in_dim3A_3 {strides = array<i32>} : memref<80x32xf32, #tpu.memory_space<vmem>>, vector<16xf32>,
    %swap3A_607 = arith.constant 75 : i32
    %swap3A_608 = arith.index_cast %swap3A_607 : i32 to index
    %swap3A_609 = arith.constant 16 : index
    %swap3A_610 = tpu.vector_load %arg24[%swap3A_608, %swap3A_609] {strides = array<i32>} : memref<80x32xf32, #tpu.memory_space<vmem>>, vector<16xf32>,
    tpu.vector_store %arg24[%swap3A_608, %swap3A_609], %broadcast_in_dim3A_3 {strides = array<i32>} : memref<80x32xf32, #tpu.memory_space<vmem>>, vector<16xf32>,
    %swap3A_611 = arith.constant 76 : i32
    %swap3A_612 = arith.index_cast %swap3A_611 : i32 to index
    %swap3A_613 = arith.constant 0 : index
    %swap3A_614 = tpu.vector_load %arg24[%swap3A_612, %swap3A_613] {strides = array<i32>} : memref<80x32xf32, #tpu.memory_space<vmem>>, vector<16xf32>,
    tpu.vector_store %arg24[%swap3A_612, %swap3A_613], %broadcast_in_dim3A_3 {strides = array<i32>} : memref<80x32xf32, #tpu.memory_space<vmem>>, vector<16xf32>,
    %swap3A_615 = arith.constant 76 : i32
    %swap3A_616 = arith.index_cast %swap3A_615 : i32 to index
    %swap3A_617 = arith.constant 16 : index
    %swap3A_618 = tpu.vector_load %arg24[%swap3A_616, %swap3A_617] {strides = array<i32>} : memref<80x32xf32, #tpu.memory_space<vmem>>, vector<16xf32>,
    tpu.vector_store %arg24[%swap3A_616, %swap3A_617], %broadcast_in_dim3A_3 {strides = array<i32>} : memref<80x32xf32, #tpu.memory_space<vmem>>, vector<16xf32>,
    %swap3A_619 = arith.constant 77 : i32
    %swap3A_620 = arith.index_cast %swap3A_619 : i32 to index
    %swap3A_621 = arith.constant 0 : index
    %swap3A_622 = tpu.vector_load %arg24[%swap3A_620, %swap3A_621] {strides = array<i32>} : memref<80x32xf32, #tpu.memory_space<vmem>>, vector<16xf32>,
    tpu.vector_store %arg24[%swap3A_620, %swap3A_621], %broadcast_in_dim3A_3 {strides = array<i32>} : memref<80x32xf32, #tpu.memory_space<vmem>>, vector<16xf32>,
    %swap3A_623 = arith.constant 77 : i32
    %swap3A_624 = arith.index_cast %swap3A_623 : i32 to index
    %swap3A_625 = arith.constant 16 : index
    %swap3A_626 = tpu.vector_load %arg24[%swap3A_624, %swap3A_625] {strides = array<i32>} : memref<80x32xf32, #tpu.memory_space<vmem>>, vector<16xf32>,
    tpu.vector_store %arg24[%swap3A_624, %swap3A_625], %broadcast_in_dim3A_3 {strides = array<i32>} : memref<80x32xf32, #tpu.memory_space<vmem>>, vector<16xf32>,
    %swap3A_627 = arith.constant 78 : i32
    %swap3A_628 = arith.index_cast %swap3A_627 : i32 to index
    %swap3A_629 = arith.constant 0 : index
    %swap3A_630 = tpu.vector_load %arg24[%swap3A_628, %swap3A_629] {strides = array<i32>} : memref<80x32xf32, #tpu.memory_space<vmem>>, vector<16xf32>,
    tpu.vector_store %arg24[%swap3A_628, %swap3A_629], %broadcast_in_dim3A_3 {strides = array<i32>} : memref<80x32xf32, #tpu.memory_space<vmem>>, vector<16xf32>,
    %swap3A_631 = arith.constant 78 : i32
    %swap3A_632 = arith.index_cast %swap3A_631 : i32 to index
    %swap3A_633 = arith.constant 16 : index
    %swap3A_634 = tpu.vector_load %arg24[%swap3A_632, %swap3A_633] {strides = array<i32>} : memref<80x32xf32, #tpu.memory_space<vmem>>, vector<16xf32>,
    tpu.vector_store %arg24[%swap3A_632, %swap3A_633], %broadcast_in_dim3A_3 {strides = array<i32>} : memref<80x32xf32, #tpu.memory_space<vmem>>, vector<16xf32>,
    %swap3A_635 = arith.constant 79 : i32
    %swap3A_636 = arith.index_cast %swap3A_635 : i32 to index
    %swap3A_637 = arith.constant 0 : index
    %swap3A_638 = tpu.vector_load %arg24[%swap3A_636, %swap3A_637] {strides = array<i32>} : memref<80x32xf32, #tpu.memory_space<vmem>>, vector<16xf32>,
    tpu.vector_store %arg24[%swap3A_636, %swap3A_637], %broadcast_in_dim3A_3 {strides = array<i32>} : memref<80x32xf32, #tpu.memory_space<vmem>>, vector<16xf32>,
    %swap3A_639 = arith.constant 79 : i32
    %swap3A_640 = arith.index_cast %swap3A_639 : i32 to index
    %swap3A_641 = arith.constant 16 : index
    %swap3A_642 = tpu.vector_load %arg24[%swap3A_640, %swap3A_641] {strides = array<i32>} : memref<80x32xf32, #tpu.memory_space<vmem>>, vector<16xf32>,
    tpu.vector_store %arg24[%swap3A_640, %swap3A_641], %broadcast_in_dim3A_3 {strides = array<i32>} : memref<80x32xf32, #tpu.memory_space<vmem>>, vector<16xf32>,
    %scan3A = arith.constant 0 : i32
    %scan3A_643 = arith.constant 0 : i32
    %scan3A_644 = arith.constant 80 : i32
    %scan3A_645 = arith.addi %scan3A_643, %scan3A_644 : i32
    %scan3A_646 = arith.constant 1 : i32
    %scan3A_647 = scf.for %scan3A_854 = %scan3A_643 to %scan3A_645 step %scan3A_646 iter_args(%scan3A_855 = %scan3A) -> (i32)  : i32 {
      %mul3A_856 = arith.constant 16 : i32
      %mul3A_857 = arith.muli %scan3A_854, %mul3A_856 : i32
      %swap3A_858 = arith.index_cast %mul3A_857 : i32 to index
      %swap3A_859 = tpu.vector_load %arg25[%swap3A_858] {strides = array<i32>} : memref<1280xf32, #tpu.memory_space<vmem>>, vector<16xf32>,
      tpu.vector_store %arg25[%swap3A_858], %broadcast_in_dim3A_3 {strides = array<i32>} : memref<1280xf32, #tpu.memory_space<vmem>>, vector<16xf32>,
      %scan3A_860 = arith.constant 0 : i32
      scf.yield %scan3A_860 : i32
    }
    %scan3A_648 = arith.constant 80 : i32
    %mul3A_649 = arith.constant 1280 : i32
    %mul3A_650 = arith.muli %arg1, %mul3A_649 : i32
    %add3A_651 = arith.constant 0 : i32
    %add3A_652 = arith.addi %mul3A_650, %add3A_651 : i32
    "tpu.region"() ({
      %run_scoped3A = tpu.sem_alloc : memref<!tpu.dma_semaphore, #tpu.memory_space<semaphore_mem>>
      %dma_start3A_854 = arith.constant 0 : i32
      %dma_start3A_855 = tpu.memref_slice %arg26[%add3A_652, %dma_start3A_854] : memref<20480x32xf32, #tpu.memory_space<vmem_shared>> -> memref<80x32xf32, #tpu.memory_space<vmem_shared>>
      %dma_start3A_856 = arith.constant 0 : i32
      %dma_start3A_857 = tpu.memref_slice %arg26[%add3A_652, %dma_start3A_856] : memref<20480x32xf32, #tpu.memory_space<vmem_shared>> -> memref<80x32xf32, #tpu.memory_space<vmem_shared>>
      tpu.enqueue_dma source(%arg24 : memref<80x32xf32, #tpu.memory_space<vmem>>) target(%dma_start3A_857 : memref<80x32xf32, #tpu.memory_space<vmem_shared>>) target_semaphore(%run_scoped3A : memref<!tpu.dma_semaphore, #tpu.memory_space<semaphore_mem>>)
      %dma_wait3A_858 = arith.constant 0 : i32
      %dma_wait3A_859 = tpu.memref_slice %arg26[%add3A_652, %dma_wait3A_858] : memref<20480x32xf32, #tpu.memory_space<vmem_shared>> -> memref<80x32xf32, #tpu.memory_space<vmem_shared>>
      %dma_wait3A_860 = arith.constant 0 : i32
      %dma_wait3A_861 = tpu.memref_slice %arg26[%add3A_652, %dma_wait3A_860] : memref<20480x32xf32, #tpu.memory_space<vmem_shared>> -> memref<80x32xf32, #tpu.memory_space<vmem_shared>>
      tpu.wait_dma2 semaphore(%run_scoped3A : memref<!tpu.dma_semaphore, #tpu.memory_space<semaphore_mem>>) src(%arg24 : memref<80x32xf32, #tpu.memory_space<vmem>>) dst(%dma_wait3A_861 : memref<80x32xf32, #tpu.memory_space<vmem_shared>>)
      tpu.yield
    }) : () -> ()
    %mul3A_653 = arith.constant 1280 : i32
    %mul3A_654 = arith.muli %arg1, %mul3A_653 : i32
    %add3A_655 = arith.constant 80 : i32
    %add3A_656 = arith.addi %mul3A_654, %add3A_655 : i32
    "tpu.region"() ({
      %run_scoped3A = tpu.sem_alloc : memref<!tpu.dma_semaphore, #tpu.memory_space<semaphore_mem>>
      %dma_start3A_854 = arith.constant 0 : i32
      %dma_start3A_855 = tpu.memref_slice %arg26[%add3A_656, %dma_start3A_854] : memref<20480x32xf32, #tpu.memory_space<vmem_shared>> -> memref<80x32xf32, #tpu.memory_space<vmem_shared>>
      %dma_start3A_856 = arith.constant 0 : i32
      %dma_start3A_857 = tpu.memref_slice %arg26[%add3A_656, %dma_start3A_856] : memref<20480x32xf32, #tpu.memory_space<vmem_shared>> -> memref<80x32xf32, #tpu.memory_space<vmem_shared>>
      tpu.enqueue_dma source(%arg24 : memref<80x32xf32, #tpu.memory_space<vmem>>) target(%dma_start3A_857 : memref<80x32xf32, #tpu.memory_space<vmem_shared>>) target_semaphore(%run_scoped3A : memref<!tpu.dma_semaphore, #tpu.memory_space<semaphore_mem>>)
      %dma_wait3A_858 = arith.constant 0 : i32
      %dma_wait3A_859 = tpu.memref_slice %arg26[%add3A_656, %dma_wait3A_858] : memref<20480x32xf32, #tpu.memory_space<vmem_shared>> -> memref<80x32xf32, #tpu.memory_space<vmem_shared>>
      %dma_wait3A_860 = arith.constant 0 : i32
      %dma_wait3A_861 = tpu.memref_slice %arg26[%add3A_656, %dma_wait3A_860] : memref<20480x32xf32, #tpu.memory_space<vmem_shared>> -> memref<80x32xf32, #tpu.memory_space<vmem_shared>>
      tpu.wait_dma2 semaphore(%run_scoped3A : memref<!tpu.dma_semaphore, #tpu.memory_space<semaphore_mem>>) src(%arg24 : memref<80x32xf32, #tpu.memory_space<vmem>>) dst(%dma_wait3A_861 : memref<80x32xf32, #tpu.memory_space<vmem_shared>>)
      tpu.yield
    }) : () -> ()
    %mul3A_657 = arith.constant 1280 : i32
    %mul3A_658 = arith.muli %arg1, %mul3A_657 : i32
    %add3A_659 = arith.constant 160 : i32
    %add3A_660 = arith.addi %mul3A_658, %add3A_659 : i32
    "tpu.region"() ({
      %run_scoped3A = tpu.sem_alloc : memref<!tpu.dma_semaphore, #tpu.memory_space<semaphore_mem>>
      %dma_start3A_854 = arith.constant 0 : i32
      %dma_start3A_855 = tpu.memref_slice %arg26[%add3A_660, %dma_start3A_854] : memref<20480x32xf32, #tpu.memory_space<vmem_shared>> -> memref<80x32xf32, #tpu.memory_space<vmem_shared>>
      %dma_start3A_856 = arith.constant 0 : i32
      %dma_start3A_857 = tpu.memref_slice %arg26[%add3A_660, %dma_start3A_856] : memref<20480x32xf32, #tpu.memory_space<vmem_shared>> -> memref<80x32xf32, #tpu.memory_space<vmem_shared>>
      tpu.enqueue_dma source(%arg24 : memref<80x32xf32, #tpu.memory_space<vmem>>) target(%dma_start3A_857 : memref<80x32xf32, #tpu.memory_space<vmem_shared>>) target_semaphore(%run_scoped3A : memref<!tpu.dma_semaphore, #tpu.memory_space<semaphore_mem>>)
      %dma_wait3A_858 = arith.constant 0 : i32
      %dma_wait3A_859 = tpu.memref_slice %arg26[%add3A_660, %dma_wait3A_858] : memref<20480x32xf32, #tpu.memory_space<vmem_shared>> -> memref<80x32xf32, #tpu.memory_space<vmem_shared>>
      %dma_wait3A_860 = arith.constant 0 : i32
      %dma_wait3A_861 = tpu.memref_slice %arg26[%add3A_660, %dma_wait3A_860] : memref<20480x32xf32, #tpu.memory_space<vmem_shared>> -> memref<80x32xf32, #tpu.memory_space<vmem_shared>>
      tpu.wait_dma2 semaphore(%run_scoped3A : memref<!tpu.dma_semaphore, #tpu.memory_space<semaphore_mem>>) src(%arg24 : memref<80x32xf32, #tpu.memory_space<vmem>>) dst(%dma_wait3A_861 : memref<80x32xf32, #tpu.memory_space<vmem_shared>>)
      tpu.yield
    }) : () -> ()
    %mul3A_661 = arith.constant 1280 : i32
    %mul3A_662 = arith.muli %arg1, %mul3A_661 : i32
    %add3A_663 = arith.constant 240 : i32
    %add3A_664 = arith.addi %mul3A_662, %add3A_663 : i32
    "tpu.region"() ({
      %run_scoped3A = tpu.sem_alloc : memref<!tpu.dma_semaphore, #tpu.memory_space<semaphore_mem>>
      %dma_start3A_854 = arith.constant 0 : i32
      %dma_start3A_855 = tpu.memref_slice %arg26[%add3A_664, %dma_start3A_854] : memref<20480x32xf32, #tpu.memory_space<vmem_shared>> -> memref<80x32xf32, #tpu.memory_space<vmem_shared>>
      %dma_start3A_856 = arith.constant 0 : i32
      %dma_start3A_857 = tpu.memref_slice %arg26[%add3A_664, %dma_start3A_856] : memref<20480x32xf32, #tpu.memory_space<vmem_shared>> -> memref<80x32xf32, #tpu.memory_space<vmem_shared>>
      tpu.enqueue_dma source(%arg24 : memref<80x32xf32, #tpu.memory_space<vmem>>) target(%dma_start3A_857 : memref<80x32xf32, #tpu.memory_space<vmem_shared>>) target_semaphore(%run_scoped3A : memref<!tpu.dma_semaphore, #tpu.memory_space<semaphore_mem>>)
      %dma_wait3A_858 = arith.constant 0 : i32
      %dma_wait3A_859 = tpu.memref_slice %arg26[%add3A_664, %dma_wait3A_858] : memref<20480x32xf32, #tpu.memory_space<vmem_shared>> -> memref<80x32xf32, #tpu.memory_space<vmem_shared>>
      %dma_wait3A_860 = arith.constant 0 : i32
      %dma_wait3A_861 = tpu.memref_slice %arg26[%add3A_664, %dma_wait3A_860] : memref<20480x32xf32, #tpu.memory_space<vmem_shared>> -> memref<80x32xf32, #tpu.memory_space<vmem_shared>>
      tpu.wait_dma2 semaphore(%run_scoped3A : memref<!tpu.dma_semaphore, #tpu.memory_space<semaphore_mem>>) src(%arg24 : memref<80x32xf32, #tpu.memory_space<vmem>>) dst(%dma_wait3A_861 : memref<80x32xf32, #tpu.memory_space<vmem_shared>>)
      tpu.yield
    }) : () -> ()
    %mul3A_665 = arith.constant 1280 : i32
    %mul3A_666 = arith.muli %arg1, %mul3A_665 : i32
    %add3A_667 = arith.constant 320 : i32
    %add3A_668 = arith.addi %mul3A_666, %add3A_667 : i32
    "tpu.region"() ({
      %run_scoped3A = tpu.sem_alloc : memref<!tpu.dma_semaphore, #tpu.memory_space<semaphore_mem>>
      %dma_start3A_854 = arith.constant 0 : i32
      %dma_start3A_855 = tpu.memref_slice %arg26[%add3A_668, %dma_start3A_854] : memref<20480x32xf32, #tpu.memory_space<vmem_shared>> -> memref<80x32xf32, #tpu.memory_space<vmem_shared>>
      %dma_start3A_856 = arith.constant 0 : i32
      %dma_start3A_857 = tpu.memref_slice %arg26[%add3A_668, %dma_start3A_856] : memref<20480x32xf32, #tpu.memory_space<vmem_shared>> -> memref<80x32xf32, #tpu.memory_space<vmem_shared>>
      tpu.enqueue_dma source(%arg24 : memref<80x32xf32, #tpu.memory_space<vmem>>) target(%dma_start3A_857 : memref<80x32xf32, #tpu.memory_space<vmem_shared>>) target_semaphore(%run_scoped3A : memref<!tpu.dma_semaphore, #tpu.memory_space<semaphore_mem>>)
      %dma_wait3A_858 = arith.constant 0 : i32
      %dma_wait3A_859 = tpu.memref_slice %arg26[%add3A_668, %dma_wait3A_858] : memref<20480x32xf32, #tpu.memory_space<vmem_shared>> -> memref<80x32xf32, #tpu.memory_space<vmem_shared>>
      %dma_wait3A_860 = arith.constant 0 : i32
      %dma_wait3A_861 = tpu.memref_slice %arg26[%add3A_668, %dma_wait3A_860] : memref<20480x32xf32, #tpu.memory_space<vmem_shared>> -> memref<80x32xf32, #tpu.memory_space<vmem_shared>>
      tpu.wait_dma2 semaphore(%run_scoped3A : memref<!tpu.dma_semaphore, #tpu.memory_space<semaphore_mem>>) src(%arg24 : memref<80x32xf32, #tpu.memory_space<vmem>>) dst(%dma_wait3A_861 : memref<80x32xf32, #tpu.memory_space<vmem_shared>>)
      tpu.yield
    }) : () -> ()
    %mul3A_669 = arith.constant 1280 : i32
    %mul3A_670 = arith.muli %arg1, %mul3A_669 : i32
    %add3A_671 = arith.constant 400 : i32
    %add3A_672 = arith.addi %mul3A_670, %add3A_671 : i32
    "tpu.region"() ({
      %run_scoped3A = tpu.sem_alloc : memref<!tpu.dma_semaphore, #tpu.memory_space<semaphore_mem>>
      %dma_start3A_854 = arith.constant 0 : i32
      %dma_start3A_855 = tpu.memref_slice %arg26[%add3A_672, %dma_start3A_854] : memref<20480x32xf32, #tpu.memory_space<vmem_shared>> -> memref<80x32xf32, #tpu.memory_space<vmem_shared>>
      %dma_start3A_856 = arith.constant 0 : i32
      %dma_start3A_857 = tpu.memref_slice %arg26[%add3A_672, %dma_start3A_856] : memref<20480x32xf32, #tpu.memory_space<vmem_shared>> -> memref<80x32xf32, #tpu.memory_space<vmem_shared>>
      tpu.enqueue_dma source(%arg24 : memref<80x32xf32, #tpu.memory_space<vmem>>) target(%dma_start3A_857 : memref<80x32xf32, #tpu.memory_space<vmem_shared>>) target_semaphore(%run_scoped3A : memref<!tpu.dma_semaphore, #tpu.memory_space<semaphore_mem>>)
      %dma_wait3A_858 = arith.constant 0 : i32
      %dma_wait3A_859 = tpu.memref_slice %arg26[%add3A_672, %dma_wait3A_858] : memref<20480x32xf32, #tpu.memory_space<vmem_shared>> -> memref<80x32xf32, #tpu.memory_space<vmem_shared>>
      %dma_wait3A_860 = arith.constant 0 : i32
      %dma_wait3A_861 = tpu.memref_slice %arg26[%add3A_672, %dma_wait3A_860] : memref<20480x32xf32, #tpu.memory_space<vmem_shared>> -> memref<80x32xf32, #tpu.memory_space<vmem_shared>>
      tpu.wait_dma2 semaphore(%run_scoped3A : memref<!tpu.dma_semaphore, #tpu.memory_space<semaphore_mem>>) src(%arg24 : memref<80x32xf32, #tpu.memory_space<vmem>>) dst(%dma_wait3A_861 : memref<80x32xf32, #tpu.memory_space<vmem_shared>>)
      tpu.yield
    }) : () -> ()
    %mul3A_673 = arith.constant 1280 : i32
    %mul3A_674 = arith.muli %arg1, %mul3A_673 : i32
    %add3A_675 = arith.constant 480 : i32
    %add3A_676 = arith.addi %mul3A_674, %add3A_675 : i32
    "tpu.region"() ({
      %run_scoped3A = tpu.sem_alloc : memref<!tpu.dma_semaphore, #tpu.memory_space<semaphore_mem>>
      %dma_start3A_854 = arith.constant 0 : i32
      %dma_start3A_855 = tpu.memref_slice %arg26[%add3A_676, %dma_start3A_854] : memref<20480x32xf32, #tpu.memory_space<vmem_shared>> -> memref<80x32xf32, #tpu.memory_space<vmem_shared>>
      %dma_start3A_856 = arith.constant 0 : i32
      %dma_start3A_857 = tpu.memref_slice %arg26[%add3A_676, %dma_start3A_856] : memref<20480x32xf32, #tpu.memory_space<vmem_shared>> -> memref<80x32xf32, #tpu.memory_space<vmem_shared>>
      tpu.enqueue_dma source(%arg24 : memref<80x32xf32, #tpu.memory_space<vmem>>) target(%dma_start3A_857 : memref<80x32xf32, #tpu.memory_space<vmem_shared>>) target_semaphore(%run_scoped3A : memref<!tpu.dma_semaphore, #tpu.memory_space<semaphore_mem>>)
      %dma_wait3A_858 = arith.constant 0 : i32
      %dma_wait3A_859 = tpu.memref_slice %arg26[%add3A_676, %dma_wait3A_858] : memref<20480x32xf32, #tpu.memory_space<vmem_shared>> -> memref<80x32xf32, #tpu.memory_space<vmem_shared>>
      %dma_wait3A_860 = arith.constant 0 : i32
      %dma_wait3A_861 = tpu.memref_slice %arg26[%add3A_676, %dma_wait3A_860] : memref<20480x32xf32, #tpu.memory_space<vmem_shared>> -> memref<80x32xf32, #tpu.memory_space<vmem_shared>>
      tpu.wait_dma2 semaphore(%run_scoped3A : memref<!tpu.dma_semaphore, #tpu.memory_space<semaphore_mem>>) src(%arg24 : memref<80x32xf32, #tpu.memory_space<vmem>>) dst(%dma_wait3A_861 : memref<80x32xf32, #tpu.memory_space<vmem_shared>>)
      tpu.yield
    }) : () -> ()
    %mul3A_677 = arith.constant 1280 : i32
    %mul3A_678 = arith.muli %arg1, %mul3A_677 : i32
    %add3A_679 = arith.constant 560 : i32
    %add3A_680 = arith.addi %mul3A_678, %add3A_679 : i32
    "tpu.region"() ({
      %run_scoped3A = tpu.sem_alloc : memref<!tpu.dma_semaphore, #tpu.memory_space<semaphore_mem>>
      %dma_start3A_854 = arith.constant 0 : i32
      %dma_start3A_855 = tpu.memref_slice %arg26[%add3A_680, %dma_start3A_854] : memref<20480x32xf32, #tpu.memory_space<vmem_shared>> -> memref<80x32xf32, #tpu.memory_space<vmem_shared>>
      %dma_start3A_856 = arith.constant 0 : i32
      %dma_start3A_857 = tpu.memref_slice %arg26[%add3A_680, %dma_start3A_856] : memref<20480x32xf32, #tpu.memory_space<vmem_shared>> -> memref<80x32xf32, #tpu.memory_space<vmem_shared>>
      tpu.enqueue_dma source(%arg24 : memref<80x32xf32, #tpu.memory_space<vmem>>) target(%dma_start3A_857 : memref<80x32xf32, #tpu.memory_space<vmem_shared>>) target_semaphore(%run_scoped3A : memref<!tpu.dma_semaphore, #tpu.memory_space<semaphore_mem>>)
      %dma_wait3A_858 = arith.constant 0 : i32
      %dma_wait3A_859 = tpu.memref_slice %arg26[%add3A_680, %dma_wait3A_858] : memref<20480x32xf32, #tpu.memory_space<vmem_shared>> -> memref<80x32xf32, #tpu.memory_space<vmem_shared>>
      %dma_wait3A_860 = arith.constant 0 : i32
      %dma_wait3A_861 = tpu.memref_slice %arg26[%add3A_680, %dma_wait3A_860] : memref<20480x32xf32, #tpu.memory_space<vmem_shared>> -> memref<80x32xf32, #tpu.memory_space<vmem_shared>>
      tpu.wait_dma2 semaphore(%run_scoped3A : memref<!tpu.dma_semaphore, #tpu.memory_space<semaphore_mem>>) src(%arg24 : memref<80x32xf32, #tpu.memory_space<vmem>>) dst(%dma_wait3A_861 : memref<80x32xf32, #tpu.memory_space<vmem_shared>>)
      tpu.yield
    }) : () -> ()
    %mul3A_681 = arith.constant 1280 : i32
    %mul3A_682 = arith.muli %arg1, %mul3A_681 : i32
    %add3A_683 = arith.constant 640 : i32
    %add3A_684 = arith.addi %mul3A_682, %add3A_683 : i32
    "tpu.region"() ({
      %run_scoped3A = tpu.sem_alloc : memref<!tpu.dma_semaphore, #tpu.memory_space<semaphore_mem>>
      %dma_start3A_854 = arith.constant 0 : i32
      %dma_start3A_855 = tpu.memref_slice %arg26[%add3A_684, %dma_start3A_854] : memref<20480x32xf32, #tpu.memory_space<vmem_shared>> -> memref<80x32xf32, #tpu.memory_space<vmem_shared>>
      %dma_start3A_856 = arith.constant 0 : i32
      %dma_start3A_857 = tpu.memref_slice %arg26[%add3A_684, %dma_start3A_856] : memref<20480x32xf32, #tpu.memory_space<vmem_shared>> -> memref<80x32xf32, #tpu.memory_space<vmem_shared>>
      tpu.enqueue_dma source(%arg24 : memref<80x32xf32, #tpu.memory_space<vmem>>) target(%dma_start3A_857 : memref<80x32xf32, #tpu.memory_space<vmem_shared>>) target_semaphore(%run_scoped3A : memref<!tpu.dma_semaphore, #tpu.memory_space<semaphore_mem>>)
      %dma_wait3A_858 = arith.constant 0 : i32
      %dma_wait3A_859 = tpu.memref_slice %arg26[%add3A_684, %dma_wait3A_858] : memref<20480x32xf32, #tpu.memory_space<vmem_shared>> -> memref<80x32xf32, #tpu.memory_space<vmem_shared>>
      %dma_wait3A_860 = arith.constant 0 : i32
      %dma_wait3A_861 = tpu.memref_slice %arg26[%add3A_684, %dma_wait3A_860] : memref<20480x32xf32, #tpu.memory_space<vmem_shared>> -> memref<80x32xf32, #tpu.memory_space<vmem_shared>>
      tpu.wait_dma2 semaphore(%run_scoped3A : memref<!tpu.dma_semaphore, #tpu.memory_space<semaphore_mem>>) src(%arg24 : memref<80x32xf32, #tpu.memory_space<vmem>>) dst(%dma_wait3A_861 : memref<80x32xf32, #tpu.memory_space<vmem_shared>>)
      tpu.yield
    }) : () -> ()
    %mul3A_685 = arith.constant 1280 : i32
    %mul3A_686 = arith.muli %arg1, %mul3A_685 : i32
    %add3A_687 = arith.constant 720 : i32
    %add3A_688 = arith.addi %mul3A_686, %add3A_687 : i32
    "tpu.region"() ({
      %run_scoped3A = tpu.sem_alloc : memref<!tpu.dma_semaphore, #tpu.memory_space<semaphore_mem>>
      %dma_start3A_854 = arith.constant 0 : i32
      %dma_start3A_855 = tpu.memref_slice %arg26[%add3A_688, %dma_start3A_854] : memref<20480x32xf32, #tpu.memory_space<vmem_shared>> -> memref<80x32xf32, #tpu.memory_space<vmem_shared>>
      %dma_start3A_856 = arith.constant 0 : i32
      %dma_start3A_857 = tpu.memref_slice %arg26[%add3A_688, %dma_start3A_856] : memref<20480x32xf32, #tpu.memory_space<vmem_shared>> -> memref<80x32xf32, #tpu.memory_space<vmem_shared>>
      tpu.enqueue_dma source(%arg24 : memref<80x32xf32, #tpu.memory_space<vmem>>) target(%dma_start3A_857 : memref<80x32xf32, #tpu.memory_space<vmem_shared>>) target_semaphore(%run_scoped3A : memref<!tpu.dma_semaphore, #tpu.memory_space<semaphore_mem>>)
      %dma_wait3A_858 = arith.constant 0 : i32
      %dma_wait3A_859 = tpu.memref_slice %arg26[%add3A_688, %dma_wait3A_858] : memref<20480x32xf32, #tpu.memory_space<vmem_shared>> -> memref<80x32xf32, #tpu.memory_space<vmem_shared>>
      %dma_wait3A_860 = arith.constant 0 : i32
      %dma_wait3A_861 = tpu.memref_slice %arg26[%add3A_688, %dma_wait3A_860] : memref<20480x32xf32, #tpu.memory_space<vmem_shared>> -> memref<80x32xf32, #tpu.memory_space<vmem_shared>>
      tpu.wait_dma2 semaphore(%run_scoped3A : memref<!tpu.dma_semaphore, #tpu.memory_space<semaphore_mem>>) src(%arg24 : memref<80x32xf32, #tpu.memory_space<vmem>>) dst(%dma_wait3A_861 : memref<80x32xf32, #tpu.memory_space<vmem_shared>>)
      tpu.yield
    }) : () -> ()
    %mul3A_689 = arith.constant 1280 : i32
    %mul3A_690 = arith.muli %arg1, %mul3A_689 : i32
    %add3A_691 = arith.constant 800 : i32
    %add3A_692 = arith.addi %mul3A_690, %add3A_691 : i32
    "tpu.region"() ({
      %run_scoped3A = tpu.sem_alloc : memref<!tpu.dma_semaphore, #tpu.memory_space<semaphore_mem>>
      %dma_start3A_854 = arith.constant 0 : i32
      %dma_start3A_855 = tpu.memref_slice %arg26[%add3A_692, %dma_start3A_854] : memref<20480x32xf32, #tpu.memory_space<vmem_shared>> -> memref<80x32xf32, #tpu.memory_space<vmem_shared>>
      %dma_start3A_856 = arith.constant 0 : i32
      %dma_start3A_857 = tpu.memref_slice %arg26[%add3A_692, %dma_start3A_856] : memref<20480x32xf32, #tpu.memory_space<vmem_shared>> -> memref<80x32xf32, #tpu.memory_space<vmem_shared>>
      tpu.enqueue_dma source(%arg24 : memref<80x32xf32, #tpu.memory_space<vmem>>) target(%dma_start3A_857 : memref<80x32xf32, #tpu.memory_space<vmem_shared>>) target_semaphore(%run_scoped3A : memref<!tpu.dma_semaphore, #tpu.memory_space<semaphore_mem>>)
      %dma_wait3A_858 = arith.constant 0 : i32
      %dma_wait3A_859 = tpu.memref_slice %arg26[%add3A_692, %dma_wait3A_858] : memref<20480x32xf32, #tpu.memory_space<vmem_shared>> -> memref<80x32xf32, #tpu.memory_space<vmem_shared>>
      %dma_wait3A_860 = arith.constant 0 : i32
      %dma_wait3A_861 = tpu.memref_slice %arg26[%add3A_692, %dma_wait3A_860] : memref<20480x32xf32, #tpu.memory_space<vmem_shared>> -> memref<80x32xf32, #tpu.memory_space<vmem_shared>>
      tpu.wait_dma2 semaphore(%run_scoped3A : memref<!tpu.dma_semaphore, #tpu.memory_space<semaphore_mem>>) src(%arg24 : memref<80x32xf32, #tpu.memory_space<vmem>>) dst(%dma_wait3A_861 : memref<80x32xf32, #tpu.memory_space<vmem_shared>>)
      tpu.yield
    }) : () -> ()
    %mul3A_693 = arith.constant 1280 : i32
    %mul3A_694 = arith.muli %arg1, %mul3A_693 : i32
    %add3A_695 = arith.constant 880 : i32
    %add3A_696 = arith.addi %mul3A_694, %add3A_695 : i32
    "tpu.region"() ({
      %run_scoped3A = tpu.sem_alloc : memref<!tpu.dma_semaphore, #tpu.memory_space<semaphore_mem>>
      %dma_start3A_854 = arith.constant 0 : i32
      %dma_start3A_855 = tpu.memref_slice %arg26[%add3A_696, %dma_start3A_854] : memref<20480x32xf32, #tpu.memory_space<vmem_shared>> -> memref<80x32xf32, #tpu.memory_space<vmem_shared>>
      %dma_start3A_856 = arith.constant 0 : i32
      %dma_start3A_857 = tpu.memref_slice %arg26[%add3A_696, %dma_start3A_856] : memref<20480x32xf32, #tpu.memory_space<vmem_shared>> -> memref<80x32xf32, #tpu.memory_space<vmem_shared>>
      tpu.enqueue_dma source(%arg24 : memref<80x32xf32, #tpu.memory_space<vmem>>) target(%dma_start3A_857 : memref<80x32xf32, #tpu.memory_space<vmem_shared>>) target_semaphore(%run_scoped3A : memref<!tpu.dma_semaphore, #tpu.memory_space<semaphore_mem>>)
      %dma_wait3A_858 = arith.constant 0 : i32
      %dma_wait3A_859 = tpu.memref_slice %arg26[%add3A_696, %dma_wait3A_858] : memref<20480x32xf32, #tpu.memory_space<vmem_shared>> -> memref<80x32xf32, #tpu.memory_space<vmem_shared>>
      %dma_wait3A_860 = arith.constant 0 : i32
      %dma_wait3A_861 = tpu.memref_slice %arg26[%add3A_696, %dma_wait3A_860] : memref<20480x32xf32, #tpu.memory_space<vmem_shared>> -> memref<80x32xf32, #tpu.memory_space<vmem_shared>>
      tpu.wait_dma2 semaphore(%run_scoped3A : memref<!tpu.dma_semaphore, #tpu.memory_space<semaphore_mem>>) src(%arg24 : memref<80x32xf32, #tpu.memory_space<vmem>>) dst(%dma_wait3A_861 : memref<80x32xf32, #tpu.memory_space<vmem_shared>>)
      tpu.yield
    }) : () -> ()
    %mul3A_697 = arith.constant 1280 : i32
    %mul3A_698 = arith.muli %arg1, %mul3A_697 : i32
    %add3A_699 = arith.constant 960 : i32
    %add3A_700 = arith.addi %mul3A_698, %add3A_699 : i32
    "tpu.region"() ({
      %run_scoped3A = tpu.sem_alloc : memref<!tpu.dma_semaphore, #tpu.memory_space<semaphore_mem>>
      %dma_start3A_854 = arith.constant 0 : i32
      %dma_start3A_855 = tpu.memref_slice %arg26[%add3A_700, %dma_start3A_854] : memref<20480x32xf32, #tpu.memory_space<vmem_shared>> -> memref<80x32xf32, #tpu.memory_space<vmem_shared>>
      %dma_start3A_856 = arith.constant 0 : i32
      %dma_start3A_857 = tpu.memref_slice %arg26[%add3A_700, %dma_start3A_856] : memref<20480x32xf32, #tpu.memory_space<vmem_shared>> -> memref<80x32xf32, #tpu.memory_space<vmem_shared>>
      tpu.enqueue_dma source(%arg24 : memref<80x32xf32, #tpu.memory_space<vmem>>) target(%dma_start3A_857 : memref<80x32xf32, #tpu.memory_space<vmem_shared>>) target_semaphore(%run_scoped3A : memref<!tpu.dma_semaphore, #tpu.memory_space<semaphore_mem>>)
      %dma_wait3A_858 = arith.constant 0 : i32
      %dma_wait3A_859 = tpu.memref_slice %arg26[%add3A_700, %dma_wait3A_858] : memref<20480x32xf32, #tpu.memory_space<vmem_shared>> -> memref<80x32xf32, #tpu.memory_space<vmem_shared>>
      %dma_wait3A_860 = arith.constant 0 : i32
      %dma_wait3A_861 = tpu.memref_slice %arg26[%add3A_700, %dma_wait3A_860] : memref<20480x32xf32, #tpu.memory_space<vmem_shared>> -> memref<80x32xf32, #tpu.memory_space<vmem_shared>>
      tpu.wait_dma2 semaphore(%run_scoped3A : memref<!tpu.dma_semaphore, #tpu.memory_space<semaphore_mem>>) src(%arg24 : memref<80x32xf32, #tpu.memory_space<vmem>>) dst(%dma_wait3A_861 : memref<80x32xf32, #tpu.memory_space<vmem_shared>>)
      tpu.yield
    }) : () -> ()
    %mul3A_701 = arith.constant 1280 : i32
    %mul3A_702 = arith.muli %arg1, %mul3A_701 : i32
    %add3A_703 = arith.constant 1040 : i32
    %add3A_704 = arith.addi %mul3A_702, %add3A_703 : i32
    "tpu.region"() ({
      %run_scoped3A = tpu.sem_alloc : memref<!tpu.dma_semaphore, #tpu.memory_space<semaphore_mem>>
      %dma_start3A_854 = arith.constant 0 : i32
      %dma_start3A_855 = tpu.memref_slice %arg26[%add3A_704, %dma_start3A_854] : memref<20480x32xf32, #tpu.memory_space<vmem_shared>> -> memref<80x32xf32, #tpu.memory_space<vmem_shared>>
      %dma_start3A_856 = arith.constant 0 : i32
      %dma_start3A_857 = tpu.memref_slice %arg26[%add3A_704, %dma_start3A_856] : memref<20480x32xf32, #tpu.memory_space<vmem_shared>> -> memref<80x32xf32, #tpu.memory_space<vmem_shared>>
      tpu.enqueue_dma source(%arg24 : memref<80x32xf32, #tpu.memory_space<vmem>>) target(%dma_start3A_857 : memref<80x32xf32, #tpu.memory_space<vmem_shared>>) target_semaphore(%run_scoped3A : memref<!tpu.dma_semaphore, #tpu.memory_space<semaphore_mem>>)
      %dma_wait3A_858 = arith.constant 0 : i32
      %dma_wait3A_859 = tpu.memref_slice %arg26[%add3A_704, %dma_wait3A_858] : memref<20480x32xf32, #tpu.memory_space<vmem_shared>> -> memref<80x32xf32, #tpu.memory_space<vmem_shared>>
      %dma_wait3A_860 = arith.constant 0 : i32
      %dma_wait3A_861 = tpu.memref_slice %arg26[%add3A_704, %dma_wait3A_860] : memref<20480x32xf32, #tpu.memory_space<vmem_shared>> -> memref<80x32xf32, #tpu.memory_space<vmem_shared>>
      tpu.wait_dma2 semaphore(%run_scoped3A : memref<!tpu.dma_semaphore, #tpu.memory_space<semaphore_mem>>) src(%arg24 : memref<80x32xf32, #tpu.memory_space<vmem>>) dst(%dma_wait3A_861 : memref<80x32xf32, #tpu.memory_space<vmem_shared>>)
      tpu.yield
    }) : () -> ()
    %mul3A_705 = arith.constant 1280 : i32
    %mul3A_706 = arith.muli %arg1, %mul3A_705 : i32
    %add3A_707 = arith.constant 1120 : i32
    %add3A_708 = arith.addi %mul3A_706, %add3A_707 : i32
    "tpu.region"() ({
      %run_scoped3A = tpu.sem_alloc : memref<!tpu.dma_semaphore, #tpu.memory_space<semaphore_mem>>
      %dma_start3A_854 = arith.constant 0 : i32
      %dma_start3A_855 = tpu.memref_slice %arg26[%add3A_708, %dma_start3A_854] : memref<20480x32xf32, #tpu.memory_space<vmem_shared>> -> memref<80x32xf32, #tpu.memory_space<vmem_shared>>
      %dma_start3A_856 = arith.constant 0 : i32
      %dma_start3A_857 = tpu.memref_slice %arg26[%add3A_708, %dma_start3A_856] : memref<20480x32xf32, #tpu.memory_space<vmem_shared>> -> memref<80x32xf32, #tpu.memory_space<vmem_shared>>
      tpu.enqueue_dma source(%arg24 : memref<80x32xf32, #tpu.memory_space<vmem>>) target(%dma_start3A_857 : memref<80x32xf32, #tpu.memory_space<vmem_shared>>) target_semaphore(%run_scoped3A : memref<!tpu.dma_semaphore, #tpu.memory_space<semaphore_mem>>)
      %dma_wait3A_858 = arith.constant 0 : i32
      %dma_wait3A_859 = tpu.memref_slice %arg26[%add3A_708, %dma_wait3A_858] : memref<20480x32xf32, #tpu.memory_space<vmem_shared>> -> memref<80x32xf32, #tpu.memory_space<vmem_shared>>
      %dma_wait3A_860 = arith.constant 0 : i32
      %dma_wait3A_861 = tpu.memref_slice %arg26[%add3A_708, %dma_wait3A_860] : memref<20480x32xf32, #tpu.memory_space<vmem_shared>> -> memref<80x32xf32, #tpu.memory_space<vmem_shared>>
      tpu.wait_dma2 semaphore(%run_scoped3A : memref<!tpu.dma_semaphore, #tpu.memory_space<semaphore_mem>>) src(%arg24 : memref<80x32xf32, #tpu.memory_space<vmem>>) dst(%dma_wait3A_861 : memref<80x32xf32, #tpu.memory_space<vmem_shared>>)
      tpu.yield
    }) : () -> ()
    %mul3A_709 = arith.constant 1280 : i32
    %mul3A_710 = arith.muli %arg1, %mul3A_709 : i32
    %add3A_711 = arith.constant 1200 : i32
    %add3A_712 = arith.addi %mul3A_710, %add3A_711 : i32
    "tpu.region"() ({
      %run_scoped3A = tpu.sem_alloc : memref<!tpu.dma_semaphore, #tpu.memory_space<semaphore_mem>>
      %dma_start3A_854 = arith.constant 0 : i32
      %dma_start3A_855 = tpu.memref_slice %arg26[%add3A_712, %dma_start3A_854] : memref<20480x32xf32, #tpu.memory_space<vmem_shared>> -> memref<80x32xf32, #tpu.memory_space<vmem_shared>>
      %dma_start3A_856 = arith.constant 0 : i32
      %dma_start3A_857 = tpu.memref_slice %arg26[%add3A_712, %dma_start3A_856] : memref<20480x32xf32, #tpu.memory_space<vmem_shared>> -> memref<80x32xf32, #tpu.memory_space<vmem_shared>>
      tpu.enqueue_dma source(%arg24 : memref<80x32xf32, #tpu.memory_space<vmem>>) target(%dma_start3A_857 : memref<80x32xf32, #tpu.memory_space<vmem_shared>>) target_semaphore(%run_scoped3A : memref<!tpu.dma_semaphore, #tpu.memory_space<semaphore_mem>>)
      %dma_wait3A_858 = arith.constant 0 : i32
      %dma_wait3A_859 = tpu.memref_slice %arg26[%add3A_712, %dma_wait3A_858] : memref<20480x32xf32, #tpu.memory_space<vmem_shared>> -> memref<80x32xf32, #tpu.memory_space<vmem_shared>>
      %dma_wait3A_860 = arith.constant 0 : i32
      %dma_wait3A_861 = tpu.memref_slice %arg26[%add3A_712, %dma_wait3A_860] : memref<20480x32xf32, #tpu.memory_space<vmem_shared>> -> memref<80x32xf32, #tpu.memory_space<vmem_shared>>
      tpu.wait_dma2 semaphore(%run_scoped3A : memref<!tpu.dma_semaphore, #tpu.memory_space<semaphore_mem>>) src(%arg24 : memref<80x32xf32, #tpu.memory_space<vmem>>) dst(%dma_wait3A_861 : memref<80x32xf32, #tpu.memory_space<vmem_shared>>)
      tpu.yield
    }) : () -> ()
    %mul3A_713 = arith.constant 1280 : i32
    %mul3A_714 = arith.muli %arg1, %mul3A_713 : i32
    "tpu.region"() ({
      %run_scoped3A = tpu.sem_alloc : memref<!tpu.dma_semaphore, #tpu.memory_space<semaphore_mem>>
      %dma_start3A_854 = tpu.memref_slice %arg27[%mul3A_714] : memref<20480xf32, #tpu.memory_space<vmem_shared>> -> memref<1280xf32, #tpu.memory_space<vmem_shared>>
      %dma_start3A_855 = tpu.memref_slice %arg27[%mul3A_714] : memref<20480xf32, #tpu.memory_space<vmem_shared>> -> memref<1280xf32, #tpu.memory_space<vmem_shared>>
      tpu.enqueue_dma source(%arg25 : memref<1280xf32, #tpu.memory_space<vmem>>) target(%dma_start3A_855 : memref<1280xf32, #tpu.memory_space<vmem_shared>>) target_semaphore(%run_scoped3A : memref<!tpu.dma_semaphore, #tpu.memory_space<semaphore_mem>>)
      %dma_wait3A_856 = tpu.memref_slice %arg27[%mul3A_714] : memref<20480xf32, #tpu.memory_space<vmem_shared>> -> memref<1280xf32, #tpu.memory_space<vmem_shared>>
      %dma_wait3A_857 = tpu.memref_slice %arg27[%mul3A_714] : memref<20480xf32, #tpu.memory_space<vmem_shared>> -> memref<1280xf32, #tpu.memory_space<vmem_shared>>
      tpu.wait_dma2 semaphore(%run_scoped3A : memref<!tpu.dma_semaphore, #tpu.memory_space<semaphore_mem>>) src(%arg25 : memref<1280xf32, #tpu.memory_space<vmem>>) dst(%dma_wait3A_857 : memref<1280xf32, #tpu.memory_space<vmem_shared>>)
      tpu.yield
    }) : () -> ()
    %barrier3A = arith.constant 0 : index
    tpu.barrier barrier_id(%barrier3A)
    %mul3A_715 = arith.constant 40960 : i32
    %mul3A_716 = arith.muli %div3A_2, %mul3A_715 : i32
    %mul3A_717 = arith.constant 327680 : i32
    %mul3A_718 = arith.muli %add3A, %mul3A_717 : i32
    %mul3A_719 = arith.constant 2560 : i32
    %mul3A_720 = arith.muli %rem3A_0, %mul3A_719 : i32
    %jit3A = arith.constant 128 : i32
    %div3A_721 = arith.divsi %mul3A_716, %jit3A : i32
    %sign3A = arith.constant 0 : i32
    %sign3A_722 = arith.cmpi sgt, %mul3A_716, %sign3A : i32
    %sign3A_723 = arith.extui %sign3A_722 : i1 to i32
    %sign3A_724 = arith.constant 0 : i32
    %sign3A_725 = arith.cmpi slt, %mul3A_716, %sign3A_724 : i32
    %sign3A_726 = arith.extui %sign3A_725 : i1 to i32
    %sign3A_727 = arith.subi %sign3A_723, %sign3A_726 : i32
    %sign3A_728 = arith.constant 0 : i32
    %sign3A_729 = arith.cmpi sgt, %jit3A, %sign3A_728 : i32
    %sign3A_730 = arith.extui %sign3A_729 : i1 to i32
    %sign3A_731 = arith.constant 0 : i32
    %sign3A_732 = arith.cmpi slt, %jit3A, %sign3A_731 : i32
    %sign3A_733 = arith.extui %sign3A_732 : i1 to i32
    %sign3A_734 = arith.subi %sign3A_730, %sign3A_733 : i32
    %ne3A = arith.cmpi ne, %sign3A_727, %sign3A_734 : i32
    %rem3A_735 = arith.remsi %mul3A_716, %jit3A : i32
    %ne3A_736 = arith.constant 0 : i32
    %ne3A_737 = arith.cmpi ne, %rem3A_735, %ne3A_736 : i32
    %and3A = arith.andi %ne3A, %ne3A_737 : i1
    %sub3A = arith.constant 1 : i32
    %sub3A_738 = arith.subi %div3A_721, %sub3A : i32
    %select_n3A = arith.select %and3A, %sub3A_738, %div3A_721 : i32
    %add3A_739 = arith.addi %mul3A_720, %select_n3A : i32
    %add3A_740 = arith.constant 0 : i32
    %add3A_741 = arith.addi %mul3A_716, %add3A_740 : i32
    %add3A_742 = arith.addi %mul3A_718, %add3A_741 : i32
    %dma_start3A = tpu.memref_slice %arg2[%add3A_742] : memref<1310720xi32, #tpu.memory_space<hbm>> -> memref<1024xi32, #tpu.memory_space<hbm>>
    %dma_start3A_743 = tpu.memref_slice %arg2[%add3A_742] : memref<1310720xi32, #tpu.memory_space<hbm>> -> memref<1024xi32, #tpu.memory_space<hbm>>
    tpu.enqueue_dma source(%dma_start3A_743 : memref<1024xi32, #tpu.memory_space<hbm>>) target(%arg10 : memref<1024xi32, #tpu.memory_space<vmem>>) target_semaphore(%arg32 : memref<!tpu.dma_semaphore, #tpu.memory_space<semaphore_mem>>)
    %add3A_744 = arith.addi %mul3A_718, %add3A_741 : i32
    %dma_start3A_745 = tpu.memref_slice %arg3[%add3A_744] : memref<1310720xi32, #tpu.memory_space<hbm>> -> memref<1024xi32, #tpu.memory_space<hbm>>
    %dma_start3A_746 = tpu.memref_slice %arg3[%add3A_744] : memref<1310720xi32, #tpu.memory_space<hbm>> -> memref<1024xi32, #tpu.memory_space<hbm>>
    tpu.enqueue_dma source(%dma_start3A_746 : memref<1024xi32, #tpu.memory_space<hbm>>) target(%arg12 : memref<1024xi32, #tpu.memory_space<vmem>>) target_semaphore(%arg32 : memref<!tpu.dma_semaphore, #tpu.memory_space<semaphore_mem>>)
    %add3A_747 = arith.constant 0 : i32
    %add3A_748 = arith.addi %add3A_739, %add3A_747 : i32
    %dma_start3A_749 = arith.constant 0 : i32
    %dma_start3A_750 = tpu.memref_slice %arg4[%add3A_748, %dma_start3A_749] : memref<5120x128xi32, #tpu.memory_space<hbm>> -> memref<8x128xi32, #tpu.memory_space<hbm>>
    %dma_start3A_751 = arith.constant 0 : i32
    %dma_start3A_752 = tpu.memref_slice %arg4[%add3A_748, %dma_start3A_751] : memref<5120x128xi32, #tpu.memory_space<hbm>> -> memref<8x128xi32, #tpu.memory_space<hbm>>
    tpu.enqueue_dma source(%dma_start3A_752 : memref<8x128xi32, #tpu.memory_space<hbm>>) target(%arg14 : memref<8x128xi32, #tpu.memory_space<vmem>>) target_semaphore(%arg32 : memref<!tpu.dma_semaphore, #tpu.memory_space<semaphore_mem>>)
    %dma_wait3A = tpu.memref_slice %arg2[%add3A_742] : memref<1310720xi32, #tpu.memory_space<hbm>> -> memref<1024xi32, #tpu.memory_space<hbm>>
    %dma_wait3A_753 = tpu.memref_slice %arg2[%add3A_742] : memref<1310720xi32, #tpu.memory_space<hbm>> -> memref<1024xi32, #tpu.memory_space<hbm>>
    tpu.wait_dma2 semaphore(%arg32 : memref<!tpu.dma_semaphore, #tpu.memory_space<semaphore_mem>>) src(%dma_wait3A_753 : memref<1024xi32, #tpu.memory_space<hbm>>) dst(%arg10 : memref<1024xi32, #tpu.memory_space<vmem>>)
    %dma_wait3A_754 = tpu.memref_slice %arg3[%add3A_744] : memref<1310720xi32, #tpu.memory_space<hbm>> -> memref<1024xi32, #tpu.memory_space<hbm>>
    %dma_wait3A_755 = tpu.memref_slice %arg3[%add3A_744] : memref<1310720xi32, #tpu.memory_space<hbm>> -> memref<1024xi32, #tpu.memory_space<hbm>>
    tpu.wait_dma2 semaphore(%arg32 : memref<!tpu.dma_semaphore, #tpu.memory_space<semaphore_mem>>) src(%dma_wait3A_755 : memref<1024xi32, #tpu.memory_space<hbm>>) dst(%arg12 : memref<1024xi32, #tpu.memory_space<vmem>>)
    %dma_wait3A_756 = arith.constant 0 : i32
    %dma_wait3A_757 = tpu.memref_slice %arg4[%add3A_748, %dma_wait3A_756] : memref<5120x128xi32, #tpu.memory_space<hbm>> -> memref<8x128xi32, #tpu.memory_space<hbm>>
    %dma_wait3A_758 = arith.constant 0 : i32
    %dma_wait3A_759 = tpu.memref_slice %arg4[%add3A_748, %dma_wait3A_758] : memref<5120x128xi32, #tpu.memory_space<hbm>> -> memref<8x128xi32, #tpu.memory_space<hbm>>
    tpu.wait_dma2 semaphore(%arg32 : memref<!tpu.dma_semaphore, #tpu.memory_space<semaphore_mem>>) src(%dma_wait3A_759 : memref<8x128xi32, #tpu.memory_space<hbm>>) dst(%arg14 : memref<8x128xi32, #tpu.memory_space<vmem>>)
    %dma_start3A_760 = arith.constant 0 : i32
    %dma_start3A_761 = arith.constant 0 : i32
    %dma_start3A_762 = tpu.memref_slice %arg22[%dma_start3A_760, %dma_start3A_761] : memref<1024x32xf32, #tpu.memory_space<vmem>> -> memref<128x32xf32, #tpu.memory_space<vmem>>
    %dma_start3A_763 = arith.constant 0 : i32
    %dma_start3A_764 = tpu.memref_slice %arg10[%dma_start3A_763] : memref<1024xi32, #tpu.memory_space<vmem>> -> memref<128xi32, #tpu.memory_space<vmem>>
    %dma_start3A_765 = arith.constant 0 : i32
    %dma_start3A_766 = arith.constant 0 : i32
    %dma_start3A_767 = tpu.memref_slice %arg7[%dma_start3A_765, %dma_start3A_766] : memref<80000x32xf32, #tpu.memory_space<hbm>> -> memref<80000x32xf32, #tpu.memory_space<hbm>>
    tpu.enqueue_indirect_dma source(%dma_start3A_767 : memref<80000x32xf32, #tpu.memory_space<hbm>>) target(%dma_start3A_762 : memref<128x32xf32, #tpu.memory_space<vmem>>) offsets(%dma_start3A_764 : memref<128xi32, #tpu.memory_space<vmem>>) semaphore(%arg28 : memref<!tpu.dma_semaphore, #tpu.memory_space<semaphore_mem>>)
    %dma_start3A_768 = arith.constant 128 : i32
    %dma_start3A_769 = arith.constant 0 : i32
    %dma_start3A_770 = tpu.memref_slice %arg22[%dma_start3A_768, %dma_start3A_769] : memref<1024x32xf32, #tpu.memory_space<vmem>> -> memref<128x32xf32, #tpu.memory_space<vmem>>
    %dma_start3A_771 = arith.constant 128 : i32
    %dma_start3A_772 = tpu.memref_slice %arg10[%dma_start3A_771] : memref<1024xi32, #tpu.memory_space<vmem>> -> memref<128xi32, #tpu.memory_space<vmem>>
    %dma_start3A_773 = arith.constant 0 : i32
    %dma_start3A_774 = arith.constant 0 : i32
    %dma_start3A_775 = tpu.memref_slice %arg7[%dma_start3A_773, %dma_start3A_774] : memref<80000x32xf32, #tpu.memory_space<hbm>> -> memref<80000x32xf32, #tpu.memory_space<hbm>>
    tpu.enqueue_indirect_dma source(%dma_start3A_775 : memref<80000x32xf32, #tpu.memory_space<hbm>>) target(%dma_start3A_770 : memref<128x32xf32, #tpu.memory_space<vmem>>) offsets(%dma_start3A_772 : memref<128xi32, #tpu.memory_space<vmem>>) semaphore(%arg28 : memref<!tpu.dma_semaphore, #tpu.memory_space<semaphore_mem>>)
    %dma_start3A_776 = arith.constant 256 : i32
    %dma_start3A_777 = arith.constant 0 : i32
    %dma_start3A_778 = tpu.memref_slice %arg22[%dma_start3A_776, %dma_start3A_777] : memref<1024x32xf32, #tpu.memory_space<vmem>> -> memref<128x32xf32, #tpu.memory_space<vmem>>
    %dma_start3A_779 = arith.constant 256 : i32
    %dma_start3A_780 = tpu.memref_slice %arg10[%dma_start3A_779] : memref<1024xi32, #tpu.memory_space<vmem>> -> memref<128xi32, #tpu.memory_space<vmem>>
    %dma_start3A_781 = arith.constant 0 : i32
    %dma_start3A_782 = arith.constant 0 : i32
    %dma_start3A_783 = tpu.memref_slice %arg7[%dma_start3A_781, %dma_start3A_782] : memref<80000x32xf32, #tpu.memory_space<hbm>> -> memref<80000x32xf32, #tpu.memory_space<hbm>>
    tpu.enqueue_indirect_dma source(%dma_start3A_783 : memref<80000x32xf32, #tpu.memory_space<hbm>>) target(%dma_start3A_778 : memref<128x32xf32, #tpu.memory_space<vmem>>) offsets(%dma_start3A_780 : memref<128xi32, #tpu.memory_space<vmem>>) semaphore(%arg28 : memref<!tpu.dma_semaphore, #tpu.memory_space<semaphore_mem>>)
    %dma_start3A_784 = arith.constant 384 : i32
    %dma_start3A_785 = arith.constant 0 : i32
    %dma_start3A_786 = tpu.memref_slice %arg22[%dma_start3A_784, %dma_start3A_785] : memref<1024x32xf32, #tpu.memory_space<vmem>> -> memref<128x32xf32, #tpu.memory_space<vmem>>
    %dma_start3A_787 = arith.constant 384 : i32
    %dma_start3A_788 = tpu.memref_slice %arg10[%dma_start3A_787] : memref<1024xi32, #tpu.memory_space<vmem>> -> memref<128xi32, #tpu.memory_space<vmem>>
    %dma_start3A_789 = arith.constant 0 : i32
    %dma_start3A_790 = arith.constant 0 : i32
    %dma_start3A_791 = tpu.memref_slice %arg7[%dma_start3A_789, %dma_start3A_790] : memref<80000x32xf32, #tpu.memory_space<hbm>> -> memref<80000x32xf32, #tpu.memory_space<hbm>>
    tpu.enqueue_indirect_dma source(%dma_start3A_791 : memref<80000x32xf32, #tpu.memory_space<hbm>>) target(%dma_start3A_786 : memref<128x32xf32, #tpu.memory_space<vmem>>) offsets(%dma_start3A_788 : memref<128xi32, #tpu.memory_space<vmem>>) semaphore(%arg28 : memref<!tpu.dma_semaphore, #tpu.memory_space<semaphore_mem>>)
    %dma_start3A_792 = arith.constant 512 : i32
    %dma_start3A_793 = arith.constant 0 : i32
    %dma_start3A_794 = tpu.memref_slice %arg22[%dma_start3A_792, %dma_start3A_793] : memref<1024x32xf32, #tpu.memory_space<vmem>> -> memref<128x32xf32, #tpu.memory_space<vmem>>
    %dma_start3A_795 = arith.constant 512 : i32
    %dma_start3A_796 = tpu.memref_slice %arg10[%dma_start3A_795] : memref<1024xi32, #tpu.memory_space<vmem>> -> memref<128xi32, #tpu.memory_space<vmem>>
    %dma_start3A_797 = arith.constant 0 : i32
    %dma_start3A_798 = arith.constant 0 : i32
    %dma_start3A_799 = tpu.memref_slice %arg7[%dma_start3A_797, %dma_start3A_798] : memref<80000x32xf32, #tpu.memory_space<hbm>> -> memref<80000x32xf32, #tpu.memory_space<hbm>>
    tpu.enqueue_indirect_dma source(%dma_start3A_799 : memref<80000x32xf32, #tpu.memory_space<hbm>>) target(%dma_start3A_794 : memref<128x32xf32, #tpu.memory_space<vmem>>) offsets(%dma_start3A_796 : memref<128xi32, #tpu.memory_space<vmem>>) semaphore(%arg28 : memref<!tpu.dma_semaphore, #tpu.memory_space<semaphore_mem>>)
    %dma_start3A_800 = arith.constant 640 : i32
    %dma_start3A_801 = arith.constant 0 : i32
    %dma_start3A_802 = tpu.memref_slice %arg22[%dma_start3A_800, %dma_start3A_801] : memref<1024x32xf32, #tpu.memory_space<vmem>> -> memref<128x32xf32, #tpu.memory_space<vmem>>
    %dma_start3A_803 = arith.constant 640 : i32
    %dma_start3A_804 = tpu.memref_slice %arg10[%dma_start3A_803] : memref<1024xi32, #tpu.memory_space<vmem>> -> memref<128xi32, #tpu.memory_space<vmem>>
    %dma_start3A_805 = arith.constant 0 : i32
    %dma_start3A_806 = arith.constant 0 : i32
    %dma_start3A_807 = tpu.memref_slice %arg7[%dma_start3A_805, %dma_start3A_806] : memref<80000x32xf32, #tpu.memory_space<hbm>> -> memref<80000x32xf32, #tpu.memory_space<hbm>>
    tpu.enqueue_indirect_dma source(%dma_start3A_807 : memref<80000x32xf32, #tpu.memory_space<hbm>>) target(%dma_start3A_802 : memref<128x32xf32, #tpu.memory_space<vmem>>) offsets(%dma_start3A_804 : memref<128xi32, #tpu.memory_space<vmem>>) semaphore(%arg28 : memref<!tpu.dma_semaphore, #tpu.memory_space<semaphore_mem>>)
    %dma_start3A_808 = arith.constant 768 : i32
    %dma_start3A_809 = arith.constant 0 : i32
    %dma_start3A_810 = tpu.memref_slice %arg22[%dma_start3A_808, %dma_start3A_809] : memref<1024x32xf32, #tpu.memory_space<vmem>> -> memref<128x32xf32, #tpu.memory_space<vmem>>
    %dma_start3A_811 = arith.constant 768 : i32
    %dma_start3A_812 = tpu.memref_slice %arg10[%dma_start3A_811] : memref<1024xi32, #tpu.memory_space<vmem>> -> memref<128xi32, #tpu.memory_space<vmem>>
    %dma_start3A_813 = arith.constant 0 : i32
    %dma_start3A_814 = arith.constant 0 : i32
    %dma_start3A_815 = tpu.memref_slice %arg7[%dma_start3A_813, %dma_start3A_814] : memref<80000x32xf32, #tpu.memory_space<hbm>> -> memref<80000x32xf32, #tpu.memory_space<hbm>>
    tpu.enqueue_indirect_dma source(%dma_start3A_815 : memref<80000x32xf32, #tpu.memory_space<hbm>>) target(%dma_start3A_810 : memref<128x32xf32, #tpu.memory_space<vmem>>) offsets(%dma_start3A_812 : memref<128xi32, #tpu.memory_space<vmem>>) semaphore(%arg28 : memref<!tpu.dma_semaphore, #tpu.memory_space<semaphore_mem>>)
    %dma_start3A_816 = arith.constant 896 : i32
    %dma_start3A_817 = arith.constant 0 : i32
    %dma_start3A_818 = tpu.memref_slice %arg22[%dma_start3A_816, %dma_start3A_817] : memref<1024x32xf32, #tpu.memory_space<vmem>> -> memref<128x32xf32, #tpu.memory_space<vmem>>
    %dma_start3A_819 = arith.constant 896 : i32
    %dma_start3A_820 = tpu.memref_slice %arg10[%dma_start3A_819] : memref<1024xi32, #tpu.memory_space<vmem>> -> memref<128xi32, #tpu.memory_space<vmem>>
    %dma_start3A_821 = arith.constant 0 : i32
    %dma_start3A_822 = arith.constant 0 : i32
    %dma_start3A_823 = tpu.memref_slice %arg7[%dma_start3A_821, %dma_start3A_822] : memref<80000x32xf32, #tpu.memory_space<hbm>> -> memref<80000x32xf32, #tpu.memory_space<hbm>>
    tpu.enqueue_indirect_dma source(%dma_start3A_823 : memref<80000x32xf32, #tpu.memory_space<hbm>>) target(%dma_start3A_818 : memref<128x32xf32, #tpu.memory_space<vmem>>) offsets(%dma_start3A_820 : memref<128xi32, #tpu.memory_space<vmem>>) semaphore(%arg28 : memref<!tpu.dma_semaphore, #tpu.memory_space<semaphore_mem>>)
    %add3A_824 = arith.constant 1024 : i32
    %add3A_825 = arith.addi %mul3A_716, %add3A_824 : i32
    %add3A_826 = arith.addi %mul3A_718, %add3A_825 : i32
    %dma_start3A_827 = tpu.memref_slice %arg2[%add3A_826] : memref<1310720xi32, #tpu.memory_space<hbm>> -> memref<1024xi32, #tpu.memory_space<hbm>>
    %dma_start3A_828 = tpu.memref_slice %arg2[%add3A_826] : memref<1310720xi32, #tpu.memory_space<hbm>> -> memref<1024xi32, #tpu.memory_space<hbm>>
    tpu.enqueue_dma source(%dma_start3A_828 : memref<1024xi32, #tpu.memory_space<hbm>>) target(%arg11 : memref<1024xi32, #tpu.memory_space<vmem>>) target_semaphore(%arg33 : memref<!tpu.dma_semaphore, #tpu.memory_space<semaphore_mem>>)
    %add3A_829 = arith.addi %mul3A_718, %add3A_825 : i32
    %dma_start3A_830 = tpu.memref_slice %arg3[%add3A_829] : memref<1310720xi32, #tpu.memory_space<hbm>> -> memref<1024xi32, #tpu.memory_space<hbm>>
    %dma_start3A_831 = tpu.memref_slice %arg3[%add3A_829] : memref<1310720xi32, #tpu.memory_space<hbm>> -> memref<1024xi32, #tpu.memory_space<hbm>>
    tpu.enqueue_dma source(%dma_start3A_831 : memref<1024xi32, #tpu.memory_space<hbm>>) target(%arg13 : memref<1024xi32, #tpu.memory_space<vmem>>) target_semaphore(%arg33 : memref<!tpu.dma_semaphore, #tpu.memory_space<semaphore_mem>>)
    %add3A_832 = arith.constant 8 : i32
    %add3A_833 = arith.addi %add3A_739, %add3A_832 : i32
    %dma_start3A_834 = arith.constant 0 : i32
    %dma_start3A_835 = tpu.memref_slice %arg4[%add3A_833, %dma_start3A_834] : memref<5120x128xi32, #tpu.memory_space<hbm>> -> memref<8x128xi32, #tpu.memory_space<hbm>>
    %dma_start3A_836 = arith.constant 0 : i32
    %dma_start3A_837 = tpu.memref_slice %arg4[%add3A_833, %dma_start3A_836] : memref<5120x128xi32, #tpu.memory_space<hbm>> -> memref<8x128xi32, #tpu.memory_space<hbm>>
    tpu.enqueue_dma source(%dma_start3A_837 : memref<8x128xi32, #tpu.memory_space<hbm>>) target(%arg15 : memref<8x128xi32, #tpu.memory_space<vmem>>) target_semaphore(%arg33 : memref<!tpu.dma_semaphore, #tpu.memory_space<semaphore_mem>>)
    %scan3A_838 = arith.constant 0 : i32
    %scan3A_839 = arith.constant 0 : i32
    %scan3A_840 = arith.constant 20 : i32
    %scan3A_841 = arith.addi %scan3A_839, %scan3A_840 : i32
    %scan3A_842 = arith.constant 1 : i32
    %scan3A_843 = scf.for %scan3A_854 = %scan3A_839 to %scan3A_841 step %scan3A_842 iter_args(%scan3A_855 = %scan3A_838) -> (i32)  : i32 {
      %mul3A_856 = arith.constant 2 : i32
      %mul3A_857 = arith.muli %mul3A_856, %scan3A_854 : i32
      %lt3A = arith.constant 19 : i32
      %lt3A_858 = arith.cmpi slt, %scan3A_854, %lt3A : i32
      %dma_wait3A_859 = arith.constant 0 : i32
      %dma_wait3A_860 = arith.constant 0 : i32
      %dma_wait3A_861 = tpu.memref_slice %arg22[%dma_wait3A_859, %dma_wait3A_860] : memref<1024x32xf32, #tpu.memory_space<vmem>> -> memref<128x32xf32, #tpu.memory_space<vmem>>
      %dma_wait3A_862 = arith.constant 0 : i32
      %dma_wait3A_863 = tpu.memref_slice %arg10[%dma_wait3A_862] : memref<1024xi32, #tpu.memory_space<vmem>> -> memref<128xi32, #tpu.memory_space<vmem>>
      %dma_wait3A_864 = arith.constant 0 : i32
      %dma_wait3A_865 = arith.constant 0 : i32
      %dma_wait3A_866 = tpu.memref_slice %arg7[%dma_wait3A_864, %dma_wait3A_865] : memref<80000x32xf32, #tpu.memory_space<hbm>> -> memref<80000x32xf32, #tpu.memory_space<hbm>>
      tpu.wait_indirect_dma semaphore(%arg28 : memref<!tpu.dma_semaphore, #tpu.memory_space<semaphore_mem>>) src(%dma_wait3A_866 : memref<80000x32xf32, #tpu.memory_space<hbm>>) dst(%dma_wait3A_861 : memref<128x32xf32, #tpu.memory_space<vmem>>)
      %dma_wait3A_867 = arith.constant 128 : i32
      %dma_wait3A_868 = arith.constant 0 : i32
      %dma_wait3A_869 = tpu.memref_slice %arg22[%dma_wait3A_867, %dma_wait3A_868] : memref<1024x32xf32, #tpu.memory_space<vmem>> -> memref<128x32xf32, #tpu.memory_space<vmem>>
      %dma_wait3A_870 = arith.constant 128 : i32
      %dma_wait3A_871 = tpu.memref_slice %arg10[%dma_wait3A_870] : memref<1024xi32, #tpu.memory_space<vmem>> -> memref<128xi32, #tpu.memory_space<vmem>>
      %dma_wait3A_872 = arith.constant 0 : i32
      %dma_wait3A_873 = arith.constant 0 : i32
      %dma_wait3A_874 = tpu.memref_slice %arg7[%dma_wait3A_872, %dma_wait3A_873] : memref<80000x32xf32, #tpu.memory_space<hbm>> -> memref<80000x32xf32, #tpu.memory_space<hbm>>
      tpu.wait_indirect_dma semaphore(%arg28 : memref<!tpu.dma_semaphore, #tpu.memory_space<semaphore_mem>>) src(%dma_wait3A_874 : memref<80000x32xf32, #tpu.memory_space<hbm>>) dst(%dma_wait3A_869 : memref<128x32xf32, #tpu.memory_space<vmem>>)
      %dma_wait3A_875 = arith.constant 256 : i32
      %dma_wait3A_876 = arith.constant 0 : i32
      %dma_wait3A_877 = tpu.memref_slice %arg22[%dma_wait3A_875, %dma_wait3A_876] : memref<1024x32xf32, #tpu.memory_space<vmem>> -> memref<128x32xf32, #tpu.memory_space<vmem>>
      %dma_wait3A_878 = arith.constant 256 : i32
      %dma_wait3A_879 = tpu.memref_slice %arg10[%dma_wait3A_878] : memref<1024xi32, #tpu.memory_space<vmem>> -> memref<128xi32, #tpu.memory_space<vmem>>
      %dma_wait3A_880 = arith.constant 0 : i32
      %dma_wait3A_881 = arith.constant 0 : i32
      %dma_wait3A_882 = tpu.memref_slice %arg7[%dma_wait3A_880, %dma_wait3A_881] : memref<80000x32xf32, #tpu.memory_space<hbm>> -> memref<80000x32xf32, #tpu.memory_space<hbm>>
      tpu.wait_indirect_dma semaphore(%arg28 : memref<!tpu.dma_semaphore, #tpu.memory_space<semaphore_mem>>) src(%dma_wait3A_882 : memref<80000x32xf32, #tpu.memory_space<hbm>>) dst(%dma_wait3A_877 : memref<128x32xf32, #tpu.memory_space<vmem>>)
      %dma_wait3A_883 = arith.constant 384 : i32
      %dma_wait3A_884 = arith.constant 0 : i32
      %dma_wait3A_885 = tpu.memref_slice %arg22[%dma_wait3A_883, %dma_wait3A_884] : memref<1024x32xf32, #tpu.memory_space<vmem>> -> memref<128x32xf32, #tpu.memory_space<vmem>>
      %dma_wait3A_886 = arith.constant 384 : i32
      %dma_wait3A_887 = tpu.memref_slice %arg10[%dma_wait3A_886] : memref<1024xi32, #tpu.memory_space<vmem>> -> memref<128xi32, #tpu.memory_space<vmem>>
      %dma_wait3A_888 = arith.constant 0 : i32
      %dma_wait3A_889 = arith.constant 0 : i32
      %dma_wait3A_890 = tpu.memref_slice %arg7[%dma_wait3A_888, %dma_wait3A_889] : memref<80000x32xf32, #tpu.memory_space<hbm>> -> memref<80000x32xf32, #tpu.memory_space<hbm>>
      tpu.wait_indirect_dma semaphore(%arg28 : memref<!tpu.dma_semaphore, #tpu.memory_space<semaphore_mem>>) src(%dma_wait3A_890 : memref<80000x32xf32, #tpu.memory_space<hbm>>) dst(%dma_wait3A_885 : memref<128x32xf32, #tpu.memory_space<vmem>>)
      %dma_wait3A_891 = arith.constant 512 : i32
      %dma_wait3A_892 = arith.constant 0 : i32
      %dma_wait3A_893 = tpu.memref_slice %arg22[%dma_wait3A_891, %dma_wait3A_892] : memref<1024x32xf32, #tpu.memory_space<vmem>> -> memref<128x32xf32, #tpu.memory_space<vmem>>
      %dma_wait3A_894 = arith.constant 512 : i32
      %dma_wait3A_895 = tpu.memref_slice %arg10[%dma_wait3A_894] : memref<1024xi32, #tpu.memory_space<vmem>> -> memref<128xi32, #tpu.memory_space<vmem>>
      %dma_wait3A_896 = arith.constant 0 : i32
      %dma_wait3A_897 = arith.constant 0 : i32
      %dma_wait3A_898 = tpu.memref_slice %arg7[%dma_wait3A_896, %dma_wait3A_897] : memref<80000x32xf32, #tpu.memory_space<hbm>> -> memref<80000x32xf32, #tpu.memory_space<hbm>>
      tpu.wait_indirect_dma semaphore(%arg28 : memref<!tpu.dma_semaphore, #tpu.memory_space<semaphore_mem>>) src(%dma_wait3A_898 : memref<80000x32xf32, #tpu.memory_space<hbm>>) dst(%dma_wait3A_893 : memref<128x32xf32, #tpu.memory_space<vmem>>)
      %dma_wait3A_899 = arith.constant 640 : i32
      %dma_wait3A_900 = arith.constant 0 : i32
      %dma_wait3A_901 = tpu.memref_slice %arg22[%dma_wait3A_899, %dma_wait3A_900] : memref<1024x32xf32, #tpu.memory_space<vmem>> -> memref<128x32xf32, #tpu.memory_space<vmem>>
      %dma_wait3A_902 = arith.constant 640 : i32
      %dma_wait3A_903 = tpu.memref_slice %arg10[%dma_wait3A_902] : memref<1024xi32, #tpu.memory_space<vmem>> -> memref<128xi32, #tpu.memory_space<vmem>>
      %dma_wait3A_904 = arith.constant 0 : i32
      %dma_wait3A_905 = arith.constant 0 : i32
      %dma_wait3A_906 = tpu.memref_slice %arg7[%dma_wait3A_904, %dma_wait3A_905] : memref<80000x32xf32, #tpu.memory_space<hbm>> -> memref<80000x32xf32, #tpu.memory_space<hbm>>
      tpu.wait_indirect_dma semaphore(%arg28 : memref<!tpu.dma_semaphore, #tpu.memory_space<semaphore_mem>>) src(%dma_wait3A_906 : memref<80000x32xf32, #tpu.memory_space<hbm>>) dst(%dma_wait3A_901 : memref<128x32xf32, #tpu.memory_space<vmem>>)
      %dma_wait3A_907 = arith.constant 768 : i32
      %dma_wait3A_908 = arith.constant 0 : i32
      %dma_wait3A_909 = tpu.memref_slice %arg22[%dma_wait3A_907, %dma_wait3A_908] : memref<1024x32xf32, #tpu.memory_space<vmem>> -> memref<128x32xf32, #tpu.memory_space<vmem>>
      %dma_wait3A_910 = arith.constant 768 : i32
      %dma_wait3A_911 = tpu.memref_slice %arg10[%dma_wait3A_910] : memref<1024xi32, #tpu.memory_space<vmem>> -> memref<128xi32, #tpu.memory_space<vmem>>
      %dma_wait3A_912 = arith.constant 0 : i32
      %dma_wait3A_913 = arith.constant 0 : i32
      %dma_wait3A_914 = tpu.memref_slice %arg7[%dma_wait3A_912, %dma_wait3A_913] : memref<80000x32xf32, #tpu.memory_space<hbm>> -> memref<80000x32xf32, #tpu.memory_space<hbm>>
      tpu.wait_indirect_dma semaphore(%arg28 : memref<!tpu.dma_semaphore, #tpu.memory_space<semaphore_mem>>) src(%dma_wait3A_914 : memref<80000x32xf32, #tpu.memory_space<hbm>>) dst(%dma_wait3A_909 : memref<128x32xf32, #tpu.memory_space<vmem>>)
      %dma_wait3A_915 = arith.constant 896 : i32
      %dma_wait3A_916 = arith.constant 0 : i32
      %dma_wait3A_917 = tpu.memref_slice %arg22[%dma_wait3A_915, %dma_wait3A_916] : memref<1024x32xf32, #tpu.memory_space<vmem>> -> memref<128x32xf32, #tpu.memory_space<vmem>>
      %dma_wait3A_918 = arith.constant 896 : i32
      %dma_wait3A_919 = tpu.memref_slice %arg10[%dma_wait3A_918] : memref<1024xi32, #tpu.memory_space<vmem>> -> memref<128xi32, #tpu.memory_space<vmem>>
      %dma_wait3A_920 = arith.constant 0 : i32
      %dma_wait3A_921 = arith.constant 0 : i32
      %dma_wait3A_922 = tpu.memref_slice %arg7[%dma_wait3A_920, %dma_wait3A_921] : memref<80000x32xf32, #tpu.memory_space<hbm>> -> memref<80000x32xf32, #tpu.memory_space<hbm>>
      tpu.wait_indirect_dma semaphore(%arg28 : memref<!tpu.dma_semaphore, #tpu.memory_space<semaphore_mem>>) src(%dma_wait3A_922 : memref<80000x32xf32, #tpu.memory_space<hbm>>) dst(%dma_wait3A_917 : memref<128x32xf32, #tpu.memory_space<vmem>>)
      %parallel_loop3A = arith.constant 0 : i32
      %parallel_loop3A_923 = arith.constant 64 : i32
      %parallel_loop3A_924 = arith.constant 1 : i32
      scf.for %parallel_loop3A_1094 = %parallel_loop3A to %parallel_loop3A_923 step %parallel_loop3A_924  : i32 {
        %parallel_loop3A_1095 = arith.constant 16 : i32
        %parallel_loop3A_1096 = arith.muli %parallel_loop3A_1094, %parallel_loop3A_1095 : i32
        %parallel_loop3A_1097 = arith.index_cast %parallel_loop3A_1096 : i32 to index
        %parallel_loop3A_1098 = tpu.vector_load %arg16[%parallel_loop3A_1097] {strides = array<i32>} : memref<1024xf32, #tpu.memory_space<vmem>>, vector<16xf32>,
        %parallel_loop3A_1099 = arith.index_cast %parallel_loop3A_1096 : i32 to index
        %parallel_loop3A_1100 = tpu.vector_load %arg18[%parallel_loop3A_1099] {strides = array<i32>} : memref<1024xf32, #tpu.memory_space<vmem>>, vector<16xf32>,
        %parallel_loop3A_1101 = arith.addf %parallel_loop3A_1098, %parallel_loop3A_1100 : vector<16xf32>
        %parallel_loop3A_1102 = arith.constant 0.000000e+00 : f32
        %parallel_loop3A_1103 = vector.broadcast %parallel_loop3A_1102 : f32 to vector<16xf32>
        %parallel_loop3A_1104 = arith.cmpf oge, %parallel_loop3A_1101, %parallel_loop3A_1103 : vector<16xf32>
        %parallel_loop3A_1105 = arith.constant 2.000000e-01 : f32
        %parallel_loop3A_1106 = vector.broadcast %parallel_loop3A_1105 : f32 to vector<16xf32>
        %parallel_loop3A_1107 = arith.mulf %parallel_loop3A_1101, %parallel_loop3A_1106 : vector<16xf32>
        %parallel_loop3A_1108 = arith.select %parallel_loop3A_1104, %parallel_loop3A_1101, %parallel_loop3A_1107 : vector<16xi1>, vector<16xf32>
        %parallel_loop3A_1109 = math.exp %parallel_loop3A_1108 : vector<16xf32>
        %parallel_loop3A_1110 = arith.index_cast %parallel_loop3A_1096 : i32 to index
        %parallel_loop3A_1111 = tpu.vector_load %arg20[%parallel_loop3A_1110] {strides = array<i32>} : memref<1024xf32, #tpu.memory_space<vmem>>, vector<16xf32>,
        tpu.vector_store %arg20[%parallel_loop3A_1110], %parallel_loop3A_1109 {strides = array<i32>} : memref<1024xf32, #tpu.memory_space<vmem>>, vector<16xf32>,
      } {sc.loop_unroll_factor = 2 : i64, sc.parallel_access}
      %add3A_925 = arith.constant 1 : i32
      %add3A_926 = arith.addi %mul3A_857, %add3A_925 : i32
      %mul3A_927 = arith.constant 1024 : i32
      %mul3A_928 = arith.muli %add3A_926, %mul3A_927 : i32
      %add3A_929 = arith.addi %mul3A_716, %mul3A_928 : i32
      %add3A_930 = arith.addi %mul3A_718, %add3A_929 : i32
      %add3A_931 = arith.addi %mul3A_718, %add3A_929 : i32
      %mul3A_932 = arith.constant 8 : i32
      %mul3A_933 = arith.muli %add3A_926, %mul3A_932 : i32
      %add3A_934 = arith.addi %add3A_739, %mul3A_933 : i32
      %dma_wait3A_935 = tpu.memref_slice %arg2[%add3A_930] : memref<1310720xi32, #tpu.memory_space<hbm>> -> memref<1024xi32, #tpu.memory_space<hbm>>
      %dma_wait3A_936 = tpu.memref_slice %arg2[%add3A_930] : memref<1310720xi32, #tpu.memory_space<hbm>> -> memref<1024xi32, #tpu.memory_space<hbm>>
      tpu.wait_dma2 semaphore(%arg33 : memref<!tpu.dma_semaphore, #tpu.memory_space<semaphore_mem>>) src(%dma_wait3A_936 : memref<1024xi32, #tpu.memory_space<hbm>>) dst(%arg11 : memref<1024xi32, #tpu.memory_space<vmem>>)
      %dma_wait3A_937 = tpu.memref_slice %arg3[%add3A_931] : memref<1310720xi32, #tpu.memory_space<hbm>> -> memref<1024xi32, #tpu.memory_space<hbm>>
      %dma_wait3A_938 = tpu.memref_slice %arg3[%add3A_931] : memref<1310720xi32, #tpu.memory_space<hbm>> -> memref<1024xi32, #tpu.memory_space<hbm>>
      tpu.wait_dma2 semaphore(%arg33 : memref<!tpu.dma_semaphore, #tpu.memory_space<semaphore_mem>>) src(%dma_wait3A_938 : memref<1024xi32, #tpu.memory_space<hbm>>) dst(%arg13 : memref<1024xi32, #tpu.memory_space<vmem>>)
      %dma_wait3A_939 = arith.constant 0 : i32
      %dma_wait3A_940 = tpu.memref_slice %arg4[%add3A_934, %dma_wait3A_939] : memref<5120x128xi32, #tpu.memory_space<hbm>> -> memref<8x128xi32, #tpu.memory_space<hbm>>
      %dma_wait3A_941 = arith.constant 0 : i32
      %dma_wait3A_942 = tpu.memref_slice %arg4[%add3A_934, %dma_wait3A_941] : memref<5120x128xi32, #tpu.memory_space<hbm>> -> memref<8x128xi32, #tpu.memory_space<hbm>>
      tpu.wait_dma2 semaphore(%arg33 : memref<!tpu.dma_semaphore, #tpu.memory_space<semaphore_mem>>) src(%dma_wait3A_942 : memref<8x128xi32, #tpu.memory_space<hbm>>) dst(%arg15 : memref<8x128xi32, #tpu.memory_space<vmem>>)
      %dma_start3A_943 = arith.constant 0 : i32
      %dma_start3A_944 = arith.constant 0 : i32
      %dma_start3A_945 = tpu.memref_slice %arg23[%dma_start3A_943, %dma_start3A_944] : memref<1024x32xf32, #tpu.memory_space<vmem>> -> memref<128x32xf32, #tpu.memory_space<vmem>>
      %dma_start3A_946 = arith.constant 0 : i32
      %dma_start3A_947 = tpu.memref_slice %arg11[%dma_start3A_946] : memref<1024xi32, #tpu.memory_space<vmem>> -> memref<128xi32, #tpu.memory_space<vmem>>
      %dma_start3A_948 = arith.constant 0 : i32
      %dma_start3A_949 = arith.constant 0 : i32
      %dma_start3A_950 = tpu.memref_slice %arg7[%dma_start3A_948, %dma_start3A_949] : memref<80000x32xf32, #tpu.memory_space<hbm>> -> memref<80000x32xf32, #tpu.memory_space<hbm>>
      tpu.enqueue_indirect_dma source(%dma_start3A_950 : memref<80000x32xf32, #tpu.memory_space<hbm>>) target(%dma_start3A_945 : memref<128x32xf32, #tpu.memory_space<vmem>>) offsets(%dma_start3A_947 : memref<128xi32, #tpu.memory_space<vmem>>) semaphore(%arg29 : memref<!tpu.dma_semaphore, #tpu.memory_space<semaphore_mem>>)
      %dma_start3A_951 = arith.constant 128 : i32
      %dma_start3A_952 = arith.constant 0 : i32
      %dma_start3A_953 = tpu.memref_slice %arg23[%dma_start3A_951, %dma_start3A_952] : memref<1024x32xf32, #tpu.memory_space<vmem>> -> memref<128x32xf32, #tpu.memory_space<vmem>>
      %dma_start3A_954 = arith.constant 128 : i32
      %dma_start3A_955 = tpu.memref_slice %arg11[%dma_start3A_954] : memref<1024xi32, #tpu.memory_space<vmem>> -> memref<128xi32, #tpu.memory_space<vmem>>
      %dma_start3A_956 = arith.constant 0 : i32
      %dma_start3A_957 = arith.constant 0 : i32
      %dma_start3A_958 = tpu.memref_slice %arg7[%dma_start3A_956, %dma_start3A_957] : memref<80000x32xf32, #tpu.memory_space<hbm>> -> memref<80000x32xf32, #tpu.memory_space<hbm>>
      tpu.enqueue_indirect_dma source(%dma_start3A_958 : memref<80000x32xf32, #tpu.memory_space<hbm>>) target(%dma_start3A_953 : memref<128x32xf32, #tpu.memory_space<vmem>>) offsets(%dma_start3A_955 : memref<128xi32, #tpu.memory_space<vmem>>) semaphore(%arg29 : memref<!tpu.dma_semaphore, #tpu.memory_space<semaphore_mem>>)
      %dma_start3A_959 = arith.constant 256 : i32
      %dma_start3A_960 = arith.constant 0 : i32
      %dma_start3A_961 = tpu.memref_slice %arg23[%dma_start3A_959, %dma_start3A_960] : memref<1024x32xf32, #tpu.memory_space<vmem>> -> memref<128x32xf32, #tpu.memory_space<vmem>>
      %dma_start3A_962 = arith.constant 256 : i32
      %dma_start3A_963 = tpu.memref_slice %arg11[%dma_start3A_962] : memref<1024xi32, #tpu.memory_space<vmem>> -> memref<128xi32, #tpu.memory_space<vmem>>
      %dma_start3A_964 = arith.constant 0 : i32
      %dma_start3A_965 = arith.constant 0 : i32
      %dma_start3A_966 = tpu.memref_slice %arg7[%dma_start3A_964, %dma_start3A_965] : memref<80000x32xf32, #tpu.memory_space<hbm>> -> memref<80000x32xf32, #tpu.memory_space<hbm>>
      tpu.enqueue_indirect_dma source(%dma_start3A_966 : memref<80000x32xf32, #tpu.memory_space<hbm>>) target(%dma_start3A_961 : memref<128x32xf32, #tpu.memory_space<vmem>>) offsets(%dma_start3A_963 : memref<128xi32, #tpu.memory_space<vmem>>) semaphore(%arg29 : memref<!tpu.dma_semaphore, #tpu.memory_space<semaphore_mem>>)
      %dma_start3A_967 = arith.constant 384 : i32
      %dma_start3A_968 = arith.constant 0 : i32
      %dma_start3A_969 = tpu.memref_slice %arg23[%dma_start3A_967, %dma_start3A_968] : memref<1024x32xf32, #tpu.memory_space<vmem>> -> memref<128x32xf32, #tpu.memory_space<vmem>>
      %dma_start3A_970 = arith.constant 384 : i32
      %dma_start3A_971 = tpu.memref_slice %arg11[%dma_start3A_970] : memref<1024xi32, #tpu.memory_space<vmem>> -> memref<128xi32, #tpu.memory_space<vmem>>
      %dma_start3A_972 = arith.constant 0 : i32
      %dma_start3A_973 = arith.constant 0 : i32
      %dma_start3A_974 = tpu.memref_slice %arg7[%dma_start3A_972, %dma_start3A_973] : memref<80000x32xf32, #tpu.memory_space<hbm>> -> memref<80000x32xf32, #tpu.memory_space<hbm>>
      tpu.enqueue_indirect_dma source(%dma_start3A_974 : memref<80000x32xf32, #tpu.memory_space<hbm>>) target(%dma_start3A_969 : memref<128x32xf32, #tpu.memory_space<vmem>>) offsets(%dma_start3A_971 : memref<128xi32, #tpu.memory_space<vmem>>) semaphore(%arg29 : memref<!tpu.dma_semaphore, #tpu.memory_space<semaphore_mem>>)
      %dma_start3A_975 = arith.constant 512 : i32
      %dma_start3A_976 = arith.constant 0 : i32
      %dma_start3A_977 = tpu.memref_slice %arg23[%dma_start3A_975, %dma_start3A_976] : memref<1024x32xf32, #tpu.memory_space<vmem>> -> memref<128x32xf32, #tpu.memory_space<vmem>>
      %dma_start3A_978 = arith.constant 512 : i32
      %dma_start3A_979 = tpu.memref_slice %arg11[%dma_start3A_978] : memref<1024xi32, #tpu.memory_space<vmem>> -> memref<128xi32, #tpu.memory_space<vmem>>
      %dma_start3A_980 = arith.constant 0 : i32
      %dma_start3A_981 = arith.constant 0 : i32
      %dma_start3A_982 = tpu.memref_slice %arg7[%dma_start3A_980, %dma_start3A_981] : memref<80000x32xf32, #tpu.memory_space<hbm>> -> memref<80000x32xf32, #tpu.memory_space<hbm>>
      tpu.enqueue_indirect_dma source(%dma_start3A_982 : memref<80000x32xf32, #tpu.memory_space<hbm>>) target(%dma_start3A_977 : memref<128x32xf32, #tpu.memory_space<vmem>>) offsets(%dma_start3A_979 : memref<128xi32, #tpu.memory_space<vmem>>) semaphore(%arg29 : memref<!tpu.dma_semaphore, #tpu.memory_space<semaphore_mem>>)
      %dma_start3A_983 = arith.constant 640 : i32
      %dma_start3A_984 = arith.constant 0 : i32
      %dma_start3A_985 = tpu.memref_slice %arg23[%dma_start3A_983, %dma_start3A_984] : memref<1024x32xf32, #tpu.memory_space<vmem>> -> memref<128x32xf32, #tpu.memory_space<vmem>>
      %dma_start3A_986 = arith.constant 640 : i32
      %dma_start3A_987 = tpu.memref_slice %arg11[%dma_start3A_986] : memref<1024xi32, #tpu.memory_space<vmem>> -> memref<128xi32, #tpu.memory_space<vmem>>
      %dma_start3A_988 = arith.constant 0 : i32
      %dma_start3A_989 = arith.constant 0 : i32
      %dma_start3A_990 = tpu.memref_slice %arg7[%dma_start3A_988, %dma_start3A_989] : memref<80000x32xf32, #tpu.memory_space<hbm>> -> memref<80000x32xf32, #tpu.memory_space<hbm>>
      tpu.enqueue_indirect_dma source(%dma_start3A_990 : memref<80000x32xf32, #tpu.memory_space<hbm>>) target(%dma_start3A_985 : memref<128x32xf32, #tpu.memory_space<vmem>>) offsets(%dma_start3A_987 : memref<128xi32, #tpu.memory_space<vmem>>) semaphore(%arg29 : memref<!tpu.dma_semaphore, #tpu.memory_space<semaphore_mem>>)
      %dma_start3A_991 = arith.constant 768 : i32
      %dma_start3A_992 = arith.constant 0 : i32
      %dma_start3A_993 = tpu.memref_slice %arg23[%dma_start3A_991, %dma_start3A_992] : memref<1024x32xf32, #tpu.memory_space<vmem>> -> memref<128x32xf32, #tpu.memory_space<vmem>>
      %dma_start3A_994 = arith.constant 768 : i32
      %dma_start3A_995 = tpu.memref_slice %arg11[%dma_start3A_994] : memref<1024xi32, #tpu.memory_space<vmem>> -> memref<128xi32, #tpu.memory_space<vmem>>
      %dma_start3A_996 = arith.constant 0 : i32
      %dma_start3A_997 = arith.constant 0 : i32
      %dma_start3A_998 = tpu.memref_slice %arg7[%dma_start3A_996, %dma_start3A_997] : memref<80000x32xf32, #tpu.memory_space<hbm>> -> memref<80000x32xf32, #tpu.memory_space<hbm>>
      tpu.enqueue_indirect_dma source(%dma_start3A_998 : memref<80000x32xf32, #tpu.memory_space<hbm>>) target(%dma_start3A_993 : memref<128x32xf32, #tpu.memory_space<vmem>>) offsets(%dma_start3A_995 : memref<128xi32, #tpu.memory_space<vmem>>) semaphore(%arg29 : memref<!tpu.dma_semaphore, #tpu.memory_space<semaphore_mem>>)
      %dma_start3A_999 = arith.constant 896 : i32
      %dma_start3A_1000 = arith.constant 0 : i32
      %dma_start3A_1001 = tpu.memref_slice %arg23[%dma_start3A_999, %dma_start3A_1000] : memref<1024x32xf32, #tpu.memory_space<vmem>> -> memref<128x32xf32, #tpu.memory_space<vmem>>
      %dma_start3A_1002 = arith.constant 896 : i32
      %dma_start3A_1003 = tpu.memref_slice %arg11[%dma_start3A_1002] : memref<1024xi32, #tpu.memory_space<vmem>> -> memref<128xi32, #tpu.memory_space<vmem>>
      %dma_start3A_1004 = arith.constant 0 : i32
      %dma_start3A_1005 = arith.constant 0 : i32
      %dma_start3A_1006 = tpu.memref_slice %arg7[%dma_start3A_1004, %dma_start3A_1005] : memref<80000x32xf32, #tpu.memory_space<hbm>> -> memref<80000x32xf32, #tpu.memory_space<hbm>>
      tpu.enqueue_indirect_dma source(%dma_start3A_1006 : memref<80000x32xf32, #tpu.memory_space<hbm>>) target(%dma_start3A_1001 : memref<128x32xf32, #tpu.memory_space<vmem>>) offsets(%dma_start3A_1003 : memref<128xi32, #tpu.memory_space<vmem>>) semaphore(%arg29 : memref<!tpu.dma_semaphore, #tpu.memory_space<semaphore_mem>>)
      %parallel_loop3A_1007 = arith.constant 0 : i32
      %parallel_loop3A_1008 = arith.constant 1024 : i32
      %parallel_loop3A_1009 = arith.constant 1 : i32
      scf.for %parallel_loop3A_1094 = %parallel_loop3A_1007 to %parallel_loop3A_1008 step %parallel_loop3A_1009  : i32 {
        %parallel_loop3A_1095 = vector.broadcast %parallel_loop3A_1094 : i32 to vector<16xi32>
        %parallel_loop3A_1096 = tpu.vector_load_idx %arg20[%parallel_loop3A_1095] : memref<1024xf32, #tpu.memory_space<vmem>>[vector<16xi32>], vector<16xf32>,
        %parallel_loop3A_1097 = arith.index_cast %parallel_loop3A_1094 : i32 to index
        %parallel_loop3A_1098 = arith.constant 0 : index
        %parallel_loop3A_1099 = tpu.vector_load %arg22[%parallel_loop3A_1097, %parallel_loop3A_1098] {strides = array<i32>} : memref<1024x32xf32, #tpu.memory_space<vmem>>, vector<16xf32>,
        %parallel_loop3A_1100 = arith.mulf %parallel_loop3A_1099, %parallel_loop3A_1096 : vector<16xf32>
        %parallel_loop3A_1101 = arith.index_cast %parallel_loop3A_1094 : i32 to index
        %parallel_loop3A_1102 = arith.constant 0 : index
        %parallel_loop3A_1103 = tpu.vector_load %arg22[%parallel_loop3A_1101, %parallel_loop3A_1102] {strides = array<i32>} : memref<1024x32xf32, #tpu.memory_space<vmem>>, vector<16xf32>,
        tpu.vector_store %arg22[%parallel_loop3A_1101, %parallel_loop3A_1102], %parallel_loop3A_1100 {strides = array<i32>} : memref<1024x32xf32, #tpu.memory_space<vmem>>, vector<16xf32>,
        %parallel_loop3A_1104 = arith.index_cast %parallel_loop3A_1094 : i32 to index
        %parallel_loop3A_1105 = arith.constant 16 : index
        %parallel_loop3A_1106 = tpu.vector_load %arg22[%parallel_loop3A_1104, %parallel_loop3A_1105] {strides = array<i32>} : memref<1024x32xf32, #tpu.memory_space<vmem>>, vector<16xf32>,
        %parallel_loop3A_1107 = arith.mulf %parallel_loop3A_1106, %parallel_loop3A_1096 : vector<16xf32>
        %parallel_loop3A_1108 = arith.index_cast %parallel_loop3A_1094 : i32 to index
        %parallel_loop3A_1109 = arith.constant 16 : index
        %parallel_loop3A_1110 = tpu.vector_load %arg22[%parallel_loop3A_1108, %parallel_loop3A_1109] {strides = array<i32>} : memref<1024x32xf32, #tpu.memory_space<vmem>>, vector<16xf32>,
        tpu.vector_store %arg22[%parallel_loop3A_1108, %parallel_loop3A_1109], %parallel_loop3A_1107 {strides = array<i32>} : memref<1024x32xf32, #tpu.memory_space<vmem>>, vector<16xf32>,
      } {sc.loop_unroll_factor = 4 : i64, sc.parallel_access}
      %convert_element_type3A = arith.extui %lt3A_858 : i1 to i32
      %cond3A = arith.constant 0 : i32
      %cond3A_1010 = arith.cmpi ne, %convert_element_type3A, %cond3A : i32
      scf.if %cond3A_1010 {
        %add3A_1094 = arith.constant 2 : i32
        %add3A_1095 = arith.addi %mul3A_857, %add3A_1094 : i32
        %mul3A_1096 = arith.constant 1024 : i32
        %mul3A_1097 = arith.muli %add3A_1095, %mul3A_1096 : i32
        %add3A_1098 = arith.addi %mul3A_716, %mul3A_1097 : i32
        %add3A_1099 = arith.addi %mul3A_718, %add3A_1098 : i32
        %dma_start3A_1100 = tpu.memref_slice %arg2[%add3A_1099] : memref<1310720xi32, #tpu.memory_space<hbm>> -> memref<1024xi32, #tpu.memory_space<hbm>>
        %dma_start3A_1101 = tpu.memref_slice %arg2[%add3A_1099] : memref<1310720xi32, #tpu.memory_space<hbm>> -> memref<1024xi32, #tpu.memory_space<hbm>>
        tpu.enqueue_dma source(%dma_start3A_1101 : memref<1024xi32, #tpu.memory_space<hbm>>) target(%arg10 : memref<1024xi32, #tpu.memory_space<vmem>>) target_semaphore(%arg32 : memref<!tpu.dma_semaphore, #tpu.memory_space<semaphore_mem>>)
        %add3A_1102 = arith.addi %mul3A_718, %add3A_1098 : i32
        %dma_start3A_1103 = tpu.memref_slice %arg3[%add3A_1102] : memref<1310720xi32, #tpu.memory_space<hbm>> -> memref<1024xi32, #tpu.memory_space<hbm>>
        %dma_start3A_1104 = tpu.memref_slice %arg3[%add3A_1102] : memref<1310720xi32, #tpu.memory_space<hbm>> -> memref<1024xi32, #tpu.memory_space<hbm>>
        tpu.enqueue_dma source(%dma_start3A_1104 : memref<1024xi32, #tpu.memory_space<hbm>>) target(%arg12 : memref<1024xi32, #tpu.memory_space<vmem>>) target_semaphore(%arg32 : memref<!tpu.dma_semaphore, #tpu.memory_space<semaphore_mem>>)
        %mul3A_1105 = arith.constant 8 : i32
        %mul3A_1106 = arith.muli %add3A_1095, %mul3A_1105 : i32
        %add3A_1107 = arith.addi %add3A_739, %mul3A_1106 : i32
        %dma_start3A_1108 = arith.constant 0 : i32
        %dma_start3A_1109 = tpu.memref_slice %arg4[%add3A_1107, %dma_start3A_1108] : memref<5120x128xi32, #tpu.memory_space<hbm>> -> memref<8x128xi32, #tpu.memory_space<hbm>>
        %dma_start3A_1110 = arith.constant 0 : i32
        %dma_start3A_1111 = tpu.memref_slice %arg4[%add3A_1107, %dma_start3A_1110] : memref<5120x128xi32, #tpu.memory_space<hbm>> -> memref<8x128xi32, #tpu.memory_space<hbm>>
        tpu.enqueue_dma source(%dma_start3A_1111 : memref<8x128xi32, #tpu.memory_space<hbm>>) target(%arg14 : memref<8x128xi32, #tpu.memory_space<vmem>>) target_semaphore(%arg32 : memref<!tpu.dma_semaphore, #tpu.memory_space<semaphore_mem>>)
      } else {
      }
      %add3A_1011 = arith.constant 1 : i32
      %add3A_1012 = arith.addi %mul3A_857, %add3A_1011 : i32
      %lt3A_1013 = arith.constant 19 : i32
      %lt3A_1014 = arith.cmpi slt, %scan3A_854, %lt3A_1013 : i32
      %lt3A_1015 = arith.constant 19 : i32
      %lt3A_1016 = arith.cmpi slt, %scan3A_854, %lt3A_1015 : i32
      %dma_wait3A_1017 = arith.constant 0 : i32
      %dma_wait3A_1018 = arith.constant 0 : i32
      %dma_wait3A_1019 = tpu.memref_slice %arg23[%dma_wait3A_1017, %dma_wait3A_1018] : memref<1024x32xf32, #tpu.memory_space<vmem>> -> memref<128x32xf32, #tpu.memory_space<vmem>>
      %dma_wait3A_1020 = arith.constant 0 : i32
      %dma_wait3A_1021 = tpu.memref_slice %arg11[%dma_wait3A_1020] : memref<1024xi32, #tpu.memory_space<vmem>> -> memref<128xi32, #tpu.memory_space<vmem>>
      %dma_wait3A_1022 = arith.constant 0 : i32
      %dma_wait3A_1023 = arith.constant 0 : i32
      %dma_wait3A_1024 = tpu.memref_slice %arg7[%dma_wait3A_1022, %dma_wait3A_1023] : memref<80000x32xf32, #tpu.memory_space<hbm>> -> memref<80000x32xf32, #tpu.memory_space<hbm>>
      tpu.wait_indirect_dma semaphore(%arg29 : memref<!tpu.dma_semaphore, #tpu.memory_space<semaphore_mem>>) src(%dma_wait3A_1024 : memref<80000x32xf32, #tpu.memory_space<hbm>>) dst(%dma_wait3A_1019 : memref<128x32xf32, #tpu.memory_space<vmem>>)
      %dma_wait3A_1025 = arith.constant 128 : i32
      %dma_wait3A_1026 = arith.constant 0 : i32
      %dma_wait3A_1027 = tpu.memref_slice %arg23[%dma_wait3A_1025, %dma_wait3A_1026] : memref<1024x32xf32, #tpu.memory_space<vmem>> -> memref<128x32xf32, #tpu.memory_space<vmem>>
      %dma_wait3A_1028 = arith.constant 128 : i32
      %dma_wait3A_1029 = tpu.memref_slice %arg11[%dma_wait3A_1028] : memref<1024xi32, #tpu.memory_space<vmem>> -> memref<128xi32, #tpu.memory_space<vmem>>
      %dma_wait3A_1030 = arith.constant 0 : i32
      %dma_wait3A_1031 = arith.constant 0 : i32
      %dma_wait3A_1032 = tpu.memref_slice %arg7[%dma_wait3A_1030, %dma_wait3A_1031] : memref<80000x32xf32, #tpu.memory_space<hbm>> -> memref<80000x32xf32, #tpu.memory_space<hbm>>
      tpu.wait_indirect_dma semaphore(%arg29 : memref<!tpu.dma_semaphore, #tpu.memory_space<semaphore_mem>>) src(%dma_wait3A_1032 : memref<80000x32xf32, #tpu.memory_space<hbm>>) dst(%dma_wait3A_1027 : memref<128x32xf32, #tpu.memory_space<vmem>>)
      %dma_wait3A_1033 = arith.constant 256 : i32
      %dma_wait3A_1034 = arith.constant 0 : i32
      %dma_wait3A_1035 = tpu.memref_slice %arg23[%dma_wait3A_1033, %dma_wait3A_1034] : memref<1024x32xf32, #tpu.memory_space<vmem>> -> memref<128x32xf32, #tpu.memory_space<vmem>>
      %dma_wait3A_1036 = arith.constant 256 : i32
      %dma_wait3A_1037 = tpu.memref_slice %arg11[%dma_wait3A_1036] : memref<1024xi32, #tpu.memory_space<vmem>> -> memref<128xi32, #tpu.memory_space<vmem>>
      %dma_wait3A_1038 = arith.constant 0 : i32
      %dma_wait3A_1039 = arith.constant 0 : i32
      %dma_wait3A_1040 = tpu.memref_slice %arg7[%dma_wait3A_1038, %dma_wait3A_1039] : memref<80000x32xf32, #tpu.memory_space<hbm>> -> memref<80000x32xf32, #tpu.memory_space<hbm>>
      tpu.wait_indirect_dma semaphore(%arg29 : memref<!tpu.dma_semaphore, #tpu.memory_space<semaphore_mem>>) src(%dma_wait3A_1040 : memref<80000x32xf32, #tpu.memory_space<hbm>>) dst(%dma_wait3A_1035 : memref<128x32xf32, #tpu.memory_space<vmem>>)
      %dma_wait3A_1041 = arith.constant 384 : i32
      %dma_wait3A_1042 = arith.constant 0 : i32
      %dma_wait3A_1043 = tpu.memref_slice %arg23[%dma_wait3A_1041, %dma_wait3A_1042] : memref<1024x32xf32, #tpu.memory_space<vmem>> -> memref<128x32xf32, #tpu.memory_space<vmem>>
      %dma_wait3A_1044 = arith.constant 384 : i32
      %dma_wait3A_1045 = tpu.memref_slice %arg11[%dma_wait3A_1044] : memref<1024xi32, #tpu.memory_space<vmem>> -> memref<128xi32, #tpu.memory_space<vmem>>
      %dma_wait3A_1046 = arith.constant 0 : i32
      %dma_wait3A_1047 = arith.constant 0 : i32
      %dma_wait3A_1048 = tpu.memref_slice %arg7[%dma_wait3A_1046, %dma_wait3A_1047] : memref<80000x32xf32, #tpu.memory_space<hbm>> -> memref<80000x32xf32, #tpu.memory_space<hbm>>
      tpu.wait_indirect_dma semaphore(%arg29 : memref<!tpu.dma_semaphore, #tpu.memory_space<semaphore_mem>>) src(%dma_wait3A_1048 : memref<80000x32xf32, #tpu.memory_space<hbm>>) dst(%dma_wait3A_1043 : memref<128x32xf32, #tpu.memory_space<vmem>>)
      %dma_wait3A_1049 = arith.constant 512 : i32
      %dma_wait3A_1050 = arith.constant 0 : i32
      %dma_wait3A_1051 = tpu.memref_slice %arg23[%dma_wait3A_1049, %dma_wait3A_1050] : memref<1024x32xf32, #tpu.memory_space<vmem>> -> memref<128x32xf32, #tpu.memory_space<vmem>>
      %dma_wait3A_1052 = arith.constant 512 : i32
      %dma_wait3A_1053 = tpu.memref_slice %arg11[%dma_wait3A_1052] : memref<1024xi32, #tpu.memory_space<vmem>> -> memref<128xi32, #tpu.memory_space<vmem>>
      %dma_wait3A_1054 = arith.constant 0 : i32
      %dma_wait3A_1055 = arith.constant 0 : i32
      %dma_wait3A_1056 = tpu.memref_slice %arg7[%dma_wait3A_1054, %dma_wait3A_1055] : memref<80000x32xf32, #tpu.memory_space<hbm>> -> memref<80000x32xf32, #tpu.memory_space<hbm>>
      tpu.wait_indirect_dma semaphore(%arg29 : memref<!tpu.dma_semaphore, #tpu.memory_space<semaphore_mem>>) src(%dma_wait3A_1056 : memref<80000x32xf32, #tpu.memory_space<hbm>>) dst(%dma_wait3A_1051 : memref<128x32xf32, #tpu.memory_space<vmem>>)
      %dma_wait3A_1057 = arith.constant 640 : i32
      %dma_wait3A_1058 = arith.constant 0 : i32
      %dma_wait3A_1059 = tpu.memref_slice %arg23[%dma_wait3A_1057, %dma_wait3A_1058] : memref<1024x32xf32, #tpu.memory_space<vmem>> -> memref<128x32xf32, #tpu.memory_space<vmem>>
      %dma_wait3A_1060 = arith.constant 640 : i32
      %dma_wait3A_1061 = tpu.memref_slice %arg11[%dma_wait3A_1060] : memref<1024xi32, #tpu.memory_space<vmem>> -> memref<128xi32, #tpu.memory_space<vmem>>
      %dma_wait3A_1062 = arith.constant 0 : i32
      %dma_wait3A_1063 = arith.constant 0 : i32
      %dma_wait3A_1064 = tpu.memref_slice %arg7[%dma_wait3A_1062, %dma_wait3A_1063] : memref<80000x32xf32, #tpu.memory_space<hbm>> -> memref<80000x32xf32, #tpu.memory_space<hbm>>
      tpu.wait_indirect_dma semaphore(%arg29 : memref<!tpu.dma_semaphore, #tpu.memory_space<semaphore_mem>>) src(%dma_wait3A_1064 : memref<80000x32xf32, #tpu.memory_space<hbm>>) dst(%dma_wait3A_1059 : memref<128x32xf32, #tpu.memory_space<vmem>>)
      %dma_wait3A_1065 = arith.constant 768 : i32
      %dma_wait3A_1066 = arith.constant 0 : i32
      %dma_wait3A_1067 = tpu.memref_slice %arg23[%dma_wait3A_1065, %dma_wait3A_1066] : memref<1024x32xf32, #tpu.memory_space<vmem>> -> memref<128x32xf32, #tpu.memory_space<vmem>>
      %dma_wait3A_1068 = arith.constant 768 : i32
      %dma_wait3A_1069 = tpu.memref_slice %arg11[%dma_wait3A_1068] : memref<1024xi32, #tpu.memory_space<vmem>> -> memref<128xi32, #tpu.memory_space<vmem>>
      %dma_wait3A_1070 = arith.constant 0 : i32
      %dma_wait3A_1071 = arith.constant 0 : i32
      %dma_wait3A_1072 = tpu.memref_slice %arg7[%dma_wait3A_1070, %dma_wait3A_1071] : memref<80000x32xf32, #tpu.memory_space<hbm>> -> memref<80000x32xf32, #tpu.memory_space<hbm>>
      tpu.wait_indirect_dma semaphore(%arg29 : memref<!tpu.dma_semaphore, #tpu.memory_space<semaphore_mem>>) src(%dma_wait3A_1072 : memref<80000x32xf32, #tpu.memory_space<hbm>>) dst(%dma_wait3A_1067 : memref<128x32xf32, #tpu.memory_space<vmem>>)
      %dma_wait3A_1073 = arith.constant 896 : i32
      %dma_wait3A_1074 = arith.constant 0 : i32
      %dma_wait3A_1075 = tpu.memref_slice %arg23[%dma_wait3A_1073, %dma_wait3A_1074] : memref<1024x32xf32, #tpu.memory_space<vmem>> -> memref<128x32xf32, #tpu.memory_space<vmem>>
      %dma_wait3A_1076 = arith.constant 896 : i32
      %dma_wait3A_1077 = tpu.memref_slice %arg11[%dma_wait3A_1076] : memref<1024xi32, #tpu.memory_space<vmem>> -> memref<128xi32, #tpu.memory_space<vmem>>
      %dma_wait3A_1078 = arith.constant 0 : i32
      %dma_wait3A_1079 = arith.constant 0 : i32
      %dma_wait3A_1080 = tpu.memref_slice %arg7[%dma_wait3A_1078, %dma_wait3A_1079] : memref<80000x32xf32, #tpu.memory_space<hbm>> -> memref<80000x32xf32, #tpu.memory_space<hbm>>
      tpu.wait_indirect_dma semaphore(%arg29 : memref<!tpu.dma_semaphore, #tpu.memory_space<semaphore_mem>>) src(%dma_wait3A_1080 : memref<80000x32xf32, #tpu.memory_space<hbm>>) dst(%dma_wait3A_1075 : memref<128x32xf32, #tpu.memory_space<vmem>>)
      %parallel_loop3A_1081 = arith.constant 0 : i32
      %parallel_loop3A_1082 = arith.constant 64 : i32
      %parallel_loop3A_1083 = arith.constant 1 : i32
      scf.for %parallel_loop3A_1094 = %parallel_loop3A_1081 to %parallel_loop3A_1082 step %parallel_loop3A_1083  : i32 {
        %parallel_loop3A_1095 = arith.constant 16 : i32
        %parallel_loop3A_1096 = arith.muli %parallel_loop3A_1094, %parallel_loop3A_1095 : i32
        %parallel_loop3A_1097 = arith.index_cast %parallel_loop3A_1096 : i32 to index
        %parallel_loop3A_1098 = tpu.vector_load %arg17[%parallel_loop3A_1097] {strides = array<i32>} : memref<1024xf32, #tpu.memory_space<vmem>>, vector<16xf32>,
        %parallel_loop3A_1099 = arith.index_cast %parallel_loop3A_1096 : i32 to index
        %parallel_loop3A_1100 = tpu.vector_load %arg19[%parallel_loop3A_1099] {strides = array<i32>} : memref<1024xf32, #tpu.memory_space<vmem>>, vector<16xf32>,
        %parallel_loop3A_1101 = arith.addf %parallel_loop3A_1098, %parallel_loop3A_1100 : vector<16xf32>
        %parallel_loop3A_1102 = arith.constant 0.000000e+00 : f32
        %parallel_loop3A_1103 = vector.broadcast %parallel_loop3A_1102 : f32 to vector<16xf32>
        %parallel_loop3A_1104 = arith.cmpf oge, %parallel_loop3A_1101, %parallel_loop3A_1103 : vector<16xf32>
        %parallel_loop3A_1105 = arith.constant 2.000000e-01 : f32
        %parallel_loop3A_1106 = vector.broadcast %parallel_loop3A_1105 : f32 to vector<16xf32>
        %parallel_loop3A_1107 = arith.mulf %parallel_loop3A_1101, %parallel_loop3A_1106 : vector<16xf32>
        %parallel_loop3A_1108 = arith.select %parallel_loop3A_1104, %parallel_loop3A_1101, %parallel_loop3A_1107 : vector<16xi1>, vector<16xf32>
        %parallel_loop3A_1109 = math.exp %parallel_loop3A_1108 : vector<16xf32>
        %parallel_loop3A_1110 = arith.index_cast %parallel_loop3A_1096 : i32 to index
        %parallel_loop3A_1111 = tpu.vector_load %arg21[%parallel_loop3A_1110] {strides = array<i32>} : memref<1024xf32, #tpu.memory_space<vmem>>, vector<16xf32>,
        tpu.vector_store %arg21[%parallel_loop3A_1110], %parallel_loop3A_1109 {strides = array<i32>} : memref<1024xf32, #tpu.memory_space<vmem>>, vector<16xf32>,
      } {sc.loop_unroll_factor = 2 : i64, sc.parallel_access}
      %convert_element_type3A_1084 = arith.extui %lt3A_1014 : i1 to i32
      %cond3A_1085 = arith.constant 0 : i32
      %cond3A_1086 = arith.cmpi ne, %convert_element_type3A_1084, %cond3A_1085 : i32
      scf.if %cond3A_1086 {
        %add3A_1094 = arith.constant 1 : i32
        %add3A_1095 = arith.addi %add3A_1012, %add3A_1094 : i32
        %mul3A_1096 = arith.constant 1024 : i32
        %mul3A_1097 = arith.muli %add3A_1095, %mul3A_1096 : i32
        %add3A_1098 = arith.addi %mul3A_716, %mul3A_1097 : i32
        %add3A_1099 = arith.addi %mul3A_718, %add3A_1098 : i32
        %add3A_1100 = arith.addi %mul3A_718, %add3A_1098 : i32
        %mul3A_1101 = arith.constant 8 : i32
        %mul3A_1102 = arith.muli %add3A_1095, %mul3A_1101 : i32
        %add3A_1103 = arith.addi %add3A_739, %mul3A_1102 : i32
        %dma_wait3A_1104 = tpu.memref_slice %arg2[%add3A_1099] : memref<1310720xi32, #tpu.memory_space<hbm>> -> memref<1024xi32, #tpu.memory_space<hbm>>
        %dma_wait3A_1105 = tpu.memref_slice %arg2[%add3A_1099] : memref<1310720xi32, #tpu.memory_space<hbm>> -> memref<1024xi32, #tpu.memory_space<hbm>>
        tpu.wait_dma2 semaphore(%arg32 : memref<!tpu.dma_semaphore, #tpu.memory_space<semaphore_mem>>) src(%dma_wait3A_1105 : memref<1024xi32, #tpu.memory_space<hbm>>) dst(%arg10 : memref<1024xi32, #tpu.memory_space<vmem>>)
        %dma_wait3A_1106 = tpu.memref_slice %arg3[%add3A_1100] : memref<1310720xi32, #tpu.memory_space<hbm>> -> memref<1024xi32, #tpu.memory_space<hbm>>
        %dma_wait3A_1107 = tpu.memref_slice %arg3[%add3A_1100] : memref<1310720xi32, #tpu.memory_space<hbm>> -> memref<1024xi32, #tpu.memory_space<hbm>>
        tpu.wait_dma2 semaphore(%arg32 : memref<!tpu.dma_semaphore, #tpu.memory_space<semaphore_mem>>) src(%dma_wait3A_1107 : memref<1024xi32, #tpu.memory_space<hbm>>) dst(%arg12 : memref<1024xi32, #tpu.memory_space<vmem>>)
        %dma_wait3A_1108 = arith.constant 0 : i32
        %dma_wait3A_1109 = tpu.memref_slice %arg4[%add3A_1103, %dma_wait3A_1108] : memref<5120x128xi32, #tpu.memory_space<hbm>> -> memref<8x128xi32, #tpu.memory_space<hbm>>
        %dma_wait3A_1110 = arith.constant 0 : i32
        %dma_wait3A_1111 = tpu.memref_slice %arg4[%add3A_1103, %dma_wait3A_1110] : memref<5120x128xi32, #tpu.memory_space<hbm>> -> memref<8x128xi32, #tpu.memory_space<hbm>>
        tpu.wait_dma2 semaphore(%arg32 : memref<!tpu.dma_semaphore, #tpu.memory_space<semaphore_mem>>) src(%dma_wait3A_1111 : memref<8x128xi32, #tpu.memory_space<hbm>>) dst(%arg14 : memref<8x128xi32, #tpu.memory_space<vmem>>)
        %dma_start3A_1112 = arith.constant 0 : i32
        %dma_start3A_1113 = arith.constant 0 : i32
        %dma_start3A_1114 = tpu.memref_slice %arg22[%dma_start3A_1112, %dma_start3A_1113] : memref<1024x32xf32, #tpu.memory_space<vmem>> -> memref<128x32xf32, #tpu.memory_space<vmem>>
        %dma_start3A_1115 = arith.constant 0 : i32
        %dma_start3A_1116 = tpu.memref_slice %arg10[%dma_start3A_1115] : memref<1024xi32, #tpu.memory_space<vmem>> -> memref<128xi32, #tpu.memory_space<vmem>>
        %dma_start3A_1117 = arith.constant 0 : i32
        %dma_start3A_1118 = arith.constant 0 : i32
        %dma_start3A_1119 = tpu.memref_slice %arg7[%dma_start3A_1117, %dma_start3A_1118] : memref<80000x32xf32, #tpu.memory_space<hbm>> -> memref<80000x32xf32, #tpu.memory_space<hbm>>
        tpu.enqueue_indirect_dma source(%dma_start3A_1119 : memref<80000x32xf32, #tpu.memory_space<hbm>>) target(%dma_start3A_1114 : memref<128x32xf32, #tpu.memory_space<vmem>>) offsets(%dma_start3A_1116 : memref<128xi32, #tpu.memory_space<vmem>>) semaphore(%arg28 : memref<!tpu.dma_semaphore, #tpu.memory_space<semaphore_mem>>)
        %dma_start3A_1120 = arith.constant 128 : i32
        %dma_start3A_1121 = arith.constant 0 : i32
        %dma_start3A_1122 = tpu.memref_slice %arg22[%dma_start3A_1120, %dma_start3A_1121] : memref<1024x32xf32, #tpu.memory_space<vmem>> -> memref<128x32xf32, #tpu.memory_space<vmem>>
        %dma_start3A_1123 = arith.constant 128 : i32
        %dma_start3A_1124 = tpu.memref_slice %arg10[%dma_start3A_1123] : memref<1024xi32, #tpu.memory_space<vmem>> -> memref<128xi32, #tpu.memory_space<vmem>>
        %dma_start3A_1125 = arith.constant 0 : i32
        %dma_start3A_1126 = arith.constant 0 : i32
        %dma_start3A_1127 = tpu.memref_slice %arg7[%dma_start3A_1125, %dma_start3A_1126] : memref<80000x32xf32, #tpu.memory_space<hbm>> -> memref<80000x32xf32, #tpu.memory_space<hbm>>
        tpu.enqueue_indirect_dma source(%dma_start3A_1127 : memref<80000x32xf32, #tpu.memory_space<hbm>>) target(%dma_start3A_1122 : memref<128x32xf32, #tpu.memory_space<vmem>>) offsets(%dma_start3A_1124 : memref<128xi32, #tpu.memory_space<vmem>>) semaphore(%arg28 : memref<!tpu.dma_semaphore, #tpu.memory_space<semaphore_mem>>)
        %dma_start3A_1128 = arith.constant 256 : i32
        %dma_start3A_1129 = arith.constant 0 : i32
        %dma_start3A_1130 = tpu.memref_slice %arg22[%dma_start3A_1128, %dma_start3A_1129] : memref<1024x32xf32, #tpu.memory_space<vmem>> -> memref<128x32xf32, #tpu.memory_space<vmem>>
        %dma_start3A_1131 = arith.constant 256 : i32
        %dma_start3A_1132 = tpu.memref_slice %arg10[%dma_start3A_1131] : memref<1024xi32, #tpu.memory_space<vmem>> -> memref<128xi32, #tpu.memory_space<vmem>>
        %dma_start3A_1133 = arith.constant 0 : i32
        %dma_start3A_1134 = arith.constant 0 : i32
        %dma_start3A_1135 = tpu.memref_slice %arg7[%dma_start3A_1133, %dma_start3A_1134] : memref<80000x32xf32, #tpu.memory_space<hbm>> -> memref<80000x32xf32, #tpu.memory_space<hbm>>
        tpu.enqueue_indirect_dma source(%dma_start3A_1135 : memref<80000x32xf32, #tpu.memory_space<hbm>>) target(%dma_start3A_1130 : memref<128x32xf32, #tpu.memory_space<vmem>>) offsets(%dma_start3A_1132 : memref<128xi32, #tpu.memory_space<vmem>>) semaphore(%arg28 : memref<!tpu.dma_semaphore, #tpu.memory_space<semaphore_mem>>)
        %dma_start3A_1136 = arith.constant 384 : i32
        %dma_start3A_1137 = arith.constant 0 : i32
        %dma_start3A_1138 = tpu.memref_slice %arg22[%dma_start3A_1136, %dma_start3A_1137] : memref<1024x32xf32, #tpu.memory_space<vmem>> -> memref<128x32xf32, #tpu.memory_space<vmem>>
        %dma_start3A_1139 = arith.constant 384 : i32
        %dma_start3A_1140 = tpu.memref_slice %arg10[%dma_start3A_1139] : memref<1024xi32, #tpu.memory_space<vmem>> -> memref<128xi32, #tpu.memory_space<vmem>>
        %dma_start3A_1141 = arith.constant 0 : i32
        %dma_start3A_1142 = arith.constant 0 : i32
        %dma_start3A_1143 = tpu.memref_slice %arg7[%dma_start3A_1141, %dma_start3A_1142] : memref<80000x32xf32, #tpu.memory_space<hbm>> -> memref<80000x32xf32, #tpu.memory_space<hbm>>
        tpu.enqueue_indirect_dma source(%dma_start3A_1143 : memref<80000x32xf32, #tpu.memory_space<hbm>>) target(%dma_start3A_1138 : memref<128x32xf32, #tpu.memory_space<vmem>>) offsets(%dma_start3A_1140 : memref<128xi32, #tpu.memory_space<vmem>>) semaphore(%arg28 : memref<!tpu.dma_semaphore, #tpu.memory_space<semaphore_mem>>)
        %dma_start3A_1144 = arith.constant 512 : i32
        %dma_start3A_1145 = arith.constant 0 : i32
        %dma_start3A_1146 = tpu.memref_slice %arg22[%dma_start3A_1144, %dma_start3A_1145] : memref<1024x32xf32, #tpu.memory_space<vmem>> -> memref<128x32xf32, #tpu.memory_space<vmem>>
        %dma_start3A_1147 = arith.constant 512 : i32
        %dma_start3A_1148 = tpu.memref_slice %arg10[%dma_start3A_1147] : memref<1024xi32, #tpu.memory_space<vmem>> -> memref<128xi32, #tpu.memory_space<vmem>>
        %dma_start3A_1149 = arith.constant 0 : i32
        %dma_start3A_1150 = arith.constant 0 : i32
        %dma_start3A_1151 = tpu.memref_slice %arg7[%dma_start3A_1149, %dma_start3A_1150] : memref<80000x32xf32, #tpu.memory_space<hbm>> -> memref<80000x32xf32, #tpu.memory_space<hbm>>
        tpu.enqueue_indirect_dma source(%dma_start3A_1151 : memref<80000x32xf32, #tpu.memory_space<hbm>>) target(%dma_start3A_1146 : memref<128x32xf32, #tpu.memory_space<vmem>>) offsets(%dma_start3A_1148 : memref<128xi32, #tpu.memory_space<vmem>>) semaphore(%arg28 : memref<!tpu.dma_semaphore, #tpu.memory_space<semaphore_mem>>)
        %dma_start3A_1152 = arith.constant 640 : i32
        %dma_start3A_1153 = arith.constant 0 : i32
        %dma_start3A_1154 = tpu.memref_slice %arg22[%dma_start3A_1152, %dma_start3A_1153] : memref<1024x32xf32, #tpu.memory_space<vmem>> -> memref<128x32xf32, #tpu.memory_space<vmem>>
        %dma_start3A_1155 = arith.constant 640 : i32
        %dma_start3A_1156 = tpu.memref_slice %arg10[%dma_start3A_1155] : memref<1024xi32, #tpu.memory_space<vmem>> -> memref<128xi32, #tpu.memory_space<vmem>>
        %dma_start3A_1157 = arith.constant 0 : i32
        %dma_start3A_1158 = arith.constant 0 : i32
        %dma_start3A_1159 = tpu.memref_slice %arg7[%dma_start3A_1157, %dma_start3A_1158] : memref<80000x32xf32, #tpu.memory_space<hbm>> -> memref<80000x32xf32, #tpu.memory_space<hbm>>
        tpu.enqueue_indirect_dma source(%dma_start3A_1159 : memref<80000x32xf32, #tpu.memory_space<hbm>>) target(%dma_start3A_1154 : memref<128x32xf32, #tpu.memory_space<vmem>>) offsets(%dma_start3A_1156 : memref<128xi32, #tpu.memory_space<vmem>>) semaphore(%arg28 : memref<!tpu.dma_semaphore, #tpu.memory_space<semaphore_mem>>)
        %dma_start3A_1160 = arith.constant 768 : i32
        %dma_start3A_1161 = arith.constant 0 : i32
        %dma_start3A_1162 = tpu.memref_slice %arg22[%dma_start3A_1160, %dma_start3A_1161] : memref<1024x32xf32, #tpu.memory_space<vmem>> -> memref<128x32xf32, #tpu.memory_space<vmem>>
        %dma_start3A_1163 = arith.constant 768 : i32
        %dma_start3A_1164 = tpu.memref_slice %arg10[%dma_start3A_1163] : memref<1024xi32, #tpu.memory_space<vmem>> -> memref<128xi32, #tpu.memory_space<vmem>>
        %dma_start3A_1165 = arith.constant 0 : i32
        %dma_start3A_1166 = arith.constant 0 : i32
        %dma_start3A_1167 = tpu.memref_slice %arg7[%dma_start3A_1165, %dma_start3A_1166] : memref<80000x32xf32, #tpu.memory_space<hbm>> -> memref<80000x32xf32, #tpu.memory_space<hbm>>
        tpu.enqueue_indirect_dma source(%dma_start3A_1167 : memref<80000x32xf32, #tpu.memory_space<hbm>>) target(%dma_start3A_1162 : memref<128x32xf32, #tpu.memory_space<vmem>>) offsets(%dma_start3A_1164 : memref<128xi32, #tpu.memory_space<vmem>>) semaphore(%arg28 : memref<!tpu.dma_semaphore, #tpu.memory_space<semaphore_mem>>)
        %dma_start3A_1168 = arith.constant 896 : i32
        %dma_start3A_1169 = arith.constant 0 : i32
        %dma_start3A_1170 = tpu.memref_slice %arg22[%dma_start3A_1168, %dma_start3A_1169] : memref<1024x32xf32, #tpu.memory_space<vmem>> -> memref<128x32xf32, #tpu.memory_space<vmem>>
        %dma_start3A_1171 = arith.constant 896 : i32
        %dma_start3A_1172 = tpu.memref_slice %arg10[%dma_start3A_1171] : memref<1024xi32, #tpu.memory_space<vmem>> -> memref<128xi32, #tpu.memory_space<vmem>>
        %dma_start3A_1173 = arith.constant 0 : i32
        %dma_start3A_1174 = arith.constant 0 : i32
        %dma_start3A_1175 = tpu.memref_slice %arg7[%dma_start3A_1173, %dma_start3A_1174] : memref<80000x32xf32, #tpu.memory_space<hbm>> -> memref<80000x32xf32, #tpu.memory_space<hbm>>
        tpu.enqueue_indirect_dma source(%dma_start3A_1175 : memref<80000x32xf32, #tpu.memory_space<hbm>>) target(%dma_start3A_1170 : memref<128x32xf32, #tpu.memory_space<vmem>>) offsets(%dma_start3A_1172 : memref<128xi32, #tpu.memory_space<vmem>>) semaphore(%arg28 : memref<!tpu.dma_semaphore, #tpu.memory_space<semaphore_mem>>)
      } else {
      }
      %parallel_loop3A_1087 = arith.constant 0 : i32
      %parallel_loop3A_1088 = arith.constant 1024 : i32
      %parallel_loop3A_1089 = arith.constant 1 : i32
      scf.for %parallel_loop3A_1094 = %parallel_loop3A_1087 to %parallel_loop3A_1088 step %parallel_loop3A_1089  : i32 {
        %parallel_loop3A_1095 = vector.broadcast %parallel_loop3A_1094 : i32 to vector<16xi32>
        %parallel_loop3A_1096 = tpu.vector_load_idx %arg21[%parallel_loop3A_1095] : memref<1024xf32, #tpu.memory_space<vmem>>[vector<16xi32>], vector<16xf32>,
        %parallel_loop3A_1097 = arith.index_cast %parallel_loop3A_1094 : i32 to index
        %parallel_loop3A_1098 = arith.constant 0 : index
        %parallel_loop3A_1099 = tpu.vector_load %arg23[%parallel_loop3A_1097, %parallel_loop3A_1098] {strides = array<i32>} : memref<1024x32xf32, #tpu.memory_space<vmem>>, vector<16xf32>,
        %parallel_loop3A_1100 = arith.mulf %parallel_loop3A_1099, %parallel_loop3A_1096 : vector<16xf32>
        %parallel_loop3A_1101 = arith.index_cast %parallel_loop3A_1094 : i32 to index
        %parallel_loop3A_1102 = arith.constant 0 : index
        %parallel_loop3A_1103 = tpu.vector_load %arg23[%parallel_loop3A_1101, %parallel_loop3A_1102] {strides = array<i32>} : memref<1024x32xf32, #tpu.memory_space<vmem>>, vector<16xf32>,
        tpu.vector_store %arg23[%parallel_loop3A_1101, %parallel_loop3A_1102], %parallel_loop3A_1100 {strides = array<i32>} : memref<1024x32xf32, #tpu.memory_space<vmem>>, vector<16xf32>,
        %parallel_loop3A_1104 = arith.index_cast %parallel_loop3A_1094 : i32 to index
        %parallel_loop3A_1105 = arith.constant 16 : index
        %parallel_loop3A_1106 = tpu.vector_load %arg23[%parallel_loop3A_1104, %parallel_loop3A_1105] {strides = array<i32>} : memref<1024x32xf32, #tpu.memory_space<vmem>>, vector<16xf32>,
        %parallel_loop3A_1107 = arith.mulf %parallel_loop3A_1106, %parallel_loop3A_1096 : vector<16xf32>
        %parallel_loop3A_1108 = arith.index_cast %parallel_loop3A_1094 : i32 to index
        %parallel_loop3A_1109 = arith.constant 16 : index
        %parallel_loop3A_1110 = tpu.vector_load %arg23[%parallel_loop3A_1108, %parallel_loop3A_1109] {strides = array<i32>} : memref<1024x32xf32, #tpu.memory_space<vmem>>, vector<16xf32>,
        tpu.vector_store %arg23[%parallel_loop3A_1108, %parallel_loop3A_1109], %parallel_loop3A_1107 {strides = array<i32>} : memref<1024x32xf32, #tpu.memory_space<vmem>>, vector<16xf32>,
      } {sc.loop_unroll_factor = 4 : i64, sc.parallel_access}
      %convert_element_type3A_1090 = arith.extui %lt3A_1016 : i1 to i32
      %cond3A_1091 = arith.constant 0 : i32
      %cond3A_1092 = arith.cmpi ne, %convert_element_type3A_1090, %cond3A_1091 : i32
      scf.if %cond3A_1092 {
        %add3A_1094 = arith.constant 2 : i32
        %add3A_1095 = arith.addi %add3A_1012, %add3A_1094 : i32
        %mul3A_1096 = arith.constant 1024 : i32
        %mul3A_1097 = arith.muli %add3A_1095, %mul3A_1096 : i32
        %add3A_1098 = arith.addi %mul3A_716, %mul3A_1097 : i32
        %add3A_1099 = arith.addi %mul3A_718, %add3A_1098 : i32
        %dma_start3A_1100 = tpu.memref_slice %arg2[%add3A_1099] : memref<1310720xi32, #tpu.memory_space<hbm>> -> memref<1024xi32, #tpu.memory_space<hbm>>
        %dma_start3A_1101 = tpu.memref_slice %arg2[%add3A_1099] : memref<1310720xi32, #tpu.memory_space<hbm>> -> memref<1024xi32, #tpu.memory_space<hbm>>
        tpu.enqueue_dma source(%dma_start3A_1101 : memref<1024xi32, #tpu.memory_space<hbm>>) target(%arg11 : memref<1024xi32, #tpu.memory_space<vmem>>) target_semaphore(%arg33 : memref<!tpu.dma_semaphore, #tpu.memory_space<semaphore_mem>>)
        %add3A_1102 = arith.addi %mul3A_718, %add3A_1098 : i32
        %dma_start3A_1103 = tpu.memref_slice %arg3[%add3A_1102] : memref<1310720xi32, #tpu.memory_space<hbm>> -> memref<1024xi32, #tpu.memory_space<hbm>>
        %dma_start3A_1104 = tpu.memref_slice %arg3[%add3A_1102] : memref<1310720xi32, #tpu.memory_space<hbm>> -> memref<1024xi32, #tpu.memory_space<hbm>>
        tpu.enqueue_dma source(%dma_start3A_1104 : memref<1024xi32, #tpu.memory_space<hbm>>) target(%arg13 : memref<1024xi32, #tpu.memory_space<vmem>>) target_semaphore(%arg33 : memref<!tpu.dma_semaphore, #tpu.memory_space<semaphore_mem>>)
        %mul3A_1105 = arith.constant 8 : i32
        %mul3A_1106 = arith.muli %add3A_1095, %mul3A_1105 : i32
        %add3A_1107 = arith.addi %add3A_739, %mul3A_1106 : i32
        %dma_start3A_1108 = arith.constant 0 : i32
        %dma_start3A_1109 = tpu.memref_slice %arg4[%add3A_1107, %dma_start3A_1108] : memref<5120x128xi32, #tpu.memory_space<hbm>> -> memref<8x128xi32, #tpu.memory_space<hbm>>
        %dma_start3A_1110 = arith.constant 0 : i32
        %dma_start3A_1111 = tpu.memref_slice %arg4[%add3A_1107, %dma_start3A_1110] : memref<5120x128xi32, #tpu.memory_space<hbm>> -> memref<8x128xi32, #tpu.memory_space<hbm>>
        tpu.enqueue_dma source(%dma_start3A_1111 : memref<8x128xi32, #tpu.memory_space<hbm>>) target(%arg15 : memref<8x128xi32, #tpu.memory_space<vmem>>) target_semaphore(%arg33 : memref<!tpu.dma_semaphore, #tpu.memory_space<semaphore_mem>>)
      } else {
      }
      %scan3A_1093 = arith.constant 0 : i32
      scf.yield %scan3A_1093 : i32
    }
    %scan3A_844 = arith.constant 20 : i32
    %barrier3A_845 = arith.constant 0 : index
    tpu.barrier barrier_id(%barrier3A_845)
    %mul3A_846 = arith.constant 1280 : i32
    %mul3A_847 = arith.muli %arg1, %mul3A_846 : i32
    %mul3A_848 = arith.constant 1280 : i32
    %mul3A_849 = arith.muli %arg1, %mul3A_848 : i32
    "tpu.region"() ({
      %run_scoped3A = tpu.sem_alloc : memref<!tpu.dma_semaphore, #tpu.memory_space<semaphore_mem>>
      %dma_start3A_854 = arith.constant 0 : i32
      %dma_start3A_855 = tpu.memref_slice %arg8[%arg0, %mul3A_849, %dma_start3A_854] : memref<2x20480x32xf32, #tpu.memory_space<hbm>> -> memref<1x1280x32xf32, #tpu.memory_space<hbm>>
      %dma_start3A_856 = tpu.memref_squeeze %dma_start3A_855 : memref<1x1280x32xf32, #tpu.memory_space<hbm>> -> memref<1280x32xf32, #tpu.memory_space<hbm>>
      %dma_start3A_857 = arith.constant 0 : i32
      %dma_start3A_858 = tpu.memref_slice %arg26[%mul3A_847, %dma_start3A_857] : memref<20480x32xf32, #tpu.memory_space<vmem_shared>> -> memref<1280x32xf32, #tpu.memory_space<vmem_shared>>
      tpu.enqueue_dma source(%dma_start3A_858 : memref<1280x32xf32, #tpu.memory_space<vmem_shared>>) target(%dma_start3A_856 : memref<1280x32xf32, #tpu.memory_space<hbm>>) target_semaphore(%run_scoped3A : memref<!tpu.dma_semaphore, #tpu.memory_space<semaphore_mem>>)
      %dma_wait3A_859 = arith.constant 0 : i32
      %dma_wait3A_860 = tpu.memref_slice %arg8[%arg0, %mul3A_849, %dma_wait3A_859] : memref<2x20480x32xf32, #tpu.memory_space<hbm>> -> memref<1x1280x32xf32, #tpu.memory_space<hbm>>
      %dma_wait3A_861 = tpu.memref_squeeze %dma_wait3A_860 : memref<1x1280x32xf32, #tpu.memory_space<hbm>> -> memref<1280x32xf32, #tpu.memory_space<hbm>>
      %dma_wait3A_862 = arith.constant 0 : i32
      %dma_wait3A_863 = tpu.memref_slice %arg26[%mul3A_847, %dma_wait3A_862] : memref<20480x32xf32, #tpu.memory_space<vmem_shared>> -> memref<1280x32xf32, #tpu.memory_space<vmem_shared>>
      tpu.wait_dma2 semaphore(%run_scoped3A : memref<!tpu.dma_semaphore, #tpu.memory_space<semaphore_mem>>) src(%dma_wait3A_863 : memref<1280x32xf32, #tpu.memory_space<vmem_shared>>) dst(%dma_wait3A_861 : memref<1280x32xf32, #tpu.memory_space<hbm>>)
      tpu.yield
    }) : () -> ()
    %mul3A_850 = arith.constant 1280 : i32
    %mul3A_851 = arith.muli %arg1, %mul3A_850 : i32
    %mul3A_852 = arith.constant 1280 : i32
    %mul3A_853 = arith.muli %arg1, %mul3A_852 : i32
    "tpu.region"() ({
      %run_scoped3A = tpu.sem_alloc : memref<!tpu.dma_semaphore, #tpu.memory_space<semaphore_mem>>
      %dma_start3A_854 = tpu.memref_slice %arg9[%arg0, %mul3A_853] : memref<2x20480xf32, #tpu.memory_space<hbm>> -> memref<1x1280xf32, #tpu.memory_space<hbm>>
      %dma_start3A_855 = tpu.memref_squeeze %dma_start3A_854 : memref<1x1280xf32, #tpu.memory_space<hbm>> -> memref<1280xf32, #tpu.memory_space<hbm>>
      %dma_start3A_856 = tpu.memref_slice %arg27[%mul3A_851] : memref<20480xf32, #tpu.memory_space<vmem_shared>> -> memref<1280xf32, #tpu.memory_space<vmem_shared>>
      tpu.enqueue_dma source(%dma_start3A_856 : memref<1280xf32, #tpu.memory_space<vmem_shared>>) target(%dma_start3A_855 : memref<1280xf32, #tpu.memory_space<hbm>>) target_semaphore(%run_scoped3A : memref<!tpu.dma_semaphore, #tpu.memory_space<semaphore_mem>>)
      %dma_wait3A_857 = tpu.memref_slice %arg9[%arg0, %mul3A_853] : memref<2x20480xf32, #tpu.memory_space<hbm>> -> memref<1x1280xf32, #tpu.memory_space<hbm>>
      %dma_wait3A_858 = tpu.memref_squeeze %dma_wait3A_857 : memref<1x1280xf32, #tpu.memory_space<hbm>> -> memref<1280xf32, #tpu.memory_space<hbm>>
      %dma_wait3A_859 = tpu.memref_slice %arg27[%mul3A_851] : memref<20480xf32, #tpu.memory_space<vmem_shared>> -> memref<1280xf32, #tpu.memory_space<vmem_shared>>
      tpu.wait_dma2 semaphore(%run_scoped3A : memref<!tpu.dma_semaphore, #tpu.memory_space<semaphore_mem>>) src(%dma_wait3A_859 : memref<1280xf32, #tpu.memory_space<vmem_shared>>) dst(%dma_wait3A_858 : memref<1280xf32, #tpu.memory_space<hbm>>)
      tpu.yield
    }) : () -> ()
    return
  }
}

module attributes {stable_mosaic.version = 14 : i64} {
  func.func @body(%arg0: i32, %arg1: i32, %arg2: memref<1000x128xf32, #tpu.memory_space<vmem>>, %arg3: memref<1x128x128xf32, #tpu.memory_space<vmem>>, %arg4: memref<128x4xf32, #tpu.memory_space<vmem>>, %arg5: memref<128x4xf32, #tpu.memory_space<vmem>>, %arg6: memref<1x1000x128xf32, #tpu.memory_space<vmem>>, %arg7: memref<1x1000x4xf32, #tpu.memory_space<vmem>>, %arg8: memref<1x1000x4xf32, #tpu.memory_space<vmem>>) attributes {dimension_semantics = [#tpu.dimension_semantics<arbitrary>, #tpu.dimension_semantics<arbitrary>], iteration_bounds = array<i64: 2, 10>, scalar_prefetch = 0 : i64, scratch_operands = 0 : i64, tpu.core_type = #tpu.core_type<tc>, window_params = [{transform_indices = @transform_0, window_bounds = array<i64: 1000, 128>}, {transform_indices = @transform_1, window_bounds = array<i64: 1, 128, 128>}, {pipeline_mode = #tpu.pipeline_mode<synchronous>, transform_indices = @transform_2, window_bounds = array<i64: 128, 4>}, {pipeline_mode = #tpu.pipeline_mode<synchronous>, transform_indices = @transform_3, window_bounds = array<i64: 128, 4>}, {transform_indices = @transform_4, window_bounds = array<i64: 1, 1000, 128>}, {transform_indices = @transform_5, window_bounds = array<i64: 1, 1000, 4>}, {transform_indices = @transform_6, window_bounds = array<i64: 1, 1000, 4>}]} {
    %get3A = arith.constant 0 : index
    %get3A_0 = arith.constant 0 : index
    %get3A_1 = vector.load %arg2[%get3A, %get3A_0] : memref<1000x128xf32, #tpu.memory_space<vmem>>, vector<1000x128xf32>
    %get3A_2 = arith.constant 0 : index
    %get3A_3 = arith.constant 0 : index
    %get3A_4 = arith.constant 0 : index
    %get3A_5 = vector.load %arg3[%get3A_2, %get3A_3, %get3A_4] : memref<1x128x128xf32, #tpu.memory_space<vmem>>, vector<1x128x128xf32>
    %get3A_6 = vector.shape_cast %get3A_5 : vector<1x128x128xf32> to vector<128x128xf32>
    %dot_general3A = arith.constant dense<0.000000e+00> : vector<1000x128xf32>
    %dot_general3A_7 = tpu.matmul %get3A_1, %get3A_6, %dot_general3A {dimension_numbers = #tpu.dot_dimension_numbers<[1], [0], [0], [1], [0, 0, 1, 1], [], []>, transpose_lhs_hint = false} : vector<1000x128xf32>, vector<128x128xf32>, vector<1000x128xf32> -> vector<1000x128xf32>
    %swap3A = arith.constant 0 : index
    %swap3A_8 = arith.constant 0 : index
    %swap3A_9 = arith.constant 0 : index
    %swap3A_10 = vector.load %arg6[%swap3A, %swap3A_8, %swap3A_9] : memref<1x1000x128xf32, #tpu.memory_space<vmem>>, vector<1x1000x128xf32>
    %swap3A_11 = vector.shape_cast %swap3A_10 : vector<1x1000x128xf32> to vector<1000x128xf32>
    %swap3A_12 = vector.shape_cast %dot_general3A_7 : vector<1000x128xf32> to vector<1x1000x128xf32>
    tpu.vector_store %arg6[%swap3A, %swap3A_8, %swap3A_9], %swap3A_12 {strides = array<i32>} : memref<1x1000x128xf32, #tpu.memory_space<vmem>>, vector<1x1000x128xf32>,
    %get3A_13 = arith.constant 0 : index
    %get3A_14 = arith.constant 0 : index
    %get3A_15 = vector.load %arg4[%get3A_13, %get3A_14] : memref<128x4xf32, #tpu.memory_space<vmem>>, vector<128x4xf32>
    %dot_general3A_16 = arith.constant dense<0.000000e+00> : vector<1000x4xf32>
    %dot_general3A_17 = tpu.matmul %dot_general3A_7, %get3A_15, %dot_general3A_16 {dimension_numbers = #tpu.dot_dimension_numbers<[1], [0], [0], [1], [0, 0, 1, 1], [], []>, transpose_lhs_hint = false} : vector<1000x128xf32>, vector<128x4xf32>, vector<1000x4xf32> -> vector<1000x4xf32>
    %swap3A_18 = arith.constant 0 : index
    %swap3A_19 = arith.constant 0 : index
    %swap3A_20 = arith.constant 0 : index
    %swap3A_21 = vector.load %arg7[%swap3A_18, %swap3A_19, %swap3A_20] : memref<1x1000x4xf32, #tpu.memory_space<vmem>>, vector<1x1000x4xf32>
    %swap3A_22 = vector.shape_cast %swap3A_21 : vector<1x1000x4xf32> to vector<1000x4xf32>
    %swap3A_23 = vector.shape_cast %dot_general3A_17 : vector<1000x4xf32> to vector<1x1000x4xf32>
    tpu.vector_store %arg7[%swap3A_18, %swap3A_19, %swap3A_20], %swap3A_23 {strides = array<i32>} : memref<1x1000x4xf32, #tpu.memory_space<vmem>>, vector<1x1000x4xf32>,
    %get3A_24 = arith.constant 0 : index
    %get3A_25 = arith.constant 0 : index
    %get3A_26 = vector.load %arg5[%get3A_24, %get3A_25] : memref<128x4xf32, #tpu.memory_space<vmem>>, vector<128x4xf32>
    %dot_general3A_27 = arith.constant dense<0.000000e+00> : vector<1000x4xf32>
    %dot_general3A_28 = tpu.matmul %dot_general3A_7, %get3A_26, %dot_general3A_27 {dimension_numbers = #tpu.dot_dimension_numbers<[1], [0], [0], [1], [0, 0, 1, 1], [], []>, transpose_lhs_hint = false} : vector<1000x128xf32>, vector<128x4xf32>, vector<1000x4xf32> -> vector<1000x4xf32>
    %swap3A_29 = arith.constant 0 : index
    %swap3A_30 = arith.constant 0 : index
    %swap3A_31 = arith.constant 0 : index
    %swap3A_32 = vector.load %arg8[%swap3A_29, %swap3A_30, %swap3A_31] : memref<1x1000x4xf32, #tpu.memory_space<vmem>>, vector<1x1000x4xf32>
    %swap3A_33 = vector.shape_cast %swap3A_32 : vector<1x1000x4xf32> to vector<1000x4xf32>
    %swap3A_34 = vector.shape_cast %dot_general3A_28 : vector<1000x4xf32> to vector<1x1000x4xf32>
    tpu.vector_store %arg8[%swap3A_29, %swap3A_30, %swap3A_31], %swap3A_34 {strides = array<i32>} : memref<1x1000x4xf32, #tpu.memory_space<vmem>>, vector<1x1000x4xf32>,
    return
  }
  func.func @transform_0(%arg0: i32, %arg1: i32) -> (i32, i32) {
    %c0_i32 = arith.constant 0 : i32
    %c0_i32_0 = arith.constant 0 : i32
    return %arg1, %c0_i32 : i32, i32
  }
  func.func @transform_1(%arg0: i32, %arg1: i32) -> (i32, i32, i32) {
    %c0_i32 = arith.constant 0 : i32
    %c0_i32_0 = arith.constant 0 : i32
    %c0_i32_1 = arith.constant 0 : i32
    return %arg0, %c0_i32, %c0_i32_0 : i32, i32, i32
  }
  func.func @transform_2(%arg0: i32, %arg1: i32) -> (i32, i32) {
    %c0_i32 = arith.constant 0 : i32
    %c0_i32_0 = arith.constant 0 : i32
    %c0_i32_1 = arith.constant 0 : i32
    return %c0_i32, %c0_i32_0 : i32, i32
  }
  func.func @transform_3(%arg0: i32, %arg1: i32) -> (i32, i32) {
    %c0_i32 = arith.constant 0 : i32
    %c0_i32_0 = arith.constant 0 : i32
    %c0_i32_1 = arith.constant 0 : i32
    return %c0_i32, %c0_i32_0 : i32, i32
  }
  func.func @transform_4(%arg0: i32, %arg1: i32) -> (i32, i32, i32) {
    %c0_i32 = arith.constant 0 : i32
    %c0_i32_0 = arith.constant 0 : i32
    return %arg0, %arg1, %c0_i32 : i32, i32, i32
  }
  func.func @transform_5(%arg0: i32, %arg1: i32) -> (i32, i32, i32) {
    %c0_i32 = arith.constant 0 : i32
    %c0_i32_0 = arith.constant 0 : i32
    return %arg0, %arg1, %c0_i32 : i32, i32, i32
  }
  func.func @transform_6(%arg0: i32, %arg1: i32) -> (i32, i32, i32) {
    %c0_i32 = arith.constant 0 : i32
    %c0_i32_0 = arith.constant 0 : i32
    return %arg0, %arg1, %c0_i32 : i32, i32, i32
  }
}

module attributes {stable_mosaic.version = 14 : i64} {
  func.func @body(%arg0: i32, %arg1: memref<2x1000x2x32xf32, #tpu.memory_space<vmem>>, %arg2: memref<2x1000x2xf32, #tpu.memory_space<vmem>>, %arg3: memref<1x128xf32, #tpu.memory_space<vmem>>, %arg4: memref<128x128xf32, #tpu.memory_space<vmem>>, %arg5: memref<1x128xf32, #tpu.memory_space<vmem>>, %arg6: memref<1000x128xf32, #tpu.memory_space<vmem>>) attributes {dimension_semantics = [#tpu.dimension_semantics<arbitrary>], iteration_bounds = array<i64: 10>, scalar_prefetch = 0 : i64, scratch_operands = 0 : i64, tpu.core_type = #tpu.core_type<tc>, window_params = [{transform_indices = @transform_0, window_bounds = array<i64: 2, 1000, 2, 32>}, {transform_indices = @transform_1, window_bounds = array<i64: 2, 1000, 2>}, {pipeline_mode = #tpu.pipeline_mode<synchronous>, transform_indices = @transform_2, window_bounds = array<i64: 1, 128>}, {pipeline_mode = #tpu.pipeline_mode<synchronous>, transform_indices = @transform_3, window_bounds = array<i64: 128, 128>}, {pipeline_mode = #tpu.pipeline_mode<synchronous>, transform_indices = @transform_4, window_bounds = array<i64: 1, 128>}, {transform_indices = @transform_5, window_bounds = array<i64: 1000, 128>}]} {
    %get3A = arith.constant 0 : index
    %get3A_0 = arith.constant 0 : index
    %get3A_1 = arith.constant 0 : index
    %get3A_2 = arith.constant 0 : index
    %get3A_3 = vector.load %arg1[%get3A, %get3A_0, %get3A_1, %get3A_2] : memref<2x1000x2x32xf32, #tpu.memory_space<vmem>>, vector<2x1000x2x32xf32>
    %get3A_4 = arith.constant 0 : index
    %get3A_5 = arith.constant 0 : index
    %get3A_6 = arith.constant 0 : index
    %get3A_7 = vector.load %arg2[%get3A_4, %get3A_5, %get3A_6] : memref<2x1000x2xf32, #tpu.memory_space<vmem>>, vector<2x1000x2xf32>
    %slice3A = vector.extract_strided_slice %get3A_3 {offsets = [0, 0, 0, 0], sizes = [1, 1000, 1, 32], strides = [1, 1, 1, 1]} : vector<2x1000x2x32xf32> to vector<1x1000x1x32xf32>
    %squeeze3A = vector.shape_cast %slice3A : vector<1x1000x1x32xf32> to vector<1000x32xf32>
    %slice3A_8 = vector.extract_strided_slice %get3A_3 {offsets = [0, 0, 1, 0], sizes = [1, 1000, 1, 32], strides = [1, 1, 1, 1]} : vector<2x1000x2x32xf32> to vector<1x1000x1x32xf32>
    %squeeze3A_9 = vector.shape_cast %slice3A_8 : vector<1x1000x1x32xf32> to vector<1000x32xf32>
    %slice3A_10 = vector.extract_strided_slice %get3A_3 {offsets = [1, 0, 0, 0], sizes = [1, 1000, 1, 32], strides = [1, 1, 1, 1]} : vector<2x1000x2x32xf32> to vector<1x1000x1x32xf32>
    %squeeze3A_11 = vector.shape_cast %slice3A_10 : vector<1x1000x1x32xf32> to vector<1000x32xf32>
    %slice3A_12 = vector.extract_strided_slice %get3A_3 {offsets = [1, 0, 1, 0], sizes = [1, 1000, 1, 32], strides = [1, 1, 1, 1]} : vector<2x1000x2x32xf32> to vector<1x1000x1x32xf32>
    %squeeze3A_13 = vector.shape_cast %slice3A_12 : vector<1x1000x1x32xf32> to vector<1000x32xf32>
    %concatenate3A = tpu.concatenate %squeeze3A, %squeeze3A_9, %squeeze3A_11, %squeeze3A_13 in 1 : vector<1000x32xf32>, vector<1000x32xf32>, vector<1000x32xf32>, vector<1000x32xf32> -> vector<1000x128xf32>
    %slice3A_14 = vector.extract_strided_slice %get3A_7 {offsets = [0, 0, 0], sizes = [1, 1000, 1], strides = [1, 1, 1]} : vector<2x1000x2xf32> to vector<1x1000x1xf32>
    %squeeze3A_15 = vector.shape_cast %slice3A_14 : vector<1x1000x1xf32> to vector<1000x1xf32>
    %broadcast_in_dim3A = vector.shape_cast %squeeze3A_15 : vector<1000x1xf32> to vector<1000x1xf32>
    %broadcast_in_dim3A_16 = vector.broadcast %broadcast_in_dim3A : vector<1000x1xf32> to vector<1000x32xf32>
    %slice3A_17 = vector.extract_strided_slice %get3A_7 {offsets = [0, 0, 1], sizes = [1, 1000, 1], strides = [1, 1, 1]} : vector<2x1000x2xf32> to vector<1x1000x1xf32>
    %squeeze3A_18 = vector.shape_cast %slice3A_17 : vector<1x1000x1xf32> to vector<1000x1xf32>
    %broadcast_in_dim3A_19 = vector.shape_cast %squeeze3A_18 : vector<1000x1xf32> to vector<1000x1xf32>
    %broadcast_in_dim3A_20 = vector.broadcast %broadcast_in_dim3A_19 : vector<1000x1xf32> to vector<1000x32xf32>
    %slice3A_21 = vector.extract_strided_slice %get3A_7 {offsets = [1, 0, 0], sizes = [1, 1000, 1], strides = [1, 1, 1]} : vector<2x1000x2xf32> to vector<1x1000x1xf32>
    %squeeze3A_22 = vector.shape_cast %slice3A_21 : vector<1x1000x1xf32> to vector<1000x1xf32>
    %broadcast_in_dim3A_23 = vector.shape_cast %squeeze3A_22 : vector<1000x1xf32> to vector<1000x1xf32>
    %broadcast_in_dim3A_24 = vector.broadcast %broadcast_in_dim3A_23 : vector<1000x1xf32> to vector<1000x32xf32>
    %slice3A_25 = vector.extract_strided_slice %get3A_7 {offsets = [1, 0, 1], sizes = [1, 1000, 1], strides = [1, 1, 1]} : vector<2x1000x2xf32> to vector<1x1000x1xf32>
    %squeeze3A_26 = vector.shape_cast %slice3A_25 : vector<1x1000x1xf32> to vector<1000x1xf32>
    %broadcast_in_dim3A_27 = vector.shape_cast %squeeze3A_26 : vector<1000x1xf32> to vector<1000x1xf32>
    %broadcast_in_dim3A_28 = vector.broadcast %broadcast_in_dim3A_27 : vector<1000x1xf32> to vector<1000x32xf32>
    %concatenate3A_29 = tpu.concatenate %broadcast_in_dim3A_16, %broadcast_in_dim3A_20, %broadcast_in_dim3A_24, %broadcast_in_dim3A_28 in 1 : vector<1000x32xf32>, vector<1000x32xf32>, vector<1000x32xf32>, vector<1000x32xf32> -> vector<1000x128xf32>
    %add3A = arith.constant 1.000000e-16 : f32
    %add3A_30 = vector.broadcast %add3A : f32 to vector<1000x128xf32>
    %add3A_31 = arith.addf %concatenate3A_29, %add3A_30 : vector<1000x128xf32>
    %div3A = arith.divf %concatenate3A, %add3A_31 : vector<1000x128xf32>
    %get3A_32 = arith.constant 0 : index
    %get3A_33 = arith.constant 0 : index
    %get3A_34 = vector.load %arg3[%get3A_32, %get3A_33] : memref<1x128xf32, #tpu.memory_space<vmem>>, vector<1x128xf32>
    %add3A_35 = vector.broadcast %get3A_34 : vector<1x128xf32> to vector<1000x128xf32>
    %add3A_36 = arith.addf %div3A, %add3A_35 : vector<1000x128xf32>
    %get3A_37 = arith.constant 0 : index
    %get3A_38 = arith.constant 0 : index
    %get3A_39 = vector.load %arg4[%get3A_37, %get3A_38] : memref<128x128xf32, #tpu.memory_space<vmem>>, vector<128x128xf32>
    %dot_general3A = arith.constant dense<0.000000e+00> : vector<1000x128xf32>
    %dot_general3A_40 = tpu.matmul %add3A_36, %get3A_39, %dot_general3A {dimension_numbers = #tpu.dot_dimension_numbers<[1], [0], [0], [1], [0, 0, 1, 1], [], []>, transpose_lhs_hint = false} : vector<1000x128xf32>, vector<128x128xf32>, vector<1000x128xf32> -> vector<1000x128xf32>
    %get3A_41 = arith.constant 0 : index
    %get3A_42 = arith.constant 0 : index
    %get3A_43 = vector.load %arg5[%get3A_41, %get3A_42] : memref<1x128xf32, #tpu.memory_space<vmem>>, vector<1x128xf32>
    %add3A_44 = vector.broadcast %get3A_43 : vector<1x128xf32> to vector<1000x128xf32>
    %add3A_45 = arith.addf %dot_general3A_40, %add3A_44 : vector<1000x128xf32>
    %gt3A = arith.constant 0.000000e+00 : f32
    %gt3A_46 = vector.broadcast %gt3A : f32 to vector<1000x128xf32>
    %gt3A_47 = arith.cmpf ogt, %add3A_45, %gt3A_46 : vector<1000x128xf32>
    %min3A = arith.constant 0.000000e+00 : f32
    %min3A_48 = vector.broadcast %min3A : f32 to vector<1000x128xf32>
    %min3A_49 = arith.minimumf %add3A_45, %min3A_48 : vector<1000x128xf32>
    %exp3A = math.exp %min3A_49 : vector<1000x128xf32>
    %sub3A = arith.constant 1.000000e+00 : f32
    %sub3A_50 = vector.broadcast %sub3A : f32 to vector<1000x128xf32>
    %sub3A_51 = arith.subf %exp3A, %sub3A_50 : vector<1000x128xf32>
    %select_n3A = arith.select %gt3A_47, %add3A_45, %sub3A_51 : vector<1000x128xi1>, vector<1000x128xf32>
    %swap3A = arith.constant 0 : index
    %swap3A_52 = arith.constant 0 : index
    %swap3A_53 = vector.load %arg6[%swap3A, %swap3A_52] : memref<1000x128xf32, #tpu.memory_space<vmem>>, vector<1000x128xf32>
    tpu.vector_store %arg6[%swap3A, %swap3A_52], %select_n3A {strides = array<i32>} : memref<1000x128xf32, #tpu.memory_space<vmem>>, vector<1000x128xf32>,
    return
  }
  func.func @transform_0(%arg0: i32) -> (i32, i32, i32, i32) {
    %c0_i32 = arith.constant 0 : i32
    %c0_i32_0 = arith.constant 0 : i32
    %c0_i32_1 = arith.constant 0 : i32
    %c0_i32_2 = arith.constant 0 : i32
    return %c0_i32, %arg0, %c0_i32_0, %c0_i32_1 : i32, i32, i32, i32
  }
  func.func @transform_1(%arg0: i32) -> (i32, i32, i32) {
    %c0_i32 = arith.constant 0 : i32
    %c0_i32_0 = arith.constant 0 : i32
    %c0_i32_1 = arith.constant 0 : i32
    return %c0_i32, %arg0, %c0_i32_0 : i32, i32, i32
  }
  func.func @transform_2(%arg0: i32) -> (i32, i32) {
    %c0_i32 = arith.constant 0 : i32
    %c0_i32_0 = arith.constant 0 : i32
    %c0_i32_1 = arith.constant 0 : i32
    return %c0_i32, %c0_i32_0 : i32, i32
  }
  func.func @transform_3(%arg0: i32) -> (i32, i32) {
    %c0_i32 = arith.constant 0 : i32
    %c0_i32_0 = arith.constant 0 : i32
    %c0_i32_1 = arith.constant 0 : i32
    return %c0_i32, %c0_i32_0 : i32, i32
  }
  func.func @transform_4(%arg0: i32) -> (i32, i32) {
    %c0_i32 = arith.constant 0 : i32
    %c0_i32_0 = arith.constant 0 : i32
    %c0_i32_1 = arith.constant 0 : i32
    return %c0_i32, %c0_i32_0 : i32, i32
  }
  func.func @transform_5(%arg0: i32) -> (i32, i32) {
    %c0_i32 = arith.constant 0 : i32
    %c0_i32_0 = arith.constant 0 : i32
    return %arg0, %c0_i32 : i32, i32
  }
}

module attributes {stable_mosaic.version = 14 : i64} {
  func.func @body(%arg0: i32, %arg1: memref<2x1000x2x32xf32, #tpu.memory_space<vmem>>, %arg2: memref<2x1000x2xf32, #tpu.memory_space<vmem>>, %arg3: memref<1x128xf32, #tpu.memory_space<vmem>>, %arg4: memref<128x128xf32, #tpu.memory_space<vmem>>, %arg5: memref<1x128xf32, #tpu.memory_space<vmem>>, %arg6: memref<1000x128xf32, #tpu.memory_space<vmem>>) attributes {dimension_semantics = [#tpu.dimension_semantics<arbitrary>], iteration_bounds = array<i64: 10>, scalar_prefetch = 0 : i64, scratch_operands = 0 : i64, tpu.core_type = #tpu.core_type<tc>, window_params = [{transform_indices = @transform_0, window_bounds = array<i64: 2, 1000, 2, 32>}, {transform_indices = @transform_1, window_bounds = array<i64: 2, 1000, 2>}, {pipeline_mode = #tpu.pipeline_mode<synchronous>, transform_indices = @transform_2, window_bounds = array<i64: 1, 128>}, {pipeline_mode = #tpu.pipeline_mode<synchronous>, transform_indices = @transform_3, window_bounds = array<i64: 128, 128>}, {pipeline_mode = #tpu.pipeline_mode<synchronous>, transform_indices = @transform_4, window_bounds = array<i64: 1, 128>}, {transform_indices = @transform_5, window_bounds = array<i64: 1000, 128>}]} {
    %get3A = arith.constant 0 : index
    %get3A_0 = arith.constant 0 : index
    %get3A_1 = arith.constant 0 : index
    %get3A_2 = arith.constant 0 : index
    %get3A_3 = vector.load %arg1[%get3A, %get3A_0, %get3A_1, %get3A_2] : memref<2x1000x2x32xf32, #tpu.memory_space<vmem>>, vector<2x1000x2x32xf32>
    %get3A_4 = arith.constant 0 : index
    %get3A_5 = arith.constant 0 : index
    %get3A_6 = arith.constant 0 : index
    %get3A_7 = vector.load %arg2[%get3A_4, %get3A_5, %get3A_6] : memref<2x1000x2xf32, #tpu.memory_space<vmem>>, vector<2x1000x2xf32>
    %slice3A = vector.extract_strided_slice %get3A_3 {offsets = [0, 0, 0, 0], sizes = [1, 1000, 1, 32], strides = [1, 1, 1, 1]} : vector<2x1000x2x32xf32> to vector<1x1000x1x32xf32>
    %squeeze3A = vector.shape_cast %slice3A : vector<1x1000x1x32xf32> to vector<1000x32xf32>
    %slice3A_8 = vector.extract_strided_slice %get3A_3 {offsets = [0, 0, 1, 0], sizes = [1, 1000, 1, 32], strides = [1, 1, 1, 1]} : vector<2x1000x2x32xf32> to vector<1x1000x1x32xf32>
    %squeeze3A_9 = vector.shape_cast %slice3A_8 : vector<1x1000x1x32xf32> to vector<1000x32xf32>
    %slice3A_10 = vector.extract_strided_slice %get3A_3 {offsets = [1, 0, 0, 0], sizes = [1, 1000, 1, 32], strides = [1, 1, 1, 1]} : vector<2x1000x2x32xf32> to vector<1x1000x1x32xf32>
    %squeeze3A_11 = vector.shape_cast %slice3A_10 : vector<1x1000x1x32xf32> to vector<1000x32xf32>
    %slice3A_12 = vector.extract_strided_slice %get3A_3 {offsets = [1, 0, 1, 0], sizes = [1, 1000, 1, 32], strides = [1, 1, 1, 1]} : vector<2x1000x2x32xf32> to vector<1x1000x1x32xf32>
    %squeeze3A_13 = vector.shape_cast %slice3A_12 : vector<1x1000x1x32xf32> to vector<1000x32xf32>
    %concatenate3A = tpu.concatenate %squeeze3A, %squeeze3A_9, %squeeze3A_11, %squeeze3A_13 in 1 : vector<1000x32xf32>, vector<1000x32xf32>, vector<1000x32xf32>, vector<1000x32xf32> -> vector<1000x128xf32>
    %slice3A_14 = vector.extract_strided_slice %get3A_7 {offsets = [0, 0, 0], sizes = [1, 1000, 1], strides = [1, 1, 1]} : vector<2x1000x2xf32> to vector<1x1000x1xf32>
    %squeeze3A_15 = vector.shape_cast %slice3A_14 : vector<1x1000x1xf32> to vector<1000x1xf32>
    %broadcast_in_dim3A = vector.shape_cast %squeeze3A_15 : vector<1000x1xf32> to vector<1000x1xf32>
    %broadcast_in_dim3A_16 = vector.broadcast %broadcast_in_dim3A : vector<1000x1xf32> to vector<1000x32xf32>
    %slice3A_17 = vector.extract_strided_slice %get3A_7 {offsets = [0, 0, 1], sizes = [1, 1000, 1], strides = [1, 1, 1]} : vector<2x1000x2xf32> to vector<1x1000x1xf32>
    %squeeze3A_18 = vector.shape_cast %slice3A_17 : vector<1x1000x1xf32> to vector<1000x1xf32>
    %broadcast_in_dim3A_19 = vector.shape_cast %squeeze3A_18 : vector<1000x1xf32> to vector<1000x1xf32>
    %broadcast_in_dim3A_20 = vector.broadcast %broadcast_in_dim3A_19 : vector<1000x1xf32> to vector<1000x32xf32>
    %slice3A_21 = vector.extract_strided_slice %get3A_7 {offsets = [1, 0, 0], sizes = [1, 1000, 1], strides = [1, 1, 1]} : vector<2x1000x2xf32> to vector<1x1000x1xf32>
    %squeeze3A_22 = vector.shape_cast %slice3A_21 : vector<1x1000x1xf32> to vector<1000x1xf32>
    %broadcast_in_dim3A_23 = vector.shape_cast %squeeze3A_22 : vector<1000x1xf32> to vector<1000x1xf32>
    %broadcast_in_dim3A_24 = vector.broadcast %broadcast_in_dim3A_23 : vector<1000x1xf32> to vector<1000x32xf32>
    %slice3A_25 = vector.extract_strided_slice %get3A_7 {offsets = [1, 0, 1], sizes = [1, 1000, 1], strides = [1, 1, 1]} : vector<2x1000x2xf32> to vector<1x1000x1xf32>
    %squeeze3A_26 = vector.shape_cast %slice3A_25 : vector<1x1000x1xf32> to vector<1000x1xf32>
    %broadcast_in_dim3A_27 = vector.shape_cast %squeeze3A_26 : vector<1000x1xf32> to vector<1000x1xf32>
    %broadcast_in_dim3A_28 = vector.broadcast %broadcast_in_dim3A_27 : vector<1000x1xf32> to vector<1000x32xf32>
    %concatenate3A_29 = tpu.concatenate %broadcast_in_dim3A_16, %broadcast_in_dim3A_20, %broadcast_in_dim3A_24, %broadcast_in_dim3A_28 in 1 : vector<1000x32xf32>, vector<1000x32xf32>, vector<1000x32xf32>, vector<1000x32xf32> -> vector<1000x128xf32>
    %add3A = arith.constant 1.000000e-16 : f32
    %add3A_30 = vector.broadcast %add3A : f32 to vector<1000x128xf32>
    %add3A_31 = arith.addf %concatenate3A_29, %add3A_30 : vector<1000x128xf32>
    %div3A = arith.divf %concatenate3A, %add3A_31 : vector<1000x128xf32>
    %get3A_32 = arith.constant 0 : index
    %get3A_33 = arith.constant 0 : index
    %get3A_34 = vector.load %arg3[%get3A_32, %get3A_33] : memref<1x128xf32, #tpu.memory_space<vmem>>, vector<1x128xf32>
    %add3A_35 = vector.broadcast %get3A_34 : vector<1x128xf32> to vector<1000x128xf32>
    %add3A_36 = arith.addf %div3A, %add3A_35 : vector<1000x128xf32>
    %get3A_37 = arith.constant 0 : index
    %get3A_38 = arith.constant 0 : index
    %get3A_39 = vector.load %arg4[%get3A_37, %get3A_38] : memref<128x128xf32, #tpu.memory_space<vmem>>, vector<128x128xf32>
    %dot_general3A = arith.constant dense<0.000000e+00> : vector<1000x128xf32>
    %dot_general3A_40 = tpu.matmul %add3A_36, %get3A_39, %dot_general3A {dimension_numbers = #tpu.dot_dimension_numbers<[1], [0], [0], [1], [0, 0, 1, 1], [], []>, transpose_lhs_hint = false} : vector<1000x128xf32>, vector<128x128xf32>, vector<1000x128xf32> -> vector<1000x128xf32>
    %get3A_41 = arith.constant 0 : index
    %get3A_42 = arith.constant 0 : index
    %get3A_43 = vector.load %arg5[%get3A_41, %get3A_42] : memref<1x128xf32, #tpu.memory_space<vmem>>, vector<1x128xf32>
    %add3A_44 = vector.broadcast %get3A_43 : vector<1x128xf32> to vector<1000x128xf32>
    %add3A_45 = arith.addf %dot_general3A_40, %add3A_44 : vector<1000x128xf32>
    %gt3A = arith.constant 0.000000e+00 : f32
    %gt3A_46 = vector.broadcast %gt3A : f32 to vector<1000x128xf32>
    %gt3A_47 = arith.cmpf ogt, %add3A_45, %gt3A_46 : vector<1000x128xf32>
    %min3A = arith.constant 0.000000e+00 : f32
    %min3A_48 = vector.broadcast %min3A : f32 to vector<1000x128xf32>
    %min3A_49 = arith.minimumf %add3A_45, %min3A_48 : vector<1000x128xf32>
    %exp3A = math.exp %min3A_49 : vector<1000x128xf32>
    %sub3A = arith.constant 1.000000e+00 : f32
    %sub3A_50 = vector.broadcast %sub3A : f32 to vector<1000x128xf32>
    %sub3A_51 = arith.subf %exp3A, %sub3A_50 : vector<1000x128xf32>
    %select_n3A = arith.select %gt3A_47, %add3A_45, %sub3A_51 : vector<1000x128xi1>, vector<1000x128xf32>
    %swap3A = arith.constant 0 : index
    %swap3A_52 = arith.constant 0 : index
    %swap3A_53 = vector.load %arg6[%swap3A, %swap3A_52] : memref<1000x128xf32, #tpu.memory_space<vmem>>, vector<1000x128xf32>
    tpu.vector_store %arg6[%swap3A, %swap3A_52], %select_n3A {strides = array<i32>} : memref<1000x128xf32, #tpu.memory_space<vmem>>, vector<1000x128xf32>,
    return
  }
  func.func @transform_0(%arg0: i32) -> (i32, i32, i32, i32) {
    %c0_i32 = arith.constant 0 : i32
    %c0_i32_0 = arith.constant 0 : i32
    %c0_i32_1 = arith.constant 0 : i32
    %c0_i32_2 = arith.constant 0 : i32
    return %c0_i32, %arg0, %c0_i32_0, %c0_i32_1 : i32, i32, i32, i32
  }
  func.func @transform_1(%arg0: i32) -> (i32, i32, i32) {
    %c0_i32 = arith.constant 0 : i32
    %c0_i32_0 = arith.constant 0 : i32
    %c0_i32_1 = arith.constant 0 : i32
    return %c0_i32, %arg0, %c0_i32_0 : i32, i32, i32
  }
  func.func @transform_2(%arg0: i32) -> (i32, i32) {
    %c0_i32 = arith.constant 0 : i32
    %c0_i32_0 = arith.constant 0 : i32
    %c0_i32_1 = arith.constant 0 : i32
    return %c0_i32, %c0_i32_0 : i32, i32
  }
  func.func @transform_3(%arg0: i32) -> (i32, i32) {
    %c0_i32 = arith.constant 0 : i32
    %c0_i32_0 = arith.constant 0 : i32
    %c0_i32_1 = arith.constant 0 : i32
    return %c0_i32, %c0_i32_0 : i32, i32
  }
  func.func @transform_4(%arg0: i32) -> (i32, i32) {
    %c0_i32 = arith.constant 0 : i32
    %c0_i32_0 = arith.constant 0 : i32
    %c0_i32_1 = arith.constant 0 : i32
    return %c0_i32, %c0_i32_0 : i32, i32
  }
  func.func @transform_5(%arg0: i32) -> (i32, i32) {
    %c0_i32 = arith.constant 0 : i32
    %c0_i32_0 = arith.constant 0 : i32
    return %arg0, %c0_i32 : i32, i32
  }
}

</mosaic_0001>

<sc_bundles>
// kernel: kernel.11.cloned.1.call-start
scs
__scs_entry_jumppad:
0x0: {  	(pc) =	sbr.rel $0x88, $3  }
0x1: {  	(tag) =	ssettag $0x0;
	lr =	simm.s32 $0x1  }
0x2: {  	[smem:$0x3F92] =	sst lr;
	_ =	strace $0xD0000000  }
0x3: {  	_ = 	snop  }
0x4: {  	_ = 	snop  }
0x5: {  	_ = 	snop  }
0x6: {  	_ = 	snop  }
0x7: {  	_ = 	snop  }
__scs_overlays_trampoline_lowered:
0x8: {  	[smem:$0x3FA1] =	sst s0  }
0x9: {  	[smem:$0x3FA2] =	sst s1  }
0xa: {  	[smem:$0x3FA3] =	sst s2  }
0xb: {  	[smem:$0x3FA4] =	sst s3  }
0xc: {  	[smem:$0x3FA5] =	sst s4  }
0xd: {  	[smem:$0x3FA6] =	sst s5  }
0xe: {  	[smem:$0x3FA7] =	sst s6  }
0xf: {  	[smem:$0x3FA8] =	sst s7  }
0x10: {  	[smem:$0x3FA9] =	sst s8  }
0x11: {  	[smem:$0x3FAA] =	sst s9;
	s0 =	simm.s32 @!p0 $0x0  }
0x12: {  	s1 =	sld [smem:$0x3F90];
	s0 =	simm.s32 @p0 $0x1  }
0x13: {  	[smem:$0x3FAB] =	sst s0;
	s0 =	simm.s32 @!p1 $0x0  }
0x14: {  	s2 =	sld [smem:$0x3F8F];
	s0 =	simm.s32 @p1 $0x1  }
0x15: {  	[smem:$0x3FAC] =	sst s0;
	s0 =	simm.s32 @!p2 $0x0  }
0x16: {  	s3 =	sld [smem:$0x3FDB];
	s0 =	simm.s32 @p2 $0x1  }
0x17: {  	s4 =	simm.s32 $0x1BF5;
	[smem:$0x3FAE] =	sst s0  }
0x18: {  	s0 =	sld [smem:$0x3F91];
	_ =	swait.ge [sflag:s4], $0x0  }
0x19: {  	s7 =	sld [smem:$0x3F92]  }
0x1a: {  	s8 =	sadd.s32 $0xFFFFE003, lr  }
0x1b: {  	s9 =	sadd.s32 $0xFFFFFEF7, lr;
	s5 =	simm.s32 $0xFFFFFFFF;
	p2 =	slt.u32 s8, $0xFFFFF086  }
0x1c: {  	p1 =	slt.u32 s9, $0xF7A;
	s5 =	simm.s32 @!p2 $0x0  }
0x1d: {  	s5 =	simm.s32 @p1 $0x1;
	p0 =	seq.s32 s7, s2  }
0x1e: {  	s7 =	smul.u32 @!p0 $0xF7A, s2;
	p2 =	seq.s32 @!p0 s5, $0x0  }
0x1f: {  	s9 =	smul.u32 $0xF7A, s1;
	s8 =	simm.s32 @!p0 $0x1BF5;
	p2 =	por !p2, p0  }
0x20: {  	[sflag:s8] =	ssyncset.s32 @!p0 $0xFFFFF086;
	s6 =	sadd.s32 @!p0 s3, s7;
	s7 =	simm.s32 @!p0 $0x108  }
0x21: {  	s3 =	sadd.s32 s3, s9;
	s6 =	sadd.s32 @!p0 $0x88, s6;
	s7 =	simm.s32 @p2 $0x1082  }
0x22: {  	[simem:s7], [sflag:s8] =	dma.local @!p0 [hbm:s6], $0xF7A  }
0x23: {  	s9 =	sor.u32 $0xD0000000, s2;
	s6 =	simm.s32 $0x108;
	_ =	swait.ge @!p0 [sflag:s8], $0x0  }
0x24: {  	s3 =	sadd.s32 $0x88, s3;
	s6 =	simm.s32 @!p1 $0x1082;
	[sflag:s4] =	ssyncset.s32 $0xFFFFF086  }
0x25: {  	[simem:s6], [sflag:s4] =	dma.local [hbm:s3], $0xF7A  }
0x26: {  	[smem:$0x3F92] =	sst s1;
	(tag) =	ssettag s2;
	_ =	strace s9  }
0x27: {  	s1 =	sld [smem:$0x3FA2]  }
0x28: {  	s2 =	sld [smem:$0x3FA3]  }
0x29: {  	s4 =	sld [smem:$0x3FA5]  }
0x2a: {  	p0 =	seq.s32 s5, $0x0;
	s5 =	sld [smem:$0x3FA6]  }
0x2b: {  	s6 =	sld [smem:$0x3FA7]  }
0x2c: {  	s7 =	sld [smem:$0x3FA8]  }
0x2d: {  	s3 =	simm.s32 $0x108;
	s8 =	sld [smem:$0x3FA9]  }
0x2e: {  	s3 =	simm.s32 @!p0 $0x1082;
	s9 =	sld [smem:$0x3FAA]  }
0x2f: {  	lr =	sadd.s32 s0, s3;
	s0 =	sld [smem:$0x3FA1]  }
0x30: {  	s3 =	sld [smem:$0x3FA4]  }
0x31: {  	[smem:$0x3FAD] =	sst s10  }
0x32: {  	s10 =	sld [smem:$0x3FAB];
	_ =	sdelay $0x3  }
0x33: {  	p0 =	seq.s32 s10, $0x1;
	s10 =	sld [smem:$0x3FAD];
	_ =	sdelay $0x3  }
0x34: {  	[smem:$0x3FAD] =	sst s10  }
0x35: {  	s10 =	sld [smem:$0x3FAC];
	_ =	sdelay $0x3  }
0x36: {  	p1 =	seq.s32 s10, $0x1;
	s10 =	sld [smem:$0x3FAD];
	_ =	sdelay $0x3  }
0x37: {  	[smem:$0x3FAD] =	sst s10  }
0x38: {  	s10 =	sld [smem:$0x3FAE]  }
0x39: {  	_ = 	snop;
	(pc) =	sbr.ind lr, $3  }
0x3a: {  	_ = 	snop  }
0x3b: {  	_ = 	snop  }
0x3c: {  	p2 =	seq.s32 s10, $0x1;
	s10 =	sld [smem:$0x3FAD]  }
0x3d: {  	_ =	shalt  }
0x3e: {  	_ =	shalt  }
0x3f: {  	_ =	shalt  }
0x40: {  	_ =	shalt  }
0x41: {  	_ =	shalt  }
0x42: {  	_ =	shalt  }
0x43: {  	_ =	shalt  }
0x44: {  	_ =	shalt  }
0x45: {  	_ =	shalt  }
0x46: {  	_ =	shalt  }
0x47: {  	_ =	shalt  }
0x48: {  	_ =	shalt  }
0x49: {  	_ =	shalt  }
0x4a: {  	_ =	shalt  }
0x4b: {  	_ =	shalt  }
0x4c: {  	_ =	shalt  }
0x4d: {  	_ =	shalt  }
0x4e: {  	_ =	shalt  }
0x4f: {  	_ =	shalt  }
0x50: {  	_ =	shalt  }
0x51: {  	_ =	shalt  }
0x52: {  	_ =	shalt  }
0x53: {  	_ =	shalt  }
0x54: {  	_ =	shalt  }
0x55: {  	_ =	shalt  }
0x56: {  	_ =	shalt  }
0x57: {  	_ =	shalt  }
0x58: {  	_ =	shalt  }
0x59: {  	_ =	shalt  }
0x5a: {  	_ =	shalt  }
0x5b: {  	_ =	shalt  }
0x5c: {  	_ =	shalt  }
0x5d: {  	_ =	shalt  }
0x5e: {  	_ =	shalt  }
0x5f: {  	_ =	shalt  }
0x60: {  	_ =	shalt  }
0x61: {  	_ =	shalt  }
0x62: {  	_ =	shalt  }
0x63: {  	_ =	shalt  }
0x64: {  	_ =	shalt  }
0x65: {  	_ =	shalt  }
0x66: {  	_ =	shalt  }
0x67: {  	_ =	shalt  }
0x68: {  	_ =	shalt  }
0x69: {  	_ =	shalt  }
0x6a: {  	_ =	shalt  }
0x6b: {  	_ =	shalt  }
0x6c: {  	_ =	shalt  }
0x6d: {  	_ =	shalt  }
0x6e: {  	_ =	shalt  }
0x6f: {  	_ =	shalt  }
0x70: {  	_ =	shalt  }
0x71: {  	_ =	shalt  }
0x72: {  	_ =	shalt  }
0x73: {  	_ =	shalt  }
0x74: {  	_ =	shalt  }
0x75: {  	_ =	shalt  }
0x76: {  	_ =	shalt  }
0x77: {  	_ =	shalt  }
0x78: {  	_ =	shalt  }
0x79: {  	_ =	shalt  }
0x7a: {  	_ =	shalt  }
0x7b: {  	_ =	shalt  }
0x7c: {  	_ =	shalt  }
0x7d: {  	_ =	shalt  }
0x7e: {  	_ =	shalt  }
0x7f: {  	_ =	shalt  }
0x80: {  	_ =	shalt  }
0x81: {  	_ =	shalt  }
0x82: {  	_ =	shalt  }
0x83: {  	_ =	shalt  }
0x84: {  	_ =	shalt  }
0x85: {  	_ =	shalt  }
0x86: {  	_ =	shalt  }
0x87: {  	_ =	shalt  }
.Lfunc_end0:
.L_simem_size_0:
called_computation.1_lowered:
.L_overlay_start_0:
0x88: {  	s2 =	sld [smem:$0x3FD9]  }
0x89: {  	s3 =	sld [smem:$0x3FFE];
	_ =	sdelay $0x1  }
0x8a: {  	s1 =	srdreg.scid  }
0x8b: {  	s0 =	sand.u32 $0x1, s1  }
0x8c: {  	s17 =	sshll.u32 s0, $0xA;
	s2 =	sadd.s32 s3, s2  }
0x8d: {  	s2 =	sadd.s32 s2, s17  }
0x8e: {  	[smem:$0x3FB9] =	sst s2  }
0x8f: {  	_ = 	snop  }
0x90: {  	s2 =	sld [smem:$0x3FD0];
	(tm) =	ssettm $0x1  }
0x91: {  	s18 =	sld [smem:$0x3FFB];
	_ =	sdelay $0x3  }
0x92: {  	_ =	strace s18  }
0x93: {  	s3 =	sld [smem:$0x3FFC];
	_ =	sdelay $0x3  }
0x94: {  	_ =	strace s3  }
0x95: {  	s3 =	sld [smem:$0x3FFD];
	_ =	sdelay $0x3  }
0x96: {  	_ =	strace s3  }
0x97: {  	_ =	strace $0x8FFFFFFF  }
0x98: {  	s19 =	sld [smem:$0x3FDB];
	_ =	sdelay $0x1  }
0x99: {  	s4 =	simm.s32 $_scs_section_size  }
0x9a: {  	s5 =	simm.s32 $_size__tile_overlayer_lowered;
	s6 =	simm.s32 $_tile_overlayer_lowered  }
0x9b: {  	s22 =	simm.s32 $0x1BFF;
	s21 =	sshll.u32 s6, $0x1;
	s3 =	sadd.s32 s4, s19  }
0x9c: {  	s7 =	simm.s32 $0x0;
	s20 =	sshll.u32 s5, $0x1;
	s5 =	sadd.s32 s21, s3  }
0x9d: {  	[timem:s7], [sflag:s22] =	dma.local [hbm:s5], s20  }
0x9e: {  	_ =	swait.ge [sflag:s22], s20  }
0x9f: {  	s4 =	ssub.s32 $0x0, s20;
	[sflag:s22] =	ssyncset.done $0x0  }
0xa0: {  	[sflag:s22] =	ssyncadd.s32 s4;
	_ =	sdelay $0x1  }
0xa1: {  	s23 =	simm.s32 $0x1B8B  }
0xa2: {  	_ =	swait.ge [sflag:s23], $0x1  }
0xa3: {  	[sflag:s23] =	ssyncset.done $0x0  }
0xa4: {  	s25 =	simm.s32 $0x1B8E;
	s24 =	sld [smem:$0x3FFE];
	[sflag:s23] =	ssyncadd.s32 $0xFFFFFFFF  }
0xa5: {  	s26 =	simm.s32 $execute0_lowered;
	[smem:$0x3FD2] =	sst s25  }
0xa6: {  	s5 =	sshll.u32 s26, $0x1;
	_ =	strace $0x80000049;
	[dreg:$0x1] =	wrdreg $0xFFFFFFFF  }
0xa7: {  	s28 =	simm.s32 $_size_execute0_lowered;
	s3 =	sadd.s32 s3, s5;
	[dreg:$0x0] =	wrdreg $0x0  }
0xa8: {  	s5 =	sshll.u32 s28, $0x1;
	[dreg:$0x2] =	wrdreg s3  }
0xa9: {  	[dreg:$0x3] =	wrdreg s5  }
0xaa: {  	[dreg:$0x4] =	wrdreg $0xC0  }
0xab: {  	_ =	task [dreg:s7], $0x5FFFF  }
0xac: {  	[dreg:$0x1] =	wrdreg $0xFFFFFFFF  }
0xad: {  	[dreg:$0x0] =	wrdreg $0x60  }
0xae: {  	[dreg:$0x2] =	wrdreg s24  }
0xaf: {  	[dreg:$0x3] =	wrdreg s2  }
0xb0: {  	[dreg:$0x4] =	wrdreg $0x13F000  }
0xb1: {  	[dreg:$0x5] =	wrdreg $0x1DF000  }
0xb2: {  	[dreg:$0x6] =	wrdreg $0x9  }
0xb3: {  	_ =	task.clear_ibuf [dreg:s7], $0x7FFFF;
	_ =	strace $0x90000049  }
0xb4: {  	s29 =	simm.s32 $0x9;
	_ =	strace $0x8000004B  }
0xb5: {  	_ =	swait.ge [sflag:s29], $0x1  }
0xb6: {  	[sflag:s29] =	ssyncadd.s32 $0xFFFFFFFF  }
0xb7: {  	_ =	strace $0x9000004B  }
0xb8: {  	_ =	sfence  }
0xb9: {  	s30 =	sld [smem:$0x0];
	_ =	sdelay $0x2  }
0xba: {  	s31 =	sshll.u32 s1, $0xD;
	s1 =	sshrl.u32 s1, $0x2  }
0xbb: {  	s3 =	sand.u32 $0x4000, s31;
	s1 =	sadd.s32 s1, s30  }
0xbc: {  	s0 =	sor.u32 s3, s0;
	s1 =	sshll.u32 s1, $0x11  }
0xbd: {  	s0 =	sor.u32 s1, s0  }
0xbe: {  	s0 =	sadd.s32 $0x8F2B, s0  }
0xbf: {  	[sflag:s0] =	ssyncadd.remote.s32 $0x1  }
0xc0: {  	_ =	sfence.sel $0xFFFF  }
0xc1: {  	[dreg:$0x0] =	wrdreg $0xFFFFFFFF;
	(pc) =	sbr.abs _section_cstart, $3  }
0xc2: {  	[dreg:$0x1] =	wrdreg $0xFFFFFFFF  }
0xc3: {  	_ =	task.clear_ibuf [dreg:s7], $0x2FFFF;
	_ =	strace $0x9FFFFFFF  }
0xc4: {  	(tm) =	ssettm $0x7FFFFFFF  }
0xc5: {  	_ =	shalt  }
tec
execute0_lowered:
.L_overlay_start_1:
0x0: {  	(tag) =	ssettag $0x1  }
0x1: {  	s0 =	rddreg [dreg:$0x0]  }
0x2: {  	s1 =	rddreg [dreg:$0x1]  }
0x3: {  	s6 =	rddreg [dreg:$0x2]  }
0x4: {  	s2 =	srdreg.scid;
	s16 =	stileid.u32  }
0x5: {  	s7 =	rddreg [dreg:$0x3];
	s28 =	simm.s32 $0xF000;
	s9 =	smul.u32 $0xA000, s16  }
0x6: {  	s29 =	simm.s32 $0x680;
	s30 =	simm.s32 $0x10000;
	s10 =	smul.u32 $0x500, s16  }
0x7: {  	s8 =	sand.u32 $0x1, s2;
	s2 =	simm.s32 $0x0;
	s14 =	smul.u32 $0x28000, s16  }
0x8: {  	s3 =	sadd.s32 $0x2BE00, s0;
	s4 =	sadd.s32 $0x3E00, s0;
	s5 =	smul.u32 $0xA0000, s8  }
0x9: {  	[smem:$0x7FF] =	sst s2;
	s11 =	smul.u32 $0x5000, s8;
	s13 =	ssub.s32 $0x2, s8  }
0xa: {  	_ =	strace $0x8000004A;
	s21 =	sshrl.u32 s13, $0x1;
	s14 =	sshrl.u32 s14, $0x2  }
0xb: {  	s17 =	sadd.s32 s9, s6;
	s19 =	sadd.s32 s10, s7;
	s12 =	sadd.s32 s9, s5  }
0xc: {  	s5 =	sadd.s32 $0xF0200, s0;
	s11 =	sadd.s32 s10, s11;
	s12 =	sshrl.u32 s12, $0x3  }
0xd: {  	[dreg:$0x5] =	wrdreg s17;
	s11 =	sshrl.u32 s11, $0x3;
	s12 =	sadd.s32 s12, s0  }
0xe: {  	s0 =	sadd.s32 s11, s0;
	s11 =	ssub.s32 s13, s21;
	s13 =	sadd.s32 s14, s6  }
0xf: {  	s31 =	simm.s32 $0x700;
	[dreg:$0xe] =	wrdreg s19;
	s23 =	sadd.s32 $0xA00, s13  }
0x10: {  	s15 =	sand.u32 $0x1, s16;
	s24 =	sadd.s32 $0x1400, s13;
	[dreg:$0x6] =	wrdreg s23  }
0x11: {  	s22 =	sshrl.u32 s16, $0x1;
	s25 =	sadd.s32 $0x1E00, s13;
	[dreg:$0x7] =	wrdreg s24  }
0x12: {  	s8 =	sshll.u32 s8, $0x1;
	s26 =	sadd.s32 $0x2800, s13;
	[dreg:$0x8] =	wrdreg s25  }
0x13: {  	s18 =	smul.u32 $0xA000, s22;
	s9 =	sadd.s32 $0x3200, s13;
	[dreg:$0x9] =	wrdreg s26  }
0x14: {  	s22 =	smul.u32 $0xA00, s15;
	s16 =	sadd.s32 $0x3C00, s13;
	[dreg:$0xa] =	wrdreg s9  }
0x15: {  	s8 =	sor.u32 s15, s8;
	s20 =	sadd.s32 $0x4600, s13;
	[dreg:$0xb] =	wrdreg s16  }
0x16: {  	s6 =	simm.s32 $0x12000;
	s21 =	sadd.s32 $0x5000, s13;
	[dreg:$0xc] =	wrdreg s20  }
0x17: {  	s7 =	sadd.s32 $0x6E00, s13;
	s10 =	sadd.s32 $0x8200, s13;
	[dreg:$0xd] =	wrdreg s21  }
0x18: {  	s14 =	sadd.s32 $0x8C00, s13;
	s15 =	sadd.s32 $0x9600, s13;
	[dreg:$0x11] =	wrdreg s7  }
0x19: {  	s0 =	sadd.s32 $0x7E600, s0;
	s23 =	smul.u32 $0x50000, s8;
	[dreg:$0x13] =	wrdreg s10  }
0x1a: {  	s24 =	sshrl.u32 s18, $0x7;
	s25 =	sadd.s32 $0x5A00, s13;
	[dreg:$0x14] =	wrdreg s14  }
0x1b: {  	s26 =	sadd.s32 $0x6400, s13;
	s9 =	sadd.s32 $0x7800, s13;
	[dreg:$0x15] =	wrdreg s15  }
0x1c: {  	[dreg:$0x1b] =	wrdreg s0;
	s10 =	simm.s32 $0x80;
	s14 =	simm.s32 $0x1  }
0x1d: {  	s0 =	simm.s32 $0x780;
	s15 =	simm.s32 $0x2800;
	[dreg:$0xf] =	wrdreg s25  }
0x1e: {  	s7 =	simm.s32 $0x2C00;
	s13 =	simm.s32 $0x0;
	[dreg:$0x10] =	wrdreg s26  }
0x1f: {  	s8 =	sadd.s32 s22, s24;
	[dreg:$0x12] =	wrdreg s9;
	s24 =	sadd.s32 $0x56600, s12  }
0x20: {  	s25 =	smax.u32 s11, $0x1;
	s11 =	simm.s32 $0x400;
	s9 =	simm.s32 $0x2  }
0x21: {  	s18 =	sadd.s32 s18, s23;
	s8 =	sshll.u32 s8, $0x4;
	[dreg:$0x1a] =	wrdreg s24  }
0x22: {  	[dreg:$0x1c] =	wrdreg s25;
	s24 =	simm.s32 $0x580;
	s16 =	sshrl.u32 s18, $0x3  }
0x23: {  	s25 =	simm.s32 $0xE000;
	s20 =	sadd.s32 s1, s8;
	s21 =	sadd.s32 s3, s16  }
.Ltmp0:
0x24: {  	s22 =	sadd.s32 s4, s16;
	[dreg:$0x16] =	wrdreg s21;
	(pc) =	sbr.rel .LBB2_1-.Ltmp0, $4  }
0x25: {  	s1 =	sor.u32 $0x80, s16;
	s26 =	sadd.s32 $0x80, s20;
	[dreg:$0x17] =	wrdreg s22  }
0x26: {  	s8 =	simm.s32 $0x5;
	s23 =	sadd.s32 s3, s1;
	[dreg:$0x1d] =	wrdreg s26  }
0x27: {  	s16 =	simm.s32 $0x4;
	s1 =	sadd.s32 s4, s1;
	[dreg:$0x18] =	wrdreg s23  }
0x28: {  	v0 =	vimm.f32 $0.0e+00;
	s26 =	simm.s32 $0x600;
	[dreg:$0x19] =	wrdreg s1;
	s1 =	simm.s32 $0x11000  }
.LBB2_14:
0x29: {  	s12 =	stileid.u32;
	[bflag:$0x0] =	sbarrier.arrive $0xFFFF  }
0x2a: {  	s12 =	sshll.u32 s12, $0x6;
	s17 =	rddreg [dreg:$0x5]  }
0x2b: {  	s19 =	rddreg [dreg:$0x1a];
	s12 =	sor.u32 $0x1C05, s12;
	s13 =	sshrl.u32 s17, $0x3  }
0x2c: {  	[hbm:s19], [sflag:s12] =	dma.local [spmem:s13], $0x1400  }
0x2d: {  	_ =	swait.ge [sflag:s8], $0x1400  }
0x2e: {  	[sflag:s8] =	ssyncset.done $0x0;
	s19 =	rddreg [dreg:$0xe]  }
0x2f: {  	s21 =	rddreg [dreg:$0x1b];
	[sflag:s8] =	ssyncadd.s32 $0xFFFFEC00;
	s23 =	sshrl.u32 s19, $0x3  }
0x30: {  	[hbm:s21], [sflag:s12] =	dma.local [spmem:s23], $0xA0  }
0x31: {  	_ =	swait.ge [sflag:s8], $0xA0  }
0x32: {  	s22 =	rddreg [dreg:$0x1e]  }
0x33: {  	s23 =	rddreg [dreg:$0x1c];
	s13 =	sadd.s32 $0x1, s22  }
0x34: {  	p0 =	sne.s32 s13, s23  }
.Ltmp1:
0x35: {  	_ = 	snop;
	(pc) =	sbr.rel @!p0 .LBB2_15-.Ltmp1, $3  }
0x36: {  	_ =	sdelay $0x1  }
0x37: {  	[sflag:s8] =	ssyncset.done $0x0  }
0x38: {  	[sflag:s8] =	ssyncadd.s32 $0xFFFFFF60  }
.LBB2_1:
0x39: {  	[tilespmem:$0x13000] =	vst v0  }
0x3a: {  	[tilespmem:$0x13010] =	vst v0  }
0x3b: {  	[tilespmem:$0x13020] =	vst v0  }
0x3c: {  	[tilespmem:$0x13030] =	vst v0  }
0x3d: {  	[tilespmem:$0x13040] =	vst v0  }
0x3e: {  	[tilespmem:$0x13050] =	vst v0  }
0x3f: {  	[tilespmem:$0x13060] =	vst v0  }
0x40: {  	[tilespmem:$0x13070] =	vst v0  }
0x41: {  	[tilespmem:$0x13080] =	vst v0  }
0x42: {  	[tilespmem:$0x13090] =	vst v0  }
0x43: {  	[tilespmem:$0x130A0] =	vst v0  }
0x44: {  	[tilespmem:$0x130B0] =	vst v0  }
0x45: {  	[tilespmem:$0x130C0] =	vst v0  }
0x46: {  	[tilespmem:$0x130D0] =	vst v0  }
0x47: {  	[tilespmem:$0x130E0] =	vst v0  }
0x48: {  	[tilespmem:$0x130F0] =	vst v0  }
0x49: {  	[tilespmem:$0x13100] =	vst v0  }
0x4a: {  	[tilespmem:$0x13110] =	vst v0  }
0x4b: {  	[tilespmem:$0x13120] =	vst v0  }
0x4c: {  	[tilespmem:$0x13130] =	vst v0  }
0x4d: {  	[tilespmem:$0x13140] =	vst v0  }
0x4e: {  	[tilespmem:$0x13150] =	vst v0  }
0x4f: {  	[tilespmem:$0x13160] =	vst v0  }
0x50: {  	[tilespmem:$0x13170] =	vst v0  }
0x51: {  	[tilespmem:$0x13180] =	vst v0  }
0x52: {  	[tilespmem:$0x13190] =	vst v0  }
0x53: {  	[tilespmem:$0x131A0] =	vst v0  }
0x54: {  	[tilespmem:$0x131B0] =	vst v0  }
0x55: {  	[tilespmem:$0x131C0] =	vst v0  }
0x56: {  	[tilespmem:$0x131D0] =	vst v0  }
0x57: {  	[tilespmem:$0x131E0] =	vst v0  }
0x58: {  	[tilespmem:$0x131F0] =	vst v0  }
0x59: {  	[tilespmem:$0x13200] =	vst v0  }
0x5a: {  	[tilespmem:$0x13210] =	vst v0  }
0x5b: {  	[tilespmem:$0x13220] =	vst v0  }
0x5c: {  	[tilespmem:$0x13230] =	vst v0  }
0x5d: {  	[tilespmem:$0x13240] =	vst v0  }
0x5e: {  	[tilespmem:$0x13250] =	vst v0  }
0x5f: {  	[tilespmem:$0x13260] =	vst v0  }
0x60: {  	[tilespmem:$0x13270] =	vst v0  }
0x61: {  	[tilespmem:$0x13280] =	vst v0  }
0x62: {  	[tilespmem:$0x13290] =	vst v0  }
0x63: {  	[tilespmem:$0x132A0] =	vst v0  }
0x64: {  	[tilespmem:$0x132B0] =	vst v0  }
0x65: {  	[tilespmem:$0x132C0] =	vst v0  }
0x66: {  	[tilespmem:$0x132D0] =	vst v0  }
0x67: {  	[tilespmem:$0x132E0] =	vst v0  }
0x68: {  	[tilespmem:$0x132F0] =	vst v0  }
0x69: {  	[tilespmem:$0x13300] =	vst v0  }
0x6a: {  	[tilespmem:$0x13310] =	vst v0  }
0x6b: {  	[tilespmem:$0x13320] =	vst v0  }
0x6c: {  	[tilespmem:$0x13330] =	vst v0  }
0x6d: {  	[tilespmem:$0x13340] =	vst v0  }
0x6e: {  	[tilespmem:$0x13350] =	vst v0  }
0x6f: {  	[tilespmem:$0x13360] =	vst v0  }
0x70: {  	[tilespmem:$0x13370] =	vst v0  }
0x71: {  	[tilespmem:$0x13380] =	vst v0  }
0x72: {  	[tilespmem:$0x13390] =	vst v0  }
0x73: {  	[tilespmem:$0x133A0] =	vst v0  }
0x74: {  	[tilespmem:$0x133B0] =	vst v0  }
0x75: {  	[tilespmem:$0x133C0] =	vst v0  }
0x76: {  	[tilespmem:$0x133D0] =	vst v0  }
0x77: {  	[tilespmem:$0x133E0] =	vst v0  }
0x78: {  	[tilespmem:$0x133F0] =	vst v0  }
0x79: {  	[tilespmem:$0x13400] =	vst v0  }
0x7a: {  	[tilespmem:$0x13410] =	vst v0  }
0x7b: {  	[tilespmem:$0x13420] =	vst v0  }
0x7c: {  	[tilespmem:$0x13430] =	vst v0  }
0x7d: {  	[tilespmem:$0x13440] =	vst v0  }
0x7e: {  	[tilespmem:$0x13450] =	vst v0  }
0x7f: {  	[tilespmem:$0x13460] =	vst v0  }
0x80: {  	[tilespmem:$0x13470] =	vst v0  }
0x81: {  	[tilespmem:$0x13480] =	vst v0  }
0x82: {  	[tilespmem:$0x13490] =	vst v0  }
0x83: {  	[tilespmem:$0x134A0] =	vst v0  }
0x84: {  	[tilespmem:$0x134B0] =	vst v0  }
0x85: {  	[tilespmem:$0x134C0] =	vst v0  }
0x86: {  	[tilespmem:$0x134D0] =	vst v0  }
0x87: {  	[tilespmem:$0x134E0] =	vst v0  }
0x88: {  	[tilespmem:$0x134F0] =	vst v0  }
0x89: {  	[tilespmem:$0x13500] =	vst v0  }
0x8a: {  	[tilespmem:$0x13510] =	vst v0  }
0x8b: {  	[tilespmem:$0x13520] =	vst v0  }
0x8c: {  	[tilespmem:$0x13530] =	vst v0  }
0x8d: {  	[tilespmem:$0x13540] =	vst v0  }
0x8e: {  	[tilespmem:$0x13550] =	vst v0  }
0x8f: {  	[tilespmem:$0x13560] =	vst v0  }
0x90: {  	[tilespmem:$0x13570] =	vst v0  }
0x91: {  	[tilespmem:$0x13580] =	vst v0  }
0x92: {  	[tilespmem:$0x13590] =	vst v0  }
0x93: {  	[tilespmem:$0x135A0] =	vst v0  }
0x94: {  	[tilespmem:$0x135B0] =	vst v0  }
0x95: {  	[tilespmem:$0x135C0] =	vst v0  }
0x96: {  	[tilespmem:$0x135D0] =	vst v0  }
0x97: {  	[tilespmem:$0x135E0] =	vst v0  }
0x98: {  	[tilespmem:$0x135F0] =	vst v0  }
0x99: {  	[tilespmem:$0x13600] =	vst v0  }
0x9a: {  	[tilespmem:$0x13610] =	vst v0  }
0x9b: {  	[tilespmem:$0x13620] =	vst v0  }
0x9c: {  	[tilespmem:$0x13630] =	vst v0  }
0x9d: {  	[tilespmem:$0x13640] =	vst v0  }
0x9e: {  	[tilespmem:$0x13650] =	vst v0  }
0x9f: {  	[tilespmem:$0x13660] =	vst v0  }
0xa0: {  	[tilespmem:$0x13670] =	vst v0  }
0xa1: {  	[tilespmem:$0x13680] =	vst v0  }
0xa2: {  	[tilespmem:$0x13690] =	vst v0  }
0xa3: {  	[tilespmem:$0x136A0] =	vst v0  }
0xa4: {  	[tilespmem:$0x136B0] =	vst v0  }
0xa5: {  	[tilespmem:$0x136C0] =	vst v0  }
0xa6: {  	[tilespmem:$0x136D0] =	vst v0  }
0xa7: {  	[tilespmem:$0x136E0] =	vst v0  }
0xa8: {  	[tilespmem:$0x136F0] =	vst v0  }
0xa9: {  	[tilespmem:$0x13700] =	vst v0  }
0xaa: {  	[tilespmem:$0x13710] =	vst v0  }
0xab: {  	[tilespmem:$0x13720] =	vst v0  }
0xac: {  	[tilespmem:$0x13730] =	vst v0  }
0xad: {  	[tilespmem:$0x13740] =	vst v0  }
0xae: {  	[tilespmem:$0x13750] =	vst v0  }
0xaf: {  	[tilespmem:$0x13760] =	vst v0  }
0xb0: {  	[tilespmem:$0x13770] =	vst v0  }
0xb1: {  	[tilespmem:$0x13780] =	vst v0  }
0xb2: {  	[tilespmem:$0x13790] =	vst v0  }
0xb3: {  	[tilespmem:$0x137A0] =	vst v0  }
0xb4: {  	[tilespmem:$0x137B0] =	vst v0  }
0xb5: {  	[tilespmem:$0x137C0] =	vst v0  }
0xb6: {  	[tilespmem:$0x137D0] =	vst v0  }
0xb7: {  	[tilespmem:$0x137E0] =	vst v0  }
0xb8: {  	[tilespmem:$0x137F0] =	vst v0  }
0xb9: {  	[tilespmem:$0x13800] =	vst v0  }
0xba: {  	[tilespmem:$0x13810] =	vst v0  }
0xbb: {  	[tilespmem:$0x13820] =	vst v0  }
0xbc: {  	[tilespmem:$0x13830] =	vst v0  }
0xbd: {  	[tilespmem:$0x13840] =	vst v0  }
0xbe: {  	[tilespmem:$0x13850] =	vst v0  }
0xbf: {  	[tilespmem:$0x13860] =	vst v0  }
0xc0: {  	[tilespmem:$0x13870] =	vst v0  }
0xc1: {  	[tilespmem:$0x13880] =	vst v0  }
0xc2: {  	[tilespmem:$0x13890] =	vst v0  }
0xc3: {  	[tilespmem:$0x138A0] =	vst v0  }
0xc4: {  	[tilespmem:$0x138B0] =	vst v0  }
0xc5: {  	[tilespmem:$0x138C0] =	vst v0  }
0xc6: {  	[tilespmem:$0x138D0] =	vst v0  }
0xc7: {  	[tilespmem:$0x138E0] =	vst v0  }
0xc8: {  	[tilespmem:$0x138F0] =	vst v0  }
0xc9: {  	[tilespmem:$0x13900] =	vst v0  }
0xca: {  	[tilespmem:$0x13910] =	vst v0  }
0xcb: {  	[tilespmem:$0x13920] =	vst v0  }
0xcc: {  	[tilespmem:$0x13930] =	vst v0  }
0xcd: {  	[tilespmem:$0x13940] =	vst v0  }
0xce: {  	[tilespmem:$0x13950] =	vst v0  }
0xcf: {  	[tilespmem:$0x13960] =	vst v0  }
0xd0: {  	[tilespmem:$0x13970] =	vst v0  }
0xd1: {  	[tilespmem:$0x13980] =	vst v0  }
0xd2: {  	[tilespmem:$0x13990] =	vst v0  }
0xd3: {  	[tilespmem:$0x139A0] =	vst v0  }
0xd4: {  	[tilespmem:$0x139B0] =	vst v0  }
0xd5: {  	[tilespmem:$0x139C0] =	vst v0  }
0xd6: {  	[tilespmem:$0x139D0] =	vst v0  }
0xd7: {  	[tilespmem:$0x139E0] =	vst v0  }
0xd8: {  	[dreg:$0x1e] =	wrdreg s13;
	[tilespmem:$0x139F0] =	vst v0;
	s12 =	simm.s32 $0x40;
	s13 =	simm.s32 $0x0  }
.LBB2_2:
0xd9: {  	p0 =	sne.s32 s12, $0x13C0;
	[tilespmem:s13+$0x13A00] =	vst v0;
	s13 =	smov.u32 s12;
	s12 =	sadd.s32 $0x40, s12  }
.Ltmp2:
0xda: {  	(pc) =	sbr.rel @p0 .LBB2_2-.Ltmp2, $2  }
0xdb: {  	_ =	sdelay $0x2  }
0xdc: {  	s13 =	sshra.s32 s13, $0x2  }
0xdd: {  	[tilespmem:s13+$0x13A00] =	vst v0;
	s13 =	simm.s32 $0x13000  }
0xde: {  	[spmem:s17] =	stream.linear.scatter [tilespmem:s13], [sflag:$0x5], $0xA00, $0x38;
	[tilespmem:$0x1E400] =	vst v63  }
0xdf: {  	_ =	swait.ge [sflag:s8], $0xA00  }
0xe0: {  	[sflag:s8] =	ssyncset.done $0x0  }
0xe1: {  	s12 =	rddreg [dreg:$0x6];
	[sflag:s8] =	ssyncadd.s32 $0xFFFFF600  }
0xe2: {  	[spmem:s12] =	stream.linear.scatter [tilespmem:s13], [sflag:$0x5], $0xA00, $0x38;
	[tilespmem:$0x1E400] =	vst v63  }
0xe3: {  	_ =	swait.ge [sflag:s8], $0xA00  }
0xe4: {  	[sflag:s8] =	ssyncset.done $0x0  }
0xe5: {  	s17 =	rddreg [dreg:$0x7];
	[sflag:s8] =	ssyncadd.s32 $0xFFFFF600  }
0xe6: {  	[spmem:s17] =	stream.linear.scatter [tilespmem:s13], [sflag:$0x5], $0xA00, $0x38;
	[tilespmem:$0x1E400] =	vst v63  }
0xe7: {  	_ =	swait.ge [sflag:s8], $0xA00  }
0xe8: {  	[sflag:s8] =	ssyncset.done $0x0  }
0xe9: {  	s21 =	rddreg [dreg:$0x8];
	[sflag:s8] =	ssyncadd.s32 $0xFFFFF600  }
0xea: {  	[spmem:s21] =	stream.linear.scatter [tilespmem:s13], [sflag:$0x5], $0xA00, $0x38;
	[tilespmem:$0x1E400] =	vst v63  }
0xeb: {  	_ =	swait.ge [sflag:s8], $0xA00  }
0xec: {  	[sflag:s8] =	ssyncset.done $0x0  }
0xed: {  	s22 =	rddreg [dreg:$0x9];
	[sflag:s8] =	ssyncadd.s32 $0xFFFFF600  }
0xee: {  	[spmem:s22] =	stream.linear.scatter [tilespmem:s13], [sflag:$0x5], $0xA00, $0x38;
	[tilespmem:$0x1E400] =	vst v63  }
0xef: {  	_ =	swait.ge [sflag:s8], $0xA00  }
0xf0: {  	[sflag:s8] =	ssyncset.done $0x0  }
0xf1: {  	s23 =	rddreg [dreg:$0xa];
	[sflag:s8] =	ssyncadd.s32 $0xFFFFF600  }
0xf2: {  	[spmem:s23] =	stream.linear.scatter [tilespmem:s13], [sflag:$0x5], $0xA00, $0x38;
	[tilespmem:$0x1E400] =	vst v63  }
0xf3: {  	_ =	swait.ge [sflag:s8], $0xA00  }
0xf4: {  	[sflag:s8] =	ssyncset.done $0x0  }
0xf5: {  	s17 =	rddreg [dreg:$0xb];
	[sflag:s8] =	ssyncadd.s32 $0xFFFFF600  }
0xf6: {  	[spmem:s17] =	stream.linear.scatter [tilespmem:s13], [sflag:$0x5], $0xA00, $0x38;
	[tilespmem:$0x1E400] =	vst v63  }
0xf7: {  	_ =	swait.ge [sflag:s8], $0xA00  }
0xf8: {  	[sflag:s8] =	ssyncset.done $0x0  }
0xf9: {  	s21 =	rddreg [dreg:$0xc];
	[sflag:s8] =	ssyncadd.s32 $0xFFFFF600  }
0xfa: {  	[spmem:s21] =	stream.linear.scatter [tilespmem:s13], [sflag:$0x5], $0xA00, $0x38;
	[tilespmem:$0x1E400] =	vst v63  }
0xfb: {  	_ =	swait.ge [sflag:s8], $0xA00  }
0xfc: {  	[sflag:s8] =	ssyncset.done $0x0  }
0xfd: {  	s22 =	rddreg [dreg:$0xd];
	[sflag:s8] =	ssyncadd.s32 $0xFFFFF600  }
0xfe: {  	[spmem:s22] =	stream.linear.scatter [tilespmem:s13], [sflag:$0x5], $0xA00, $0x38;
	[tilespmem:$0x1E400] =	vst v63  }
0xff: {  	_ =	swait.ge [sflag:s8], $0xA00  }
0x100: {  	[sflag:s8] =	ssyncset.done $0x0  }
0x101: {  	s23 =	rddreg [dreg:$0xf];
	[sflag:s8] =	ssyncadd.s32 $0xFFFFF600  }
0x102: {  	[spmem:s23] =	stream.linear.scatter [tilespmem:s13], [sflag:$0x5], $0xA00, $0x38;
	[tilespmem:$0x1E400] =	vst v63  }
0x103: {  	_ =	swait.ge [sflag:s8], $0xA00  }
0x104: {  	[sflag:s8] =	ssyncset.done $0x0  }
0x105: {  	s17 =	rddreg [dreg:$0x10];
	[sflag:s8] =	ssyncadd.s32 $0xFFFFF600  }
0x106: {  	[spmem:s17] =	stream.linear.scatter [tilespmem:s13], [sflag:$0x5], $0xA00, $0x38;
	[tilespmem:$0x1E400] =	vst v63  }
0x107: {  	_ =	swait.ge [sflag:s8], $0xA00  }
0x108: {  	[sflag:s8] =	ssyncset.done $0x0  }
0x109: {  	s21 =	rddreg [dreg:$0x11];
	[sflag:s8] =	ssyncadd.s32 $0xFFFFF600  }
0x10a: {  	[spmem:s21] =	stream.linear.scatter [tilespmem:s13], [sflag:$0x5], $0xA00, $0x38;
	[tilespmem:$0x1E400] =	vst v63  }
0x10b: {  	_ =	swait.ge [sflag:s8], $0xA00  }
0x10c: {  	[sflag:s8] =	ssyncset.done $0x0  }
0x10d: {  	s22 =	rddreg [dreg:$0x12];
	[sflag:s8] =	ssyncadd.s32 $0xFFFFF600  }
0x10e: {  	[spmem:s22] =	stream.linear.scatter [tilespmem:s13], [sflag:$0x5], $0xA00, $0x38;
	[tilespmem:$0x1E400] =	vst v63  }
0x10f: {  	_ =	swait.ge [sflag:s8], $0xA00  }
0x110: {  	[sflag:s8] =	ssyncset.done $0x0  }
0x111: {  	s23 =	rddreg [dreg:$0x13];
	[sflag:s8] =	ssyncadd.s32 $0xFFFFF600  }
0x112: {  	[spmem:s23] =	stream.linear.scatter [tilespmem:s13], [sflag:$0x5], $0xA00, $0x38;
	[tilespmem:$0x1E400] =	vst v63  }
0x113: {  	_ =	swait.ge [sflag:s8], $0xA00  }
0x114: {  	[sflag:s8] =	ssyncset.done $0x0  }
0x115: {  	s17 =	rddreg [dreg:$0x14];
	[sflag:s8] =	ssyncadd.s32 $0xFFFFF600  }
0x116: {  	[spmem:s17] =	stream.linear.scatter [tilespmem:s13], [sflag:$0x5], $0xA00, $0x38;
	[tilespmem:$0x1E400] =	vst v63  }
0x117: {  	_ =	swait.ge [sflag:s8], $0xA00  }
0x118: {  	[sflag:s8] =	ssyncset.done $0x0  }
0x119: {  	s21 =	rddreg [dreg:$0x15];
	[sflag:s8] =	ssyncadd.s32 $0xFFFFF600  }
0x11a: {  	[spmem:s21] =	stream.linear.scatter [tilespmem:s13], [sflag:$0x5], $0xA00, $0x38;
	[tilespmem:$0x1E400] =	vst v63  }
0x11b: {  	_ =	swait.ge [sflag:s8], $0xA00  }
0x11c: {  	[sflag:s8] =	ssyncset.done $0x0  }
0x11d: {  	s22 =	simm.s32 $0x13A00;
	[sflag:s8] =	ssyncadd.s32 $0xFFFFF600  }
0x11e: {  	[spmem:s19] =	stream.linear.scatter [tilespmem:s22], [sflag:$0x5], $0x500, $0x38;
	[tilespmem:$0x1E400] =	vst v63  }
0x11f: {  	_ =	swait.ge [sflag:s8], $0x500  }
0x120: {  	[sflag:s8] =	ssyncset.done $0x0  }
0x121: {  	[sflag:s8] =	ssyncadd.s32 $0xFFFFFB00  }
0x122: {  	[bflag:$0x0] =	sbarrier.arrive $0xFFFF  }
0x123: {  	s12 =	simm.s32 $0x0;
	s23 =	rddreg [dreg:$0x16]  }
0x124: {  	[tilespmem:s12], [sflag:$0x3] =	stream.linear.gather [hbm4b:s23+s12], $0x400, $0x38;
	[tilespmem:$0x1E400] =	vst v63  }
0x125: {  	s19 =	simm.s32 $0x800;
	s17 =	rddreg [dreg:$0x17]  }
0x126: {  	[tilespmem:s19], [sflag:$0x3] =	stream.linear.gather [hbm4b:s17+s12], $0x400, $0x38;
	[tilespmem:$0x1E400] =	vst v63  }
0x127: {  	s21 =	simm.s32 $0x1000;
	s22 =	simm.s32 $0x3  }
0x128: {  	[tilespmem:s21], [sflag:$0x3] =	stream.linear.gather [hbm4b:s20+s12], $0x400, $0x38;
	[tilespmem:$0x1E400] =	vst v63  }
0x129: {  	_ =	swait.ge [sflag:s22], $0x400  }
0x12a: {  	[sflag:s22] =	ssyncset.done $0x0  }
0x12b: {  	[sflag:s22] =	ssyncadd.s32 $0xFFFFFC00  }
0x12c: {  	_ =	swait.ge [sflag:s22], $0x400  }
0x12d: {  	[sflag:s22] =	ssyncset.done $0x0  }
0x12e: {  	[sflag:s22] =	ssyncadd.s32 $0xFFFFFC00  }
0x12f: {  	_ =	swait.ge [sflag:s22], $0x400  }
0x130: {  	[sflag:s22] =	ssyncset.done $0x0  }
0x131: {  	s23 =	simm.s32 $0x3000;
	[sflag:s22] =	ssyncadd.s32 $0xFFFFFC00  }
0x132: {  	[tilespmem:s23], [sflag:$0x1] =	stream.indirect.gather [hbm4b:s5+s10], $0x20, s12, s10, $0xb8;
	[tilespmem:$0x1E400] =	vst v63  }
0x133: {  	s17 =	simm.s32 $0x4000  }
0x134: {  	[tilespmem:s17], [sflag:$0x1] =	stream.indirect.gather [hbm4b:s5+s10], $0x20, s10, s10, $0xb8;
	[tilespmem:$0x1E400] =	vst v63  }
0x135: {  	s19 =	simm.s32 $0x100;
	s21 =	simm.s32 $0x5000  }
0x136: {  	[tilespmem:s21], [sflag:$0x1] =	stream.indirect.gather [hbm4b:s5+s10], $0x20, s19, s10, $0xb8;
	[tilespmem:$0x1E400] =	vst v63  }
0x137: {  	s22 =	simm.s32 $0x180;
	s23 =	simm.s32 $0x6000  }
0x138: {  	[tilespmem:s23], [sflag:$0x1] =	stream.indirect.gather [hbm4b:s5+s10], $0x20, s22, s10, $0xb8;
	[tilespmem:$0x1E400] =	vst v63  }
0x139: {  	s19 =	simm.s32 $0x200;
	s21 =	simm.s32 $0x7000  }
0x13a: {  	[tilespmem:s21], [sflag:$0x1] =	stream.indirect.gather [hbm4b:s5+s10], $0x20, s19, s10, $0xb8;
	[tilespmem:$0x1E400] =	vst v63  }
0x13b: {  	s22 =	simm.s32 $0x280;
	s23 =	simm.s32 $0x8000  }
0x13c: {  	[tilespmem:s23], [sflag:$0x1] =	stream.indirect.gather [hbm4b:s5+s10], $0x20, s22, s10, $0xb8;
	[tilespmem:$0x1E400] =	vst v63  }
0x13d: {  	s19 =	simm.s32 $0x300;
	s21 =	simm.s32 $0x9000  }
0x13e: {  	[tilespmem:s21], [sflag:$0x1] =	stream.indirect.gather [hbm4b:s5+s10], $0x20, s19, s10, $0xb8;
	[tilespmem:$0x1E400] =	vst v63  }
0x13f: {  	s22 =	simm.s32 $0x380;
	s23 =	simm.s32 $0xA000  }
0x140: {  	[tilespmem:s23], [sflag:$0x1] =	stream.indirect.gather [hbm4b:s5+s10], $0x20, s22, s10, $0xb8;
	[tilespmem:$0x1E400] =	vst v63  }
0x141: {  	s17 =	rddreg [dreg:$0x18]  }
0x142: {  	[tilespmem:s11], [sflag:$0x4] =	stream.linear.gather [hbm4b:s17+s12], $0x400, $0x38;
	[tilespmem:$0x1E400] =	vst v63  }
0x143: {  	s19 =	rddreg [dreg:$0x19];
	s21 =	simm.s32 $0xC00  }
0x144: {  	[tilespmem:s21], [sflag:$0x4] =	stream.linear.gather [hbm4b:s19+s12], $0x400, $0x38;
	[tilespmem:$0x1E400] =	vst v63  }
0x145: {  	s22 =	rddreg [dreg:$0x1d];
	s23 =	simm.s32 $0x1400  }
0x146: {  	[tilespmem:s23], [sflag:$0x4] =	stream.linear.gather [hbm4b:s22+s12], $0x400, $0x38;
	[tilespmem:$0x1E400] =	vst v63  }
.LBB2_4:
0x147: {  	_ =	swait.ge [sflag:s14], $0x1000  }
0x148: {  	[sflag:s14] =	ssyncset.done $0x0  }
0x149: {  	[sflag:s14] =	ssyncadd.s32 $0xFFFFF000  }
0x14a: {  	_ =	swait.ge [sflag:s14], $0x1000  }
0x14b: {  	[sflag:s14] =	ssyncset.done $0x0  }
0x14c: {  	[sflag:s14] =	ssyncadd.s32 $0xFFFFF000  }
0x14d: {  	_ =	swait.ge [sflag:s14], $0x1000  }
0x14e: {  	[sflag:s14] =	ssyncset.done $0x0  }
0x14f: {  	[sflag:s14] =	ssyncadd.s32 $0xFFFFF000  }
0x150: {  	_ =	swait.ge [sflag:s14], $0x1000  }
0x151: {  	[sflag:s14] =	ssyncset.done $0x0  }
0x152: {  	[sflag:s14] =	ssyncadd.s32 $0xFFFFF000  }
0x153: {  	_ =	swait.ge [sflag:s14], $0x1000  }
0x154: {  	[sflag:s14] =	ssyncset.done $0x0  }
0x155: {  	[sflag:s14] =	ssyncadd.s32 $0xFFFFF000  }
0x156: {  	_ =	swait.ge [sflag:s14], $0x1000  }
0x157: {  	[sflag:s14] =	ssyncset.done $0x0  }
0x158: {  	[sflag:s14] =	ssyncadd.s32 $0xFFFFF000  }
0x159: {  	_ =	swait.ge [sflag:s14], $0x1000  }
0x15a: {  	[sflag:s14] =	ssyncset.done $0x0  }
0x15b: {  	[sflag:s14] =	ssyncadd.s32 $0xFFFFF000  }
0x15c: {  	_ =	swait.ge [sflag:s14], $0x1000  }
0x15d: {  	[sflag:s14] =	ssyncset.done $0x0  }
0x15e: {  	s13 =	simm.s32 $0x2010;
	[sflag:s14] =	ssyncadd.s32 $0xFFFFF000  }
0x15f: {  	s17 =	simm.s32 $0x1810;
	v1 =	vld [tilespmem:s13+$0x0]  }
0x160: {  	v2 =	vld [tilespmem:s17+$0x0]  }
0x161: {  	v3 =	vld [tilespmem:s13+$0xFFFFFFF0]  }
0x162: {  	v4 =	vld [tilespmem:s17+$0xFFFFFFF0]  }
0x163: {  	s19 =	simm.s32 $0x1830  }
0x164: {  	s17 =	simm.s32 $0x2030;
	v7 =	vld [tilespmem:s19+$0x0]  }
0x165: {  	v5 =	vld [tilespmem:s17+$0xFFFFFFF0];
	v1 =	vadd.f32 v1, v2  }
0x166: {  	v2 =	vld [tilespmem:s17+$0x0]  }
0x167: {  	v3 =	vadd.f32 v3, v4;
	v4 =	vld [tilespmem:s19+$0xFFFFFFF0];
	v6 =	vmul.f32 $2.000000030e-01, v1  }
0x168: {  	s21 =	simm.s32 $0x2050;
	vm0 =	vge.f32 v1, $0.0e+00  }
0x169: {  	v9 =	vld [tilespmem:s21+$0xFFFFFFF0];
	v1 =	vsel vm0, v1, v6  }
0x16a: {  	s22 =	simm.s32 $0x1850;
	v8 =	vmul.f32 $2.000000030e-01, v3;
	v6 =	vld [tilespmem:s21+$0x0];
	v1 =	vmul.f32 $1.442695020e+00, v1  }
0x16b: {  	vm0 =	vge.f32 v3, $0.0e+00;
	v2 =	vadd.f32 v2, v7;
	v7 =	vld [tilespmem:s22+$0xFFFFFFF0]  }
0x16c: {  	v3 =	vsel vm0, v3, v8;
	v4 =	vadd.f32 v5, v4;
	(erf) = vpow2.f32 v1;
	v1 =	vld [tilespmem:s22+$0x0]  }
0x16d: {  	v3 =	vmul.f32 $1.442695020e+00, v3;
	v5 =	vmul.f32 $2.000000030e-01, v2  }
0x16e: {  	v8 =	vmul.f32 $2.000000030e-01, v4;
	vm0 =	vge.f32 v2, $0.0e+00  }
0x16f: {  	vm1 =	vge.f32 v4, $0.0e+00;
	(erf) = vpow2.f32 v3;
	v2 =	vsel vm0, v2, v5  }
0x170: {  	s23 =	simm.s32 $0x2070;
	v3 =	vsel vm1, v4, v8;
	v5 =	vmul.f32 $1.442695020e+00, v2  }
0x171: {  	v2 =	vld [tilespmem:s23+$0xFFFFFFF0];
	v10 =	vadd.f32 v6, v1;
	v1 =	vadd.f32 v9, v7;
	v7 =	vmul.f32 $1.442695020e+00, v3  }
0x172: {  	s19 =	simm.s32 $0x1870;
	v6 =	vld [tilespmem:s23+$0x0];
	(erf) = vpow2.f32 v5  }
0x173: {  	v3 =	vld [tilespmem:s19+$0x0];
	v8 =	vmul.f32 $2.000000030e-01, v10;
	(erf) = vpow2.f32 v7  }
0x174: {  	s13 =	simm.s32 $0x2810;
	v4 =	vld [tilespmem:s19+$0xFFFFFFF0];
	vm1 =	vge.f32 v10, $0.0e+00  }
0x175: {  	s17 =	simm.s32 $0x2810;
	s21 =	simm.s32 $0x6;
	s22 =	simm.s32 $0x2090;
	v5 =	vmul.f32 $2.000000030e-01, v1;
	vm0 =	vge.f32 v1, $0.0e+00;
	v8 =	vsel vm1, v10, v8;
	v7 =	vpop (erf)  }
.LBB2_5:
0x176: {  	s21 =	sadd.s32 $0x2, s21  }
0x177: {  	v9 =	vld [tilespmem:s22+$0x0];
	s19 =	sadd.s32 $0x20, s19;
	v8 =	vmul.f32 $1.442695020e+00, v8;
	[tilespmem:s13+$0x0] =	vst v7;
	s17 =	sadd.s32 $0x20, s17;
	v7 =	vmov v2;
	p0 =	slt.u32 s21, $0x3E  }
.Ltmp3:
0x178: {  	v5 =	vsel vm0, v1, v5;
	v2 =	vld [tilespmem:s22+$0xFFFFFFF0];
	v6 =	vadd.f32 v6, v3;
	v10 =	vpop (erf);
	(pc) =	sbr.rel @p0 .LBB2_5-.Ltmp3, $4  }
0x179: {  	v11 =	vmul.f32 $1.442695020e+00, v5;
	v3 =	vld [tilespmem:s19+$0x0];
	v1 =	vadd.f32 v7, v4;
	(erf) = vpow2.f32 v8;
	[tilespmem:s13+$0xFFFFFFF0] =	vst v10;
	s13 =	smov.u32 s17  }
0x17a: {  	v4 =	vld [tilespmem:s19+$0xFFFFFFF0];
	v8 =	vmul.f32 $2.000000030e-01, v6  }
0x17b: {  	vm1 =	vge.f32 v6, $0.0e+00;
	v5 =	vmul.f32 $2.000000030e-01, v1;
	(erf) = vpow2.f32 v11  }
0x17c: {  	s22 =	sadd.s32 $0x20, s22;
	vm0 =	vge.f32 v1, $0.0e+00;
	v8 =	vsel vm1, v6, v8;
	v7 =	vpop (erf);
	v6 =	vmov v9  }
0x17d: {  	_ = 	snop  }
0x17e: {  	v3 =	vadd.f32 v6, v3  }
0x17f: {  	v2 =	vadd.f32 v2, v4  }
0x180: {  	v1 =	vsel vm0, v1, v5;
	v6 =	vmul.f32 $2.000000030e-01, v3  }
0x181: {  	v4 =	vmul.f32 $1.442695020e+00, v8;
	vm15 =	vge.f32 v3, $0.0e+00;
	v5 =	vmul.f32 $2.000000030e-01, v2  }
0x182: {  	v1 =	vmul.f32 $1.442695020e+00, v1;
	vm1 =	vge.f32 v2, $0.0e+00;
	v3 =	vsel vm15, v3, v6  }
0x183: {  	(erf) = vpow2.f32 v4;
	v3 =	vmul.f32 $1.442695020e+00, v3;
	v2 =	vsel vm1, v2, v5  }
0x184: {  	(erf) = vpow2.f32 v1;
	v1 =	vmul.f32 $1.442695020e+00, v2  }
0x185: {  	(erf) = vpow2.f32 v3  }
0x186: {  	(erf) = vpow2.f32 v1;
	_ =	sdelay $0x2  }
0x187: {  	[tilespmem:s13+$0x0] =	vst v7;
	v1 =	vpop (erf)  }
0x188: {  	s17 =	sadd.s32 $0x20, s17;
	v2 =	vpop (erf);
	[tilespmem:s13+$0xFFFFFFF0] =	vst v1  }
0x189: {  	v1 =	vpop (erf);
	[tilespmem:s17+$0x0] =	vst v2  }
0x18a: {  	s21 =	sadd.s32 $0x20, s17;
	[tilespmem:s17+$0xFFFFFFF0] =	vst v1;
	v1 =	vpop (erf)  }
0x18b: {  	[tilespmem:s21+$0x0] =	vst v1;
	v1 =	vpop (erf)  }
0x18c: {  	s22 =	sadd.s32 $0x20, s21;
	[tilespmem:s21+$0xFFFFFFF0] =	vst v1;
	v1 =	vpop (erf)  }
0x18d: {  	[tilespmem:s22+$0x0] =	vst v1;
	v1 =	vpop (erf)  }
0x18e: {  	[tilespmem:s22+$0xFFFFFFF0] =	vst v1  }
0x18f: {  	_ =	swait.ge [sflag:s16], $0x400  }
0x190: {  	[sflag:s16] =	ssyncset.done $0x0  }
0x191: {  	[sflag:s16] =	ssyncadd.s32 $0xFFFFFC00  }
0x192: {  	_ =	swait.ge [sflag:s16], $0x400  }
0x193: {  	[sflag:s16] =	ssyncset.done $0x0  }
0x194: {  	[sflag:s16] =	ssyncadd.s32 $0xFFFFFC00  }
0x195: {  	_ =	swait.ge [sflag:s16], $0x400  }
0x196: {  	[sflag:s16] =	ssyncset.done $0x0  }
0x197: {  	s23 =	simm.s32 $0xB000;
	[sflag:s16] =	ssyncadd.s32 $0xFFFFFC00  }
0x198: {  	[tilespmem:s23], [sflag:$0x2] =	stream.indirect.gather [hbm4b:s5+s10], $0x20, s11, s10, $0xb8;
	[tilespmem:$0x1E400] =	vst v63  }
0x199: {  	s19 =	simm.s32 $0xC000;
	s17 =	simm.s32 $0x480  }
0x19a: {  	[tilespmem:s19], [sflag:$0x2] =	stream.indirect.gather [hbm4b:s5+s10], $0x20, s17, s10, $0xb8;
	[tilespmem:$0x1E400] =	vst v63  }
0x19b: {  	s21 =	simm.s32 $0x500;
	s22 =	simm.s32 $0xD000  }
0x19c: {  	[tilespmem:s22], [sflag:$0x2] =	stream.indirect.gather [hbm4b:s5+s10], $0x20, s21, s10, $0xb8;
	[tilespmem:$0x1E400] =	vst v63  }
0x19d: {  	_ = 	snop  }
0x19e: {  	[tilespmem:s25], [sflag:$0x2] =	stream.indirect.gather [hbm4b:s5+s10], $0x20, s24, s10, $0xb8;
	[tilespmem:$0x1E400] =	vst v63  }
0x19f: {  	s23 =	simm.s32 $0x0;
	s17 =	simm.s32 $0x1;
	s19 =	simm.s32 $0x3  }
0x1a0: {  	v1 =	vmov s23;
	[tilespmem:s28], [sflag:$0x2] =	stream.indirect.gather [hbm4b:s5+s10], $0x20, s26, s10, $0xb8;
	[tilespmem:$0x1E400] =	vst v63  }
0x1a1: {  	v1 =	vand.u32 $0xFFFFFFFC, v1;
	v2 =	vmov s17;
	v3 =	vmov s19;
	s21 =	simm.s32 $0x2  }
0x1a2: {  	v1 =	vbroadcast v1, $0x0;
	v2 =	vand.u32 $0xFFFFFFFD, v2;
	v4 =	vmov s21;
	[tilespmem:s30], [sflag:$0x2] =	stream.indirect.gather [hbm4b:s5+s10], $0x20, s29, s10, $0xb8;
	[tilespmem:$0x1E400] =	vst v63  }
0x1a3: {  	v2 =	vbroadcast v2, $0x0;
	v4 =	vand.u32 $0xFFFFFFFE, v4  }
0x1a4: {  	v5 =	vbroadcast v4, $0x0;
	[tilespmem:s1], [sflag:$0x2] =	stream.indirect.gather [hbm4b:s5+s10], $0x20, s31, s10, $0xb8;
	[tilespmem:$0x1E400] =	vst v63  }
0x1a5: {  	_ = 	snop  }
0x1a6: {  	[tilespmem:s6], [sflag:$0x2] =	stream.indirect.gather [hbm4b:s5+s10], $0x20, s0, s10, $0xb8;
	[tilespmem:$0x1E400] =	vst v63  }
0x1a7: {  	v3 =	vld.idx.msk [tilespmem:v3+s15+$0x0], $0xffff  }
0x1a8: {  	v4 =	vld.idx.msk [tilespmem:v1+s15+$0x0], $0xffff  }
0x1a9: {  	v2 =	vld.idx.msk [tilespmem:v2+s15+$0x0], $0xffff  }
0x1aa: {  	s13 =	simm.s32 $0x3040;
	v1 =	vld.idx.msk [tilespmem:v5+s15+$0x0], $0xffff  }
0x1ab: {  	s22 =	simm.s32 $0x4;
	v5 =	vld [tilespmem:s13+$0x10]  }
0x1ac: {  	s23 =	simm.s32 $0x5;
	s19 =	simm.s32 $0x7;
	v7 =	vmov s22;
	v6 =	vld [tilespmem:s13+$0xFFFFFFC0]  }
0x1ad: {  	v10 =	vmov s23;
	s17 =	simm.s32 $0x3040;
	s21 =	simm.s32 $0x6;
	v9 =	vand.u32 $0xFFFFFFFC, v7;
	v7 =	vmov s19;
	s19 =	simm.s32 $0x8;
	v8 =	vld [tilespmem:s13+$0xFFFFFFD0]  }
.LBB2_7:
0x1ae: {  	p0 =	slt.u32 s19, $0x3FC;
	v9 =	vbroadcast v9, $0x0;
	v10 =	vand.u32 $0xFFFFFFFD, v10;
	v11 =	vmov s21;
	v12 =	vld [tilespmem:s13+$0xFFFFFFE0]  }
0x1af: {  	v10 =	vbroadcast v10, $0x0;
	v11 =	vand.u32 $0xFFFFFFFE, v11;
	v13 =	vld [tilespmem:s13+$0xFFFFFFF0]  }
0x1b0: {  	v11 =	vbroadcast v11, $0x0;
	v14 =	vld [tilespmem:s13+$0x0];
	v5 =	vmul.f32 v5, v1  }
0x1b1: {  	v6 =	vmul.f32 v6, v4;
	v15 =	vld [tilespmem:s13+$0x20]  }
0x1b2: {  	v8 =	vmul.f32 v8, v4;
	[tilespmem:s13+$0x10] =	vst v5;
	v16 =	vld [tilespmem:s13+$0x30]  }
0x1b3: {  	v17 =	vld.idx.msk [tilespmem:v7+s15+$0x0], $0xffff;
	[tilespmem:s13+$0xFFFFFFC0] =	vst v6;
	v5 =	vmul.f32 v12, v2  }
0x1b4: {  	v4 =	vld.idx.msk [tilespmem:v9+s15+$0x0], $0xffff;
	[tilespmem:s13+$0xFFFFFFD0] =	vst v8;
	v6 =	vmul.f32 v13, v2  }
.Ltmp4:
0x1b5: {  	v2 =	vld.idx.msk [tilespmem:v10+s15+$0x0], $0xffff;
	[tilespmem:s13+$0xFFFFFFE0] =	vst v5;
	v7 =	vmul.f32 v14, v1;
	(pc) =	sbr.rel @p0 .LBB2_7-.Ltmp4, $4  }
0x1b6: {  	s13 =	sadd.s32 $0x80, s13;
	v1 =	vld.idx.msk [tilespmem:v11+s15+$0x0], $0xffff;
	[tilespmem:s17+$0xFFFFFFF0] =	vst v6;
	v8 =	vmul.f32 v15, v3  }
0x1b7: {  	v5 =	vld [tilespmem:s13+$0x10];
	[tilespmem:s17+$0x0] =	vst v7;
	v11 =	vmul.f32 v16, v3  }
0x1b8: {  	s21 =	sadd.s32 $0x1, s19;
	s22 =	sadd.s32 $0x3, s19;
	v7 =	vmov s19;
	v6 =	vld [tilespmem:s13+$0xFFFFFFC0];
	[tilespmem:s17+$0x20] =	vst v8  }
0x1b9: {  	v10 =	vmov s21;
	s21 =	sadd.s32 $0x2, s19;
	s19 =	sadd.s32 $0x4, s19;
	v9 =	vand.u32 $0xFFFFFFFC, v7;
	v7 =	vmov s22;
	v3 =	vmovc v17;
	v8 =	vld [tilespmem:s13+$0xFFFFFFD0];
	[tilespmem:s17+$0x30] =	vst v11;
	s17 =	smov.u32 s13  }
0x1ba: {  	v12 =	vld [tilespmem:s13+$0xFFFFFFE0]  }
0x1bb: {  	v9 =	vbroadcast v9, $0x0;
	v11 =	vmov s21;
	v13 =	vld [tilespmem:s13+$0xFFFFFFF0]  }
0x1bc: {  	v14 =	vld [tilespmem:s13+$0x0];
	v11 =	vand.u32 $0xFFFFFFFE, v11  }
0x1bd: {  	v10 =	vand.u32 $0xFFFFFFFD, v10;
	v15 =	vld [tilespmem:s13+$0x20];
	v11 =	vbroadcast v11, $0x0  }
0x1be: {  	v16 =	vld [tilespmem:s13+$0x30];
	v10 =	vbroadcast v10, $0x0  }
0x1bf: {  	v7 =	vld.idx.msk [tilespmem:v7+s15+$0x0], $0xffff;
	s19 =	sadd.s32 $0x80, s13;
	v5 =	vmul.f32 v5, v1  }
0x1c0: {  	v6 =	vmul.f32 v6, v4;
	v4 =	vmul.f32 v8, v4;
	v8 =	vld [tilespmem:s19+$0x10]  }
0x1c1: {  	[tilespmem:s13+$0x10] =	vst v5;
	v9 =	vld.idx.msk [tilespmem:v9+s15+$0x0], $0xffff  }
0x1c2: {  	[tilespmem:s13+$0xFFFFFFD0] =	vst v4;
	v4 =	vld [tilespmem:s19+$0xFFFFFFC0]  }
0x1c3: {  	[tilespmem:s13+$0xFFFFFFC0] =	vst v6;
	v6 =	vmul.f32 v12, v2;
	v5 =	vld.idx.msk [tilespmem:v11+s15+$0x0], $0xffff  }
0x1c4: {  	v2 =	vmul.f32 v13, v2;
	v10 =	vld.idx.msk [tilespmem:v10+s15+$0x0], $0xffff  }
0x1c5: {  	v1 =	vmul.f32 v14, v1;
	[tilespmem:s13+$0xFFFFFFE0] =	vst v6;
	v6 =	vld [tilespmem:s19+$0xFFFFFFD0]  }
0x1c6: {  	[tilespmem:s17+$0xFFFFFFF0] =	vst v2;
	v2 =	vmul.f32 v15, v3;
	v11 =	vld [tilespmem:s19+$0xFFFFFFE0]  }
0x1c7: {  	[tilespmem:s17+$0x0] =	vst v1;
	v1 =	vmul.f32 v16, v3;
	v3 =	vld [tilespmem:s19+$0xFFFFFFF0]  }
0x1c8: {  	[tilespmem:s17+$0x20] =	vst v2;
	v2 =	vld [tilespmem:s19+$0x0];
	v8 =	vmul.f32 v8, v5  }
0x1c9: {  	[tilespmem:s17+$0x30] =	vst v1;
	v1 =	vmul.f32 v4, v9;
	v4 =	vld [tilespmem:s19+$0x20]  }
0x1ca: {  	v6 =	vmul.f32 v6, v9;
	[tilespmem:s19+$0x10] =	vst v8;
	v8 =	vld [tilespmem:s19+$0x30]  }
0x1cb: {  	[tilespmem:s19+$0xFFFFFFC0] =	vst v1;
	v1 =	vmul.f32 v11, v10  }
0x1cc: {  	p0 =	seq.s32 s12, $0x13;
	s13 =	sshll.u32 s12, $0x1;
	v3 =	vmul.f32 v3, v10;
	[tilespmem:s19+$0xFFFFFFD0] =	vst v6  }
0x1cd: {  	s17 =	sadd.s32 @!p0 $0x2, s13;
	[tilespmem:s19+$0xFFFFFFE0] =	vst v1;
	v1 =	vmul.f32 v2, v5  }
0x1ce: {  	s21 =	sshll.u32 @!p0 s17, $0xA;
	[tilespmem:s19+$0xFFFFFFF0] =	vst v3;
	v2 =	vmul.f32 v4, v7  }
0x1cf: {  	s21 =	sadd.s32 @!p0 s21, s18;
	[tilespmem:s19+$0x0] =	vst v1;
	v1 =	vmul.f32 v8, v7  }
0x1d0: {  	s21 =	sshrl.u32 @!p0 s21, $0x3;
	[tilespmem:s19+$0x20] =	vst v2  }
0x1d1: {  	s22 =	simm.s32 @!p0 $0x0;
	[tilespmem:s19+$0x30] =	vst v1;
	s19 =	sadd.s32 @!p0 s3, s21  }
0x1d2: {  	[tilespmem:s22], [sflag:$0x3] =	stream.linear.gather @!p0 [hbm4b:s19+s22], $0x400, $0x38;
	[tilespmem:$0x1E400] =	vst v63  }
0x1d3: {  	s17 =	sshll.u32 @!p0 s17, $0x7;
	s19 =	sadd.s32 @!p0 s4, s21;
	s21 =	simm.s32 @!p0 $0x800  }
0x1d4: {  	[tilespmem:s21], [sflag:$0x3] =	stream.linear.gather @!p0 [hbm4b:s19+s22], $0x400, $0x38;
	[tilespmem:$0x1E400] =	vst v63  }
0x1d5: {  	s17 =	sadd.s32 @!p0 s17, s20;
	s19 =	simm.s32 @!p0 $0x1000  }
0x1d6: {  	[tilespmem:s19], [sflag:$0x3] =	stream.linear.gather @!p0 [hbm4b:s17+s22], $0x400, $0x38;
	[tilespmem:$0x1E400] =	vst v63  }
0x1d7: {  	_ =	swait.ge [sflag:s9], $0x1000  }
0x1d8: {  	[sflag:s9] =	ssyncset.done $0x0  }
0x1d9: {  	[sflag:s9] =	ssyncadd.s32 $0xFFFFF000  }
0x1da: {  	_ =	swait.ge [sflag:s9], $0x1000  }
0x1db: {  	[sflag:s9] =	ssyncset.done $0x0  }
0x1dc: {  	[sflag:s9] =	ssyncadd.s32 $0xFFFFF000  }
0x1dd: {  	_ =	swait.ge [sflag:s9], $0x1000  }
0x1de: {  	[sflag:s9] =	ssyncset.done $0x0  }
0x1df: {  	[sflag:s9] =	ssyncadd.s32 $0xFFFFF000  }
0x1e0: {  	_ =	swait.ge [sflag:s9], $0x1000  }
0x1e1: {  	[sflag:s9] =	ssyncset.done $0x0  }
0x1e2: {  	[sflag:s9] =	ssyncadd.s32 $0xFFFFF000  }
0x1e3: {  	_ =	swait.ge [sflag:s9], $0x1000  }
0x1e4: {  	[sflag:s9] =	ssyncset.done $0x0  }
0x1e5: {  	[sflag:s9] =	ssyncadd.s32 $0xFFFFF000  }
0x1e6: {  	_ =	swait.ge [sflag:s9], $0x1000  }
0x1e7: {  	[sflag:s9] =	ssyncset.done $0x0  }
0x1e8: {  	[sflag:s9] =	ssyncadd.s32 $0xFFFFF000  }
0x1e9: {  	_ =	swait.ge [sflag:s9], $0x1000  }
0x1ea: {  	[sflag:s9] =	ssyncset.done $0x0  }
0x1eb: {  	[sflag:s9] =	ssyncadd.s32 $0xFFFFF000  }
0x1ec: {  	_ =	swait.ge [sflag:s9], $0x1000  }
0x1ed: {  	[sflag:s9] =	ssyncset.done $0x0  }
0x1ee: {  	s19 =	simm.s32 $0x2410;
	[sflag:s9] =	ssyncadd.s32 $0xFFFFF000  }
0x1ef: {  	s21 =	simm.s32 $0x1C10;
	v1 =	vld [tilespmem:s19+$0x0]  }
0x1f0: {  	v2 =	vld [tilespmem:s21+$0x0];
	_ =	sdelay $0x1  }
0x1f1: {  	v3 =	vld [tilespmem:s19+$0xFFFFFFF0]  }
0x1f2: {  	v4 =	vld [tilespmem:s21+$0xFFFFFFF0]  }
0x1f3: {  	s22 =	simm.s32 $0x2430  }
0x1f4: {  	s23 =	simm.s32 $0x1C30;
	v5 =	vld [tilespmem:s22+$0xFFFFFFF0];
	v1 =	vadd.f32 v1, v2  }
0x1f5: {  	v7 =	vld [tilespmem:s23+$0x0]  }
0x1f6: {  	v2 =	vld [tilespmem:s22+$0x0];
	v6 =	vmul.f32 $2.000000030e-01, v1  }
0x1f7: {  	v3 =	vadd.f32 v3, v4;
	v4 =	vld [tilespmem:s23+$0xFFFFFFF0];
	vm0 =	vge.f32 v1, $0.0e+00  }
0x1f8: {  	v1 =	vsel vm0, v1, v6  }
0x1f9: {  	v1 =	vmul.f32 $1.442695020e+00, v1  }
0x1fa: {  	s22 =	simm.s32 $0x1C50;
	v8 =	vmul.f32 $2.000000030e-01, v3  }
0x1fb: {  	s21 =	simm.s32 $0x2450;
	v10 =	vld [tilespmem:s22+$0x0];
	vm0 =	vge.f32 v3, $0.0e+00;
	(erf) = vpow2.f32 v1;
	v1 =	vadd.f32 v2, v7  }
0x1fc: {  	v6 =	vld [tilespmem:s21+$0x0];
	v4 =	vadd.f32 v5, v4;
	v2 =	vsel vm0, v3, v8  }
0x1fd: {  	v9 =	vld [tilespmem:s21+$0xFFFFFFF0];
	v2 =	vmul.f32 $1.442695020e+00, v2;
	v5 =	vmul.f32 $2.000000030e-01, v1  }
0x1fe: {  	v3 =	vld [tilespmem:s22+$0xFFFFFFF0];
	v7 =	vmul.f32 $2.000000030e-01, v4;
	vm0 =	vge.f32 v1, $0.0e+00  }
0x1ff: {  	vm1 =	vge.f32 v4, $0.0e+00;
	(erf) = vpow2.f32 v2;
	v1 =	vsel vm0, v1, v5  }
0x200: {  	s23 =	simm.s32 $0x2470;
	v4 =	vsel vm1, v4, v7;
	v5 =	vmul.f32 $1.442695020e+00, v1  }
0x201: {  	v8 =	vadd.f32 v6, v10;
	v6 =	vld [tilespmem:s23+$0x0];
	v7 =	vmul.f32 $1.442695020e+00, v4  }
0x202: {  	s21 =	simm.s32 $0x1C70;
	v2 =	vld [tilespmem:s23+$0xFFFFFFF0];
	(erf) = vpow2.f32 v5  }
0x203: {  	v1 =	vadd.f32 v9, v3;
	v9 =	vmul.f32 $2.000000030e-01, v8;
	v3 =	vld [tilespmem:s21+$0x0];
	(erf) = vpow2.f32 v7  }
0x204: {  	s17 =	simm.s32 $0x2C10;
	v4 =	vld [tilespmem:s21+$0xFFFFFFF0];
	vm1 =	vge.f32 v8, $0.0e+00  }
0x205: {  	s19 =	simm.s32 $0x2C10;
	s22 =	simm.s32 $0x6;
	s23 =	simm.s32 $0x2490;
	v5 =	vmul.f32 $2.000000030e-01, v1;
	vm0 =	vge.f32 v1, $0.0e+00;
	v8 =	vsel vm1, v8, v9;
	v7 =	vpop (erf)  }
.LBB2_9:
0x206: {  	s22 =	sadd.s32 $0x2, s22  }
0x207: {  	v9 =	vld [tilespmem:s23+$0x0];
	s21 =	sadd.s32 $0x20, s21;
	v8 =	vmul.f32 $1.442695020e+00, v8;
	[tilespmem:s17+$0x0] =	vst v7;
	s19 =	sadd.s32 $0x20, s19;
	v7 =	vmov v2;
	p1 =	slt.u32 s22, $0x3E  }
.Ltmp5:
0x208: {  	v5 =	vsel vm0, v1, v5;
	v2 =	vld [tilespmem:s23+$0xFFFFFFF0];
	v6 =	vadd.f32 v6, v3;
	v10 =	vpop (erf);
	(pc) =	sbr.rel @p1 .LBB2_9-.Ltmp5, $4  }
0x209: {  	v11 =	vmul.f32 $1.442695020e+00, v5;
	v3 =	vld [tilespmem:s21+$0x0];
	v1 =	vadd.f32 v7, v4;
	(erf) = vpow2.f32 v8;
	[tilespmem:s17+$0xFFFFFFF0] =	vst v10;
	s17 =	smov.u32 s19  }
0x20a: {  	v4 =	vld [tilespmem:s21+$0xFFFFFFF0];
	v8 =	vmul.f32 $2.000000030e-01, v6  }
0x20b: {  	vm1 =	vge.f32 v6, $0.0e+00;
	v5 =	vmul.f32 $2.000000030e-01, v1;
	(erf) = vpow2.f32 v11  }
0x20c: {  	s23 =	sadd.s32 $0x20, s23;
	vm0 =	vge.f32 v1, $0.0e+00;
	v8 =	vsel vm1, v6, v8;
	v7 =	vpop (erf);
	v6 =	vmov v9  }
0x20d: {  	_ = 	snop  }
0x20e: {  	v3 =	vadd.f32 v6, v3  }
0x20f: {  	v2 =	vadd.f32 v2, v4  }
0x210: {  	v1 =	vsel vm0, v1, v5;
	v6 =	vmul.f32 $2.000000030e-01, v3  }
0x211: {  	v4 =	vmul.f32 $1.442695020e+00, v8;
	vm15 =	vge.f32 v3, $0.0e+00;
	v5 =	vmul.f32 $2.000000030e-01, v2  }
0x212: {  	v1 =	vmul.f32 $1.442695020e+00, v1;
	vm1 =	vge.f32 v2, $0.0e+00;
	v3 =	vsel vm15, v3, v6  }
0x213: {  	(erf) = vpow2.f32 v4;
	v3 =	vmul.f32 $1.442695020e+00, v3;
	v2 =	vsel vm1, v2, v5  }
0x214: {  	(erf) = vpow2.f32 v1;
	v1 =	vmul.f32 $1.442695020e+00, v2  }
0x215: {  	(erf) = vpow2.f32 v3  }
0x216: {  	(erf) = vpow2.f32 v1;
	_ =	sdelay $0x2  }
0x217: {  	[tilespmem:s17+$0x0] =	vst v7;
	v1 =	vpop (erf)  }
0x218: {  	s19 =	sadd.s32 $0x20, s19;
	v2 =	vpop (erf);
	[tilespmem:s17+$0xFFFFFFF0] =	vst v1  }
0x219: {  	v1 =	vpop (erf);
	[tilespmem:s19+$0x0] =	vst v2  }
0x21a: {  	s21 =	sadd.s32 $0x20, s19;
	[tilespmem:s19+$0xFFFFFFF0] =	vst v1;
	v1 =	vpop (erf)  }
0x21b: {  	[tilespmem:s21+$0x0] =	vst v1;
	v1 =	vpop (erf)  }
0x21c: {  	s22 =	sadd.s32 $0x20, s21;
	[tilespmem:s21+$0xFFFFFFF0] =	vst v1;
	v1 =	vpop (erf)  }
0x21d: {  	[tilespmem:s22+$0x0] =	vst v1;
	v1 =	vpop (erf)  }
0x21e: {  	s17 =	simm.s32 @!p0 $0x3;
	[tilespmem:s22+$0xFFFFFFF0] =	vst v1  }
0x21f: {  	_ =	swait.ge @!p0 [sflag:s17], $0x400  }
0x220: {  	[sflag:s17] =	ssyncset.done @!p0 $0x0  }
0x221: {  	[sflag:s17] =	ssyncadd.s32 @!p0 $0xFFFFFC00  }
0x222: {  	_ =	swait.ge @!p0 [sflag:s17], $0x400  }
0x223: {  	[sflag:s17] =	ssyncset.done @!p0 $0x0  }
0x224: {  	[sflag:s17] =	ssyncadd.s32 @!p0 $0xFFFFFC00  }
0x225: {  	_ =	swait.ge @!p0 [sflag:s17], $0x400  }
0x226: {  	s19 =	simm.s32 @!p0 $0x0;
	[sflag:s17] =	ssyncset.done @!p0 $0x0  }
0x227: {  	s21 =	simm.s32 @!p0 $0x3000;
	[sflag:s17] =	ssyncadd.s32 @!p0 $0xFFFFFC00;
	s17 =	simm.s32 @!p0 $0x80  }
0x228: {  	[tilespmem:s21], [sflag:$0x1] =	stream.indirect.gather @!p0 [hbm4b:s5+s17], $0x20, s19, s17, $0xb8;
	[tilespmem:$0x1E400] =	vst v63  }
0x229: {  	s19 =	simm.s32 @!p0 $0x4000  }
0x22a: {  	[tilespmem:s19], [sflag:$0x1] =	stream.indirect.gather @!p0 [hbm4b:s5+s17], $0x20, s17, s17, $0xb8;
	[tilespmem:$0x1E400] =	vst v63  }
0x22b: {  	s23 =	simm.s32 $0x0;
	s21 =	simm.s32 @!p0 $0x5000;
	s19 =	simm.s32 @!p0 $0x100  }
0x22c: {  	[tilespmem:s21], [sflag:$0x1] =	stream.indirect.gather @!p0 [hbm4b:s5+s17], $0x20, s19, s17, $0xb8;
	[tilespmem:$0x1E400] =	vst v63  }
0x22d: {  	v1 =	vmov s23;
	s23 =	simm.s32 $0x3;
	s19 =	simm.s32 @!p0 $0x180;
	s21 =	simm.s32 @!p0 $0x6000  }
0x22e: {  	[tilespmem:s21], [sflag:$0x1] =	stream.indirect.gather @!p0 [hbm4b:s5+s17], $0x20, s19, s17, $0xb8;
	[tilespmem:$0x1E400] =	vst v63  }
0x22f: {  	v3 =	vmov s23;
	s23 =	simm.s32 $0x2;
	s19 =	simm.s32 @!p0 $0x200;
	s21 =	simm.s32 @!p0 $0x7000  }
0x230: {  	[tilespmem:s21], [sflag:$0x1] =	stream.indirect.gather @!p0 [hbm4b:s5+s17], $0x20, s19, s17, $0xb8;
	[tilespmem:$0x1E400] =	vst v63  }
0x231: {  	s22 =	simm.s32 @!p0 $0x280;
	v1 =	vand.u32 $0xFFFFFFFC, v1;
	v4 =	vmov s23;
	s21 =	simm.s32 $0x1;
	s19 =	simm.s32 @!p0 $0x8000  }
0x232: {  	v1 =	vbroadcast v1, $0x0;
	v4 =	vand.u32 $0xFFFFFFFE, v4;
	[tilespmem:s19], [sflag:$0x1] =	stream.indirect.gather @!p0 [hbm4b:s5+s17], $0x20, s22, s17, $0xb8;
	[tilespmem:$0x1E400] =	vst v63  }
0x233: {  	v5 =	vbroadcast v4, $0x0;
	v2 =	vmov s21;
	s21 =	simm.s32 @!p0 $0x9000;
	s19 =	simm.s32 @!p0 $0x300  }
0x234: {  	[tilespmem:s21], [sflag:$0x1] =	stream.indirect.gather @!p0 [hbm4b:s5+s17], $0x20, s19, s17, $0xb8;
	[tilespmem:$0x1E400] =	vst v63  }
0x235: {  	s19 =	simm.s32 @!p0 $0x380;
	s21 =	simm.s32 @!p0 $0xA000  }
0x236: {  	v2 =	vand.u32 $0xFFFFFFFD, v2;
	[tilespmem:s21], [sflag:$0x1] =	stream.indirect.gather @!p0 [hbm4b:s5+s17], $0x20, s19, s17, $0xb8;
	[tilespmem:$0x1E400] =	vst v63  }
0x237: {  	v2 =	vbroadcast v2, $0x0;
	v3 =	vld.idx.msk [tilespmem:v3+s7+$0x0], $0xffff  }
0x238: {  	v4 =	vld.idx.msk [tilespmem:v1+s7+$0x0], $0xffff  }
0x239: {  	s17 =	simm.s32 $0xB040;
	v1 =	vld.idx.msk [tilespmem:v5+s7+$0x0], $0xffff  }
0x23a: {  	v5 =	vld [tilespmem:s17+$0x10]  }
0x23b: {  	s21 =	simm.s32 $0x4;
	v6 =	vld [tilespmem:s17+$0xFFFFFFC0]  }
0x23c: {  	s23 =	simm.s32 $0x7;
	s22 =	simm.s32 $0x5;
	v7 =	vmov s21;
	v8 =	vld [tilespmem:s17+$0xFFFFFFD0]  }
0x23d: {  	v10 =	vmov s22;
	s22 =	simm.s32 $0x6;
	s19 =	simm.s32 $0xB040;
	s21 =	simm.s32 $0x8;
	v9 =	vand.u32 $0xFFFFFFFC, v7;
	v7 =	vmov s23;
	v2 =	vld.idx.msk [tilespmem:v2+s7+$0x0], $0xffff  }
.LBB2_11:
0x23e: {  	p1 =	slt.u32 s21, $0x3FC;
	v9 =	vbroadcast v9, $0x0;
	v10 =	vand.u32 $0xFFFFFFFD, v10;
	v11 =	vmov s22;
	v12 =	vld [tilespmem:s17+$0xFFFFFFE0]  }
0x23f: {  	v10 =	vbroadcast v10, $0x0;
	v11 =	vand.u32 $0xFFFFFFFE, v11;
	v13 =	vld [tilespmem:s17+$0xFFFFFFF0]  }
0x240: {  	v11 =	vbroadcast v11, $0x0;
	v14 =	vld [tilespmem:s17+$0x0];
	v5 =	vmul.f32 v5, v1  }
0x241: {  	v6 =	vmul.f32 v6, v4;
	v15 =	vld [tilespmem:s17+$0x20]  }
0x242: {  	v8 =	vmul.f32 v8, v4;
	[tilespmem:s17+$0x10] =	vst v5;
	v16 =	vld [tilespmem:s17+$0x30]  }
0x243: {  	v17 =	vld.idx.msk [tilespmem:v7+s7+$0x0], $0xffff;
	[tilespmem:s17+$0xFFFFFFC0] =	vst v6;
	v5 =	vmul.f32 v12, v2  }
0x244: {  	v4 =	vld.idx.msk [tilespmem:v9+s7+$0x0], $0xffff;
	[tilespmem:s17+$0xFFFFFFD0] =	vst v8;
	v6 =	vmul.f32 v13, v2  }
.Ltmp6:
0x245: {  	v2 =	vld.idx.msk [tilespmem:v10+s7+$0x0], $0xffff;
	[tilespmem:s17+$0xFFFFFFE0] =	vst v5;
	v7 =	vmul.f32 v14, v1;
	(pc) =	sbr.rel @p1 .LBB2_11-.Ltmp6, $4  }
0x246: {  	s17 =	sadd.s32 $0x80, s17;
	v1 =	vld.idx.msk [tilespmem:v11+s7+$0x0], $0xffff;
	[tilespmem:s19+$0xFFFFFFF0] =	vst v6;
	v8 =	vmul.f32 v15, v3  }
0x247: {  	v5 =	vld [tilespmem:s17+$0x10];
	[tilespmem:s19+$0x0] =	vst v7;
	v11 =	vmul.f32 v16, v3  }
0x248: {  	s22 =	sadd.s32 $0x1, s21;
	s23 =	sadd.s32 $0x3, s21;
	v7 =	vmov s21;
	v6 =	vld [tilespmem:s17+$0xFFFFFFC0];
	[tilespmem:s19+$0x20] =	vst v8  }
0x249: {  	v10 =	vmov s22;
	s22 =	sadd.s32 $0x2, s21;
	s21 =	sadd.s32 $0x4, s21;
	v9 =	vand.u32 $0xFFFFFFFC, v7;
	v7 =	vmov s23;
	v3 =	vmovc v17;
	v8 =	vld [tilespmem:s17+$0xFFFFFFD0];
	[tilespmem:s19+$0x30] =	vst v11;
	s19 =	smov.u32 s17  }
0x24a: {  	v12 =	vld [tilespmem:s17+$0xFFFFFFE0]  }
0x24b: {  	v13 =	vld [tilespmem:s17+$0xFFFFFFF0]  }
0x24c: {  	v14 =	vld [tilespmem:s17+$0x0]  }
0x24d: {  	v9 =	vbroadcast v9, $0x0;
	v11 =	vmov s22;
	v15 =	vld [tilespmem:s17+$0x20]  }
0x24e: {  	v16 =	vld [tilespmem:s17+$0x30];
	v11 =	vand.u32 $0xFFFFFFFE, v11  }
0x24f: {  	v10 =	vand.u32 $0xFFFFFFFD, v10;
	v7 =	vld.idx.msk [tilespmem:v7+s7+$0x0], $0xffff;
	s21 =	sadd.s32 $0x80, s17;
	v11 =	vbroadcast v11, $0x0  }
0x250: {  	v10 =	vbroadcast v10, $0x0;
	v58 =	vld [tilespmem:s21+$0x10];
	v5 =	vmul.f32 v5, v1  }
0x251: {  	v59 =	vld [tilespmem:s21+$0xFFFFFFC0];
	v6 =	vmul.f32 v6, v4  }
0x252: {  	v60 =	vld [tilespmem:s21+$0xFFFFFFD0];
	[tilespmem:s17+$0x10] =	vst v5;
	v57 =	vmul.f32 v12, v2  }
0x253: {  	[tilespmem:s17+$0xFFFFFFC0] =	vst v6;
	v1 =	vmul.f32 v14, v1;
	v9 =	vld.idx.msk [tilespmem:v9+s7+$0x0], $0xffff  }
0x254: {  	v61 =	vld [tilespmem:s21+$0xFFFFFFE0];
	v2 =	vmul.f32 v13, v2;
	[tilespmem:s17+$0xFFFFFFE0] =	vst v57  }
0x255: {  	[tilespmem:s19+$0x0] =	vst v1;
	v1 =	vmul.f32 v16, v3;
	v56 =	vld.idx.msk [tilespmem:v11+s7+$0x0], $0xffff  }
0x256: {  	v10 =	vld.idx.msk [tilespmem:v10+s7+$0x0], $0xffff;
	[tilespmem:s19+$0xFFFFFFF0] =	vst v2;
	v2 =	vmul.f32 v15, v3  }
0x257: {  	v55 =	vmul.f32 v8, v4;
	v3 =	vld [tilespmem:s21+$0xFFFFFFF0];
	[tilespmem:s19+$0x30] =	vst v1  }
0x258: {  	[tilespmem:s19+$0x20] =	vst v2;
	v2 =	vld [tilespmem:s21+$0x0];
	v1 =	vmul.f32 v59, v9  }
0x259: {  	v62 =	vld [tilespmem:s21+$0x20];
	[tilespmem:s17+$0xFFFFFFD0] =	vst v55;
	v6 =	vmul.f32 v60, v9  }
0x25a: {  	v63 =	vld [tilespmem:s21+$0x30];
	v8 =	vmul.f32 v58, v56;
	[tilespmem:s21+$0xFFFFFFC0] =	vst v1  }
0x25b: {  	v1 =	vmul.f32 v61, v10;
	[tilespmem:s21+$0xFFFFFFD0] =	vst v6  }
0x25c: {  	v3 =	vmul.f32 v3, v10;
	[tilespmem:s21+$0x10] =	vst v8  }
.Ltmp7:
0x25d: {  	[tilespmem:s21+$0xFFFFFFE0] =	vst v1;
	v1 =	vmul.f32 v2, v56;
	(pc) =	sbr.rel @p0 .LBB2_14-.Ltmp7, $4  }
0x25e: {  	[tilespmem:s21+$0xFFFFFFF0] =	vst v3;
	v2 =	vmul.f32 v62, v7  }
0x25f: {  	[tilespmem:s21+$0x0] =	vst v1;
	v1 =	vmul.f32 v63, v7  }
0x260: {  	[tilespmem:s21+$0x20] =	vst v2  }
0x261: {  	[tilespmem:s21+$0x30] =	vst v1  }
0x262: {  	s13 =	sadd.s32 $0x3, s13  }
0x263: {  	s17 =	sshll.u32 s13, $0xA  }
0x264: {  	s17 =	sadd.s32 s17, s18  }
0x265: {  	s17 =	sshrl.u32 s17, $0x3  }
0x266: {  	s19 =	sadd.s32 s3, s17  }
0x267: {  	[tilespmem:s11], [sflag:$0x4] =	stream.linear.gather [hbm4b:s19+s2], $0x400, $0x38;
	[tilespmem:$0x1E400] =	vst v63  }
.Ltmp8:
0x268: {  	_ = 	snop;
	(pc) =	sbr.rel .LBB2_4-.Ltmp8, $4  }
0x269: {  	s22 =	simm.s32 $0xC00;
	s13 =	sshll.u32 s13, $0x7;
	s17 =	sadd.s32 s4, s17  }
0x26a: {  	[tilespmem:s22], [sflag:$0x4] =	stream.linear.gather [hbm4b:s17+s2], $0x400, $0x38;
	[tilespmem:$0x1E400] =	vst v63  }
0x26b: {  	s23 =	simm.s32 $0x1400;
	s12 =	sadd.s32 $0x1, s12;
	s13 =	sadd.s32 s13, s20  }
0x26c: {  	[tilespmem:s23], [sflag:$0x4] =	stream.linear.gather [hbm4b:s13+s2], $0x400, $0x38;
	[tilespmem:$0x1E400] =	vst v63  }
.LBB2_15:
0x26d: {  	_ =	sfence.sel $0x180000  }
0x26e: {  	[bflag:$0x0] =	sbarrier.arrive $0xFFFF  }
0x26f: {  	_ =	strace $0x9000004A  }
0x270: {  	s0 =	stileid.u32;
	[bflag:$0x2] =	sbarrier.arrive $0xFFFF  }
0x271: {  	p0 =	sne.s32 s0, $0x0;
	s0 =	rddreg [dreg:$0x4]  }
0x272: {  	s0 =	sadd.s32 @!p0 $0x100000, s0  }
0x273: {  	[sflag:s0] =	ssyncadd.tile.s32 @!p0 $0x1;
	_ =	shalt  }
.Lfunc_end2:
_tile_overlayer_lowered:
.L_overlay_start_2:
0x274: {  	(tag) =	ssettag $0x2  }
0x275: {  	s0 =	rddreg [dreg:$0x0];
	s2 =	stileid.u32  }
0x276: {  	s1 =	rddreg [dreg:$0x1];
	p0 =	sne.s32 s2, $0x0  }
0x277: {  	s3 =	rddreg [dreg:$0x2];
	[bflag:$0x3] =	sbarrier.arrive $0xFFFF;
	s2 =	simm.s32 @!p0 $0x1C05  }
0x278: {  	[timem:s3], [sflag:s2] =	dma.local @!p0 [hbm:s0], s1  }
0x279: {  	s0 =	simm.s32 @!p0 $0x5  }
0x27a: {  	_ =	swait.ge @!p0 [sflag:s0], s1  }
0x27b: {  	s1 =	ssub.s32 @!p0 $0x0, s1;
	[sflag:s0] =	ssyncset.done @!p0 $0x0  }
0x27c: {  	[sflag:s0] =	ssyncadd.s32 @!p0 s1  }
0x27d: {  	[bflag:$0x3] =	sbarrier.arrive $0xFFFF  }
0x27e: {  	_ =	shalt  }

// kernel: kernel.8.cloned.1.call-start
scs
__scs_entry_jumppad:
0x0: {  	(pc) =	sbr.rel $0x88, $3  }
0x1: {  	(tag) =	ssettag $0x0;
	lr =	simm.s32 $0x1  }
0x2: {  	[smem:$0x3F92] =	sst lr;
	_ =	strace $0xD0000000  }
0x3: {  	_ = 	snop  }
0x4: {  	_ = 	snop  }
0x5: {  	_ = 	snop  }
0x6: {  	_ = 	snop  }
0x7: {  	_ = 	snop  }
__scs_overlays_trampoline_lowered:
0x8: {  	[smem:$0x3FA1] =	sst s0  }
0x9: {  	[smem:$0x3FA2] =	sst s1  }
0xa: {  	[smem:$0x3FA3] =	sst s2  }
0xb: {  	[smem:$0x3FA4] =	sst s3  }
0xc: {  	[smem:$0x3FA5] =	sst s4  }
0xd: {  	[smem:$0x3FA6] =	sst s5  }
0xe: {  	[smem:$0x3FA7] =	sst s6  }
0xf: {  	[smem:$0x3FA8] =	sst s7  }
0x10: {  	[smem:$0x3FA9] =	sst s8  }
0x11: {  	[smem:$0x3FAA] =	sst s9;
	s0 =	simm.s32 @!p0 $0x0  }
0x12: {  	s1 =	sld [smem:$0x3F90];
	s0 =	simm.s32 @p0 $0x1  }
0x13: {  	[smem:$0x3FAB] =	sst s0;
	s0 =	simm.s32 @!p1 $0x0  }
0x14: {  	s2 =	sld [smem:$0x3F8F];
	s0 =	simm.s32 @p1 $0x1  }
0x15: {  	[smem:$0x3FAC] =	sst s0;
	s0 =	simm.s32 @!p2 $0x0  }
0x16: {  	s3 =	sld [smem:$0x3FDB];
	s0 =	simm.s32 @p2 $0x1  }
0x17: {  	s4 =	simm.s32 $0x1BF5;
	[smem:$0x3FAE] =	sst s0  }
0x18: {  	s0 =	sld [smem:$0x3F91];
	_ =	swait.ge [sflag:s4], $0x0  }
0x19: {  	s7 =	sld [smem:$0x3F92]  }
0x1a: {  	s8 =	sadd.s32 $0xFFFFE003, lr  }
0x1b: {  	s9 =	sadd.s32 $0xFFFFFEF7, lr;
	s5 =	simm.s32 $0xFFFFFFFF;
	p2 =	slt.u32 s8, $0xFFFFF086  }
0x1c: {  	p1 =	slt.u32 s9, $0xF7A;
	s5 =	simm.s32 @!p2 $0x0  }
0x1d: {  	s5 =	simm.s32 @p1 $0x1;
	p0 =	seq.s32 s7, s2  }
0x1e: {  	s7 =	smul.u32 @!p0 $0xF7A, s2;
	p2 =	seq.s32 @!p0 s5, $0x0  }
0x1f: {  	s9 =	smul.u32 $0xF7A, s1;
	s8 =	simm.s32 @!p0 $0x1BF5;
	p2 =	por !p2, p0  }
0x20: {  	[sflag:s8] =	ssyncset.s32 @!p0 $0xFFFFF086;
	s6 =	sadd.s32 @!p0 s3, s7;
	s7 =	simm.s32 @!p0 $0x108  }
0x21: {  	s3 =	sadd.s32 s3, s9;
	s6 =	sadd.s32 @!p0 $0x88, s6;
	s7 =	simm.s32 @p2 $0x1082  }
0x22: {  	[simem:s7], [sflag:s8] =	dma.local @!p0 [hbm:s6], $0xF7A  }
0x23: {  	s9 =	sor.u32 $0xD0000000, s2;
	s6 =	simm.s32 $0x108;
	_ =	swait.ge @!p0 [sflag:s8], $0x0  }
0x24: {  	s3 =	sadd.s32 $0x88, s3;
	s6 =	simm.s32 @!p1 $0x1082;
	[sflag:s4] =	ssyncset.s32 $0xFFFFF086  }
0x25: {  	[simem:s6], [sflag:s4] =	dma.local [hbm:s3], $0xF7A  }
0x26: {  	[smem:$0x3F92] =	sst s1;
	(tag) =	ssettag s2;
	_ =	strace s9  }
0x27: {  	s1 =	sld [smem:$0x3FA2]  }
0x28: {  	s2 =	sld [smem:$0x3FA3]  }
0x29: {  	s4 =	sld [smem:$0x3FA5]  }
0x2a: {  	p0 =	seq.s32 s5, $0x0;
	s5 =	sld [smem:$0x3FA6]  }
0x2b: {  	s6 =	sld [smem:$0x3FA7]  }
0x2c: {  	s7 =	sld [smem:$0x3FA8]  }
0x2d: {  	s3 =	simm.s32 $0x108;
	s8 =	sld [smem:$0x3FA9]  }
0x2e: {  	s3 =	simm.s32 @!p0 $0x1082;
	s9 =	sld [smem:$0x3FAA]  }
0x2f: {  	lr =	sadd.s32 s0, s3;
	s0 =	sld [smem:$0x3FA1]  }
0x30: {  	s3 =	sld [smem:$0x3FA4]  }
0x31: {  	[smem:$0x3FAD] =	sst s10  }
0x32: {  	s10 =	sld [smem:$0x3FAB];
	_ =	sdelay $0x3  }
0x33: {  	p0 =	seq.s32 s10, $0x1;
	s10 =	sld [smem:$0x3FAD];
	_ =	sdelay $0x3  }
0x34: {  	[smem:$0x3FAD] =	sst s10  }
0x35: {  	s10 =	sld [smem:$0x3FAC];
	_ =	sdelay $0x3  }
0x36: {  	p1 =	seq.s32 s10, $0x1;
	s10 =	sld [smem:$0x3FAD];
	_ =	sdelay $0x3  }
0x37: {  	[smem:$0x3FAD] =	sst s10  }
0x38: {  	s10 =	sld [smem:$0x3FAE]  }
0x39: {  	_ = 	snop;
	(pc) =	sbr.ind lr, $3  }
0x3a: {  	_ = 	snop  }
0x3b: {  	_ = 	snop  }
0x3c: {  	p2 =	seq.s32 s10, $0x1;
	s10 =	sld [smem:$0x3FAD]  }
0x3d: {  	_ =	shalt  }
0x3e: {  	_ =	shalt  }
0x3f: {  	_ =	shalt  }
0x40: {  	_ =	shalt  }
0x41: {  	_ =	shalt  }
0x42: {  	_ =	shalt  }
0x43: {  	_ =	shalt  }
0x44: {  	_ =	shalt  }
0x45: {  	_ =	shalt  }
0x46: {  	_ =	shalt  }
0x47: {  	_ =	shalt  }
0x48: {  	_ =	shalt  }
0x49: {  	_ =	shalt  }
0x4a: {  	_ =	shalt  }
0x4b: {  	_ =	shalt  }
0x4c: {  	_ =	shalt  }
0x4d: {  	_ =	shalt  }
0x4e: {  	_ =	shalt  }
0x4f: {  	_ =	shalt  }
0x50: {  	_ =	shalt  }
0x51: {  	_ =	shalt  }
0x52: {  	_ =	shalt  }
0x53: {  	_ =	shalt  }
0x54: {  	_ =	shalt  }
0x55: {  	_ =	shalt  }
0x56: {  	_ =	shalt  }
0x57: {  	_ =	shalt  }
0x58: {  	_ =	shalt  }
0x59: {  	_ =	shalt  }
0x5a: {  	_ =	shalt  }
0x5b: {  	_ =	shalt  }
0x5c: {  	_ =	shalt  }
0x5d: {  	_ =	shalt  }
0x5e: {  	_ =	shalt  }
0x5f: {  	_ =	shalt  }
0x60: {  	_ =	shalt  }
0x61: {  	_ =	shalt  }
0x62: {  	_ =	shalt  }
0x63: {  	_ =	shalt  }
0x64: {  	_ =	shalt  }
0x65: {  	_ =	shalt  }
0x66: {  	_ =	shalt  }
0x67: {  	_ =	shalt  }
0x68: {  	_ =	shalt  }
0x69: {  	_ =	shalt  }
0x6a: {  	_ =	shalt  }
0x6b: {  	_ =	shalt  }
0x6c: {  	_ =	shalt  }
0x6d: {  	_ =	shalt  }
0x6e: {  	_ =	shalt  }
0x6f: {  	_ =	shalt  }
0x70: {  	_ =	shalt  }
0x71: {  	_ =	shalt  }
0x72: {  	_ =	shalt  }
0x73: {  	_ =	shalt  }
0x74: {  	_ =	shalt  }
0x75: {  	_ =	shalt  }
0x76: {  	_ =	shalt  }
0x77: {  	_ =	shalt  }
0x78: {  	_ =	shalt  }
0x79: {  	_ =	shalt  }
0x7a: {  	_ =	shalt  }
0x7b: {  	_ =	shalt  }
0x7c: {  	_ =	shalt  }
0x7d: {  	_ =	shalt  }
0x7e: {  	_ =	shalt  }
0x7f: {  	_ =	shalt  }
0x80: {  	_ =	shalt  }
0x81: {  	_ =	shalt  }
0x82: {  	_ =	shalt  }
0x83: {  	_ =	shalt  }
0x84: {  	_ =	shalt  }
0x85: {  	_ =	shalt  }
0x86: {  	_ =	shalt  }
0x87: {  	_ =	shalt  }
.Lfunc_end0:
.L_simem_size_0:
called_computation_lowered:
.L_overlay_start_0:
0x88: {  	s2 =	sld [smem:$0x3FD9]  }
0x89: {  	s3 =	sld [smem:$0x3FFE];
	_ =	sdelay $0x1  }
0x8a: {  	s1 =	srdreg.scid  }
0x8b: {  	s0 =	sand.u32 $0x1, s1  }
0x8c: {  	s17 =	sshll.u32 s0, $0xA;
	s2 =	sadd.s32 s3, s2  }
0x8d: {  	s2 =	sadd.s32 s2, s17  }
0x8e: {  	[smem:$0x3FB9] =	sst s2  }
0x8f: {  	_ = 	snop  }
0x90: {  	s2 =	sld [smem:$0x3FD0];
	(tm) =	ssettm $0x1  }
0x91: {  	s18 =	sld [smem:$0x3FFB];
	_ =	sdelay $0x3  }
0x92: {  	_ =	strace s18  }
0x93: {  	s3 =	sld [smem:$0x3FFC];
	_ =	sdelay $0x3  }
0x94: {  	_ =	strace s3  }
0x95: {  	s3 =	sld [smem:$0x3FFD];
	_ =	sdelay $0x3  }
0x96: {  	_ =	strace s3  }
0x97: {  	_ =	strace $0x8FFFFFFF  }
0x98: {  	s19 =	sld [smem:$0x3FDB];
	_ =	sdelay $0x1  }
0x99: {  	s4 =	simm.s32 $_scs_section_size  }
0x9a: {  	s5 =	simm.s32 $_size__tile_overlayer_lowered;
	s6 =	simm.s32 $_tile_overlayer_lowered  }
0x9b: {  	s22 =	simm.s32 $0x1BFF;
	s21 =	sshll.u32 s6, $0x1;
	s3 =	sadd.s32 s4, s19  }
0x9c: {  	s7 =	simm.s32 $0x0;
	s20 =	sshll.u32 s5, $0x1;
	s5 =	sadd.s32 s21, s3  }
0x9d: {  	[timem:s7], [sflag:s22] =	dma.local [hbm:s5], s20  }
0x9e: {  	_ =	swait.ge [sflag:s22], s20  }
0x9f: {  	s4 =	ssub.s32 $0x0, s20;
	[sflag:s22] =	ssyncset.done $0x0  }
0xa0: {  	[sflag:s22] =	ssyncadd.s32 s4;
	_ =	sdelay $0x1  }
0xa1: {  	s23 =	simm.s32 $0x1B8B  }
0xa2: {  	_ =	swait.ge [sflag:s23], $0x1  }
0xa3: {  	[sflag:s23] =	ssyncset.done $0x0  }
0xa4: {  	s25 =	simm.s32 $0x1B8E;
	s24 =	sld [smem:$0x3FFE];
	[sflag:s23] =	ssyncadd.s32 $0xFFFFFFFF  }
0xa5: {  	s26 =	simm.s32 $execute0_lowered;
	[smem:$0x3FD2] =	sst s25  }
0xa6: {  	s5 =	sshll.u32 s26, $0x1;
	_ =	strace $0x80000046;
	[dreg:$0x1] =	wrdreg $0xFFFFFFFF  }
0xa7: {  	s28 =	simm.s32 $_size_execute0_lowered;
	s3 =	sadd.s32 s3, s5;
	[dreg:$0x0] =	wrdreg $0x0  }
0xa8: {  	s5 =	sshll.u32 s28, $0x1;
	[dreg:$0x2] =	wrdreg s3  }
0xa9: {  	[dreg:$0x3] =	wrdreg s5  }
0xaa: {  	[dreg:$0x4] =	wrdreg $0xC0  }
0xab: {  	_ =	task [dreg:s7], $0x5FFFF  }
0xac: {  	[dreg:$0x1] =	wrdreg $0xFFFFFFFF  }
0xad: {  	[dreg:$0x0] =	wrdreg $0x60  }
0xae: {  	[dreg:$0x2] =	wrdreg s24  }
0xaf: {  	[dreg:$0x3] =	wrdreg s2  }
0xb0: {  	[dreg:$0x4] =	wrdreg $0x13F000  }
0xb1: {  	[dreg:$0x5] =	wrdreg $0x1DF000  }
0xb2: {  	[dreg:$0x6] =	wrdreg $0x9  }
0xb3: {  	_ =	task.clear_ibuf [dreg:s7], $0x7FFFF;
	_ =	strace $0x90000046  }
0xb4: {  	s29 =	simm.s32 $0x9;
	_ =	strace $0x80000048  }
0xb5: {  	_ =	swait.ge [sflag:s29], $0x1  }
0xb6: {  	[sflag:s29] =	ssyncadd.s32 $0xFFFFFFFF  }
0xb7: {  	_ =	strace $0x90000048  }
0xb8: {  	_ =	sfence  }
0xb9: {  	s30 =	sld [smem:$0x0];
	_ =	sdelay $0x2  }
0xba: {  	s31 =	sshll.u32 s1, $0xD;
	s1 =	sshrl.u32 s1, $0x2  }
0xbb: {  	s3 =	sand.u32 $0x4000, s31;
	s1 =	sadd.s32 s1, s30  }
0xbc: {  	s0 =	sor.u32 s3, s0;
	s1 =	sshll.u32 s1, $0x11  }
0xbd: {  	s0 =	sor.u32 s1, s0  }
0xbe: {  	s0 =	sadd.s32 $0x8F2B, s0  }
0xbf: {  	[sflag:s0] =	ssyncadd.remote.s32 $0x1  }
0xc0: {  	_ =	sfence.sel $0xFFFF  }
0xc1: {  	[dreg:$0x0] =	wrdreg $0xFFFFFFFF;
	(pc) =	sbr.abs _section_cstart, $3  }
0xc2: {  	[dreg:$0x1] =	wrdreg $0xFFFFFFFF  }
0xc3: {  	_ =	task.clear_ibuf [dreg:s7], $0x2FFFF;
	_ =	strace $0x9FFFFFFF  }
0xc4: {  	(tm) =	ssettm $0x7FFFFFFF  }
0xc5: {  	_ =	shalt  }
tec
execute0_lowered:
.L_overlay_start_1:
0x0: {  	(tag) =	ssettag $0x1  }
0x1: {  	s0 =	rddreg [dreg:$0x0]  }
0x2: {  	s1 =	rddreg [dreg:$0x1]  }
0x3: {  	s6 =	rddreg [dreg:$0x2]  }
0x4: {  	s2 =	srdreg.scid;
	s16 =	stileid.u32  }
0x5: {  	s7 =	rddreg [dreg:$0x3];
	s28 =	simm.s32 $0xF000;
	s9 =	smul.u32 $0xA000, s16  }
0x6: {  	s29 =	simm.s32 $0x680;
	s30 =	simm.s32 $0x10000;
	s10 =	smul.u32 $0x500, s16  }
0x7: {  	s8 =	sand.u32 $0x1, s2;
	s2 =	simm.s32 $0x0;
	s14 =	smul.u32 $0x28000, s16  }
0x8: {  	s3 =	sadd.s32 $0x2BE00, s0;
	s4 =	sadd.s32 $0x3E00, s0;
	s5 =	smul.u32 $0xA0000, s8  }
0x9: {  	[smem:$0x7FF] =	sst s2;
	s11 =	smul.u32 $0x5000, s8;
	s13 =	ssub.s32 $0x2, s8  }
0xa: {  	_ =	strace $0x80000047;
	s21 =	sshrl.u32 s13, $0x1;
	s14 =	sshrl.u32 s14, $0x2  }
0xb: {  	s17 =	sadd.s32 s9, s6;
	s19 =	sadd.s32 s10, s7;
	s12 =	sadd.s32 s9, s5  }
0xc: {  	s5 =	sadd.s32 $0xF0200, s0;
	s11 =	sadd.s32 s10, s11;
	s12 =	sshrl.u32 s12, $0x3  }
0xd: {  	[dreg:$0x5] =	wrdreg s17;
	s11 =	sshrl.u32 s11, $0x3;
	s12 =	sadd.s32 s12, s0  }
0xe: {  	s0 =	sadd.s32 s11, s0;
	s11 =	ssub.s32 s13, s21;
	s13 =	sadd.s32 s14, s6  }
0xf: {  	s31 =	simm.s32 $0x700;
	[dreg:$0xe] =	wrdreg s19;
	s23 =	sadd.s32 $0xA00, s13  }
0x10: {  	s15 =	sand.u32 $0x1, s16;
	s24 =	sadd.s32 $0x1400, s13;
	[dreg:$0x6] =	wrdreg s23  }
0x11: {  	s22 =	sshrl.u32 s16, $0x1;
	s25 =	sadd.s32 $0x1E00, s13;
	[dreg:$0x7] =	wrdreg s24  }
0x12: {  	s8 =	sshll.u32 s8, $0x1;
	s26 =	sadd.s32 $0x2800, s13;
	[dreg:$0x8] =	wrdreg s25  }
0x13: {  	s18 =	smul.u32 $0xA000, s22;
	s9 =	sadd.s32 $0x3200, s13;
	[dreg:$0x9] =	wrdreg s26  }
0x14: {  	s22 =	smul.u32 $0xA00, s15;
	s16 =	sadd.s32 $0x3C00, s13;
	[dreg:$0xa] =	wrdreg s9  }
0x15: {  	s8 =	sor.u32 s15, s8;
	s20 =	sadd.s32 $0x4600, s13;
	[dreg:$0xb] =	wrdreg s16  }
0x16: {  	s6 =	simm.s32 $0x12000;
	s21 =	sadd.s32 $0x5000, s13;
	[dreg:$0xc] =	wrdreg s20  }
0x17: {  	s7 =	sadd.s32 $0x6E00, s13;
	s10 =	sadd.s32 $0x8200, s13;
	[dreg:$0xd] =	wrdreg s21  }
0x18: {  	s14 =	sadd.s32 $0x8C00, s13;
	s15 =	sadd.s32 $0x9600, s13;
	[dreg:$0x11] =	wrdreg s7  }
0x19: {  	s0 =	sadd.s32 $0x7E600, s0;
	s23 =	smul.u32 $0x50000, s8;
	[dreg:$0x13] =	wrdreg s10  }
0x1a: {  	s24 =	sshrl.u32 s18, $0x7;
	s25 =	sadd.s32 $0x5A00, s13;
	[dreg:$0x14] =	wrdreg s14  }
0x1b: {  	s26 =	sadd.s32 $0x6400, s13;
	s9 =	sadd.s32 $0x7800, s13;
	[dreg:$0x15] =	wrdreg s15  }
0x1c: {  	[dreg:$0x1b] =	wrdreg s0;
	s10 =	simm.s32 $0x80;
	s14 =	simm.s32 $0x1  }
0x1d: {  	s0 =	simm.s32 $0x780;
	s15 =	simm.s32 $0x2800;
	[dreg:$0xf] =	wrdreg s25  }
0x1e: {  	s7 =	simm.s32 $0x2C00;
	s13 =	simm.s32 $0x0;
	[dreg:$0x10] =	wrdreg s26  }
0x1f: {  	s8 =	sadd.s32 s22, s24;
	[dreg:$0x12] =	wrdreg s9;
	s24 =	sadd.s32 $0x56600, s12  }
0x20: {  	s25 =	smax.u32 s11, $0x1;
	s11 =	simm.s32 $0x400;
	s9 =	simm.s32 $0x2  }
0x21: {  	s18 =	sadd.s32 s18, s23;
	s8 =	sshll.u32 s8, $0x4;
	[dreg:$0x1a] =	wrdreg s24  }
0x22: {  	[dreg:$0x1c] =	wrdreg s25;
	s24 =	simm.s32 $0x580;
	s16 =	sshrl.u32 s18, $0x3  }
0x23: {  	s25 =	simm.s32 $0xE000;
	s20 =	sadd.s32 s1, s8;
	s21 =	sadd.s32 s3, s16  }
.Ltmp0:
0x24: {  	s22 =	sadd.s32 s4, s16;
	[dreg:$0x16] =	wrdreg s21;
	(pc) =	sbr.rel .LBB2_1-.Ltmp0, $4  }
0x25: {  	s1 =	sor.u32 $0x80, s16;
	s26 =	sadd.s32 $0x80, s20;
	[dreg:$0x17] =	wrdreg s22  }
0x26: {  	s8 =	simm.s32 $0x5;
	s23 =	sadd.s32 s3, s1;
	[dreg:$0x1d] =	wrdreg s26  }
0x27: {  	s16 =	simm.s32 $0x4;
	s1 =	sadd.s32 s4, s1;
	[dreg:$0x18] =	wrdreg s23  }
0x28: {  	v0 =	vimm.f32 $0.0e+00;
	s26 =	simm.s32 $0x600;
	[dreg:$0x19] =	wrdreg s1;
	s1 =	simm.s32 $0x11000  }
.LBB2_14:
0x29: {  	s12 =	stileid.u32;
	[bflag:$0x0] =	sbarrier.arrive $0xFFFF  }
0x2a: {  	s12 =	sshll.u32 s12, $0x6;
	s17 =	rddreg [dreg:$0x5]  }
0x2b: {  	s19 =	rddreg [dreg:$0x1a];
	s12 =	sor.u32 $0x1C05, s12;
	s13 =	sshrl.u32 s17, $0x3  }
0x2c: {  	[hbm:s19], [sflag:s12] =	dma.local [spmem:s13], $0x1400  }
0x2d: {  	_ =	swait.ge [sflag:s8], $0x1400  }
0x2e: {  	[sflag:s8] =	ssyncset.done $0x0;
	s19 =	rddreg [dreg:$0xe]  }
0x2f: {  	s21 =	rddreg [dreg:$0x1b];
	[sflag:s8] =	ssyncadd.s32 $0xFFFFEC00;
	s23 =	sshrl.u32 s19, $0x3  }
0x30: {  	[hbm:s21], [sflag:s12] =	dma.local [spmem:s23], $0xA0  }
0x31: {  	_ =	swait.ge [sflag:s8], $0xA0  }
0x32: {  	s22 =	rddreg [dreg:$0x1e]  }
0x33: {  	s23 =	rddreg [dreg:$0x1c];
	s13 =	sadd.s32 $0x1, s22  }
0x34: {  	p0 =	sne.s32 s13, s23  }
.Ltmp1:
0x35: {  	_ = 	snop;
	(pc) =	sbr.rel @!p0 .LBB2_15-.Ltmp1, $3  }
0x36: {  	_ =	sdelay $0x1  }
0x37: {  	[sflag:s8] =	ssyncset.done $0x0  }
0x38: {  	[sflag:s8] =	ssyncadd.s32 $0xFFFFFF60  }
.LBB2_1:
0x39: {  	[tilespmem:$0x13000] =	vst v0  }
0x3a: {  	[tilespmem:$0x13010] =	vst v0  }
0x3b: {  	[tilespmem:$0x13020] =	vst v0  }
0x3c: {  	[tilespmem:$0x13030] =	vst v0  }
0x3d: {  	[tilespmem:$0x13040] =	vst v0  }
0x3e: {  	[tilespmem:$0x13050] =	vst v0  }
0x3f: {  	[tilespmem:$0x13060] =	vst v0  }
0x40: {  	[tilespmem:$0x13070] =	vst v0  }
0x41: {  	[tilespmem:$0x13080] =	vst v0  }
0x42: {  	[tilespmem:$0x13090] =	vst v0  }
0x43: {  	[tilespmem:$0x130A0] =	vst v0  }
0x44: {  	[tilespmem:$0x130B0] =	vst v0  }
0x45: {  	[tilespmem:$0x130C0] =	vst v0  }
0x46: {  	[tilespmem:$0x130D0] =	vst v0  }
0x47: {  	[tilespmem:$0x130E0] =	vst v0  }
0x48: {  	[tilespmem:$0x130F0] =	vst v0  }
0x49: {  	[tilespmem:$0x13100] =	vst v0  }
0x4a: {  	[tilespmem:$0x13110] =	vst v0  }
0x4b: {  	[tilespmem:$0x13120] =	vst v0  }
0x4c: {  	[tilespmem:$0x13130] =	vst v0  }
0x4d: {  	[tilespmem:$0x13140] =	vst v0  }
0x4e: {  	[tilespmem:$0x13150] =	vst v0  }
0x4f: {  	[tilespmem:$0x13160] =	vst v0  }
0x50: {  	[tilespmem:$0x13170] =	vst v0  }
0x51: {  	[tilespmem:$0x13180] =	vst v0  }
0x52: {  	[tilespmem:$0x13190] =	vst v0  }
0x53: {  	[tilespmem:$0x131A0] =	vst v0  }
0x54: {  	[tilespmem:$0x131B0] =	vst v0  }
0x55: {  	[tilespmem:$0x131C0] =	vst v0  }
0x56: {  	[tilespmem:$0x131D0] =	vst v0  }
0x57: {  	[tilespmem:$0x131E0] =	vst v0  }
0x58: {  	[tilespmem:$0x131F0] =	vst v0  }
0x59: {  	[tilespmem:$0x13200] =	vst v0  }
0x5a: {  	[tilespmem:$0x13210] =	vst v0  }
0x5b: {  	[tilespmem:$0x13220] =	vst v0  }
0x5c: {  	[tilespmem:$0x13230] =	vst v0  }
0x5d: {  	[tilespmem:$0x13240] =	vst v0  }
0x5e: {  	[tilespmem:$0x13250] =	vst v0  }
0x5f: {  	[tilespmem:$0x13260] =	vst v0  }
0x60: {  	[tilespmem:$0x13270] =	vst v0  }
0x61: {  	[tilespmem:$0x13280] =	vst v0  }
0x62: {  	[tilespmem:$0x13290] =	vst v0  }
0x63: {  	[tilespmem:$0x132A0] =	vst v0  }
0x64: {  	[tilespmem:$0x132B0] =	vst v0  }
0x65: {  	[tilespmem:$0x132C0] =	vst v0  }
0x66: {  	[tilespmem:$0x132D0] =	vst v0  }
0x67: {  	[tilespmem:$0x132E0] =	vst v0  }
0x68: {  	[tilespmem:$0x132F0] =	vst v0  }
0x69: {  	[tilespmem:$0x13300] =	vst v0  }
0x6a: {  	[tilespmem:$0x13310] =	vst v0  }
0x6b: {  	[tilespmem:$0x13320] =	vst v0  }
0x6c: {  	[tilespmem:$0x13330] =	vst v0  }
0x6d: {  	[tilespmem:$0x13340] =	vst v0  }
0x6e: {  	[tilespmem:$0x13350] =	vst v0  }
0x6f: {  	[tilespmem:$0x13360] =	vst v0  }
0x70: {  	[tilespmem:$0x13370] =	vst v0  }
0x71: {  	[tilespmem:$0x13380] =	vst v0  }
0x72: {  	[tilespmem:$0x13390] =	vst v0  }
0x73: {  	[tilespmem:$0x133A0] =	vst v0  }
0x74: {  	[tilespmem:$0x133B0] =	vst v0  }
0x75: {  	[tilespmem:$0x133C0] =	vst v0  }
0x76: {  	[tilespmem:$0x133D0] =	vst v0  }
0x77: {  	[tilespmem:$0x133E0] =	vst v0  }
0x78: {  	[tilespmem:$0x133F0] =	vst v0  }
0x79: {  	[tilespmem:$0x13400] =	vst v0  }
0x7a: {  	[tilespmem:$0x13410] =	vst v0  }
0x7b: {  	[tilespmem:$0x13420] =	vst v0  }
0x7c: {  	[tilespmem:$0x13430] =	vst v0  }
0x7d: {  	[tilespmem:$0x13440] =	vst v0  }
0x7e: {  	[tilespmem:$0x13450] =	vst v0  }
0x7f: {  	[tilespmem:$0x13460] =	vst v0  }
0x80: {  	[tilespmem:$0x13470] =	vst v0  }
0x81: {  	[tilespmem:$0x13480] =	vst v0  }
0x82: {  	[tilespmem:$0x13490] =	vst v0  }
0x83: {  	[tilespmem:$0x134A0] =	vst v0  }
0x84: {  	[tilespmem:$0x134B0] =	vst v0  }
0x85: {  	[tilespmem:$0x134C0] =	vst v0  }
0x86: {  	[tilespmem:$0x134D0] =	vst v0  }
0x87: {  	[tilespmem:$0x134E0] =	vst v0  }
0x88: {  	[tilespmem:$0x134F0] =	vst v0  }
0x89: {  	[tilespmem:$0x13500] =	vst v0  }
0x8a: {  	[tilespmem:$0x13510] =	vst v0  }
0x8b: {  	[tilespmem:$0x13520] =	vst v0  }
0x8c: {  	[tilespmem:$0x13530] =	vst v0  }
0x8d: {  	[tilespmem:$0x13540] =	vst v0  }
0x8e: {  	[tilespmem:$0x13550] =	vst v0  }
0x8f: {  	[tilespmem:$0x13560] =	vst v0  }
0x90: {  	[tilespmem:$0x13570] =	vst v0  }
0x91: {  	[tilespmem:$0x13580] =	vst v0  }
0x92: {  	[tilespmem:$0x13590] =	vst v0  }
0x93: {  	[tilespmem:$0x135A0] =	vst v0  }
0x94: {  	[tilespmem:$0x135B0] =	vst v0  }
0x95: {  	[tilespmem:$0x135C0] =	vst v0  }
0x96: {  	[tilespmem:$0x135D0] =	vst v0  }
0x97: {  	[tilespmem:$0x135E0] =	vst v0  }
0x98: {  	[tilespmem:$0x135F0] =	vst v0  }
0x99: {  	[tilespmem:$0x13600] =	vst v0  }
0x9a: {  	[tilespmem:$0x13610] =	vst v0  }
0x9b: {  	[tilespmem:$0x13620] =	vst v0  }
0x9c: {  	[tilespmem:$0x13630] =	vst v0  }
0x9d: {  	[tilespmem:$0x13640] =	vst v0  }
0x9e: {  	[tilespmem:$0x13650] =	vst v0  }
0x9f: {  	[tilespmem:$0x13660] =	vst v0  }
0xa0: {  	[tilespmem:$0x13670] =	vst v0  }
0xa1: {  	[tilespmem:$0x13680] =	vst v0  }
0xa2: {  	[tilespmem:$0x13690] =	vst v0  }
0xa3: {  	[tilespmem:$0x136A0] =	vst v0  }
0xa4: {  	[tilespmem:$0x136B0] =	vst v0  }
0xa5: {  	[tilespmem:$0x136C0] =	vst v0  }
0xa6: {  	[tilespmem:$0x136D0] =	vst v0  }
0xa7: {  	[tilespmem:$0x136E0] =	vst v0  }
0xa8: {  	[tilespmem:$0x136F0] =	vst v0  }
0xa9: {  	[tilespmem:$0x13700] =	vst v0  }
0xaa: {  	[tilespmem:$0x13710] =	vst v0  }
0xab: {  	[tilespmem:$0x13720] =	vst v0  }
0xac: {  	[tilespmem:$0x13730] =	vst v0  }
0xad: {  	[tilespmem:$0x13740] =	vst v0  }
0xae: {  	[tilespmem:$0x13750] =	vst v0  }
0xaf: {  	[tilespmem:$0x13760] =	vst v0  }
0xb0: {  	[tilespmem:$0x13770] =	vst v0  }
0xb1: {  	[tilespmem:$0x13780] =	vst v0  }
0xb2: {  	[tilespmem:$0x13790] =	vst v0  }
0xb3: {  	[tilespmem:$0x137A0] =	vst v0  }
0xb4: {  	[tilespmem:$0x137B0] =	vst v0  }
0xb5: {  	[tilespmem:$0x137C0] =	vst v0  }
0xb6: {  	[tilespmem:$0x137D0] =	vst v0  }
0xb7: {  	[tilespmem:$0x137E0] =	vst v0  }
0xb8: {  	[tilespmem:$0x137F0] =	vst v0  }
0xb9: {  	[tilespmem:$0x13800] =	vst v0  }
0xba: {  	[tilespmem:$0x13810] =	vst v0  }
0xbb: {  	[tilespmem:$0x13820] =	vst v0  }
0xbc: {  	[tilespmem:$0x13830] =	vst v0  }
0xbd: {  	[tilespmem:$0x13840] =	vst v0  }
0xbe: {  	[tilespmem:$0x13850] =	vst v0  }
0xbf: {  	[tilespmem:$0x13860] =	vst v0  }
0xc0: {  	[tilespmem:$0x13870] =	vst v0  }
0xc1: {  	[tilespmem:$0x13880] =	vst v0  }
0xc2: {  	[tilespmem:$0x13890] =	vst v0  }
0xc3: {  	[tilespmem:$0x138A0] =	vst v0  }
0xc4: {  	[tilespmem:$0x138B0] =	vst v0  }
0xc5: {  	[tilespmem:$0x138C0] =	vst v0  }
0xc6: {  	[tilespmem:$0x138D0] =	vst v0  }
0xc7: {  	[tilespmem:$0x138E0] =	vst v0  }
0xc8: {  	[tilespmem:$0x138F0] =	vst v0  }
0xc9: {  	[tilespmem:$0x13900] =	vst v0  }
0xca: {  	[tilespmem:$0x13910] =	vst v0  }
0xcb: {  	[tilespmem:$0x13920] =	vst v0  }
0xcc: {  	[tilespmem:$0x13930] =	vst v0  }
0xcd: {  	[tilespmem:$0x13940] =	vst v0  }
0xce: {  	[tilespmem:$0x13950] =	vst v0  }
0xcf: {  	[tilespmem:$0x13960] =	vst v0  }
0xd0: {  	[tilespmem:$0x13970] =	vst v0  }
0xd1: {  	[tilespmem:$0x13980] =	vst v0  }
0xd2: {  	[tilespmem:$0x13990] =	vst v0  }
0xd3: {  	[tilespmem:$0x139A0] =	vst v0  }
0xd4: {  	[tilespmem:$0x139B0] =	vst v0  }
0xd5: {  	[tilespmem:$0x139C0] =	vst v0  }
0xd6: {  	[tilespmem:$0x139D0] =	vst v0  }
0xd7: {  	[tilespmem:$0x139E0] =	vst v0  }
0xd8: {  	[dreg:$0x1e] =	wrdreg s13;
	[tilespmem:$0x139F0] =	vst v0;
	s12 =	simm.s32 $0x40;
	s13 =	simm.s32 $0x0  }
.LBB2_2:
0xd9: {  	p0 =	sne.s32 s12, $0x13C0;
	[tilespmem:s13+$0x13A00] =	vst v0;
	s13 =	smov.u32 s12;
	s12 =	sadd.s32 $0x40, s12  }
.Ltmp2:
0xda: {  	(pc) =	sbr.rel @p0 .LBB2_2-.Ltmp2, $2  }
0xdb: {  	_ =	sdelay $0x2  }
0xdc: {  	s13 =	sshra.s32 s13, $0x2  }
0xdd: {  	[tilespmem:s13+$0x13A00] =	vst v0;
	s13 =	simm.s32 $0x13000  }
0xde: {  	[spmem:s17] =	stream.linear.scatter [tilespmem:s13], [sflag:$0x5], $0xA00, $0x38;
	[tilespmem:$0x1E400] =	vst v63  }
0xdf: {  	_ =	swait.ge [sflag:s8], $0xA00  }
0xe0: {  	[sflag:s8] =	ssyncset.done $0x0  }
0xe1: {  	s12 =	rddreg [dreg:$0x6];
	[sflag:s8] =	ssyncadd.s32 $0xFFFFF600  }
0xe2: {  	[spmem:s12] =	stream.linear.scatter [tilespmem:s13], [sflag:$0x5], $0xA00, $0x38;
	[tilespmem:$0x1E400] =	vst v63  }
0xe3: {  	_ =	swait.ge [sflag:s8], $0xA00  }
0xe4: {  	[sflag:s8] =	ssyncset.done $0x0  }
0xe5: {  	s17 =	rddreg [dreg:$0x7];
	[sflag:s8] =	ssyncadd.s32 $0xFFFFF600  }
0xe6: {  	[spmem:s17] =	stream.linear.scatter [tilespmem:s13], [sflag:$0x5], $0xA00, $0x38;
	[tilespmem:$0x1E400] =	vst v63  }
0xe7: {  	_ =	swait.ge [sflag:s8], $0xA00  }
0xe8: {  	[sflag:s8] =	ssyncset.done $0x0  }
0xe9: {  	s21 =	rddreg [dreg:$0x8];
	[sflag:s8] =	ssyncadd.s32 $0xFFFFF600  }
0xea: {  	[spmem:s21] =	stream.linear.scatter [tilespmem:s13], [sflag:$0x5], $0xA00, $0x38;
	[tilespmem:$0x1E400] =	vst v63  }
0xeb: {  	_ =	swait.ge [sflag:s8], $0xA00  }
0xec: {  	[sflag:s8] =	ssyncset.done $0x0  }
0xed: {  	s22 =	rddreg [dreg:$0x9];
	[sflag:s8] =	ssyncadd.s32 $0xFFFFF600  }
0xee: {  	[spmem:s22] =	stream.linear.scatter [tilespmem:s13], [sflag:$0x5], $0xA00, $0x38;
	[tilespmem:$0x1E400] =	vst v63  }
0xef: {  	_ =	swait.ge [sflag:s8], $0xA00  }
0xf0: {  	[sflag:s8] =	ssyncset.done $0x0  }
0xf1: {  	s23 =	rddreg [dreg:$0xa];
	[sflag:s8] =	ssyncadd.s32 $0xFFFFF600  }
0xf2: {  	[spmem:s23] =	stream.linear.scatter [tilespmem:s13], [sflag:$0x5], $0xA00, $0x38;
	[tilespmem:$0x1E400] =	vst v63  }
0xf3: {  	_ =	swait.ge [sflag:s8], $0xA00  }
0xf4: {  	[sflag:s8] =	ssyncset.done $0x0  }
0xf5: {  	s17 =	rddreg [dreg:$0xb];
	[sflag:s8] =	ssyncadd.s32 $0xFFFFF600  }
0xf6: {  	[spmem:s17] =	stream.linear.scatter [tilespmem:s13], [sflag:$0x5], $0xA00, $0x38;
	[tilespmem:$0x1E400] =	vst v63  }
0xf7: {  	_ =	swait.ge [sflag:s8], $0xA00  }
0xf8: {  	[sflag:s8] =	ssyncset.done $0x0  }
0xf9: {  	s21 =	rddreg [dreg:$0xc];
	[sflag:s8] =	ssyncadd.s32 $0xFFFFF600  }
0xfa: {  	[spmem:s21] =	stream.linear.scatter [tilespmem:s13], [sflag:$0x5], $0xA00, $0x38;
	[tilespmem:$0x1E400] =	vst v63  }
0xfb: {  	_ =	swait.ge [sflag:s8], $0xA00  }
0xfc: {  	[sflag:s8] =	ssyncset.done $0x0  }
0xfd: {  	s22 =	rddreg [dreg:$0xd];
	[sflag:s8] =	ssyncadd.s32 $0xFFFFF600  }
0xfe: {  	[spmem:s22] =	stream.linear.scatter [tilespmem:s13], [sflag:$0x5], $0xA00, $0x38;
	[tilespmem:$0x1E400] =	vst v63  }
0xff: {  	_ =	swait.ge [sflag:s8], $0xA00  }
0x100: {  	[sflag:s8] =	ssyncset.done $0x0  }
0x101: {  	s23 =	rddreg [dreg:$0xf];
	[sflag:s8] =	ssyncadd.s32 $0xFFFFF600  }
0x102: {  	[spmem:s23] =	stream.linear.scatter [tilespmem:s13], [sflag:$0x5], $0xA00, $0x38;
	[tilespmem:$0x1E400] =	vst v63  }
0x103: {  	_ =	swait.ge [sflag:s8], $0xA00  }
0x104: {  	[sflag:s8] =	ssyncset.done $0x0  }
0x105: {  	s17 =	rddreg [dreg:$0x10];
	[sflag:s8] =	ssyncadd.s32 $0xFFFFF600  }
0x106: {  	[spmem:s17] =	stream.linear.scatter [tilespmem:s13], [sflag:$0x5], $0xA00, $0x38;
	[tilespmem:$0x1E400] =	vst v63  }
0x107: {  	_ =	swait.ge [sflag:s8], $0xA00  }
0x108: {  	[sflag:s8] =	ssyncset.done $0x0  }
0x109: {  	s21 =	rddreg [dreg:$0x11];
	[sflag:s8] =	ssyncadd.s32 $0xFFFFF600  }
0x10a: {  	[spmem:s21] =	stream.linear.scatter [tilespmem:s13], [sflag:$0x5], $0xA00, $0x38;
	[tilespmem:$0x1E400] =	vst v63  }
0x10b: {  	_ =	swait.ge [sflag:s8], $0xA00  }
0x10c: {  	[sflag:s8] =	ssyncset.done $0x0  }
0x10d: {  	s22 =	rddreg [dreg:$0x12];
	[sflag:s8] =	ssyncadd.s32 $0xFFFFF600  }
0x10e: {  	[spmem:s22] =	stream.linear.scatter [tilespmem:s13], [sflag:$0x5], $0xA00, $0x38;
	[tilespmem:$0x1E400] =	vst v63  }
0x10f: {  	_ =	swait.ge [sflag:s8], $0xA00  }
0x110: {  	[sflag:s8] =	ssyncset.done $0x0  }
0x111: {  	s23 =	rddreg [dreg:$0x13];
	[sflag:s8] =	ssyncadd.s32 $0xFFFFF600  }
0x112: {  	[spmem:s23] =	stream.linear.scatter [tilespmem:s13], [sflag:$0x5], $0xA00, $0x38;
	[tilespmem:$0x1E400] =	vst v63  }
0x113: {  	_ =	swait.ge [sflag:s8], $0xA00  }
0x114: {  	[sflag:s8] =	ssyncset.done $0x0  }
0x115: {  	s17 =	rddreg [dreg:$0x14];
	[sflag:s8] =	ssyncadd.s32 $0xFFFFF600  }
0x116: {  	[spmem:s17] =	stream.linear.scatter [tilespmem:s13], [sflag:$0x5], $0xA00, $0x38;
	[tilespmem:$0x1E400] =	vst v63  }
0x117: {  	_ =	swait.ge [sflag:s8], $0xA00  }
0x118: {  	[sflag:s8] =	ssyncset.done $0x0  }
0x119: {  	s21 =	rddreg [dreg:$0x15];
	[sflag:s8] =	ssyncadd.s32 $0xFFFFF600  }
0x11a: {  	[spmem:s21] =	stream.linear.scatter [tilespmem:s13], [sflag:$0x5], $0xA00, $0x38;
	[tilespmem:$0x1E400] =	vst v63  }
0x11b: {  	_ =	swait.ge [sflag:s8], $0xA00  }
0x11c: {  	[sflag:s8] =	ssyncset.done $0x0  }
0x11d: {  	s22 =	simm.s32 $0x13A00;
	[sflag:s8] =	ssyncadd.s32 $0xFFFFF600  }
0x11e: {  	[spmem:s19] =	stream.linear.scatter [tilespmem:s22], [sflag:$0x5], $0x500, $0x38;
	[tilespmem:$0x1E400] =	vst v63  }
0x11f: {  	_ =	swait.ge [sflag:s8], $0x500  }
0x120: {  	[sflag:s8] =	ssyncset.done $0x0  }
0x121: {  	[sflag:s8] =	ssyncadd.s32 $0xFFFFFB00  }
0x122: {  	[bflag:$0x0] =	sbarrier.arrive $0xFFFF  }
0x123: {  	s12 =	simm.s32 $0x0;
	s23 =	rddreg [dreg:$0x16]  }
0x124: {  	[tilespmem:s12], [sflag:$0x3] =	stream.linear.gather [hbm4b:s23+s12], $0x400, $0x38;
	[tilespmem:$0x1E400] =	vst v63  }
0x125: {  	s19 =	simm.s32 $0x800;
	s17 =	rddreg [dreg:$0x17]  }
0x126: {  	[tilespmem:s19], [sflag:$0x3] =	stream.linear.gather [hbm4b:s17+s12], $0x400, $0x38;
	[tilespmem:$0x1E400] =	vst v63  }
0x127: {  	s21 =	simm.s32 $0x1000;
	s22 =	simm.s32 $0x3  }
0x128: {  	[tilespmem:s21], [sflag:$0x3] =	stream.linear.gather [hbm4b:s20+s12], $0x400, $0x38;
	[tilespmem:$0x1E400] =	vst v63  }
0x129: {  	_ =	swait.ge [sflag:s22], $0x400  }
0x12a: {  	[sflag:s22] =	ssyncset.done $0x0  }
0x12b: {  	[sflag:s22] =	ssyncadd.s32 $0xFFFFFC00  }
0x12c: {  	_ =	swait.ge [sflag:s22], $0x400  }
0x12d: {  	[sflag:s22] =	ssyncset.done $0x0  }
0x12e: {  	[sflag:s22] =	ssyncadd.s32 $0xFFFFFC00  }
0x12f: {  	_ =	swait.ge [sflag:s22], $0x400  }
0x130: {  	[sflag:s22] =	ssyncset.done $0x0  }
0x131: {  	s23 =	simm.s32 $0x3000;
	[sflag:s22] =	ssyncadd.s32 $0xFFFFFC00  }
0x132: {  	[tilespmem:s23], [sflag:$0x1] =	stream.indirect.gather [hbm4b:s5+s10], $0x20, s12, s10, $0xb8;
	[tilespmem:$0x1E400] =	vst v63  }
0x133: {  	s17 =	simm.s32 $0x4000  }
0x134: {  	[tilespmem:s17], [sflag:$0x1] =	stream.indirect.gather [hbm4b:s5+s10], $0x20, s10, s10, $0xb8;
	[tilespmem:$0x1E400] =	vst v63  }
0x135: {  	s19 =	simm.s32 $0x100;
	s21 =	simm.s32 $0x5000  }
0x136: {  	[tilespmem:s21], [sflag:$0x1] =	stream.indirect.gather [hbm4b:s5+s10], $0x20, s19, s10, $0xb8;
	[tilespmem:$0x1E400] =	vst v63  }
0x137: {  	s22 =	simm.s32 $0x180;
	s23 =	simm.s32 $0x6000  }
0x138: {  	[tilespmem:s23], [sflag:$0x1] =	stream.indirect.gather [hbm4b:s5+s10], $0x20, s22, s10, $0xb8;
	[tilespmem:$0x1E400] =	vst v63  }
0x139: {  	s19 =	simm.s32 $0x200;
	s21 =	simm.s32 $0x7000  }
0x13a: {  	[tilespmem:s21], [sflag:$0x1] =	stream.indirect.gather [hbm4b:s5+s10], $0x20, s19, s10, $0xb8;
	[tilespmem:$0x1E400] =	vst v63  }
0x13b: {  	s22 =	simm.s32 $0x280;
	s23 =	simm.s32 $0x8000  }
0x13c: {  	[tilespmem:s23], [sflag:$0x1] =	stream.indirect.gather [hbm4b:s5+s10], $0x20, s22, s10, $0xb8;
	[tilespmem:$0x1E400] =	vst v63  }
0x13d: {  	s19 =	simm.s32 $0x300;
	s21 =	simm.s32 $0x9000  }
0x13e: {  	[tilespmem:s21], [sflag:$0x1] =	stream.indirect.gather [hbm4b:s5+s10], $0x20, s19, s10, $0xb8;
	[tilespmem:$0x1E400] =	vst v63  }
0x13f: {  	s22 =	simm.s32 $0x380;
	s23 =	simm.s32 $0xA000  }
0x140: {  	[tilespmem:s23], [sflag:$0x1] =	stream.indirect.gather [hbm4b:s5+s10], $0x20, s22, s10, $0xb8;
	[tilespmem:$0x1E400] =	vst v63  }
0x141: {  	s17 =	rddreg [dreg:$0x18]  }
0x142: {  	[tilespmem:s11], [sflag:$0x4] =	stream.linear.gather [hbm4b:s17+s12], $0x400, $0x38;
	[tilespmem:$0x1E400] =	vst v63  }
0x143: {  	s19 =	rddreg [dreg:$0x19];
	s21 =	simm.s32 $0xC00  }
0x144: {  	[tilespmem:s21], [sflag:$0x4] =	stream.linear.gather [hbm4b:s19+s12], $0x400, $0x38;
	[tilespmem:$0x1E400] =	vst v63  }
0x145: {  	s22 =	rddreg [dreg:$0x1d];
	s23 =	simm.s32 $0x1400  }
0x146: {  	[tilespmem:s23], [sflag:$0x4] =	stream.linear.gather [hbm4b:s22+s12], $0x400, $0x38;
	[tilespmem:$0x1E400] =	vst v63  }
.LBB2_4:
0x147: {  	_ =	swait.ge [sflag:s14], $0x1000  }
0x148: {  	[sflag:s14] =	ssyncset.done $0x0  }
0x149: {  	[sflag:s14] =	ssyncadd.s32 $0xFFFFF000  }
0x14a: {  	_ =	swait.ge [sflag:s14], $0x1000  }
0x14b: {  	[sflag:s14] =	ssyncset.done $0x0  }
0x14c: {  	[sflag:s14] =	ssyncadd.s32 $0xFFFFF000  }
0x14d: {  	_ =	swait.ge [sflag:s14], $0x1000  }
0x14e: {  	[sflag:s14] =	ssyncset.done $0x0  }
0x14f: {  	[sflag:s14] =	ssyncadd.s32 $0xFFFFF000  }
0x150: {  	_ =	swait.ge [sflag:s14], $0x1000  }
0x151: {  	[sflag:s14] =	ssyncset.done $0x0  }
0x152: {  	[sflag:s14] =	ssyncadd.s32 $0xFFFFF000  }
0x153: {  	_ =	swait.ge [sflag:s14], $0x1000  }
0x154: {  	[sflag:s14] =	ssyncset.done $0x0  }
0x155: {  	[sflag:s14] =	ssyncadd.s32 $0xFFFFF000  }
0x156: {  	_ =	swait.ge [sflag:s14], $0x1000  }
0x157: {  	[sflag:s14] =	ssyncset.done $0x0  }
0x158: {  	[sflag:s14] =	ssyncadd.s32 $0xFFFFF000  }
0x159: {  	_ =	swait.ge [sflag:s14], $0x1000  }
0x15a: {  	[sflag:s14] =	ssyncset.done $0x0  }
0x15b: {  	[sflag:s14] =	ssyncadd.s32 $0xFFFFF000  }
0x15c: {  	_ =	swait.ge [sflag:s14], $0x1000  }
0x15d: {  	[sflag:s14] =	ssyncset.done $0x0  }
0x15e: {  	s13 =	simm.s32 $0x2010;
	[sflag:s14] =	ssyncadd.s32 $0xFFFFF000  }
0x15f: {  	s17 =	simm.s32 $0x1810;
	v1 =	vld [tilespmem:s13+$0x0]  }
0x160: {  	v2 =	vld [tilespmem:s17+$0x0]  }
0x161: {  	v3 =	vld [tilespmem:s13+$0xFFFFFFF0]  }
0x162: {  	v4 =	vld [tilespmem:s17+$0xFFFFFFF0]  }
0x163: {  	s19 =	simm.s32 $0x1830  }
0x164: {  	s17 =	simm.s32 $0x2030;
	v7 =	vld [tilespmem:s19+$0x0]  }
0x165: {  	v5 =	vld [tilespmem:s17+$0xFFFFFFF0];
	v1 =	vadd.f32 v1, v2  }
0x166: {  	v2 =	vld [tilespmem:s17+$0x0]  }
0x167: {  	v3 =	vadd.f32 v3, v4;
	v4 =	vld [tilespmem:s19+$0xFFFFFFF0];
	v6 =	vmul.f32 $2.000000030e-01, v1  }
0x168: {  	s21 =	simm.s32 $0x2050;
	vm0 =	vge.f32 v1, $0.0e+00  }
0x169: {  	v9 =	vld [tilespmem:s21+$0xFFFFFFF0];
	v1 =	vsel vm0, v1, v6  }
0x16a: {  	s22 =	simm.s32 $0x1850;
	v8 =	vmul.f32 $2.000000030e-01, v3;
	v6 =	vld [tilespmem:s21+$0x0];
	v1 =	vmul.f32 $1.442695020e+00, v1  }
0x16b: {  	vm0 =	vge.f32 v3, $0.0e+00;
	v2 =	vadd.f32 v2, v7;
	v7 =	vld [tilespmem:s22+$0xFFFFFFF0]  }
0x16c: {  	v3 =	vsel vm0, v3, v8;
	v4 =	vadd.f32 v5, v4;
	(erf) = vpow2.f32 v1;
	v1 =	vld [tilespmem:s22+$0x0]  }
0x16d: {  	v3 =	vmul.f32 $1.442695020e+00, v3;
	v5 =	vmul.f32 $2.000000030e-01, v2  }
0x16e: {  	v8 =	vmul.f32 $2.000000030e-01, v4;
	vm0 =	vge.f32 v2, $0.0e+00  }
0x16f: {  	vm1 =	vge.f32 v4, $0.0e+00;
	(erf) = vpow2.f32 v3;
	v2 =	vsel vm0, v2, v5  }
0x170: {  	s23 =	simm.s32 $0x2070;
	v3 =	vsel vm1, v4, v8;
	v5 =	vmul.f32 $1.442695020e+00, v2  }
0x171: {  	v2 =	vld [tilespmem:s23+$0xFFFFFFF0];
	v10 =	vadd.f32 v6, v1;
	v1 =	vadd.f32 v9, v7;
	v7 =	vmul.f32 $1.442695020e+00, v3  }
0x172: {  	s19 =	simm.s32 $0x1870;
	v6 =	vld [tilespmem:s23+$0x0];
	(erf) = vpow2.f32 v5  }
0x173: {  	v3 =	vld [tilespmem:s19+$0x0];
	v8 =	vmul.f32 $2.000000030e-01, v10;
	(erf) = vpow2.f32 v7  }
0x174: {  	s13 =	simm.s32 $0x2810;
	v4 =	vld [tilespmem:s19+$0xFFFFFFF0];
	vm1 =	vge.f32 v10, $0.0e+00  }
0x175: {  	s17 =	simm.s32 $0x2810;
	s21 =	simm.s32 $0x6;
	s22 =	simm.s32 $0x2090;
	v5 =	vmul.f32 $2.000000030e-01, v1;
	vm0 =	vge.f32 v1, $0.0e+00;
	v8 =	vsel vm1, v10, v8;
	v7 =	vpop (erf)  }
.LBB2_5:
0x176: {  	s21 =	sadd.s32 $0x2, s21  }
0x177: {  	v9 =	vld [tilespmem:s22+$0x0];
	s19 =	sadd.s32 $0x20, s19;
	v8 =	vmul.f32 $1.442695020e+00, v8;
	[tilespmem:s13+$0x0] =	vst v7;
	s17 =	sadd.s32 $0x20, s17;
	v7 =	vmov v2;
	p0 =	slt.u32 s21, $0x3E  }
.Ltmp3:
0x178: {  	v5 =	vsel vm0, v1, v5;
	v2 =	vld [tilespmem:s22+$0xFFFFFFF0];
	v6 =	vadd.f32 v6, v3;
	v10 =	vpop (erf);
	(pc) =	sbr.rel @p0 .LBB2_5-.Ltmp3, $4  }
0x179: {  	v11 =	vmul.f32 $1.442695020e+00, v5;
	v3 =	vld [tilespmem:s19+$0x0];
	v1 =	vadd.f32 v7, v4;
	(erf) = vpow2.f32 v8;
	[tilespmem:s13+$0xFFFFFFF0] =	vst v10;
	s13 =	smov.u32 s17  }
0x17a: {  	v4 =	vld [tilespmem:s19+$0xFFFFFFF0];
	v8 =	vmul.f32 $2.000000030e-01, v6  }
0x17b: {  	vm1 =	vge.f32 v6, $0.0e+00;
	v5 =	vmul.f32 $2.000000030e-01, v1;
	(erf) = vpow2.f32 v11  }
0x17c: {  	s22 =	sadd.s32 $0x20, s22;
	vm0 =	vge.f32 v1, $0.0e+00;
	v8 =	vsel vm1, v6, v8;
	v7 =	vpop (erf);
	v6 =	vmov v9  }
0x17d: {  	_ = 	snop  }
0x17e: {  	v3 =	vadd.f32 v6, v3  }
0x17f: {  	v2 =	vadd.f32 v2, v4  }
0x180: {  	v1 =	vsel vm0, v1, v5;
	v6 =	vmul.f32 $2.000000030e-01, v3  }
0x181: {  	v4 =	vmul.f32 $1.442695020e+00, v8;
	vm15 =	vge.f32 v3, $0.0e+00;
	v5 =	vmul.f32 $2.000000030e-01, v2  }
0x182: {  	v1 =	vmul.f32 $1.442695020e+00, v1;
	vm1 =	vge.f32 v2, $0.0e+00;
	v3 =	vsel vm15, v3, v6  }
0x183: {  	(erf) = vpow2.f32 v4;
	v3 =	vmul.f32 $1.442695020e+00, v3;
	v2 =	vsel vm1, v2, v5  }
0x184: {  	(erf) = vpow2.f32 v1;
	v1 =	vmul.f32 $1.442695020e+00, v2  }
0x185: {  	(erf) = vpow2.f32 v3  }
0x186: {  	(erf) = vpow2.f32 v1;
	_ =	sdelay $0x2  }
0x187: {  	[tilespmem:s13+$0x0] =	vst v7;
	v1 =	vpop (erf)  }
0x188: {  	s17 =	sadd.s32 $0x20, s17;
	v2 =	vpop (erf);
	[tilespmem:s13+$0xFFFFFFF0] =	vst v1  }
0x189: {  	v1 =	vpop (erf);
	[tilespmem:s17+$0x0] =	vst v2  }
0x18a: {  	s21 =	sadd.s32 $0x20, s17;
	[tilespmem:s17+$0xFFFFFFF0] =	vst v1;
	v1 =	vpop (erf)  }
0x18b: {  	[tilespmem:s21+$0x0] =	vst v1;
	v1 =	vpop (erf)  }
0x18c: {  	s22 =	sadd.s32 $0x20, s21;
	[tilespmem:s21+$0xFFFFFFF0] =	vst v1;
	v1 =	vpop (erf)  }
0x18d: {  	[tilespmem:s22+$0x0] =	vst v1;
	v1 =	vpop (erf)  }
0x18e: {  	[tilespmem:s22+$0xFFFFFFF0] =	vst v1  }
0x18f: {  	_ =	swait.ge [sflag:s16], $0x400  }
0x190: {  	[sflag:s16] =	ssyncset.done $0x0  }
0x191: {  	[sflag:s16] =	ssyncadd.s32 $0xFFFFFC00  }
0x192: {  	_ =	swait.ge [sflag:s16], $0x400  }
0x193: {  	[sflag:s16] =	ssyncset.done $0x0  }
0x194: {  	[sflag:s16] =	ssyncadd.s32 $0xFFFFFC00  }
0x195: {  	_ =	swait.ge [sflag:s16], $0x400  }
0x196: {  	[sflag:s16] =	ssyncset.done $0x0  }
0x197: {  	s23 =	simm.s32 $0xB000;
	[sflag:s16] =	ssyncadd.s32 $0xFFFFFC00  }
0x198: {  	[tilespmem:s23], [sflag:$0x2] =	stream.indirect.gather [hbm4b:s5+s10], $0x20, s11, s10, $0xb8;
	[tilespmem:$0x1E400] =	vst v63  }
0x199: {  	s19 =	simm.s32 $0xC000;
	s17 =	simm.s32 $0x480  }
0x19a: {  	[tilespmem:s19], [sflag:$0x2] =	stream.indirect.gather [hbm4b:s5+s10], $0x20, s17, s10, $0xb8;
	[tilespmem:$0x1E400] =	vst v63  }
0x19b: {  	s21 =	simm.s32 $0x500;
	s22 =	simm.s32 $0xD000  }
0x19c: {  	[tilespmem:s22], [sflag:$0x2] =	stream.indirect.gather [hbm4b:s5+s10], $0x20, s21, s10, $0xb8;
	[tilespmem:$0x1E400] =	vst v63  }
0x19d: {  	_ = 	snop  }
0x19e: {  	[tilespmem:s25], [sflag:$0x2] =	stream.indirect.gather [hbm4b:s5+s10], $0x20, s24, s10, $0xb8;
	[tilespmem:$0x1E400] =	vst v63  }
0x19f: {  	s23 =	simm.s32 $0x0;
	s17 =	simm.s32 $0x1;
	s19 =	simm.s32 $0x3  }
0x1a0: {  	v1 =	vmov s23;
	[tilespmem:s28], [sflag:$0x2] =	stream.indirect.gather [hbm4b:s5+s10], $0x20, s26, s10, $0xb8;
	[tilespmem:$0x1E400] =	vst v63  }
0x1a1: {  	v1 =	vand.u32 $0xFFFFFFFC, v1;
	v2 =	vmov s17;
	v3 =	vmov s19;
	s21 =	simm.s32 $0x2  }
0x1a2: {  	v1 =	vbroadcast v1, $0x0;
	v2 =	vand.u32 $0xFFFFFFFD, v2;
	v4 =	vmov s21;
	[tilespmem:s30], [sflag:$0x2] =	stream.indirect.gather [hbm4b:s5+s10], $0x20, s29, s10, $0xb8;
	[tilespmem:$0x1E400] =	vst v63  }
0x1a3: {  	v2 =	vbroadcast v2, $0x0;
	v4 =	vand.u32 $0xFFFFFFFE, v4  }
0x1a4: {  	v5 =	vbroadcast v4, $0x0;
	[tilespmem:s1], [sflag:$0x2] =	stream.indirect.gather [hbm4b:s5+s10], $0x20, s31, s10, $0xb8;
	[tilespmem:$0x1E400] =	vst v63  }
0x1a5: {  	_ = 	snop  }
0x1a6: {  	[tilespmem:s6], [sflag:$0x2] =	stream.indirect.gather [hbm4b:s5+s10], $0x20, s0, s10, $0xb8;
	[tilespmem:$0x1E400] =	vst v63  }
0x1a7: {  	v3 =	vld.idx.msk [tilespmem:v3+s15+$0x0], $0xffff  }
0x1a8: {  	v4 =	vld.idx.msk [tilespmem:v1+s15+$0x0], $0xffff  }
0x1a9: {  	v2 =	vld.idx.msk [tilespmem:v2+s15+$0x0], $0xffff  }
0x1aa: {  	s13 =	simm.s32 $0x3040;
	v1 =	vld.idx.msk [tilespmem:v5+s15+$0x0], $0xffff  }
0x1ab: {  	s22 =	simm.s32 $0x4;
	v5 =	vld [tilespmem:s13+$0x10]  }
0x1ac: {  	s23 =	simm.s32 $0x5;
	s19 =	simm.s32 $0x7;
	v7 =	vmov s22;
	v6 =	vld [tilespmem:s13+$0xFFFFFFC0]  }
0x1ad: {  	v10 =	vmov s23;
	s17 =	simm.s32 $0x3040;
	s21 =	simm.s32 $0x6;
	v9 =	vand.u32 $0xFFFFFFFC, v7;
	v7 =	vmov s19;
	s19 =	simm.s32 $0x8;
	v8 =	vld [tilespmem:s13+$0xFFFFFFD0]  }
.LBB2_7:
0x1ae: {  	p0 =	slt.u32 s19, $0x3FC;
	v9 =	vbroadcast v9, $0x0;
	v10 =	vand.u32 $0xFFFFFFFD, v10;
	v11 =	vmov s21;
	v12 =	vld [tilespmem:s13+$0xFFFFFFE0]  }
0x1af: {  	v10 =	vbroadcast v10, $0x0;
	v11 =	vand.u32 $0xFFFFFFFE, v11;
	v13 =	vld [tilespmem:s13+$0xFFFFFFF0]  }
0x1b0: {  	v11 =	vbroadcast v11, $0x0;
	v14 =	vld [tilespmem:s13+$0x0];
	v5 =	vmul.f32 v5, v1  }
0x1b1: {  	v6 =	vmul.f32 v6, v4;
	v15 =	vld [tilespmem:s13+$0x20]  }
0x1b2: {  	v8 =	vmul.f32 v8, v4;
	[tilespmem:s13+$0x10] =	vst v5;
	v16 =	vld [tilespmem:s13+$0x30]  }
0x1b3: {  	v17 =	vld.idx.msk [tilespmem:v7+s15+$0x0], $0xffff;
	[tilespmem:s13+$0xFFFFFFC0] =	vst v6;
	v5 =	vmul.f32 v12, v2  }
0x1b4: {  	v4 =	vld.idx.msk [tilespmem:v9+s15+$0x0], $0xffff;
	[tilespmem:s13+$0xFFFFFFD0] =	vst v8;
	v6 =	vmul.f32 v13, v2  }
.Ltmp4:
0x1b5: {  	v2 =	vld.idx.msk [tilespmem:v10+s15+$0x0], $0xffff;
	[tilespmem:s13+$0xFFFFFFE0] =	vst v5;
	v7 =	vmul.f32 v14, v1;
	(pc) =	sbr.rel @p0 .LBB2_7-.Ltmp4, $4  }
0x1b6: {  	s13 =	sadd.s32 $0x80, s13;
	v1 =	vld.idx.msk [tilespmem:v11+s15+$0x0], $0xffff;
	[tilespmem:s17+$0xFFFFFFF0] =	vst v6;
	v8 =	vmul.f32 v15, v3  }
0x1b7: {  	v5 =	vld [tilespmem:s13+$0x10];
	[tilespmem:s17+$0x0] =	vst v7;
	v11 =	vmul.f32 v16, v3  }
0x1b8: {  	s21 =	sadd.s32 $0x1, s19;
	s22 =	sadd.s32 $0x3, s19;
	v7 =	vmov s19;
	v6 =	vld [tilespmem:s13+$0xFFFFFFC0];
	[tilespmem:s17+$0x20] =	vst v8  }
0x1b9: {  	v10 =	vmov s21;
	s21 =	sadd.s32 $0x2, s19;
	s19 =	sadd.s32 $0x4, s19;
	v9 =	vand.u32 $0xFFFFFFFC, v7;
	v7 =	vmov s22;
	v3 =	vmovc v17;
	v8 =	vld [tilespmem:s13+$0xFFFFFFD0];
	[tilespmem:s17+$0x30] =	vst v11;
	s17 =	smov.u32 s13  }
0x1ba: {  	v12 =	vld [tilespmem:s13+$0xFFFFFFE0]  }
0x1bb: {  	v9 =	vbroadcast v9, $0x0;
	v11 =	vmov s21;
	v13 =	vld [tilespmem:s13+$0xFFFFFFF0]  }
0x1bc: {  	v14 =	vld [tilespmem:s13+$0x0];
	v11 =	vand.u32 $0xFFFFFFFE, v11  }
0x1bd: {  	v10 =	vand.u32 $0xFFFFFFFD, v10;
	v15 =	vld [tilespmem:s13+$0x20];
	v11 =	vbroadcast v11, $0x0  }
0x1be: {  	v16 =	vld [tilespmem:s13+$0x30];
	v10 =	vbroadcast v10, $0x0  }
0x1bf: {  	v7 =	vld.idx.msk [tilespmem:v7+s15+$0x0], $0xffff;
	s19 =	sadd.s32 $0x80, s13;
	v5 =	vmul.f32 v5, v1  }
0x1c0: {  	v6 =	vmul.f32 v6, v4;
	v4 =	vmul.f32 v8, v4;
	v8 =	vld [tilespmem:s19+$0x10]  }
0x1c1: {  	[tilespmem:s13+$0x10] =	vst v5;
	v9 =	vld.idx.msk [tilespmem:v9+s15+$0x0], $0xffff  }
0x1c2: {  	[tilespmem:s13+$0xFFFFFFD0] =	vst v4;
	v4 =	vld [tilespmem:s19+$0xFFFFFFC0]  }
0x1c3: {  	[tilespmem:s13+$0xFFFFFFC0] =	vst v6;
	v6 =	vmul.f32 v12, v2;
	v5 =	vld.idx.msk [tilespmem:v11+s15+$0x0], $0xffff  }
0x1c4: {  	v2 =	vmul.f32 v13, v2;
	v10 =	vld.idx.msk [tilespmem:v10+s15+$0x0], $0xffff  }
0x1c5: {  	v1 =	vmul.f32 v14, v1;
	[tilespmem:s13+$0xFFFFFFE0] =	vst v6;
	v6 =	vld [tilespmem:s19+$0xFFFFFFD0]  }
0x1c6: {  	[tilespmem:s17+$0xFFFFFFF0] =	vst v2;
	v2 =	vmul.f32 v15, v3;
	v11 =	vld [tilespmem:s19+$0xFFFFFFE0]  }
0x1c7: {  	[tilespmem:s17+$0x0] =	vst v1;
	v1 =	vmul.f32 v16, v3;
	v3 =	vld [tilespmem:s19+$0xFFFFFFF0]  }
0x1c8: {  	[tilespmem:s17+$0x20] =	vst v2;
	v2 =	vld [tilespmem:s19+$0x0];
	v8 =	vmul.f32 v8, v5  }
0x1c9: {  	[tilespmem:s17+$0x30] =	vst v1;
	v1 =	vmul.f32 v4, v9;
	v4 =	vld [tilespmem:s19+$0x20]  }
0x1ca: {  	v6 =	vmul.f32 v6, v9;
	[tilespmem:s19+$0x10] =	vst v8;
	v8 =	vld [tilespmem:s19+$0x30]  }
0x1cb: {  	[tilespmem:s19+$0xFFFFFFC0] =	vst v1;
	v1 =	vmul.f32 v11, v10  }
0x1cc: {  	p0 =	seq.s32 s12, $0x13;
	s13 =	sshll.u32 s12, $0x1;
	v3 =	vmul.f32 v3, v10;
	[tilespmem:s19+$0xFFFFFFD0] =	vst v6  }
0x1cd: {  	s17 =	sadd.s32 @!p0 $0x2, s13;
	[tilespmem:s19+$0xFFFFFFE0] =	vst v1;
	v1 =	vmul.f32 v2, v5  }
0x1ce: {  	s21 =	sshll.u32 @!p0 s17, $0xA;
	[tilespmem:s19+$0xFFFFFFF0] =	vst v3;
	v2 =	vmul.f32 v4, v7  }
0x1cf: {  	s21 =	sadd.s32 @!p0 s21, s18;
	[tilespmem:s19+$0x0] =	vst v1;
	v1 =	vmul.f32 v8, v7  }
0x1d0: {  	s21 =	sshrl.u32 @!p0 s21, $0x3;
	[tilespmem:s19+$0x20] =	vst v2  }
0x1d1: {  	s22 =	simm.s32 @!p0 $0x0;
	[tilespmem:s19+$0x30] =	vst v1;
	s19 =	sadd.s32 @!p0 s3, s21  }
0x1d2: {  	[tilespmem:s22], [sflag:$0x3] =	stream.linear.gather @!p0 [hbm4b:s19+s22], $0x400, $0x38;
	[tilespmem:$0x1E400] =	vst v63  }
0x1d3: {  	s17 =	sshll.u32 @!p0 s17, $0x7;
	s19 =	sadd.s32 @!p0 s4, s21;
	s21 =	simm.s32 @!p0 $0x800  }
0x1d4: {  	[tilespmem:s21], [sflag:$0x3] =	stream.linear.gather @!p0 [hbm4b:s19+s22], $0x400, $0x38;
	[tilespmem:$0x1E400] =	vst v63  }
0x1d5: {  	s17 =	sadd.s32 @!p0 s17, s20;
	s19 =	simm.s32 @!p0 $0x1000  }
0x1d6: {  	[tilespmem:s19], [sflag:$0x3] =	stream.linear.gather @!p0 [hbm4b:s17+s22], $0x400, $0x38;
	[tilespmem:$0x1E400] =	vst v63  }
0x1d7: {  	_ =	swait.ge [sflag:s9], $0x1000  }
0x1d8: {  	[sflag:s9] =	ssyncset.done $0x0  }
0x1d9: {  	[sflag:s9] =	ssyncadd.s32 $0xFFFFF000  }
0x1da: {  	_ =	swait.ge [sflag:s9], $0x1000  }
0x1db: {  	[sflag:s9] =	ssyncset.done $0x0  }
0x1dc: {  	[sflag:s9] =	ssyncadd.s32 $0xFFFFF000  }
0x1dd: {  	_ =	swait.ge [sflag:s9], $0x1000  }
0x1de: {  	[sflag:s9] =	ssyncset.done $0x0  }
0x1df: {  	[sflag:s9] =	ssyncadd.s32 $0xFFFFF000  }
0x1e0: {  	_ =	swait.ge [sflag:s9], $0x1000  }
0x1e1: {  	[sflag:s9] =	ssyncset.done $0x0  }
0x1e2: {  	[sflag:s9] =	ssyncadd.s32 $0xFFFFF000  }
0x1e3: {  	_ =	swait.ge [sflag:s9], $0x1000  }
0x1e4: {  	[sflag:s9] =	ssyncset.done $0x0  }
0x1e5: {  	[sflag:s9] =	ssyncadd.s32 $0xFFFFF000  }
0x1e6: {  	_ =	swait.ge [sflag:s9], $0x1000  }
0x1e7: {  	[sflag:s9] =	ssyncset.done $0x0  }
0x1e8: {  	[sflag:s9] =	ssyncadd.s32 $0xFFFFF000  }
0x1e9: {  	_ =	swait.ge [sflag:s9], $0x1000  }
0x1ea: {  	[sflag:s9] =	ssyncset.done $0x0  }
0x1eb: {  	[sflag:s9] =	ssyncadd.s32 $0xFFFFF000  }
0x1ec: {  	_ =	swait.ge [sflag:s9], $0x1000  }
0x1ed: {  	[sflag:s9] =	ssyncset.done $0x0  }
0x1ee: {  	s19 =	simm.s32 $0x2410;
	[sflag:s9] =	ssyncadd.s32 $0xFFFFF000  }
0x1ef: {  	s21 =	simm.s32 $0x1C10;
	v1 =	vld [tilespmem:s19+$0x0]  }
0x1f0: {  	v2 =	vld [tilespmem:s21+$0x0];
	_ =	sdelay $0x1  }
0x1f1: {  	v3 =	vld [tilespmem:s19+$0xFFFFFFF0]  }
0x1f2: {  	v4 =	vld [tilespmem:s21+$0xFFFFFFF0]  }
0x1f3: {  	s22 =	simm.s32 $0x2430  }
0x1f4: {  	s23 =	simm.s32 $0x1C30;
	v5 =	vld [tilespmem:s22+$0xFFFFFFF0];
	v1 =	vadd.f32 v1, v2  }
0x1f5: {  	v7 =	vld [tilespmem:s23+$0x0]  }
0x1f6: {  	v2 =	vld [tilespmem:s22+$0x0];
	v6 =	vmul.f32 $2.000000030e-01, v1  }
0x1f7: {  	v3 =	vadd.f32 v3, v4;
	v4 =	vld [tilespmem:s23+$0xFFFFFFF0];
	vm0 =	vge.f32 v1, $0.0e+00  }
0x1f8: {  	v1 =	vsel vm0, v1, v6  }
0x1f9: {  	v1 =	vmul.f32 $1.442695020e+00, v1  }
0x1fa: {  	s22 =	simm.s32 $0x1C50;
	v8 =	vmul.f32 $2.000000030e-01, v3  }
0x1fb: {  	s21 =	simm.s32 $0x2450;
	v10 =	vld [tilespmem:s22+$0x0];
	vm0 =	vge.f32 v3, $0.0e+00;
	(erf) = vpow2.f32 v1;
	v1 =	vadd.f32 v2, v7  }
0x1fc: {  	v6 =	vld [tilespmem:s21+$0x0];
	v4 =	vadd.f32 v5, v4;
	v2 =	vsel vm0, v3, v8  }
0x1fd: {  	v9 =	vld [tilespmem:s21+$0xFFFFFFF0];
	v2 =	vmul.f32 $1.442695020e+00, v2;
	v5 =	vmul.f32 $2.000000030e-01, v1  }
0x1fe: {  	v3 =	vld [tilespmem:s22+$0xFFFFFFF0];
	v7 =	vmul.f32 $2.000000030e-01, v4;
	vm0 =	vge.f32 v1, $0.0e+00  }
0x1ff: {  	vm1 =	vge.f32 v4, $0.0e+00;
	(erf) = vpow2.f32 v2;
	v1 =	vsel vm0, v1, v5  }
0x200: {  	s23 =	simm.s32 $0x2470;
	v4 =	vsel vm1, v4, v7;
	v5 =	vmul.f32 $1.442695020e+00, v1  }
0x201: {  	v8 =	vadd.f32 v6, v10;
	v6 =	vld [tilespmem:s23+$0x0];
	v7 =	vmul.f32 $1.442695020e+00, v4  }
0x202: {  	s21 =	simm.s32 $0x1C70;
	v2 =	vld [tilespmem:s23+$0xFFFFFFF0];
	(erf) = vpow2.f32 v5  }
0x203: {  	v1 =	vadd.f32 v9, v3;
	v9 =	vmul.f32 $2.000000030e-01, v8;
	v3 =	vld [tilespmem:s21+$0x0];
	(erf) = vpow2.f32 v7  }
0x204: {  	s17 =	simm.s32 $0x2C10;
	v4 =	vld [tilespmem:s21+$0xFFFFFFF0];
	vm1 =	vge.f32 v8, $0.0e+00  }
0x205: {  	s19 =	simm.s32 $0x2C10;
	s22 =	simm.s32 $0x6;
	s23 =	simm.s32 $0x2490;
	v5 =	vmul.f32 $2.000000030e-01, v1;
	vm0 =	vge.f32 v1, $0.0e+00;
	v8 =	vsel vm1, v8, v9;
	v7 =	vpop (erf)  }
.LBB2_9:
0x206: {  	s22 =	sadd.s32 $0x2, s22  }
0x207: {  	v9 =	vld [tilespmem:s23+$0x0];
	s21 =	sadd.s32 $0x20, s21;
	v8 =	vmul.f32 $1.442695020e+00, v8;
	[tilespmem:s17+$0x0] =	vst v7;
	s19 =	sadd.s32 $0x20, s19;
	v7 =	vmov v2;
	p1 =	slt.u32 s22, $0x3E  }
.Ltmp5:
0x208: {  	v5 =	vsel vm0, v1, v5;
	v2 =	vld [tilespmem:s23+$0xFFFFFFF0];
	v6 =	vadd.f32 v6, v3;
	v10 =	vpop (erf);
	(pc) =	sbr.rel @p1 .LBB2_9-.Ltmp5, $4  }
0x209: {  	v11 =	vmul.f32 $1.442695020e+00, v5;
	v3 =	vld [tilespmem:s21+$0x0];
	v1 =	vadd.f32 v7, v4;
	(erf) = vpow2.f32 v8;
	[tilespmem:s17+$0xFFFFFFF0] =	vst v10;
	s17 =	smov.u32 s19  }
0x20a: {  	v4 =	vld [tilespmem:s21+$0xFFFFFFF0];
	v8 =	vmul.f32 $2.000000030e-01, v6  }
0x20b: {  	vm1 =	vge.f32 v6, $0.0e+00;
	v5 =	vmul.f32 $2.000000030e-01, v1;
	(erf) = vpow2.f32 v11  }
0x20c: {  	s23 =	sadd.s32 $0x20, s23;
	vm0 =	vge.f32 v1, $0.0e+00;
	v8 =	vsel vm1, v6, v8;
	v7 =	vpop (erf);
	v6 =	vmov v9  }
0x20d: {  	_ = 	snop  }
0x20e: {  	v3 =	vadd.f32 v6, v3  }
0x20f: {  	v2 =	vadd.f32 v2, v4  }
0x210: {  	v1 =	vsel vm0, v1, v5;
	v6 =	vmul.f32 $2.000000030e-01, v3  }
0x211: {  	v4 =	vmul.f32 $1.442695020e+00, v8;
	vm15 =	vge.f32 v3, $0.0e+00;
	v5 =	vmul.f32 $2.000000030e-01, v2  }
0x212: {  	v1 =	vmul.f32 $1.442695020e+00, v1;
	vm1 =	vge.f32 v2, $0.0e+00;
	v3 =	vsel vm15, v3, v6  }
0x213: {  	(erf) = vpow2.f32 v4;
	v3 =	vmul.f32 $1.442695020e+00, v3;
	v2 =	vsel vm1, v2, v5  }
0x214: {  	(erf) = vpow2.f32 v1;
	v1 =	vmul.f32 $1.442695020e+00, v2  }
0x215: {  	(erf) = vpow2.f32 v3  }
0x216: {  	(erf) = vpow2.f32 v1;
	_ =	sdelay $0x2  }
0x217: {  	[tilespmem:s17+$0x0] =	vst v7;
	v1 =	vpop (erf)  }
0x218: {  	s19 =	sadd.s32 $0x20, s19;
	v2 =	vpop (erf);
	[tilespmem:s17+$0xFFFFFFF0] =	vst v1  }
0x219: {  	v1 =	vpop (erf);
	[tilespmem:s19+$0x0] =	vst v2  }
0x21a: {  	s21 =	sadd.s32 $0x20, s19;
	[tilespmem:s19+$0xFFFFFFF0] =	vst v1;
	v1 =	vpop (erf)  }
0x21b: {  	[tilespmem:s21+$0x0] =	vst v1;
	v1 =	vpop (erf)  }
0x21c: {  	s22 =	sadd.s32 $0x20, s21;
	[tilespmem:s21+$0xFFFFFFF0] =	vst v1;
	v1 =	vpop (erf)  }
0x21d: {  	[tilespmem:s22+$0x0] =	vst v1;
	v1 =	vpop (erf)  }
0x21e: {  	s17 =	simm.s32 @!p0 $0x3;
	[tilespmem:s22+$0xFFFFFFF0] =	vst v1  }
0x21f: {  	_ =	swait.ge @!p0 [sflag:s17], $0x400  }
0x220: {  	[sflag:s17] =	ssyncset.done @!p0 $0x0  }
0x221: {  	[sflag:s17] =	ssyncadd.s32 @!p0 $0xFFFFFC00  }
0x222: {  	_ =	swait.ge @!p0 [sflag:s17], $0x400  }
0x223: {  	[sflag:s17] =	ssyncset.done @!p0 $0x0  }
0x224: {  	[sflag:s17] =	ssyncadd.s32 @!p0 $0xFFFFFC00  }
0x225: {  	_ =	swait.ge @!p0 [sflag:s17], $0x400  }
0x226: {  	s19 =	simm.s32 @!p0 $0x0;
	[sflag:s17] =	ssyncset.done @!p0 $0x0  }
0x227: {  	s21 =	simm.s32 @!p0 $0x3000;
	[sflag:s17] =	ssyncadd.s32 @!p0 $0xFFFFFC00;
	s17 =	simm.s32 @!p0 $0x80  }
0x228: {  	[tilespmem:s21], [sflag:$0x1] =	stream.indirect.gather @!p0 [hbm4b:s5+s17], $0x20, s19, s17, $0xb8;
	[tilespmem:$0x1E400] =	vst v63  }
0x229: {  	s19 =	simm.s32 @!p0 $0x4000  }
0x22a: {  	[tilespmem:s19], [sflag:$0x1] =	stream.indirect.gather @!p0 [hbm4b:s5+s17], $0x20, s17, s17, $0xb8;
	[tilespmem:$0x1E400] =	vst v63  }
0x22b: {  	s23 =	simm.s32 $0x0;
	s21 =	simm.s32 @!p0 $0x5000;
	s19 =	simm.s32 @!p0 $0x100  }
0x22c: {  	[tilespmem:s21], [sflag:$0x1] =	stream.indirect.gather @!p0 [hbm4b:s5+s17], $0x20, s19, s17, $0xb8;
	[tilespmem:$0x1E400] =	vst v63  }
0x22d: {  	v1 =	vmov s23;
	s23 =	simm.s32 $0x3;
	s19 =	simm.s32 @!p0 $0x180;
	s21 =	simm.s32 @!p0 $0x6000  }
0x22e: {  	[tilespmem:s21], [sflag:$0x1] =	stream.indirect.gather @!p0 [hbm4b:s5+s17], $0x20, s19, s17, $0xb8;
	[tilespmem:$0x1E400] =	vst v63  }
0x22f: {  	v3 =	vmov s23;
	s23 =	simm.s32 $0x2;
	s19 =	simm.s32 @!p0 $0x200;
	s21 =	simm.s32 @!p0 $0x7000  }
0x230: {  	[tilespmem:s21], [sflag:$0x1] =	stream.indirect.gather @!p0 [hbm4b:s5+s17], $0x20, s19, s17, $0xb8;
	[tilespmem:$0x1E400] =	vst v63  }
0x231: {  	s22 =	simm.s32 @!p0 $0x280;
	v1 =	vand.u32 $0xFFFFFFFC, v1;
	v4 =	vmov s23;
	s21 =	simm.s32 $0x1;
	s19 =	simm.s32 @!p0 $0x8000  }
0x232: {  	v1 =	vbroadcast v1, $0x0;
	v4 =	vand.u32 $0xFFFFFFFE, v4;
	[tilespmem:s19], [sflag:$0x1] =	stream.indirect.gather @!p0 [hbm4b:s5+s17], $0x20, s22, s17, $0xb8;
	[tilespmem:$0x1E400] =	vst v63  }
0x233: {  	v5 =	vbroadcast v4, $0x0;
	v2 =	vmov s21;
	s21 =	simm.s32 @!p0 $0x9000;
	s19 =	simm.s32 @!p0 $0x300  }
0x234: {  	[tilespmem:s21], [sflag:$0x1] =	stream.indirect.gather @!p0 [hbm4b:s5+s17], $0x20, s19, s17, $0xb8;
	[tilespmem:$0x1E400] =	vst v63  }
0x235: {  	s19 =	simm.s32 @!p0 $0x380;
	s21 =	simm.s32 @!p0 $0xA000  }
0x236: {  	v2 =	vand.u32 $0xFFFFFFFD, v2;
	[tilespmem:s21], [sflag:$0x1] =	stream.indirect.gather @!p0 [hbm4b:s5+s17], $0x20, s19, s17, $0xb8;
	[tilespmem:$0x1E400] =	vst v63  }
0x237: {  	v2 =	vbroadcast v2, $0x0;
	v3 =	vld.idx.msk [tilespmem:v3+s7+$0x0], $0xffff  }
0x238: {  	v4 =	vld.idx.msk [tilespmem:v1+s7+$0x0], $0xffff  }
0x239: {  	s17 =	simm.s32 $0xB040;
	v1 =	vld.idx.msk [tilespmem:v5+s7+$0x0], $0xffff  }
0x23a: {  	v5 =	vld [tilespmem:s17+$0x10]  }
0x23b: {  	s21 =	simm.s32 $0x4;
	v6 =	vld [tilespmem:s17+$0xFFFFFFC0]  }
0x23c: {  	s23 =	simm.s32 $0x7;
	s22 =	simm.s32 $0x5;
	v7 =	vmov s21;
	v8 =	vld [tilespmem:s17+$0xFFFFFFD0]  }
0x23d: {  	v10 =	vmov s22;
	s22 =	simm.s32 $0x6;
	s19 =	simm.s32 $0xB040;
	s21 =	simm.s32 $0x8;
	v9 =	vand.u32 $0xFFFFFFFC, v7;
	v7 =	vmov s23;
	v2 =	vld.idx.msk [tilespmem:v2+s7+$0x0], $0xffff  }
.LBB2_11:
0x23e: {  	p1 =	slt.u32 s21, $0x3FC;
	v9 =	vbroadcast v9, $0x0;
	v10 =	vand.u32 $0xFFFFFFFD, v10;
	v11 =	vmov s22;
	v12 =	vld [tilespmem:s17+$0xFFFFFFE0]  }
0x23f: {  	v10 =	vbroadcast v10, $0x0;
	v11 =	vand.u32 $0xFFFFFFFE, v11;
	v13 =	vld [tilespmem:s17+$0xFFFFFFF0]  }
0x240: {  	v11 =	vbroadcast v11, $0x0;
	v14 =	vld [tilespmem:s17+$0x0];
	v5 =	vmul.f32 v5, v1  }
0x241: {  	v6 =	vmul.f32 v6, v4;
	v15 =	vld [tilespmem:s17+$0x20]  }
0x242: {  	v8 =	vmul.f32 v8, v4;
	[tilespmem:s17+$0x10] =	vst v5;
	v16 =	vld [tilespmem:s17+$0x30]  }
0x243: {  	v17 =	vld.idx.msk [tilespmem:v7+s7+$0x0], $0xffff;
	[tilespmem:s17+$0xFFFFFFC0] =	vst v6;
	v5 =	vmul.f32 v12, v2  }
0x244: {  	v4 =	vld.idx.msk [tilespmem:v9+s7+$0x0], $0xffff;
	[tilespmem:s17+$0xFFFFFFD0] =	vst v8;
	v6 =	vmul.f32 v13, v2  }
.Ltmp6:
0x245: {  	v2 =	vld.idx.msk [tilespmem:v10+s7+$0x0], $0xffff;
	[tilespmem:s17+$0xFFFFFFE0] =	vst v5;
	v7 =	vmul.f32 v14, v1;
	(pc) =	sbr.rel @p1 .LBB2_11-.Ltmp6, $4  }
0x246: {  	s17 =	sadd.s32 $0x80, s17;
	v1 =	vld.idx.msk [tilespmem:v11+s7+$0x0], $0xffff;
	[tilespmem:s19+$0xFFFFFFF0] =	vst v6;
	v8 =	vmul.f32 v15, v3  }
0x247: {  	v5 =	vld [tilespmem:s17+$0x10];
	[tilespmem:s19+$0x0] =	vst v7;
	v11 =	vmul.f32 v16, v3  }
0x248: {  	s22 =	sadd.s32 $0x1, s21;
	s23 =	sadd.s32 $0x3, s21;
	v7 =	vmov s21;
	v6 =	vld [tilespmem:s17+$0xFFFFFFC0];
	[tilespmem:s19+$0x20] =	vst v8  }
0x249: {  	v10 =	vmov s22;
	s22 =	sadd.s32 $0x2, s21;
	s21 =	sadd.s32 $0x4, s21;
	v9 =	vand.u32 $0xFFFFFFFC, v7;
	v7 =	vmov s23;
	v3 =	vmovc v17;
	v8 =	vld [tilespmem:s17+$0xFFFFFFD0];
	[tilespmem:s19+$0x30] =	vst v11;
	s19 =	smov.u32 s17  }
0x24a: {  	v12 =	vld [tilespmem:s17+$0xFFFFFFE0]  }
0x24b: {  	v13 =	vld [tilespmem:s17+$0xFFFFFFF0]  }
0x24c: {  	v14 =	vld [tilespmem:s17+$0x0]  }
0x24d: {  	v9 =	vbroadcast v9, $0x0;
	v11 =	vmov s22;
	v15 =	vld [tilespmem:s17+$0x20]  }
0x24e: {  	v16 =	vld [tilespmem:s17+$0x30];
	v11 =	vand.u32 $0xFFFFFFFE, v11  }
0x24f: {  	v10 =	vand.u32 $0xFFFFFFFD, v10;
	v7 =	vld.idx.msk [tilespmem:v7+s7+$0x0], $0xffff;
	s21 =	sadd.s32 $0x80, s17;
	v11 =	vbroadcast v11, $0x0  }
0x250: {  	v10 =	vbroadcast v10, $0x0;
	v58 =	vld [tilespmem:s21+$0x10];
	v5 =	vmul.f32 v5, v1  }
0x251: {  	v59 =	vld [tilespmem:s21+$0xFFFFFFC0];
	v6 =	vmul.f32 v6, v4  }
0x252: {  	v60 =	vld [tilespmem:s21+$0xFFFFFFD0];
	[tilespmem:s17+$0x10] =	vst v5;
	v57 =	vmul.f32 v12, v2  }
0x253: {  	[tilespmem:s17+$0xFFFFFFC0] =	vst v6;
	v1 =	vmul.f32 v14, v1;
	v9 =	vld.idx.msk [tilespmem:v9+s7+$0x0], $0xffff  }
0x254: {  	v61 =	vld [tilespmem:s21+$0xFFFFFFE0];
	v2 =	vmul.f32 v13, v2;
	[tilespmem:s17+$0xFFFFFFE0] =	vst v57  }
0x255: {  	[tilespmem:s19+$0x0] =	vst v1;
	v1 =	vmul.f32 v16, v3;
	v56 =	vld.idx.msk [tilespmem:v11+s7+$0x0], $0xffff  }
0x256: {  	v10 =	vld.idx.msk [tilespmem:v10+s7+$0x0], $0xffff;
	[tilespmem:s19+$0xFFFFFFF0] =	vst v2;
	v2 =	vmul.f32 v15, v3  }
0x257: {  	v55 =	vmul.f32 v8, v4;
	v3 =	vld [tilespmem:s21+$0xFFFFFFF0];
	[tilespmem:s19+$0x30] =	vst v1  }
0x258: {  	[tilespmem:s19+$0x20] =	vst v2;
	v2 =	vld [tilespmem:s21+$0x0];
	v1 =	vmul.f32 v59, v9  }
0x259: {  	v62 =	vld [tilespmem:s21+$0x20];
	[tilespmem:s17+$0xFFFFFFD0] =	vst v55;
	v6 =	vmul.f32 v60, v9  }
0x25a: {  	v63 =	vld [tilespmem:s21+$0x30];
	v8 =	vmul.f32 v58, v56;
	[tilespmem:s21+$0xFFFFFFC0] =	vst v1  }
0x25b: {  	v1 =	vmul.f32 v61, v10;
	[tilespmem:s21+$0xFFFFFFD0] =	vst v6  }
0x25c: {  	v3 =	vmul.f32 v3, v10;
	[tilespmem:s21+$0x10] =	vst v8  }
.Ltmp7:
0x25d: {  	[tilespmem:s21+$0xFFFFFFE0] =	vst v1;
	v1 =	vmul.f32 v2, v56;
	(pc) =	sbr.rel @p0 .LBB2_14-.Ltmp7, $4  }
0x25e: {  	[tilespmem:s21+$0xFFFFFFF0] =	vst v3;
	v2 =	vmul.f32 v62, v7  }
0x25f: {  	[tilespmem:s21+$0x0] =	vst v1;
	v1 =	vmul.f32 v63, v7  }
0x260: {  	[tilespmem:s21+$0x20] =	vst v2  }
0x261: {  	[tilespmem:s21+$0x30] =	vst v1  }
0x262: {  	s13 =	sadd.s32 $0x3, s13  }
0x263: {  	s17 =	sshll.u32 s13, $0xA  }
0x264: {  	s17 =	sadd.s32 s17, s18  }
0x265: {  	s17 =	sshrl.u32 s17, $0x3  }
0x266: {  	s19 =	sadd.s32 s3, s17  }
0x267: {  	[tilespmem:s11], [sflag:$0x4] =	stream.linear.gather [hbm4b:s19+s2], $0x400, $0x38;
	[tilespmem:$0x1E400] =	vst v63  }
.Ltmp8:
0x268: {  	_ = 	snop;
	(pc) =	sbr.rel .LBB2_4-.Ltmp8, $4  }
0x269: {  	s22 =	simm.s32 $0xC00;
	s13 =	sshll.u32 s13, $0x7;
	s17 =	sadd.s32 s4, s17  }
0x26a: {  	[tilespmem:s22], [sflag:$0x4] =	stream.linear.gather [hbm4b:s17+s2], $0x400, $0x38;
	[tilespmem:$0x1E400] =	vst v63  }
0x26b: {  	s23 =	simm.s32 $0x1400;
	s12 =	sadd.s32 $0x1, s12;
	s13 =	sadd.s32 s13, s20  }
0x26c: {  	[tilespmem:s23], [sflag:$0x4] =	stream.linear.gather [hbm4b:s13+s2], $0x400, $0x38;
	[tilespmem:$0x1E400] =	vst v63  }
.LBB2_15:
0x26d: {  	_ =	sfence.sel $0x180000  }
0x26e: {  	[bflag:$0x0] =	sbarrier.arrive $0xFFFF  }
0x26f: {  	_ =	strace $0x90000047  }
0x270: {  	s0 =	stileid.u32;
	[bflag:$0x2] =	sbarrier.arrive $0xFFFF  }
0x271: {  	p0 =	sne.s32 s0, $0x0;
	s0 =	rddreg [dreg:$0x4]  }
0x272: {  	s0 =	sadd.s32 @!p0 $0x100000, s0  }
0x273: {  	[sflag:s0] =	ssyncadd.tile.s32 @!p0 $0x1;
	_ =	shalt  }
.Lfunc_end2:
_tile_overlayer_lowered:
.L_overlay_start_2:
0x274: {  	(tag) =	ssettag $0x2  }
0x275: {  	s0 =	rddreg [dreg:$0x0];
	s2 =	stileid.u32  }
0x276: {  	s1 =	rddreg [dreg:$0x1];
	p0 =	sne.s32 s2, $0x0  }
0x277: {  	s3 =	rddreg [dreg:$0x2];
	[bflag:$0x3] =	sbarrier.arrive $0xFFFF;
	s2 =	simm.s32 @!p0 $0x1C05  }
0x278: {  	[timem:s3], [sflag:s2] =	dma.local @!p0 [hbm:s0], s1  }
0x279: {  	s0 =	simm.s32 @!p0 $0x5  }
0x27a: {  	_ =	swait.ge @!p0 [sflag:s0], s1  }
0x27b: {  	s1 =	ssub.s32 @!p0 $0x0, s1;
	[sflag:s0] =	ssyncset.done @!p0 $0x0  }
0x27c: {  	[sflag:s0] =	ssyncadd.s32 @!p0 s1  }
0x27d: {  	[bflag:$0x3] =	sbarrier.arrive $0xFFFF  }
0x27e: {  	_ =	shalt  }

</sc_bundles>
